<compile_context>
chip_gen: v7x
topology: tpu7x:2x2x1
jax: 0.10.2.dev20260603
libtpu: 0.0.44.dev20260713+nightly
codegen_flags: <defaults>
</compile_context>

<pallas_src>
import functools

import jax
import jax.numpy as jnp
from jax import lax
from jax.experimental import pallas as pl
from jax.experimental.pallas import tpu as pltpu
from jax.experimental.pallas import tpu_sc as plsc

N = 10000
E = 320000
DF = 128
H = 64
NCORES = 2
NSUB = 16
NW = NCORES * NSUB
EPT = E // NW
CH_W = 400
CH_N = 1000
NPAD = 10240
RPT = NPAD // NSUB
RSLAB = 128
NSLAB = RPT // RSLAB


def _sc_mesh():
    return plsc.VectorSubcoreMesh(
        core_axis_name="c", subcore_axis_name="s",
        num_cores=NCORES, num_subcores=NSUB)


_SC_PARAMS = pltpu.CompilerParams(use_tc_tiling_on_sc=False)


def _fill_rows(ref, nrows, ncols, value):
    vec = jnp.full((16,), value, jnp.float32)

    def body(i, carry):
        for k in range(ncols // 16):
            ref[i, pl.ds(k * 16, 16)] = vec
        return carry

    lax.fori_loop(0, nrows, body, 0)


def _make_edge_pass_ef():
    CH = CH_N
    KCH = EPT // CH
    out_type = jax.ShapeDtypeStruct((NCORES, NPAD, 128), jnp.float32)
    scratch = [
        pltpu.VMEM((EPT,), jnp.int32),
        pltpu.VMEM((2, CH, 16), jnp.float32),
        pltpu.VMEM((CH, 16), jnp.float32),
        pltpu.VMEM((RSLAB, 16), jnp.float32),
        pltpu.VMEM_SHARED((NPAD, 16), jnp.float32),
        pltpu.VMEM_SHARED((NPAD, 16), jnp.float32),
        pltpu.SemaphoreType.DMA((2,)),
    ]

    @functools.partial(pl.kernel, out_type=out_type, mesh=_sc_mesh(),
                       scratch_types=scratch, compiler_params=_SC_PARAMS)
    def edge_pass_ef(ei_hbm, ef_hbm, e_out,
                     dst_v, ef_v, ones_v, st_n, e_sh, d_sh, esem):
        c = lax.axis_index("c")
        s = lax.axis_index("s")
        wid = s * NCORES + c
        ebase = pl.multiple_of(wid * EPT, CH)
        base = pl.multiple_of(s * RPT, RSLAB)
        _fill_rows(st_n, RSLAB, 16, 0.0)
        for k in range(NSLAB):
            r0 = base + k * RSLAB
            pltpu.sync_copy(st_n, e_sh.at[pl.ds(r0, RSLAB), :])
            pltpu.sync_copy(st_n, d_sh.at[pl.ds(r0, RSLAB), :])
        _fill_rows(ones_v, CH, 16, 1.0)
        plsc.subcore_barrier()

        pltpu.sync_copy(ei_hbm.at[1, pl.ds(ebase, EPT)], dst_v)

        def start(j, b):
            o = pl.multiple_of(j * CH, CH)
            pltpu.async_copy(ef_hbm.at[pl.ds(ebase + o, CH), :], ef_v.at[b],
                             esem.at[b])

        def finish(j, b):
            o = pl.multiple_of(j * CH, CH)
            pltpu.make_async_copy(ef_hbm.at[pl.ds(ebase + o, CH), :],
                                  ef_v.at[b], esem.at[b]).wait()
            dsts = dst_v.at[pl.ds(o, CH)]
            pltpu.sync_copy(ef_v.at[b], e_sh.at[dsts], add=True)
            pltpu.sync_copy(ones_v, d_sh.at[dsts], add=True)

        start(0, 0)

        def chunk(j, carry):
            b = lax.rem(j, 2)

            @pl.when(j < KCH - 1)
            def _():
                start(j + 1, 1 - b)

            finish(j, b)
            return carry

        lax.fori_loop(0, KCH, chunk, 0)
        plsc.subcore_barrier()

        for k in range(NSLAB):
            r0 = base + k * RSLAB
            pltpu.sync_copy(e_sh.at[pl.ds(r0, RSLAB), :], st_n)
            pltpu.sync_copy(st_n, e_out.at[c, pl.ds(r0, RSLAB), 0:16])
            pltpu.sync_copy(d_sh.at[pl.ds(r0, RSLAB), :], st_n)
            pltpu.sync_copy(st_n, e_out.at[c, pl.ds(r0, RSLAB), 16:32])

    return edge_pass_ef


def _make_edge_pass(width):
    CH = CH_W if width > 16 else CH_N
    KCH = EPT // CH
    out_type = jax.ShapeDtypeStruct((NCORES, NPAD, 128), jnp.float32)
    scratch = [
        pltpu.VMEM((EPT,), jnp.int32),
        pltpu.VMEM((EPT,), jnp.int32),
        pltpu.VMEM((2, CH, width), jnp.float32),
        pltpu.VMEM((RSLAB, width), jnp.float32),
        pltpu.VMEM_SHARED((NPAD, width), jnp.float32),
        pltpu.SemaphoreType.DMA((2,)),
    ]

    @functools.partial(pl.kernel, out_type=out_type, mesh=_sc_mesh(),
                       scratch_types=scratch, compiler_params=_SC_PARAMS)
    def edge_pass(ei_hbm, g_hbm, s_out,
                  src_v, dst_v, rows_v, st_v, s_sh, gsem):
        c = lax.axis_index("c")
        s = lax.axis_index("s")
        wid = s * NCORES + c
        ebase = pl.multiple_of(wid * EPT, CH)
        base = pl.multiple_of(s * RPT, RSLAB)
        _fill_rows(st_v, RSLAB, width, 0.0)
        for k in range(NSLAB):
            pltpu.sync_copy(st_v, s_sh.at[pl.ds(base + k * RSLAB, RSLAB), :])
        plsc.subcore_barrier()

        pltpu.sync_copy(ei_hbm.at[0, pl.ds(ebase, EPT)], src_v)
        pltpu.sync_copy(ei_hbm.at[1, pl.ds(ebase, EPT)], dst_v)

        def start(j, b):
            o = pl.multiple_of(j * CH, CH)
            pltpu.async_copy(g_hbm.at[src_v.at[pl.ds(o, CH)]], rows_v.at[b],
                             gsem.at[b])

        def finish(j, b):
            o = pl.multiple_of(j * CH, CH)
            pltpu.make_async_copy(g_hbm.at[src_v.at[pl.ds(o, CH)]],
                                  rows_v.at[b], gsem.at[b]).wait()
            pltpu.sync_copy(rows_v.at[b], s_sh.at[dst_v.at[pl.ds(o, CH)]],
                            add=True)

        start(0, 0)

        def chunk(j, carry):
            b = lax.rem(j, 2)

            @pl.when(j < KCH - 1)
            def _():
                start(j + 1, 1 - b)

            finish(j, b)
            return carry

        lax.fori_loop(0, KCH, chunk, 0)
        plsc.subcore_barrier()

        for k in range(NSLAB):
            r0 = base + k * RSLAB
            pltpu.sync_copy(s_sh.at[pl.ds(r0, RSLAB), :], st_v)
            pltpu.sync_copy(st_v, s_out.at[c, pl.ds(r0, RSLAB), 0:width])

    return edge_pass


_DOT = functools.partial(jnp.dot, preferred_element_type=jnp.float32)


def _mm_body(x_ref, w_ref, o_ref):
    o_ref[...] = _DOT(x_ref[...], w_ref[...])


def _make_mm(rows, din, dout):
    return pl.pallas_call(
        _mm_body, out_shape=jax.ShapeDtypeStruct((rows, dout), jnp.float32))


_BN = 2000


def _make_layer(din, dout, gout, act, rows=N, bn=_BN):

    def body(h_ref, ws_ref, sp_ref, ep_ref, we_ref, b_ref, *rest):
        if gout is not None:
            wm_ref, h_out, g_out = rest
        else:
            (h_out,) = rest
        S = sp_ref[0, :, 0:dout] + sp_ref[1, :, 0:dout]
        Eg = ep_ref[0, :, 0:16] + ep_ref[1, :, 0:16]
        deg = ep_ref[0, :, 16:17] + ep_ref[1, :, 16:17]
        deg = jnp.maximum(deg, 1.0)
        agg = (S + jnp.dot(Eg, we_ref[...], precision=lax.Precision.HIGHEST,
                           preferred_element_type=jnp.float32)) / deg
        h = _DOT(h_ref[...], ws_ref[...]) + agg + b_ref[...]
        h = act(h)
        h_out[...] = h
        if gout is not None:
            g_out[...] = _DOT(h, wm_ref[...])

    row_blk = lambda w: pl.BlockSpec((bn, w), lambda i: (i, 0))
    part_blk = pl.BlockSpec((2, bn, 128), lambda i: (0, i, 0))
    full = lambda a, b: pl.BlockSpec((a, b), lambda i: (0, 0))
    in_specs = [row_blk(din), full(din, dout), part_blk,
                part_blk, full(16, dout), full(1, dout)]
    out_specs = [row_blk(dout)]
    out_shape = [jax.ShapeDtypeStruct((rows, dout), jnp.float32)]
    if gout is not None:
        in_specs.append(full(dout, gout))
        out_specs.append(row_blk(gout))
        out_shape.append(jax.ShapeDtypeStruct((rows, gout), jnp.float32))
    return pl.pallas_call(
        body, grid=(rows // bn,), in_specs=in_specs,
        out_specs=out_specs if gout is not None else out_specs[0],
        out_shape=out_shape if gout is not None else out_shape[0])


_edge_pass_ef = functools.cache(_make_edge_pass_ef)
_edge_pass_h = functools.cache(lambda: _make_edge_pass(H))
_edge_pass_16 = functools.cache(lambda: _make_edge_pass(16))
_MM0 = _make_mm(N, DF, H)
_LAYER1 = _make_layer(DF, H, H, jax.nn.relu)
_LAYER2 = _make_layer(H, H, 16, jax.nn.relu)
_LAYER3 = _make_layer(H, 16, None, jnp.tanh, rows=8, bn=8)


def kernel(data, edge_index, efeat, Wm0, We0, Ws0, b0,
           Wm1, We1, Ws1, b1, Wm2, We2, Ws2, b2):
    Wm2p = jnp.pad(Wm2, ((0, 0), (0, 15)))
    We2p = jnp.pad(We2, ((0, 0), (0, 15)))
    Ws2p = jnp.pad(Ws2, ((0, 0), (0, 15)))
    b2p = jnp.pad(b2, (0, 15)).reshape(1, 16)
    b0r = b0.reshape(1, H)
    b1r = b1.reshape(1, H)

    g0 = _MM0(data, Wm0)
    Sp0 = _edge_pass_h()(edge_index, g0)
    Ep = _edge_pass_ef()(edge_index, efeat)
    h1, g1 = _LAYER1(data, Ws0, Sp0, Ep, We0, b0r, Wm1)
    Sp1 = _edge_pass_h()(edge_index, g1)
    h2, g2 = _LAYER2(h1, Ws1, Sp1, Ep, We1, b1r, Wm2p)
    Sp2 = _edge_pass_16()(edge_index, g2)
    h3 = _LAYER3(h2[0:8], Ws2p, Sp2, Ep, We2p, b2p)
    return h3[0:1, 0]

# --- scband reference (transcript-rebuilt; emitter-appended) ---
"""Pipeline reference for scband-select-gnn-16827681866004 (READ-ONLY COPY).

The authoritative reference and input builder live on the scoring server;
editing this copy changes nothing except your own understanding.
"""

import jax, jax.numpy as jnp
import numpy as np


def setup_inputs(seed: int = 0):
    key = jax.random.key(seed)
    ks = jax.random.split(key, 20)
    N, E, DF, DE, H, NC = 10000, 320000, 128, 16, 64, 1
    inp = {}
    inp['data'] = jax.random.normal(ks[0], (N, DF), dtype=jnp.float32)
    inp['edge_index'] = jax.random.randint(ks[1], (2, E), 0, N, dtype=jnp.int32)
    inp['efeat'] = jax.random.normal(ks[2], (E, DE), dtype=jnp.float32)
    dims = [(DF, H), (H, H), (H, NC)]
    k = 3
    for i, (din, dout) in enumerate(dims):
        inp['Wm%d' % i] = jax.random.normal(ks[k], (din, dout), dtype=jnp.float32) * 0.05; k += 1
        inp['We%d' % i] = jax.random.normal(ks[k], (DE, dout), dtype=jnp.float32) * 0.05; k += 1
        inp['Ws%d' % i] = jax.random.normal(ks[k], (din, dout), dtype=jnp.float32) * 0.05; k += 1
        inp['b%d' % i] = jnp.zeros((dout,), dtype=jnp.float32); k += 1
    return inp


def reference(data, edge_index, efeat, Wm0, We0, Ws0, b0, Wm1, We1, Ws1, b1, Wm2, We2, Ws2, b2):
    # MPNN branch of SELECT_GNN: edge-conditioned message passing with mean aggregation.
    src = edge_index[0]
    dst = edge_index[1]
    N = data.shape[0]
    deg = jax.ops.segment_sum(jnp.ones(src.shape[0], dtype=jnp.float32), dst, num_segments=N)
    deg = jnp.clip(deg, 1.0)[:, None]
    h = data
    params = [(Wm0, We0, Ws0, b0), (Wm1, We1, Ws1, b1), (Wm2, We2, Ws2, b2)]
    for i, (Wm, We, Ws, b) in enumerate(params):
        m = h[src] @ Wm + efeat @ We          # gather + edge-feature message
        agg = jax.ops.segment_sum(m, dst, num_segments=N) / deg  # scatter-add mean aggregation
        h = h @ Ws + agg + b
        if i < len(params) - 1:
            h = jax.nn.relu(h)
        else:
            h = jnp.tanh(h)                   # final_activation = tanh
    logits = jnp.squeeze(h, 1)
    # single (un-batched) graph, grid_nodes = 0 -> robot node index list is [0]
    indexes = jnp.array([0], dtype=jnp.int32)
    return logits[indexes]

if __name__ == "__main__":
    import jax
    _d = setup_inputs()
    print(jax.jit(kernel)(*tuple(_d.values())))

</pallas_src>

<mosaic_0001>
#map = affine_map<(d0, d1) -> (0, 0)>
#map1 = affine_map<(d0, d1) -> (0, 0, 0)>
module attributes {stable_mosaic.version = 14 : i64} {
  func.func @edge_pass(%arg0: i32, %arg1: i32, %arg2: memref<2x320000xi32, #tpu.memory_space<hbm>>, %arg3: memref<10000x64xf32, #tpu.memory_space<hbm>>, %arg4: memref<2x10240x128xf32, #tpu.memory_space<hbm>>, %arg5: memref<10000xi32, #tpu.memory_space<vmem>>, %arg6: memref<10000xi32, #tpu.memory_space<vmem>>, %arg7: memref<2x400x64xf32, #tpu.memory_space<vmem>>, %arg8: memref<128x64xf32, #tpu.memory_space<vmem>>, %arg9: memref<10240x64xf32, #tpu.memory_space<vmem_shared>>, %arg10: memref<2x!tpu.dma_semaphore, #tpu.memory_space<semaphore_mem>>) attributes {dimension_semantics = [#tpu.dimension_semantics<core_parallel>, #tpu.dimension_semantics<subcore_parallel>], iteration_bounds = array<i64: 2, 16>, scalar_prefetch = 0 : i64, scratch_operands = 6 : i64, tpu.core_type = #tpu.core_type<sc_vector_subcore>, window_params = [{transform_indices = #map}, {transform_indices = #map}, {transform_indices = #map1}]} {
    %mul3A = arith.constant 2 : i32
    %mul3A_0 = arith.muli %arg1, %mul3A : i32
    %add3A = arith.addi %mul3A_0, %arg0 : i32
    %mul3A_1 = arith.constant 10000 : i32
    %mul3A_2 = arith.muli %add3A, %mul3A_1 : i32
    %multiple_of3A = tpu.assume_multiple %mul3A_2, 400 : i32
    %mul3A_3 = arith.constant 640 : i32
    %mul3A_4 = arith.muli %arg1, %mul3A_3 : i32
    %multiple_of3A_5 = tpu.assume_multiple %mul3A_4, 128 : i32
    %broadcast_in_dim3A = arith.constant 0.000000e+00 : f32
    %broadcast_in_dim3A_6 = vector.broadcast %broadcast_in_dim3A : f32 to vector<16xf32>
    %scan3A = arith.constant 0 : i32
    %scan3A_7 = arith.constant 0 : i32
    %scan3A_8 = arith.constant 128 : i32
    %scan3A_9 = arith.addi %scan3A_7, %scan3A_8 : i32
    %scan3A_10 = arith.constant 1 : i32
    scf.for %scan3A_53 = %scan3A_7 to %scan3A_9 step %scan3A_10  : i32 {
      %swap3A = arith.index_cast %scan3A_53 : i32 to index
      %swap3A_54 = arith.constant 0 : index
      %swap3A_55 = tpu.vector_load %arg8[%swap3A, %swap3A_54] {strides = array<i32>} : memref<128x64xf32, #tpu.memory_space<vmem>>, vector<1x16xf32>,
      %swap3A_56 = vector.shape_cast %swap3A_55 : vector<1x16xf32> to vector<16xf32>
      %swap3A_57 = vector.shape_cast %broadcast_in_dim3A_6 : vector<16xf32> to vector<1x16xf32>
      tpu.vector_store %arg8[%swap3A, %swap3A_54], %swap3A_57 {strides = array<i32>} : memref<128x64xf32, #tpu.memory_space<vmem>>, vector<1x16xf32>,
      %swap3A_58 = arith.index_cast %scan3A_53 : i32 to index
      %swap3A_59 = arith.constant 16 : index
      %swap3A_60 = tpu.vector_load %arg8[%swap3A_58, %swap3A_59] {strides = array<i32>} : memref<128x64xf32, #tpu.memory_space<vmem>>, vector<1x16xf32>,
      %swap3A_61 = vector.shape_cast %swap3A_60 : vector<1x16xf32> to vector<16xf32>
      %swap3A_62 = vector.shape_cast %broadcast_in_dim3A_6 : vector<16xf32> to vector<1x16xf32>
      tpu.vector_store %arg8[%swap3A_58, %swap3A_59], %swap3A_62 {strides = array<i32>} : memref<128x64xf32, #tpu.memory_space<vmem>>, vector<1x16xf32>,
      %swap3A_63 = arith.index_cast %scan3A_53 : i32 to index
      %swap3A_64 = arith.constant 32 : index
      %swap3A_65 = tpu.vector_load %arg8[%swap3A_63, %swap3A_64] {strides = array<i32>} : memref<128x64xf32, #tpu.memory_space<vmem>>, vector<1x16xf32>,
      %swap3A_66 = vector.shape_cast %swap3A_65 : vector<1x16xf32> to vector<16xf32>
      %swap3A_67 = vector.shape_cast %broadcast_in_dim3A_6 : vector<16xf32> to vector<1x16xf32>
      tpu.vector_store %arg8[%swap3A_63, %swap3A_64], %swap3A_67 {strides = array<i32>} : memref<128x64xf32, #tpu.memory_space<vmem>>, vector<1x16xf32>,
      %swap3A_68 = arith.index_cast %scan3A_53 : i32 to index
      %swap3A_69 = arith.constant 48 : index
      %swap3A_70 = tpu.vector_load %arg8[%swap3A_68, %swap3A_69] {strides = array<i32>} : memref<128x64xf32, #tpu.memory_space<vmem>>, vector<1x16xf32>,
      %swap3A_71 = vector.shape_cast %swap3A_70 : vector<1x16xf32> to vector<16xf32>
      %swap3A_72 = vector.shape_cast %broadcast_in_dim3A_6 : vector<16xf32> to vector<1x16xf32>
      tpu.vector_store %arg8[%swap3A_68, %swap3A_69], %swap3A_72 {strides = array<i32>} : memref<128x64xf32, #tpu.memory_space<vmem>>, vector<1x16xf32>,
    }
    %scan3A_11 = arith.constant 128 : i32
    %add3A_12 = arith.constant 0 : i32
    %add3A_13 = arith.addi %multiple_of3A_5, %add3A_12 : i32
    "tpu.region"() ({
      %run_scoped3A_53 = tpu.sem_alloc : memref<!tpu.dma_semaphore, #tpu.memory_space<semaphore_mem>>
      %dma_start3A_54 = arith.constant 0 : i32
      %dma_start3A_55 = tpu.memref_slice %arg9[%add3A_13, %dma_start3A_54] : memref<10240x64xf32, #tpu.memory_space<vmem_shared>> -> memref<128x64xf32, #tpu.memory_space<vmem_shared>>
      %dma_start3A_56 = arith.constant 0 : i32
      %dma_start3A_57 = tpu.memref_slice %arg9[%add3A_13, %dma_start3A_56] : memref<10240x64xf32, #tpu.memory_space<vmem_shared>> -> memref<128x64xf32, #tpu.memory_space<vmem_shared>>
      tpu.enqueue_dma source(%arg8 : memref<128x64xf32, #tpu.memory_space<vmem>>) target(%dma_start3A_57 : memref<128x64xf32, #tpu.memory_space<vmem_shared>>) target_semaphore(%run_scoped3A_53 : memref<!tpu.dma_semaphore, #tpu.memory_space<semaphore_mem>>)
      %dma_wait3A = arith.constant 0 : i32
      %dma_wait3A_58 = tpu.memref_slice %arg9[%add3A_13, %dma_wait3A] : memref<10240x64xf32, #tpu.memory_space<vmem_shared>> -> memref<128x64xf32, #tpu.memory_space<vmem_shared>>
      %dma_wait3A_59 = arith.constant 0 : i32
      %dma_wait3A_60 = tpu.memref_slice %arg9[%add3A_13, %dma_wait3A_59] : memref<10240x64xf32, #tpu.memory_space<vmem_shared>> -> memref<128x64xf32, #tpu.memory_space<vmem_shared>>
      tpu.wait_dma2 semaphore(%run_scoped3A_53 : memref<!tpu.dma_semaphore, #tpu.memory_space<semaphore_mem>>) src(%arg8 : memref<128x64xf32, #tpu.memory_space<vmem>>) dst(%dma_wait3A_60 : memref<128x64xf32, #tpu.memory_space<vmem_shared>>)
      tpu.yield
    }) : () -> ()
    %add3A_14 = arith.constant 128 : i32
    %add3A_15 = arith.addi %multiple_of3A_5, %add3A_14 : i32
    "tpu.region"() ({
      %run_scoped3A_53 = tpu.sem_alloc : memref<!tpu.dma_semaphore, #tpu.memory_space<semaphore_mem>>
      %dma_start3A_54 = arith.constant 0 : i32
      %dma_start3A_55 = tpu.memref_slice %arg9[%add3A_15, %dma_start3A_54] : memref<10240x64xf32, #tpu.memory_space<vmem_shared>> -> memref<128x64xf32, #tpu.memory_space<vmem_shared>>
      %dma_start3A_56 = arith.constant 0 : i32
      %dma_start3A_57 = tpu.memref_slice %arg9[%add3A_15, %dma_start3A_56] : memref<10240x64xf32, #tpu.memory_space<vmem_shared>> -> memref<128x64xf32, #tpu.memory_space<vmem_shared>>
      tpu.enqueue_dma source(%arg8 : memref<128x64xf32, #tpu.memory_space<vmem>>) target(%dma_start3A_57 : memref<128x64xf32, #tpu.memory_space<vmem_shared>>) target_semaphore(%run_scoped3A_53 : memref<!tpu.dma_semaphore, #tpu.memory_space<semaphore_mem>>)
      %dma_wait3A = arith.constant 0 : i32
      %dma_wait3A_58 = tpu.memref_slice %arg9[%add3A_15, %dma_wait3A] : memref<10240x64xf32, #tpu.memory_space<vmem_shared>> -> memref<128x64xf32, #tpu.memory_space<vmem_shared>>
      %dma_wait3A_59 = arith.constant 0 : i32
      %dma_wait3A_60 = tpu.memref_slice %arg9[%add3A_15, %dma_wait3A_59] : memref<10240x64xf32, #tpu.memory_space<vmem_shared>> -> memref<128x64xf32, #tpu.memory_space<vmem_shared>>
      tpu.wait_dma2 semaphore(%run_scoped3A_53 : memref<!tpu.dma_semaphore, #tpu.memory_space<semaphore_mem>>) src(%arg8 : memref<128x64xf32, #tpu.memory_space<vmem>>) dst(%dma_wait3A_60 : memref<128x64xf32, #tpu.memory_space<vmem_shared>>)
      tpu.yield
    }) : () -> ()
    %add3A_16 = arith.constant 256 : i32
    %add3A_17 = arith.addi %multiple_of3A_5, %add3A_16 : i32
    "tpu.region"() ({
      %run_scoped3A_53 = tpu.sem_alloc : memref<!tpu.dma_semaphore, #tpu.memory_space<semaphore_mem>>
      %dma_start3A_54 = arith.constant 0 : i32
      %dma_start3A_55 = tpu.memref_slice %arg9[%add3A_17, %dma_start3A_54] : memref<10240x64xf32, #tpu.memory_space<vmem_shared>> -> memref<128x64xf32, #tpu.memory_space<vmem_shared>>
      %dma_start3A_56 = arith.constant 0 : i32
      %dma_start3A_57 = tpu.memref_slice %arg9[%add3A_17, %dma_start3A_56] : memref<10240x64xf32, #tpu.memory_space<vmem_shared>> -> memref<128x64xf32, #tpu.memory_space<vmem_shared>>
      tpu.enqueue_dma source(%arg8 : memref<128x64xf32, #tpu.memory_space<vmem>>) target(%dma_start3A_57 : memref<128x64xf32, #tpu.memory_space<vmem_shared>>) target_semaphore(%run_scoped3A_53 : memref<!tpu.dma_semaphore, #tpu.memory_space<semaphore_mem>>)
      %dma_wait3A = arith.constant 0 : i32
      %dma_wait3A_58 = tpu.memref_slice %arg9[%add3A_17, %dma_wait3A] : memref<10240x64xf32, #tpu.memory_space<vmem_shared>> -> memref<128x64xf32, #tpu.memory_space<vmem_shared>>
      %dma_wait3A_59 = arith.constant 0 : i32
      %dma_wait3A_60 = tpu.memref_slice %arg9[%add3A_17, %dma_wait3A_59] : memref<10240x64xf32, #tpu.memory_space<vmem_shared>> -> memref<128x64xf32, #tpu.memory_space<vmem_shared>>
      tpu.wait_dma2 semaphore(%run_scoped3A_53 : memref<!tpu.dma_semaphore, #tpu.memory_space<semaphore_mem>>) src(%arg8 : memref<128x64xf32, #tpu.memory_space<vmem>>) dst(%dma_wait3A_60 : memref<128x64xf32, #tpu.memory_space<vmem_shared>>)
      tpu.yield
    }) : () -> ()
    %add3A_18 = arith.constant 384 : i32
    %add3A_19 = arith.addi %multiple_of3A_5, %add3A_18 : i32
    "tpu.region"() ({
      %run_scoped3A_53 = tpu.sem_alloc : memref<!tpu.dma_semaphore, #tpu.memory_space<semaphore_mem>>
      %dma_start3A_54 = arith.constant 0 : i32
      %dma_start3A_55 = tpu.memref_slice %arg9[%add3A_19, %dma_start3A_54] : memref<10240x64xf32, #tpu.memory_space<vmem_shared>> -> memref<128x64xf32, #tpu.memory_space<vmem_shared>>
      %dma_start3A_56 = arith.constant 0 : i32
      %dma_start3A_57 = tpu.memref_slice %arg9[%add3A_19, %dma_start3A_56] : memref<10240x64xf32, #tpu.memory_space<vmem_shared>> -> memref<128x64xf32, #tpu.memory_space<vmem_shared>>
      tpu.enqueue_dma source(%arg8 : memref<128x64xf32, #tpu.memory_space<vmem>>) target(%dma_start3A_57 : memref<128x64xf32, #tpu.memory_space<vmem_shared>>) target_semaphore(%run_scoped3A_53 : memref<!tpu.dma_semaphore, #tpu.memory_space<semaphore_mem>>)
      %dma_wait3A = arith.constant 0 : i32
      %dma_wait3A_58 = tpu.memref_slice %arg9[%add3A_19, %dma_wait3A] : memref<10240x64xf32, #tpu.memory_space<vmem_shared>> -> memref<128x64xf32, #tpu.memory_space<vmem_shared>>
      %dma_wait3A_59 = arith.constant 0 : i32
      %dma_wait3A_60 = tpu.memref_slice %arg9[%add3A_19, %dma_wait3A_59] : memref<10240x64xf32, #tpu.memory_space<vmem_shared>> -> memref<128x64xf32, #tpu.memory_space<vmem_shared>>
      tpu.wait_dma2 semaphore(%run_scoped3A_53 : memref<!tpu.dma_semaphore, #tpu.memory_space<semaphore_mem>>) src(%arg8 : memref<128x64xf32, #tpu.memory_space<vmem>>) dst(%dma_wait3A_60 : memref<128x64xf32, #tpu.memory_space<vmem_shared>>)
      tpu.yield
    }) : () -> ()
    %add3A_20 = arith.constant 512 : i32
    %add3A_21 = arith.addi %multiple_of3A_5, %add3A_20 : i32
    "tpu.region"() ({
      %run_scoped3A_53 = tpu.sem_alloc : memref<!tpu.dma_semaphore, #tpu.memory_space<semaphore_mem>>
      %dma_start3A_54 = arith.constant 0 : i32
      %dma_start3A_55 = tpu.memref_slice %arg9[%add3A_21, %dma_start3A_54] : memref<10240x64xf32, #tpu.memory_space<vmem_shared>> -> memref<128x64xf32, #tpu.memory_space<vmem_shared>>
      %dma_start3A_56 = arith.constant 0 : i32
      %dma_start3A_57 = tpu.memref_slice %arg9[%add3A_21, %dma_start3A_56] : memref<10240x64xf32, #tpu.memory_space<vmem_shared>> -> memref<128x64xf32, #tpu.memory_space<vmem_shared>>
      tpu.enqueue_dma source(%arg8 : memref<128x64xf32, #tpu.memory_space<vmem>>) target(%dma_start3A_57 : memref<128x64xf32, #tpu.memory_space<vmem_shared>>) target_semaphore(%run_scoped3A_53 : memref<!tpu.dma_semaphore, #tpu.memory_space<semaphore_mem>>)
      %dma_wait3A = arith.constant 0 : i32
      %dma_wait3A_58 = tpu.memref_slice %arg9[%add3A_21, %dma_wait3A] : memref<10240x64xf32, #tpu.memory_space<vmem_shared>> -> memref<128x64xf32, #tpu.memory_space<vmem_shared>>
      %dma_wait3A_59 = arith.constant 0 : i32
      %dma_wait3A_60 = tpu.memref_slice %arg9[%add3A_21, %dma_wait3A_59] : memref<10240x64xf32, #tpu.memory_space<vmem_shared>> -> memref<128x64xf32, #tpu.memory_space<vmem_shared>>
      tpu.wait_dma2 semaphore(%run_scoped3A_53 : memref<!tpu.dma_semaphore, #tpu.memory_space<semaphore_mem>>) src(%arg8 : memref<128x64xf32, #tpu.memory_space<vmem>>) dst(%dma_wait3A_60 : memref<128x64xf32, #tpu.memory_space<vmem_shared>>)
      tpu.yield
    }) : () -> ()
    %barrier3A = arith.constant 0 : index
    tpu.barrier barrier_id(%barrier3A)
    %run_scoped3A = arith.constant 0 : i32
    "tpu.region"() ({
      %run_scoped3A_53 = tpu.sem_alloc : memref<!tpu.dma_semaphore, #tpu.memory_space<semaphore_mem>>
      %dma_start3A_54 = tpu.memref_slice %arg2[%run_scoped3A, %multiple_of3A] : memref<2x320000xi32, #tpu.memory_space<hbm>> -> memref<1x10000xi32, #tpu.memory_space<hbm>>
      %dma_start3A_55 = tpu.memref_squeeze %dma_start3A_54 : memref<1x10000xi32, #tpu.memory_space<hbm>> -> memref<10000xi32, #tpu.memory_space<hbm>>
      %dma_start3A_56 = tpu.memref_slice %arg2[%run_scoped3A, %multiple_of3A] : memref<2x320000xi32, #tpu.memory_space<hbm>> -> memref<1x10000xi32, #tpu.memory_space<hbm>>
      %dma_start3A_57 = tpu.memref_squeeze %dma_start3A_56 : memref<1x10000xi32, #tpu.memory_space<hbm>> -> memref<10000xi32, #tpu.memory_space<hbm>>
      tpu.enqueue_dma source(%dma_start3A_57 : memref<10000xi32, #tpu.memory_space<hbm>>) target(%arg5 : memref<10000xi32, #tpu.memory_space<vmem>>) target_semaphore(%run_scoped3A_53 : memref<!tpu.dma_semaphore, #tpu.memory_space<semaphore_mem>>)
      %dma_wait3A = tpu.memref_slice %arg2[%run_scoped3A, %multiple_of3A] : memref<2x320000xi32, #tpu.memory_space<hbm>> -> memref<1x10000xi32, #tpu.memory_space<hbm>>
      %dma_wait3A_58 = tpu.memref_squeeze %dma_wait3A : memref<1x10000xi32, #tpu.memory_space<hbm>> -> memref<10000xi32, #tpu.memory_space<hbm>>
      %dma_wait3A_59 = tpu.memref_slice %arg2[%run_scoped3A, %multiple_of3A] : memref<2x320000xi32, #tpu.memory_space<hbm>> -> memref<1x10000xi32, #tpu.memory_space<hbm>>
      %dma_wait3A_60 = tpu.memref_squeeze %dma_wait3A_59 : memref<1x10000xi32, #tpu.memory_space<hbm>> -> memref<10000xi32, #tpu.memory_space<hbm>>
      tpu.wait_dma2 semaphore(%run_scoped3A_53 : memref<!tpu.dma_semaphore, #tpu.memory_space<semaphore_mem>>) src(%dma_wait3A_60 : memref<10000xi32, #tpu.memory_space<hbm>>) dst(%arg5 : memref<10000xi32, #tpu.memory_space<vmem>>)
      tpu.yield
    }) : () -> ()
    %run_scoped3A_22 = arith.constant 1 : i32
    "tpu.region"() ({
      %run_scoped3A_53 = tpu.sem_alloc : memref<!tpu.dma_semaphore, #tpu.memory_space<semaphore_mem>>
      %dma_start3A_54 = tpu.memref_slice %arg2[%run_scoped3A_22, %multiple_of3A] : memref<2x320000xi32, #tpu.memory_space<hbm>> -> memref<1x10000xi32, #tpu.memory_space<hbm>>
      %dma_start3A_55 = tpu.memref_squeeze %dma_start3A_54 : memref<1x10000xi32, #tpu.memory_space<hbm>> -> memref<10000xi32, #tpu.memory_space<hbm>>
      %dma_start3A_56 = tpu.memref_slice %arg2[%run_scoped3A_22, %multiple_of3A] : memref<2x320000xi32, #tpu.memory_space<hbm>> -> memref<1x10000xi32, #tpu.memory_space<hbm>>
      %dma_start3A_57 = tpu.memref_squeeze %dma_start3A_56 : memref<1x10000xi32, #tpu.memory_space<hbm>> -> memref<10000xi32, #tpu.memory_space<hbm>>
      tpu.enqueue_dma source(%dma_start3A_57 : memref<10000xi32, #tpu.memory_space<hbm>>) target(%arg6 : memref<10000xi32, #tpu.memory_space<vmem>>) target_semaphore(%run_scoped3A_53 : memref<!tpu.dma_semaphore, #tpu.memory_space<semaphore_mem>>)
      %dma_wait3A = tpu.memref_slice %arg2[%run_scoped3A_22, %multiple_of3A] : memref<2x320000xi32, #tpu.memory_space<hbm>> -> memref<1x10000xi32, #tpu.memory_space<hbm>>
      %dma_wait3A_58 = tpu.memref_squeeze %dma_wait3A : memref<1x10000xi32, #tpu.memory_space<hbm>> -> memref<10000xi32, #tpu.memory_space<hbm>>
      %dma_wait3A_59 = tpu.memref_slice %arg2[%run_scoped3A_22, %multiple_of3A] : memref<2x320000xi32, #tpu.memory_space<hbm>> -> memref<1x10000xi32, #tpu.memory_space<hbm>>
      %dma_wait3A_60 = tpu.memref_squeeze %dma_wait3A_59 : memref<1x10000xi32, #tpu.memory_space<hbm>> -> memref<10000xi32, #tpu.memory_space<hbm>>
      tpu.wait_dma2 semaphore(%run_scoped3A_53 : memref<!tpu.dma_semaphore, #tpu.memory_space<semaphore_mem>>) src(%dma_wait3A_60 : memref<10000xi32, #tpu.memory_space<hbm>>) dst(%arg6 : memref<10000xi32, #tpu.memory_space<vmem>>)
      tpu.yield
    }) : () -> ()
    %multiple_of3A_23 = arith.constant 0 : i32
    %multiple_of3A_24 = tpu.assume_multiple %multiple_of3A_23, 400 : i32
    %dma_start3A = arith.constant 0 : i32
    %dma_start3A_25 = arith.constant 0 : i32
    %dma_start3A_26 = arith.constant 0 : i32
    %dma_start3A_27 = arith.constant 0 : i32
    %dma_start3A_28 = tpu.memref_slice %arg7[%dma_start3A, %dma_start3A_26, %dma_start3A_27] : memref<2x400x64xf32, #tpu.memory_space<vmem>> -> memref<1x400x64xf32, #tpu.memory_space<vmem>>
    %dma_start3A_29 = tpu.memref_squeeze %dma_start3A_28 : memref<1x400x64xf32, #tpu.memory_space<vmem>> -> memref<400x64xf32, #tpu.memory_space<vmem>>
    %dma_start3A_30 = tpu.memref_slice %arg5[%multiple_of3A_24] : memref<10000xi32, #tpu.memory_space<vmem>> -> memref<400xi32, #tpu.memory_space<vmem>>
    %dma_start3A_31 = arith.constant 0 : i32
    %dma_start3A_32 = arith.constant 0 : i32
    %dma_start3A_33 = tpu.memref_slice %arg3[%dma_start3A_31, %dma_start3A_32] : memref<10000x64xf32, #tpu.memory_space<hbm>> -> memref<10000x64xf32, #tpu.memory_space<hbm>>
    %dma_start3A_34 = tpu.memref_slice %arg10[%dma_start3A_25] : memref<2x!tpu.dma_semaphore, #tpu.memory_space<semaphore_mem>> -> memref<1x!tpu.dma_semaphore, #tpu.memory_space<semaphore_mem>>
    %dma_start3A_35 = tpu.memref_squeeze %dma_start3A_34 : memref<1x!tpu.dma_semaphore, #tpu.memory_space<semaphore_mem>> -> memref<!tpu.dma_semaphore, #tpu.memory_space<semaphore_mem>>
    tpu.enqueue_indirect_dma source(%dma_start3A_33 : memref<10000x64xf32, #tpu.memory_space<hbm>>) target(%dma_start3A_29 : memref<400x64xf32, #tpu.memory_space<vmem>>) offsets(%dma_start3A_30 : memref<400xi32, #tpu.memory_space<vmem>>) semaphore(%dma_start3A_35 : memref<!tpu.dma_semaphore, #tpu.memory_space<semaphore_mem>>)
    %scan3A_36 = arith.constant 0 : i32
    %scan3A_37 = arith.constant 0 : i32
    %scan3A_38 = arith.constant 25 : i32
    %scan3A_39 = arith.addi %scan3A_37, %scan3A_38 : i32
    %scan3A_40 = arith.constant 1 : i32
    scf.for %scan3A_53 = %scan3A_37 to %scan3A_39 step %scan3A_40  : i32 {
      %rem3A = arith.constant 2 : i32
      %rem3A_54 = arith.remsi %scan3A_53, %rem3A : i32
      %lt3A = arith.constant 24 : i32
      %lt3A_55 = arith.cmpi slt, %scan3A_53, %lt3A : i32
      %convert_element_type3A = arith.extui %lt3A_55 : i1 to i32
      %cond3A = arith.constant 0 : i32
      %cond3A_56 = arith.cmpi ne, %convert_element_type3A, %cond3A : i32
      scf.if %cond3A_56 {
        %add3A_69 = arith.constant 1 : i32
        %add3A_70 = arith.addi %scan3A_53, %add3A_69 : i32
        %sub3A = arith.constant 1 : i32
        %sub3A_71 = arith.subi %sub3A, %rem3A_54 : i32
        %mul3A_72 = arith.constant 400 : i32
        %mul3A_73 = arith.muli %add3A_70, %mul3A_72 : i32
        %multiple_of3A_74 = tpu.assume_multiple %mul3A_73, 400 : i32
        %dma_start3A_75 = arith.constant 0 : i32
        %dma_start3A_76 = arith.constant 0 : i32
        %dma_start3A_77 = tpu.memref_slice %arg7[%sub3A_71, %dma_start3A_75, %dma_start3A_76] : memref<2x400x64xf32, #tpu.memory_space<vmem>> -> memref<1x400x64xf32, #tpu.memory_space<vmem>>
        %dma_start3A_78 = tpu.memref_squeeze %dma_start3A_77 : memref<1x400x64xf32, #tpu.memory_space<vmem>> -> memref<400x64xf32, #tpu.memory_space<vmem>>
        %dma_start3A_79 = tpu.memref_slice %arg5[%multiple_of3A_74] : memref<10000xi32, #tpu.memory_space<vmem>> -> memref<400xi32, #tpu.memory_space<vmem>>
        %dma_start3A_80 = arith.constant 0 : i32
        %dma_start3A_81 = arith.constant 0 : i32
        %dma_start3A_82 = tpu.memref_slice %arg3[%dma_start3A_80, %dma_start3A_81] : memref<10000x64xf32, #tpu.memory_space<hbm>> -> memref<10000x64xf32, #tpu.memory_space<hbm>>
        %dma_start3A_83 = tpu.memref_slice %arg10[%sub3A_71] : memref<2x!tpu.dma_semaphore, #tpu.memory_space<semaphore_mem>> -> memref<1x!tpu.dma_semaphore, #tpu.memory_space<semaphore_mem>>
        %dma_start3A_84 = tpu.memref_squeeze %dma_start3A_83 : memref<1x!tpu.dma_semaphore, #tpu.memory_space<semaphore_mem>> -> memref<!tpu.dma_semaphore, #tpu.memory_space<semaphore_mem>>
        tpu.enqueue_indirect_dma source(%dma_start3A_82 : memref<10000x64xf32, #tpu.memory_space<hbm>>) target(%dma_start3A_78 : memref<400x64xf32, #tpu.memory_space<vmem>>) offsets(%dma_start3A_79 : memref<400xi32, #tpu.memory_space<vmem>>) semaphore(%dma_start3A_84 : memref<!tpu.dma_semaphore, #tpu.memory_space<semaphore_mem>>)
      } else {
      }
      %mul3A_57 = arith.constant 400 : i32
      %mul3A_58 = arith.muli %scan3A_53, %mul3A_57 : i32
      %multiple_of3A_59 = tpu.assume_multiple %mul3A_58, 400 : i32
      %dma_wait3A = arith.constant 0 : i32
      %dma_wait3A_60 = arith.constant 0 : i32
      %dma_wait3A_61 = tpu.memref_slice %arg7[%rem3A_54, %dma_wait3A, %dma_wait3A_60] : memref<2x400x64xf32, #tpu.memory_space<vmem>> -> memref<1x400x64xf32, #tpu.memory_space<vmem>>
      %dma_wait3A_62 = tpu.memref_squeeze %dma_wait3A_61 : memref<1x400x64xf32, #tpu.memory_space<vmem>> -> memref<400x64xf32, #tpu.memory_space<vmem>>
      %dma_wait3A_63 = tpu.memref_slice %arg5[%multiple_of3A_59] : memref<10000xi32, #tpu.memory_space<vmem>> -> memref<400xi32, #tpu.memory_space<vmem>>
      %dma_wait3A_64 = arith.constant 0 : i32
      %dma_wait3A_65 = arith.constant 0 : i32
      %dma_wait3A_66 = tpu.memref_slice %arg3[%dma_wait3A_64, %dma_wait3A_65] : memref<10000x64xf32, #tpu.memory_space<hbm>> -> memref<10000x64xf32, #tpu.memory_space<hbm>>
      %dma_wait3A_67 = tpu.memref_slice %arg10[%rem3A_54] : memref<2x!tpu.dma_semaphore, #tpu.memory_space<semaphore_mem>> -> memref<1x!tpu.dma_semaphore, #tpu.memory_space<semaphore_mem>>
      %dma_wait3A_68 = tpu.memref_squeeze %dma_wait3A_67 : memref<1x!tpu.dma_semaphore, #tpu.memory_space<semaphore_mem>> -> memref<!tpu.dma_semaphore, #tpu.memory_space<semaphore_mem>>
      tpu.wait_indirect_dma semaphore(%dma_wait3A_68 : memref<!tpu.dma_semaphore, #tpu.memory_space<semaphore_mem>>) src(%dma_wait3A_66 : memref<10000x64xf32, #tpu.memory_space<hbm>>) dst(%dma_wait3A_62 : memref<400x64xf32, #tpu.memory_space<vmem>>)
      "tpu.region"() ({
        %run_scoped3A_69 = tpu.sem_alloc : memref<!tpu.dma_semaphore, #tpu.memory_space<semaphore_mem>>
        %dma_start3A_70 = arith.constant 0 : i32
        %dma_start3A_71 = arith.constant 0 : i32
        %dma_start3A_72 = tpu.memref_slice %arg7[%rem3A_54, %dma_start3A_70, %dma_start3A_71] : memref<2x400x64xf32, #tpu.memory_space<vmem>> -> memref<1x400x64xf32, #tpu.memory_space<vmem>>
        %dma_start3A_73 = tpu.memref_squeeze %dma_start3A_72 : memref<1x400x64xf32, #tpu.memory_space<vmem>> -> memref<400x64xf32, #tpu.memory_space<vmem>>
        %dma_start3A_74 = tpu.memref_slice %arg6[%multiple_of3A_59] : memref<10000xi32, #tpu.memory_space<vmem>> -> memref<400xi32, #tpu.memory_space<vmem>>
        %dma_start3A_75 = arith.constant 0 : i32
        %dma_start3A_76 = arith.constant 0 : i32
        %dma_start3A_77 = tpu.memref_slice %arg9[%dma_start3A_75, %dma_start3A_76] : memref<10240x64xf32, #tpu.memory_space<vmem_shared>> -> memref<10240x64xf32, #tpu.memory_space<vmem_shared>>
        tpu.enqueue_indirect_dma source(%dma_start3A_73 : memref<400x64xf32, #tpu.memory_space<vmem>>) target(%dma_start3A_77 : memref<10240x64xf32, #tpu.memory_space<vmem_shared>>) offsets(%dma_start3A_74 : memref<400xi32, #tpu.memory_space<vmem>>) semaphore(%run_scoped3A_69 : memref<!tpu.dma_semaphore, #tpu.memory_space<semaphore_mem>>) {add = true}
        %dma_wait3A_78 = arith.constant 0 : i32
        %dma_wait3A_79 = arith.constant 0 : i32
        %dma_wait3A_80 = tpu.memref_slice %arg7[%rem3A_54, %dma_wait3A_78, %dma_wait3A_79] : memref<2x400x64xf32, #tpu.memory_space<vmem>> -> memref<1x400x64xf32, #tpu.memory_space<vmem>>
        %dma_wait3A_81 = tpu.memref_squeeze %dma_wait3A_80 : memref<1x400x64xf32, #tpu.memory_space<vmem>> -> memref<400x64xf32, #tpu.memory_space<vmem>>
        %dma_wait3A_82 = tpu.memref_slice %arg6[%multiple_of3A_59] : memref<10000xi32, #tpu.memory_space<vmem>> -> memref<400xi32, #tpu.memory_space<vmem>>
        %dma_wait3A_83 = arith.constant 0 : i32
        %dma_wait3A_84 = arith.constant 0 : i32
        %dma_wait3A_85 = tpu.memref_slice %arg9[%dma_wait3A_83, %dma_wait3A_84] : memref<10240x64xf32, #tpu.memory_space<vmem_shared>> -> memref<10240x64xf32, #tpu.memory_space<vmem_shared>>
        tpu.wait_indirect_dma semaphore(%run_scoped3A_69 : memref<!tpu.dma_semaphore, #tpu.memory_space<semaphore_mem>>) src(%dma_wait3A_81 : memref<400x64xf32, #tpu.memory_space<vmem>>) dst(%dma_wait3A_85 : memref<10240x64xf32, #tpu.memory_space<vmem_shared>>)
        tpu.yield
      }) : () -> ()
    }
    %scan3A_41 = arith.constant 25 : i32
    %barrier3A_42 = arith.constant 0 : index
    tpu.barrier barrier_id(%barrier3A_42)
    %add3A_43 = arith.constant 0 : i32
    %add3A_44 = arith.addi %multiple_of3A_5, %add3A_43 : i32
    "tpu.region"() ({
      %run_scoped3A_53 = tpu.sem_alloc : memref<!tpu.dma_semaphore, #tpu.memory_space<semaphore_mem>>
      %dma_start3A_54 = arith.constant 0 : i32
      %dma_start3A_55 = tpu.memref_slice %arg9[%add3A_44, %dma_start3A_54] : memref<10240x64xf32, #tpu.memory_space<vmem_shared>> -> memref<128x64xf32, #tpu.memory_space<vmem_shared>>
      %dma_start3A_56 = arith.constant 0 : i32
      %dma_start3A_57 = tpu.memref_slice %arg9[%add3A_44, %dma_start3A_56] : memref<10240x64xf32, #tpu.memory_space<vmem_shared>> -> memref<128x64xf32, #tpu.memory_space<vmem_shared>>
      tpu.enqueue_dma source(%dma_start3A_57 : memref<128x64xf32, #tpu.memory_space<vmem_shared>>) target(%arg8 : memref<128x64xf32, #tpu.memory_space<vmem>>) target_semaphore(%run_scoped3A_53 : memref<!tpu.dma_semaphore, #tpu.memory_space<semaphore_mem>>)
      %dma_wait3A = arith.constant 0 : i32
      %dma_wait3A_58 = tpu.memref_slice %arg9[%add3A_44, %dma_wait3A] : memref<10240x64xf32, #tpu.memory_space<vmem_shared>> -> memref<128x64xf32, #tpu.memory_space<vmem_shared>>
      %dma_wait3A_59 = arith.constant 0 : i32
      %dma_wait3A_60 = tpu.memref_slice %arg9[%add3A_44, %dma_wait3A_59] : memref<10240x64xf32, #tpu.memory_space<vmem_shared>> -> memref<128x64xf32, #tpu.memory_space<vmem_shared>>
      tpu.wait_dma2 semaphore(%run_scoped3A_53 : memref<!tpu.dma_semaphore, #tpu.memory_space<semaphore_mem>>) src(%dma_wait3A_60 : memref<128x64xf32, #tpu.memory_space<vmem_shared>>) dst(%arg8 : memref<128x64xf32, #tpu.memory_space<vmem>>)
      tpu.yield
    }) : () -> ()
    "tpu.region"() ({
      %run_scoped3A_53 = tpu.sem_alloc : memref<!tpu.dma_semaphore, #tpu.memory_space<semaphore_mem>>
      %dma_start3A_54 = arith.constant 0 : i32
      %dma_start3A_55 = tpu.memref_slice %arg4[%arg0, %add3A_44, %dma_start3A_54] : memref<2x10240x128xf32, #tpu.memory_space<hbm>> -> memref<1x128x64xf32, #tpu.memory_space<hbm>>
      %dma_start3A_56 = tpu.memref_squeeze %dma_start3A_55 : memref<1x128x64xf32, #tpu.memory_space<hbm>> -> memref<128x64xf32, #tpu.memory_space<hbm>>
      %dma_start3A_57 = arith.constant 0 : i32
      %dma_start3A_58 = tpu.memref_slice %arg4[%arg0, %add3A_44, %dma_start3A_57] : memref<2x10240x128xf32, #tpu.memory_space<hbm>> -> memref<1x128x64xf32, #tpu.memory_space<hbm>>
      %dma_start3A_59 = tpu.memref_squeeze %dma_start3A_58 : memref<1x128x64xf32, #tpu.memory_space<hbm>> -> memref<128x64xf32, #tpu.memory_space<hbm>>
      tpu.enqueue_dma source(%arg8 : memref<128x64xf32, #tpu.memory_space<vmem>>) target(%dma_start3A_59 : memref<128x64xf32, #tpu.memory_space<hbm>>) target_semaphore(%run_scoped3A_53 : memref<!tpu.dma_semaphore, #tpu.memory_space<semaphore_mem>>)
      %dma_wait3A = arith.constant 0 : i32
      %dma_wait3A_60 = tpu.memref_slice %arg4[%arg0, %add3A_44, %dma_wait3A] : memref<2x10240x128xf32, #tpu.memory_space<hbm>> -> memref<1x128x64xf32, #tpu.memory_space<hbm>>
      %dma_wait3A_61 = tpu.memref_squeeze %dma_wait3A_60 : memref<1x128x64xf32, #tpu.memory_space<hbm>> -> memref<128x64xf32, #tpu.memory_space<hbm>>
      %dma_wait3A_62 = arith.constant 0 : i32
      %dma_wait3A_63 = tpu.memref_slice %arg4[%arg0, %add3A_44, %dma_wait3A_62] : memref<2x10240x128xf32, #tpu.memory_space<hbm>> -> memref<1x128x64xf32, #tpu.memory_space<hbm>>
      %dma_wait3A_64 = tpu.memref_squeeze %dma_wait3A_63 : memref<1x128x64xf32, #tpu.memory_space<hbm>> -> memref<128x64xf32, #tpu.memory_space<hbm>>
      tpu.wait_dma2 semaphore(%run_scoped3A_53 : memref<!tpu.dma_semaphore, #tpu.memory_space<semaphore_mem>>) src(%arg8 : memref<128x64xf32, #tpu.memory_space<vmem>>) dst(%dma_wait3A_64 : memref<128x64xf32, #tpu.memory_space<hbm>>)
      tpu.yield
    }) : () -> ()
    %add3A_45 = arith.constant 128 : i32
    %add3A_46 = arith.addi %multiple_of3A_5, %add3A_45 : i32
    "tpu.region"() ({
      %run_scoped3A_53 = tpu.sem_alloc : memref<!tpu.dma_semaphore, #tpu.memory_space<semaphore_mem>>
      %dma_start3A_54 = arith.constant 0 : i32
      %dma_start3A_55 = tpu.memref_slice %arg9[%add3A_46, %dma_start3A_54] : memref<10240x64xf32, #tpu.memory_space<vmem_shared>> -> memref<128x64xf32, #tpu.memory_space<vmem_shared>>
      %dma_start3A_56 = arith.constant 0 : i32
      %dma_start3A_57 = tpu.memref_slice %arg9[%add3A_46, %dma_start3A_56] : memref<10240x64xf32, #tpu.memory_space<vmem_shared>> -> memref<128x64xf32, #tpu.memory_space<vmem_shared>>
      tpu.enqueue_dma source(%dma_start3A_57 : memref<128x64xf32, #tpu.memory_space<vmem_shared>>) target(%arg8 : memref<128x64xf32, #tpu.memory_space<vmem>>) target_semaphore(%run_scoped3A_53 : memref<!tpu.dma_semaphore, #tpu.memory_space<semaphore_mem>>)
      %dma_wait3A = arith.constant 0 : i32
      %dma_wait3A_58 = tpu.memref_slice %arg9[%add3A_46, %dma_wait3A] : memref<10240x64xf32, #tpu.memory_space<vmem_shared>> -> memref<128x64xf32, #tpu.memory_space<vmem_shared>>
      %dma_wait3A_59 = arith.constant 0 : i32
      %dma_wait3A_60 = tpu.memref_slice %arg9[%add3A_46, %dma_wait3A_59] : memref<10240x64xf32, #tpu.memory_space<vmem_shared>> -> memref<128x64xf32, #tpu.memory_space<vmem_shared>>
      tpu.wait_dma2 semaphore(%run_scoped3A_53 : memref<!tpu.dma_semaphore, #tpu.memory_space<semaphore_mem>>) src(%dma_wait3A_60 : memref<128x64xf32, #tpu.memory_space<vmem_shared>>) dst(%arg8 : memref<128x64xf32, #tpu.memory_space<vmem>>)
      tpu.yield
    }) : () -> ()
    "tpu.region"() ({
      %run_scoped3A_53 = tpu.sem_alloc : memref<!tpu.dma_semaphore, #tpu.memory_space<semaphore_mem>>
      %dma_start3A_54 = arith.constant 0 : i32
      %dma_start3A_55 = tpu.memref_slice %arg4[%arg0, %add3A_46, %dma_start3A_54] : memref<2x10240x128xf32, #tpu.memory_space<hbm>> -> memref<1x128x64xf32, #tpu.memory_space<hbm>>
      %dma_start3A_56 = tpu.memref_squeeze %dma_start3A_55 : memref<1x128x64xf32, #tpu.memory_space<hbm>> -> memref<128x64xf32, #tpu.memory_space<hbm>>
      %dma_start3A_57 = arith.constant 0 : i32
      %dma_start3A_58 = tpu.memref_slice %arg4[%arg0, %add3A_46, %dma_start3A_57] : memref<2x10240x128xf32, #tpu.memory_space<hbm>> -> memref<1x128x64xf32, #tpu.memory_space<hbm>>
      %dma_start3A_59 = tpu.memref_squeeze %dma_start3A_58 : memref<1x128x64xf32, #tpu.memory_space<hbm>> -> memref<128x64xf32, #tpu.memory_space<hbm>>
      tpu.enqueue_dma source(%arg8 : memref<128x64xf32, #tpu.memory_space<vmem>>) target(%dma_start3A_59 : memref<128x64xf32, #tpu.memory_space<hbm>>) target_semaphore(%run_scoped3A_53 : memref<!tpu.dma_semaphore, #tpu.memory_space<semaphore_mem>>)
      %dma_wait3A = arith.constant 0 : i32
      %dma_wait3A_60 = tpu.memref_slice %arg4[%arg0, %add3A_46, %dma_wait3A] : memref<2x10240x128xf32, #tpu.memory_space<hbm>> -> memref<1x128x64xf32, #tpu.memory_space<hbm>>
      %dma_wait3A_61 = tpu.memref_squeeze %dma_wait3A_60 : memref<1x128x64xf32, #tpu.memory_space<hbm>> -> memref<128x64xf32, #tpu.memory_space<hbm>>
      %dma_wait3A_62 = arith.constant 0 : i32
      %dma_wait3A_63 = tpu.memref_slice %arg4[%arg0, %add3A_46, %dma_wait3A_62] : memref<2x10240x128xf32, #tpu.memory_space<hbm>> -> memref<1x128x64xf32, #tpu.memory_space<hbm>>
      %dma_wait3A_64 = tpu.memref_squeeze %dma_wait3A_63 : memref<1x128x64xf32, #tpu.memory_space<hbm>> -> memref<128x64xf32, #tpu.memory_space<hbm>>
      tpu.wait_dma2 semaphore(%run_scoped3A_53 : memref<!tpu.dma_semaphore, #tpu.memory_space<semaphore_mem>>) src(%arg8 : memref<128x64xf32, #tpu.memory_space<vmem>>) dst(%dma_wait3A_64 : memref<128x64xf32, #tpu.memory_space<hbm>>)
      tpu.yield
    }) : () -> ()
    %add3A_47 = arith.constant 256 : i32
    %add3A_48 = arith.addi %multiple_of3A_5, %add3A_47 : i32
    "tpu.region"() ({
      %run_scoped3A_53 = tpu.sem_alloc : memref<!tpu.dma_semaphore, #tpu.memory_space<semaphore_mem>>
      %dma_start3A_54 = arith.constant 0 : i32
      %dma_start3A_55 = tpu.memref_slice %arg9[%add3A_48, %dma_start3A_54] : memref<10240x64xf32, #tpu.memory_space<vmem_shared>> -> memref<128x64xf32, #tpu.memory_space<vmem_shared>>
      %dma_start3A_56 = arith.constant 0 : i32
      %dma_start3A_57 = tpu.memref_slice %arg9[%add3A_48, %dma_start3A_56] : memref<10240x64xf32, #tpu.memory_space<vmem_shared>> -> memref<128x64xf32, #tpu.memory_space<vmem_shared>>
      tpu.enqueue_dma source(%dma_start3A_57 : memref<128x64xf32, #tpu.memory_space<vmem_shared>>) target(%arg8 : memref<128x64xf32, #tpu.memory_space<vmem>>) target_semaphore(%run_scoped3A_53 : memref<!tpu.dma_semaphore, #tpu.memory_space<semaphore_mem>>)
      %dma_wait3A = arith.constant 0 : i32
      %dma_wait3A_58 = tpu.memref_slice %arg9[%add3A_48, %dma_wait3A] : memref<10240x64xf32, #tpu.memory_space<vmem_shared>> -> memref<128x64xf32, #tpu.memory_space<vmem_shared>>
      %dma_wait3A_59 = arith.constant 0 : i32
      %dma_wait3A_60 = tpu.memref_slice %arg9[%add3A_48, %dma_wait3A_59] : memref<10240x64xf32, #tpu.memory_space<vmem_shared>> -> memref<128x64xf32, #tpu.memory_space<vmem_shared>>
      tpu.wait_dma2 semaphore(%run_scoped3A_53 : memref<!tpu.dma_semaphore, #tpu.memory_space<semaphore_mem>>) src(%dma_wait3A_60 : memref<128x64xf32, #tpu.memory_space<vmem_shared>>) dst(%arg8 : memref<128x64xf32, #tpu.memory_space<vmem>>)
      tpu.yield
    }) : () -> ()
    "tpu.region"() ({
      %run_scoped3A_53 = tpu.sem_alloc : memref<!tpu.dma_semaphore, #tpu.memory_space<semaphore_mem>>
      %dma_start3A_54 = arith.constant 0 : i32
      %dma_start3A_55 = tpu.memref_slice %arg4[%arg0, %add3A_48, %dma_start3A_54] : memref<2x10240x128xf32, #tpu.memory_space<hbm>> -> memref<1x128x64xf32, #tpu.memory_space<hbm>>
      %dma_start3A_56 = tpu.memref_squeeze %dma_start3A_55 : memref<1x128x64xf32, #tpu.memory_space<hbm>> -> memref<128x64xf32, #tpu.memory_space<hbm>>
      %dma_start3A_57 = arith.constant 0 : i32
      %dma_start3A_58 = tpu.memref_slice %arg4[%arg0, %add3A_48, %dma_start3A_57] : memref<2x10240x128xf32, #tpu.memory_space<hbm>> -> memref<1x128x64xf32, #tpu.memory_space<hbm>>
      %dma_start3A_59 = tpu.memref_squeeze %dma_start3A_58 : memref<1x128x64xf32, #tpu.memory_space<hbm>> -> memref<128x64xf32, #tpu.memory_space<hbm>>
      tpu.enqueue_dma source(%arg8 : memref<128x64xf32, #tpu.memory_space<vmem>>) target(%dma_start3A_59 : memref<128x64xf32, #tpu.memory_space<hbm>>) target_semaphore(%run_scoped3A_53 : memref<!tpu.dma_semaphore, #tpu.memory_space<semaphore_mem>>)
      %dma_wait3A = arith.constant 0 : i32
      %dma_wait3A_60 = tpu.memref_slice %arg4[%arg0, %add3A_48, %dma_wait3A] : memref<2x10240x128xf32, #tpu.memory_space<hbm>> -> memref<1x128x64xf32, #tpu.memory_space<hbm>>
      %dma_wait3A_61 = tpu.memref_squeeze %dma_wait3A_60 : memref<1x128x64xf32, #tpu.memory_space<hbm>> -> memref<128x64xf32, #tpu.memory_space<hbm>>
      %dma_wait3A_62 = arith.constant 0 : i32
      %dma_wait3A_63 = tpu.memref_slice %arg4[%arg0, %add3A_48, %dma_wait3A_62] : memref<2x10240x128xf32, #tpu.memory_space<hbm>> -> memref<1x128x64xf32, #tpu.memory_space<hbm>>
      %dma_wait3A_64 = tpu.memref_squeeze %dma_wait3A_63 : memref<1x128x64xf32, #tpu.memory_space<hbm>> -> memref<128x64xf32, #tpu.memory_space<hbm>>
      tpu.wait_dma2 semaphore(%run_scoped3A_53 : memref<!tpu.dma_semaphore, #tpu.memory_space<semaphore_mem>>) src(%arg8 : memref<128x64xf32, #tpu.memory_space<vmem>>) dst(%dma_wait3A_64 : memref<128x64xf32, #tpu.memory_space<hbm>>)
      tpu.yield
    }) : () -> ()
    %add3A_49 = arith.constant 384 : i32
    %add3A_50 = arith.addi %multiple_of3A_5, %add3A_49 : i32
    "tpu.region"() ({
      %run_scoped3A_53 = tpu.sem_alloc : memref<!tpu.dma_semaphore, #tpu.memory_space<semaphore_mem>>
      %dma_start3A_54 = arith.constant 0 : i32
      %dma_start3A_55 = tpu.memref_slice %arg9[%add3A_50, %dma_start3A_54] : memref<10240x64xf32, #tpu.memory_space<vmem_shared>> -> memref<128x64xf32, #tpu.memory_space<vmem_shared>>
      %dma_start3A_56 = arith.constant 0 : i32
      %dma_start3A_57 = tpu.memref_slice %arg9[%add3A_50, %dma_start3A_56] : memref<10240x64xf32, #tpu.memory_space<vmem_shared>> -> memref<128x64xf32, #tpu.memory_space<vmem_shared>>
      tpu.enqueue_dma source(%dma_start3A_57 : memref<128x64xf32, #tpu.memory_space<vmem_shared>>) target(%arg8 : memref<128x64xf32, #tpu.memory_space<vmem>>) target_semaphore(%run_scoped3A_53 : memref<!tpu.dma_semaphore, #tpu.memory_space<semaphore_mem>>)
      %dma_wait3A = arith.constant 0 : i32
      %dma_wait3A_58 = tpu.memref_slice %arg9[%add3A_50, %dma_wait3A] : memref<10240x64xf32, #tpu.memory_space<vmem_shared>> -> memref<128x64xf32, #tpu.memory_space<vmem_shared>>
      %dma_wait3A_59 = arith.constant 0 : i32
      %dma_wait3A_60 = tpu.memref_slice %arg9[%add3A_50, %dma_wait3A_59] : memref<10240x64xf32, #tpu.memory_space<vmem_shared>> -> memref<128x64xf32, #tpu.memory_space<vmem_shared>>
      tpu.wait_dma2 semaphore(%run_scoped3A_53 : memref<!tpu.dma_semaphore, #tpu.memory_space<semaphore_mem>>) src(%dma_wait3A_60 : memref<128x64xf32, #tpu.memory_space<vmem_shared>>) dst(%arg8 : memref<128x64xf32, #tpu.memory_space<vmem>>)
      tpu.yield
    }) : () -> ()
    "tpu.region"() ({
      %run_scoped3A_53 = tpu.sem_alloc : memref<!tpu.dma_semaphore, #tpu.memory_space<semaphore_mem>>
      %dma_start3A_54 = arith.constant 0 : i32
      %dma_start3A_55 = tpu.memref_slice %arg4[%arg0, %add3A_50, %dma_start3A_54] : memref<2x10240x128xf32, #tpu.memory_space<hbm>> -> memref<1x128x64xf32, #tpu.memory_space<hbm>>
      %dma_start3A_56 = tpu.memref_squeeze %dma_start3A_55 : memref<1x128x64xf32, #tpu.memory_space<hbm>> -> memref<128x64xf32, #tpu.memory_space<hbm>>
      %dma_start3A_57 = arith.constant 0 : i32
      %dma_start3A_58 = tpu.memref_slice %arg4[%arg0, %add3A_50, %dma_start3A_57] : memref<2x10240x128xf32, #tpu.memory_space<hbm>> -> memref<1x128x64xf32, #tpu.memory_space<hbm>>
      %dma_start3A_59 = tpu.memref_squeeze %dma_start3A_58 : memref<1x128x64xf32, #tpu.memory_space<hbm>> -> memref<128x64xf32, #tpu.memory_space<hbm>>
      tpu.enqueue_dma source(%arg8 : memref<128x64xf32, #tpu.memory_space<vmem>>) target(%dma_start3A_59 : memref<128x64xf32, #tpu.memory_space<hbm>>) target_semaphore(%run_scoped3A_53 : memref<!tpu.dma_semaphore, #tpu.memory_space<semaphore_mem>>)
      %dma_wait3A = arith.constant 0 : i32
      %dma_wait3A_60 = tpu.memref_slice %arg4[%arg0, %add3A_50, %dma_wait3A] : memref<2x10240x128xf32, #tpu.memory_space<hbm>> -> memref<1x128x64xf32, #tpu.memory_space<hbm>>
      %dma_wait3A_61 = tpu.memref_squeeze %dma_wait3A_60 : memref<1x128x64xf32, #tpu.memory_space<hbm>> -> memref<128x64xf32, #tpu.memory_space<hbm>>
      %dma_wait3A_62 = arith.constant 0 : i32
      %dma_wait3A_63 = tpu.memref_slice %arg4[%arg0, %add3A_50, %dma_wait3A_62] : memref<2x10240x128xf32, #tpu.memory_space<hbm>> -> memref<1x128x64xf32, #tpu.memory_space<hbm>>
      %dma_wait3A_64 = tpu.memref_squeeze %dma_wait3A_63 : memref<1x128x64xf32, #tpu.memory_space<hbm>> -> memref<128x64xf32, #tpu.memory_space<hbm>>
      tpu.wait_dma2 semaphore(%run_scoped3A_53 : memref<!tpu.dma_semaphore, #tpu.memory_space<semaphore_mem>>) src(%arg8 : memref<128x64xf32, #tpu.memory_space<vmem>>) dst(%dma_wait3A_64 : memref<128x64xf32, #tpu.memory_space<hbm>>)
      tpu.yield
    }) : () -> ()
    %add3A_51 = arith.constant 512 : i32
    %add3A_52 = arith.addi %multiple_of3A_5, %add3A_51 : i32
    "tpu.region"() ({
      %run_scoped3A_53 = tpu.sem_alloc : memref<!tpu.dma_semaphore, #tpu.memory_space<semaphore_mem>>
      %dma_start3A_54 = arith.constant 0 : i32
      %dma_start3A_55 = tpu.memref_slice %arg9[%add3A_52, %dma_start3A_54] : memref<10240x64xf32, #tpu.memory_space<vmem_shared>> -> memref<128x64xf32, #tpu.memory_space<vmem_shared>>
      %dma_start3A_56 = arith.constant 0 : i32
      %dma_start3A_57 = tpu.memref_slice %arg9[%add3A_52, %dma_start3A_56] : memref<10240x64xf32, #tpu.memory_space<vmem_shared>> -> memref<128x64xf32, #tpu.memory_space<vmem_shared>>
      tpu.enqueue_dma source(%dma_start3A_57 : memref<128x64xf32, #tpu.memory_space<vmem_shared>>) target(%arg8 : memref<128x64xf32, #tpu.memory_space<vmem>>) target_semaphore(%run_scoped3A_53 : memref<!tpu.dma_semaphore, #tpu.memory_space<semaphore_mem>>)
      %dma_wait3A = arith.constant 0 : i32
      %dma_wait3A_58 = tpu.memref_slice %arg9[%add3A_52, %dma_wait3A] : memref<10240x64xf32, #tpu.memory_space<vmem_shared>> -> memref<128x64xf32, #tpu.memory_space<vmem_shared>>
      %dma_wait3A_59 = arith.constant 0 : i32
      %dma_wait3A_60 = tpu.memref_slice %arg9[%add3A_52, %dma_wait3A_59] : memref<10240x64xf32, #tpu.memory_space<vmem_shared>> -> memref<128x64xf32, #tpu.memory_space<vmem_shared>>
      tpu.wait_dma2 semaphore(%run_scoped3A_53 : memref<!tpu.dma_semaphore, #tpu.memory_space<semaphore_mem>>) src(%dma_wait3A_60 : memref<128x64xf32, #tpu.memory_space<vmem_shared>>) dst(%arg8 : memref<128x64xf32, #tpu.memory_space<vmem>>)
      tpu.yield
    }) : () -> ()
    "tpu.region"() ({
      %run_scoped3A_53 = tpu.sem_alloc : memref<!tpu.dma_semaphore, #tpu.memory_space<semaphore_mem>>
      %dma_start3A_54 = arith.constant 0 : i32
      %dma_start3A_55 = tpu.memref_slice %arg4[%arg0, %add3A_52, %dma_start3A_54] : memref<2x10240x128xf32, #tpu.memory_space<hbm>> -> memref<1x128x64xf32, #tpu.memory_space<hbm>>
      %dma_start3A_56 = tpu.memref_squeeze %dma_start3A_55 : memref<1x128x64xf32, #tpu.memory_space<hbm>> -> memref<128x64xf32, #tpu.memory_space<hbm>>
      %dma_start3A_57 = arith.constant 0 : i32
      %dma_start3A_58 = tpu.memref_slice %arg4[%arg0, %add3A_52, %dma_start3A_57] : memref<2x10240x128xf32, #tpu.memory_space<hbm>> -> memref<1x128x64xf32, #tpu.memory_space<hbm>>
      %dma_start3A_59 = tpu.memref_squeeze %dma_start3A_58 : memref<1x128x64xf32, #tpu.memory_space<hbm>> -> memref<128x64xf32, #tpu.memory_space<hbm>>
      tpu.enqueue_dma source(%arg8 : memref<128x64xf32, #tpu.memory_space<vmem>>) target(%dma_start3A_59 : memref<128x64xf32, #tpu.memory_space<hbm>>) target_semaphore(%run_scoped3A_53 : memref<!tpu.dma_semaphore, #tpu.memory_space<semaphore_mem>>)
      %dma_wait3A = arith.constant 0 : i32
      %dma_wait3A_60 = tpu.memref_slice %arg4[%arg0, %add3A_52, %dma_wait3A] : memref<2x10240x128xf32, #tpu.memory_space<hbm>> -> memref<1x128x64xf32, #tpu.memory_space<hbm>>
      %dma_wait3A_61 = tpu.memref_squeeze %dma_wait3A_60 : memref<1x128x64xf32, #tpu.memory_space<hbm>> -> memref<128x64xf32, #tpu.memory_space<hbm>>
      %dma_wait3A_62 = arith.constant 0 : i32
      %dma_wait3A_63 = tpu.memref_slice %arg4[%arg0, %add3A_52, %dma_wait3A_62] : memref<2x10240x128xf32, #tpu.memory_space<hbm>> -> memref<1x128x64xf32, #tpu.memory_space<hbm>>
      %dma_wait3A_64 = tpu.memref_squeeze %dma_wait3A_63 : memref<1x128x64xf32, #tpu.memory_space<hbm>> -> memref<128x64xf32, #tpu.memory_space<hbm>>
      tpu.wait_dma2 semaphore(%run_scoped3A_53 : memref<!tpu.dma_semaphore, #tpu.memory_space<semaphore_mem>>) src(%arg8 : memref<128x64xf32, #tpu.memory_space<vmem>>) dst(%dma_wait3A_64 : memref<128x64xf32, #tpu.memory_space<hbm>>)
      tpu.yield
    }) : () -> ()
    return
  }
}

#map = affine_map<(d0, d1) -> (0, 0)>
#map1 = affine_map<(d0, d1) -> (0, 0, 0)>
module attributes {stable_mosaic.version = 14 : i64} {
  func.func @edge_pass_ef(%arg0: i32, %arg1: i32, %arg2: memref<2x320000xi32, #tpu.memory_space<hbm>>, %arg3: memref<320000x16xf32, #tpu.memory_space<hbm>>, %arg4: memref<2x10240x128xf32, #tpu.memory_space<hbm>>, %arg5: memref<10000xi32, #tpu.memory_space<vmem>>, %arg6: memref<2x1000x16xf32, #tpu.memory_space<vmem>>, %arg7: memref<1000x16xf32, #tpu.memory_space<vmem>>, %arg8: memref<128x16xf32, #tpu.memory_space<vmem>>, %arg9: memref<10240x16xf32, #tpu.memory_space<vmem_shared>>, %arg10: memref<10240x16xf32, #tpu.memory_space<vmem_shared>>, %arg11: memref<2x!tpu.dma_semaphore, #tpu.memory_space<semaphore_mem>>) attributes {dimension_semantics = [#tpu.dimension_semantics<core_parallel>, #tpu.dimension_semantics<subcore_parallel>], iteration_bounds = array<i64: 2, 16>, scalar_prefetch = 0 : i64, scratch_operands = 7 : i64, tpu.core_type = #tpu.core_type<sc_vector_subcore>, window_params = [{transform_indices = #map}, {transform_indices = #map}, {transform_indices = #map1}]} {
    %mul3A = arith.constant 2 : i32
    %mul3A_0 = arith.muli %arg1, %mul3A : i32
    %add3A = arith.addi %mul3A_0, %arg0 : i32
    %mul3A_1 = arith.constant 10000 : i32
    %mul3A_2 = arith.muli %add3A, %mul3A_1 : i32
    %multiple_of3A = tpu.assume_multiple %mul3A_2, 1000 : i32
    %mul3A_3 = arith.constant 640 : i32
    %mul3A_4 = arith.muli %arg1, %mul3A_3 : i32
    %multiple_of3A_5 = tpu.assume_multiple %mul3A_4, 128 : i32
    %broadcast_in_dim3A = arith.constant 0.000000e+00 : f32
    %broadcast_in_dim3A_6 = vector.broadcast %broadcast_in_dim3A : f32 to vector<16xf32>
    %scan3A = arith.constant 0 : i32
    %scan3A_7 = arith.constant 0 : i32
    %scan3A_8 = arith.constant 128 : i32
    %scan3A_9 = arith.addi %scan3A_7, %scan3A_8 : i32
    %scan3A_10 = arith.constant 1 : i32
    scf.for %scan3A_65 = %scan3A_7 to %scan3A_9 step %scan3A_10  : i32 {
      %swap3A = arith.index_cast %scan3A_65 : i32 to index
      %swap3A_66 = arith.constant 0 : index
      %swap3A_67 = tpu.vector_load %arg8[%swap3A, %swap3A_66] {strides = array<i32>} : memref<128x16xf32, #tpu.memory_space<vmem>>, vector<1x16xf32>,
      %swap3A_68 = vector.shape_cast %swap3A_67 : vector<1x16xf32> to vector<16xf32>
      %swap3A_69 = vector.shape_cast %broadcast_in_dim3A_6 : vector<16xf32> to vector<1x16xf32>
      tpu.vector_store %arg8[%swap3A, %swap3A_66], %swap3A_69 {strides = array<i32>} : memref<128x16xf32, #tpu.memory_space<vmem>>, vector<1x16xf32>,
    }
    %scan3A_11 = arith.constant 128 : i32
    %add3A_12 = arith.constant 0 : i32
    %add3A_13 = arith.addi %multiple_of3A_5, %add3A_12 : i32
    "tpu.region"() ({
      %run_scoped3A_65 = tpu.sem_alloc : memref<!tpu.dma_semaphore, #tpu.memory_space<semaphore_mem>>
      %dma_start3A_66 = arith.constant 0 : i32
      %dma_start3A_67 = tpu.memref_slice %arg9[%add3A_13, %dma_start3A_66] : memref<10240x16xf32, #tpu.memory_space<vmem_shared>> -> memref<128x16xf32, #tpu.memory_space<vmem_shared>>
      %dma_start3A_68 = arith.constant 0 : i32
      %dma_start3A_69 = tpu.memref_slice %arg9[%add3A_13, %dma_start3A_68] : memref<10240x16xf32, #tpu.memory_space<vmem_shared>> -> memref<128x16xf32, #tpu.memory_space<vmem_shared>>
      tpu.enqueue_dma source(%arg8 : memref<128x16xf32, #tpu.memory_space<vmem>>) target(%dma_start3A_69 : memref<128x16xf32, #tpu.memory_space<vmem_shared>>) target_semaphore(%run_scoped3A_65 : memref<!tpu.dma_semaphore, #tpu.memory_space<semaphore_mem>>)
      %dma_wait3A = arith.constant 0 : i32
      %dma_wait3A_70 = tpu.memref_slice %arg9[%add3A_13, %dma_wait3A] : memref<10240x16xf32, #tpu.memory_space<vmem_shared>> -> memref<128x16xf32, #tpu.memory_space<vmem_shared>>
      %dma_wait3A_71 = arith.constant 0 : i32
      %dma_wait3A_72 = tpu.memref_slice %arg9[%add3A_13, %dma_wait3A_71] : memref<10240x16xf32, #tpu.memory_space<vmem_shared>> -> memref<128x16xf32, #tpu.memory_space<vmem_shared>>
      tpu.wait_dma2 semaphore(%run_scoped3A_65 : memref<!tpu.dma_semaphore, #tpu.memory_space<semaphore_mem>>) src(%arg8 : memref<128x16xf32, #tpu.memory_space<vmem>>) dst(%dma_wait3A_72 : memref<128x16xf32, #tpu.memory_space<vmem_shared>>)
      tpu.yield
    }) : () -> ()
    "tpu.region"() ({
      %run_scoped3A_65 = tpu.sem_alloc : memref<!tpu.dma_semaphore, #tpu.memory_space<semaphore_mem>>
      %dma_start3A_66 = arith.constant 0 : i32
      %dma_start3A_67 = tpu.memref_slice %arg10[%add3A_13, %dma_start3A_66] : memref<10240x16xf32, #tpu.memory_space<vmem_shared>> -> memref<128x16xf32, #tpu.memory_space<vmem_shared>>
      %dma_start3A_68 = arith.constant 0 : i32
      %dma_start3A_69 = tpu.memref_slice %arg10[%add3A_13, %dma_start3A_68] : memref<10240x16xf32, #tpu.memory_space<vmem_shared>> -> memref<128x16xf32, #tpu.memory_space<vmem_shared>>
      tpu.enqueue_dma source(%arg8 : memref<128x16xf32, #tpu.memory_space<vmem>>) target(%dma_start3A_69 : memref<128x16xf32, #tpu.memory_space<vmem_shared>>) target_semaphore(%run_scoped3A_65 : memref<!tpu.dma_semaphore, #tpu.memory_space<semaphore_mem>>)
      %dma_wait3A = arith.constant 0 : i32
      %dma_wait3A_70 = tpu.memref_slice %arg10[%add3A_13, %dma_wait3A] : memref<10240x16xf32, #tpu.memory_space<vmem_shared>> -> memref<128x16xf32, #tpu.memory_space<vmem_shared>>
      %dma_wait3A_71 = arith.constant 0 : i32
      %dma_wait3A_72 = tpu.memref_slice %arg10[%add3A_13, %dma_wait3A_71] : memref<10240x16xf32, #tpu.memory_space<vmem_shared>> -> memref<128x16xf32, #tpu.memory_space<vmem_shared>>
      tpu.wait_dma2 semaphore(%run_scoped3A_65 : memref<!tpu.dma_semaphore, #tpu.memory_space<semaphore_mem>>) src(%arg8 : memref<128x16xf32, #tpu.memory_space<vmem>>) dst(%dma_wait3A_72 : memref<128x16xf32, #tpu.memory_space<vmem_shared>>)
      tpu.yield
    }) : () -> ()
    %add3A_14 = arith.constant 128 : i32
    %add3A_15 = arith.addi %multiple_of3A_5, %add3A_14 : i32
    "tpu.region"() ({
      %run_scoped3A_65 = tpu.sem_alloc : memref<!tpu.dma_semaphore, #tpu.memory_space<semaphore_mem>>
      %dma_start3A_66 = arith.constant 0 : i32
      %dma_start3A_67 = tpu.memref_slice %arg9[%add3A_15, %dma_start3A_66] : memref<10240x16xf32, #tpu.memory_space<vmem_shared>> -> memref<128x16xf32, #tpu.memory_space<vmem_shared>>
      %dma_start3A_68 = arith.constant 0 : i32
      %dma_start3A_69 = tpu.memref_slice %arg9[%add3A_15, %dma_start3A_68] : memref<10240x16xf32, #tpu.memory_space<vmem_shared>> -> memref<128x16xf32, #tpu.memory_space<vmem_shared>>
      tpu.enqueue_dma source(%arg8 : memref<128x16xf32, #tpu.memory_space<vmem>>) target(%dma_start3A_69 : memref<128x16xf32, #tpu.memory_space<vmem_shared>>) target_semaphore(%run_scoped3A_65 : memref<!tpu.dma_semaphore, #tpu.memory_space<semaphore_mem>>)
      %dma_wait3A = arith.constant 0 : i32
      %dma_wait3A_70 = tpu.memref_slice %arg9[%add3A_15, %dma_wait3A] : memref<10240x16xf32, #tpu.memory_space<vmem_shared>> -> memref<128x16xf32, #tpu.memory_space<vmem_shared>>
      %dma_wait3A_71 = arith.constant 0 : i32
      %dma_wait3A_72 = tpu.memref_slice %arg9[%add3A_15, %dma_wait3A_71] : memref<10240x16xf32, #tpu.memory_space<vmem_shared>> -> memref<128x16xf32, #tpu.memory_space<vmem_shared>>
      tpu.wait_dma2 semaphore(%run_scoped3A_65 : memref<!tpu.dma_semaphore, #tpu.memory_space<semaphore_mem>>) src(%arg8 : memref<128x16xf32, #tpu.memory_space<vmem>>) dst(%dma_wait3A_72 : memref<128x16xf32, #tpu.memory_space<vmem_shared>>)
      tpu.yield
    }) : () -> ()
    "tpu.region"() ({
      %run_scoped3A_65 = tpu.sem_alloc : memref<!tpu.dma_semaphore, #tpu.memory_space<semaphore_mem>>
      %dma_start3A_66 = arith.constant 0 : i32
      %dma_start3A_67 = tpu.memref_slice %arg10[%add3A_15, %dma_start3A_66] : memref<10240x16xf32, #tpu.memory_space<vmem_shared>> -> memref<128x16xf32, #tpu.memory_space<vmem_shared>>
      %dma_start3A_68 = arith.constant 0 : i32
      %dma_start3A_69 = tpu.memref_slice %arg10[%add3A_15, %dma_start3A_68] : memref<10240x16xf32, #tpu.memory_space<vmem_shared>> -> memref<128x16xf32, #tpu.memory_space<vmem_shared>>
      tpu.enqueue_dma source(%arg8 : memref<128x16xf32, #tpu.memory_space<vmem>>) target(%dma_start3A_69 : memref<128x16xf32, #tpu.memory_space<vmem_shared>>) target_semaphore(%run_scoped3A_65 : memref<!tpu.dma_semaphore, #tpu.memory_space<semaphore_mem>>)
      %dma_wait3A = arith.constant 0 : i32
      %dma_wait3A_70 = tpu.memref_slice %arg10[%add3A_15, %dma_wait3A] : memref<10240x16xf32, #tpu.memory_space<vmem_shared>> -> memref<128x16xf32, #tpu.memory_space<vmem_shared>>
      %dma_wait3A_71 = arith.constant 0 : i32
      %dma_wait3A_72 = tpu.memref_slice %arg10[%add3A_15, %dma_wait3A_71] : memref<10240x16xf32, #tpu.memory_space<vmem_shared>> -> memref<128x16xf32, #tpu.memory_space<vmem_shared>>
      tpu.wait_dma2 semaphore(%run_scoped3A_65 : memref<!tpu.dma_semaphore, #tpu.memory_space<semaphore_mem>>) src(%arg8 : memref<128x16xf32, #tpu.memory_space<vmem>>) dst(%dma_wait3A_72 : memref<128x16xf32, #tpu.memory_space<vmem_shared>>)
      tpu.yield
    }) : () -> ()
    %add3A_16 = arith.constant 256 : i32
    %add3A_17 = arith.addi %multiple_of3A_5, %add3A_16 : i32
    "tpu.region"() ({
      %run_scoped3A_65 = tpu.sem_alloc : memref<!tpu.dma_semaphore, #tpu.memory_space<semaphore_mem>>
      %dma_start3A_66 = arith.constant 0 : i32
      %dma_start3A_67 = tpu.memref_slice %arg9[%add3A_17, %dma_start3A_66] : memref<10240x16xf32, #tpu.memory_space<vmem_shared>> -> memref<128x16xf32, #tpu.memory_space<vmem_shared>>
      %dma_start3A_68 = arith.constant 0 : i32
      %dma_start3A_69 = tpu.memref_slice %arg9[%add3A_17, %dma_start3A_68] : memref<10240x16xf32, #tpu.memory_space<vmem_shared>> -> memref<128x16xf32, #tpu.memory_space<vmem_shared>>
      tpu.enqueue_dma source(%arg8 : memref<128x16xf32, #tpu.memory_space<vmem>>) target(%dma_start3A_69 : memref<128x16xf32, #tpu.memory_space<vmem_shared>>) target_semaphore(%run_scoped3A_65 : memref<!tpu.dma_semaphore, #tpu.memory_space<semaphore_mem>>)
      %dma_wait3A = arith.constant 0 : i32
      %dma_wait3A_70 = tpu.memref_slice %arg9[%add3A_17, %dma_wait3A] : memref<10240x16xf32, #tpu.memory_space<vmem_shared>> -> memref<128x16xf32, #tpu.memory_space<vmem_shared>>
      %dma_wait3A_71 = arith.constant 0 : i32
      %dma_wait3A_72 = tpu.memref_slice %arg9[%add3A_17, %dma_wait3A_71] : memref<10240x16xf32, #tpu.memory_space<vmem_shared>> -> memref<128x16xf32, #tpu.memory_space<vmem_shared>>
      tpu.wait_dma2 semaphore(%run_scoped3A_65 : memref<!tpu.dma_semaphore, #tpu.memory_space<semaphore_mem>>) src(%arg8 : memref<128x16xf32, #tpu.memory_space<vmem>>) dst(%dma_wait3A_72 : memref<128x16xf32, #tpu.memory_space<vmem_shared>>)
      tpu.yield
    }) : () -> ()
    "tpu.region"() ({
      %run_scoped3A_65 = tpu.sem_alloc : memref<!tpu.dma_semaphore, #tpu.memory_space<semaphore_mem>>
      %dma_start3A_66 = arith.constant 0 : i32
      %dma_start3A_67 = tpu.memref_slice %arg10[%add3A_17, %dma_start3A_66] : memref<10240x16xf32, #tpu.memory_space<vmem_shared>> -> memref<128x16xf32, #tpu.memory_space<vmem_shared>>
      %dma_start3A_68 = arith.constant 0 : i32
      %dma_start3A_69 = tpu.memref_slice %arg10[%add3A_17, %dma_start3A_68] : memref<10240x16xf32, #tpu.memory_space<vmem_shared>> -> memref<128x16xf32, #tpu.memory_space<vmem_shared>>
      tpu.enqueue_dma source(%arg8 : memref<128x16xf32, #tpu.memory_space<vmem>>) target(%dma_start3A_69 : memref<128x16xf32, #tpu.memory_space<vmem_shared>>) target_semaphore(%run_scoped3A_65 : memref<!tpu.dma_semaphore, #tpu.memory_space<semaphore_mem>>)
      %dma_wait3A = arith.constant 0 : i32
      %dma_wait3A_70 = tpu.memref_slice %arg10[%add3A_17, %dma_wait3A] : memref<10240x16xf32, #tpu.memory_space<vmem_shared>> -> memref<128x16xf32, #tpu.memory_space<vmem_shared>>
      %dma_wait3A_71 = arith.constant 0 : i32
      %dma_wait3A_72 = tpu.memref_slice %arg10[%add3A_17, %dma_wait3A_71] : memref<10240x16xf32, #tpu.memory_space<vmem_shared>> -> memref<128x16xf32, #tpu.memory_space<vmem_shared>>
      tpu.wait_dma2 semaphore(%run_scoped3A_65 : memref<!tpu.dma_semaphore, #tpu.memory_space<semaphore_mem>>) src(%arg8 : memref<128x16xf32, #tpu.memory_space<vmem>>) dst(%dma_wait3A_72 : memref<128x16xf32, #tpu.memory_space<vmem_shared>>)
      tpu.yield
    }) : () -> ()
    %add3A_18 = arith.constant 384 : i32
    %add3A_19 = arith.addi %multiple_of3A_5, %add3A_18 : i32
    "tpu.region"() ({
      %run_scoped3A_65 = tpu.sem_alloc : memref<!tpu.dma_semaphore, #tpu.memory_space<semaphore_mem>>
      %dma_start3A_66 = arith.constant 0 : i32
      %dma_start3A_67 = tpu.memref_slice %arg9[%add3A_19, %dma_start3A_66] : memref<10240x16xf32, #tpu.memory_space<vmem_shared>> -> memref<128x16xf32, #tpu.memory_space<vmem_shared>>
      %dma_start3A_68 = arith.constant 0 : i32
      %dma_start3A_69 = tpu.memref_slice %arg9[%add3A_19, %dma_start3A_68] : memref<10240x16xf32, #tpu.memory_space<vmem_shared>> -> memref<128x16xf32, #tpu.memory_space<vmem_shared>>
      tpu.enqueue_dma source(%arg8 : memref<128x16xf32, #tpu.memory_space<vmem>>) target(%dma_start3A_69 : memref<128x16xf32, #tpu.memory_space<vmem_shared>>) target_semaphore(%run_scoped3A_65 : memref<!tpu.dma_semaphore, #tpu.memory_space<semaphore_mem>>)
      %dma_wait3A = arith.constant 0 : i32
      %dma_wait3A_70 = tpu.memref_slice %arg9[%add3A_19, %dma_wait3A] : memref<10240x16xf32, #tpu.memory_space<vmem_shared>> -> memref<128x16xf32, #tpu.memory_space<vmem_shared>>
      %dma_wait3A_71 = arith.constant 0 : i32
      %dma_wait3A_72 = tpu.memref_slice %arg9[%add3A_19, %dma_wait3A_71] : memref<10240x16xf32, #tpu.memory_space<vmem_shared>> -> memref<128x16xf32, #tpu.memory_space<vmem_shared>>
      tpu.wait_dma2 semaphore(%run_scoped3A_65 : memref<!tpu.dma_semaphore, #tpu.memory_space<semaphore_mem>>) src(%arg8 : memref<128x16xf32, #tpu.memory_space<vmem>>) dst(%dma_wait3A_72 : memref<128x16xf32, #tpu.memory_space<vmem_shared>>)
      tpu.yield
    }) : () -> ()
    "tpu.region"() ({
      %run_scoped3A_65 = tpu.sem_alloc : memref<!tpu.dma_semaphore, #tpu.memory_space<semaphore_mem>>
      %dma_start3A_66 = arith.constant 0 : i32
      %dma_start3A_67 = tpu.memref_slice %arg10[%add3A_19, %dma_start3A_66] : memref<10240x16xf32, #tpu.memory_space<vmem_shared>> -> memref<128x16xf32, #tpu.memory_space<vmem_shared>>
      %dma_start3A_68 = arith.constant 0 : i32
      %dma_start3A_69 = tpu.memref_slice %arg10[%add3A_19, %dma_start3A_68] : memref<10240x16xf32, #tpu.memory_space<vmem_shared>> -> memref<128x16xf32, #tpu.memory_space<vmem_shared>>
      tpu.enqueue_dma source(%arg8 : memref<128x16xf32, #tpu.memory_space<vmem>>) target(%dma_start3A_69 : memref<128x16xf32, #tpu.memory_space<vmem_shared>>) target_semaphore(%run_scoped3A_65 : memref<!tpu.dma_semaphore, #tpu.memory_space<semaphore_mem>>)
      %dma_wait3A = arith.constant 0 : i32
      %dma_wait3A_70 = tpu.memref_slice %arg10[%add3A_19, %dma_wait3A] : memref<10240x16xf32, #tpu.memory_space<vmem_shared>> -> memref<128x16xf32, #tpu.memory_space<vmem_shared>>
      %dma_wait3A_71 = arith.constant 0 : i32
      %dma_wait3A_72 = tpu.memref_slice %arg10[%add3A_19, %dma_wait3A_71] : memref<10240x16xf32, #tpu.memory_space<vmem_shared>> -> memref<128x16xf32, #tpu.memory_space<vmem_shared>>
      tpu.wait_dma2 semaphore(%run_scoped3A_65 : memref<!tpu.dma_semaphore, #tpu.memory_space<semaphore_mem>>) src(%arg8 : memref<128x16xf32, #tpu.memory_space<vmem>>) dst(%dma_wait3A_72 : memref<128x16xf32, #tpu.memory_space<vmem_shared>>)
      tpu.yield
    }) : () -> ()
    %add3A_20 = arith.constant 512 : i32
    %add3A_21 = arith.addi %multiple_of3A_5, %add3A_20 : i32
    "tpu.region"() ({
      %run_scoped3A_65 = tpu.sem_alloc : memref<!tpu.dma_semaphore, #tpu.memory_space<semaphore_mem>>
      %dma_start3A_66 = arith.constant 0 : i32
      %dma_start3A_67 = tpu.memref_slice %arg9[%add3A_21, %dma_start3A_66] : memref<10240x16xf32, #tpu.memory_space<vmem_shared>> -> memref<128x16xf32, #tpu.memory_space<vmem_shared>>
      %dma_start3A_68 = arith.constant 0 : i32
      %dma_start3A_69 = tpu.memref_slice %arg9[%add3A_21, %dma_start3A_68] : memref<10240x16xf32, #tpu.memory_space<vmem_shared>> -> memref<128x16xf32, #tpu.memory_space<vmem_shared>>
      tpu.enqueue_dma source(%arg8 : memref<128x16xf32, #tpu.memory_space<vmem>>) target(%dma_start3A_69 : memref<128x16xf32, #tpu.memory_space<vmem_shared>>) target_semaphore(%run_scoped3A_65 : memref<!tpu.dma_semaphore, #tpu.memory_space<semaphore_mem>>)
      %dma_wait3A = arith.constant 0 : i32
      %dma_wait3A_70 = tpu.memref_slice %arg9[%add3A_21, %dma_wait3A] : memref<10240x16xf32, #tpu.memory_space<vmem_shared>> -> memref<128x16xf32, #tpu.memory_space<vmem_shared>>
      %dma_wait3A_71 = arith.constant 0 : i32
      %dma_wait3A_72 = tpu.memref_slice %arg9[%add3A_21, %dma_wait3A_71] : memref<10240x16xf32, #tpu.memory_space<vmem_shared>> -> memref<128x16xf32, #tpu.memory_space<vmem_shared>>
      tpu.wait_dma2 semaphore(%run_scoped3A_65 : memref<!tpu.dma_semaphore, #tpu.memory_space<semaphore_mem>>) src(%arg8 : memref<128x16xf32, #tpu.memory_space<vmem>>) dst(%dma_wait3A_72 : memref<128x16xf32, #tpu.memory_space<vmem_shared>>)
      tpu.yield
    }) : () -> ()
    "tpu.region"() ({
      %run_scoped3A_65 = tpu.sem_alloc : memref<!tpu.dma_semaphore, #tpu.memory_space<semaphore_mem>>
      %dma_start3A_66 = arith.constant 0 : i32
      %dma_start3A_67 = tpu.memref_slice %arg10[%add3A_21, %dma_start3A_66] : memref<10240x16xf32, #tpu.memory_space<vmem_shared>> -> memref<128x16xf32, #tpu.memory_space<vmem_shared>>
      %dma_start3A_68 = arith.constant 0 : i32
      %dma_start3A_69 = tpu.memref_slice %arg10[%add3A_21, %dma_start3A_68] : memref<10240x16xf32, #tpu.memory_space<vmem_shared>> -> memref<128x16xf32, #tpu.memory_space<vmem_shared>>
      tpu.enqueue_dma source(%arg8 : memref<128x16xf32, #tpu.memory_space<vmem>>) target(%dma_start3A_69 : memref<128x16xf32, #tpu.memory_space<vmem_shared>>) target_semaphore(%run_scoped3A_65 : memref<!tpu.dma_semaphore, #tpu.memory_space<semaphore_mem>>)
      %dma_wait3A = arith.constant 0 : i32
      %dma_wait3A_70 = tpu.memref_slice %arg10[%add3A_21, %dma_wait3A] : memref<10240x16xf32, #tpu.memory_space<vmem_shared>> -> memref<128x16xf32, #tpu.memory_space<vmem_shared>>
      %dma_wait3A_71 = arith.constant 0 : i32
      %dma_wait3A_72 = tpu.memref_slice %arg10[%add3A_21, %dma_wait3A_71] : memref<10240x16xf32, #tpu.memory_space<vmem_shared>> -> memref<128x16xf32, #tpu.memory_space<vmem_shared>>
      tpu.wait_dma2 semaphore(%run_scoped3A_65 : memref<!tpu.dma_semaphore, #tpu.memory_space<semaphore_mem>>) src(%arg8 : memref<128x16xf32, #tpu.memory_space<vmem>>) dst(%dma_wait3A_72 : memref<128x16xf32, #tpu.memory_space<vmem_shared>>)
      tpu.yield
    }) : () -> ()
    %broadcast_in_dim3A_22 = arith.constant 1.000000e+00 : f32
    %broadcast_in_dim3A_23 = vector.broadcast %broadcast_in_dim3A_22 : f32 to vector<16xf32>
    %scan3A_24 = arith.constant 0 : i32
    %scan3A_25 = arith.constant 0 : i32
    %scan3A_26 = arith.constant 1000 : i32
    %scan3A_27 = arith.addi %scan3A_25, %scan3A_26 : i32
    %scan3A_28 = arith.constant 1 : i32
    scf.for %scan3A_65 = %scan3A_25 to %scan3A_27 step %scan3A_28  : i32 {
      %swap3A = arith.index_cast %scan3A_65 : i32 to index
      %swap3A_66 = arith.constant 0 : index
      %swap3A_67 = tpu.vector_load %arg7[%swap3A, %swap3A_66] {strides = array<i32>} : memref<1000x16xf32, #tpu.memory_space<vmem>>, vector<1x16xf32>,
      %swap3A_68 = vector.shape_cast %swap3A_67 : vector<1x16xf32> to vector<16xf32>
      %swap3A_69 = vector.shape_cast %broadcast_in_dim3A_23 : vector<16xf32> to vector<1x16xf32>
      tpu.vector_store %arg7[%swap3A, %swap3A_66], %swap3A_69 {strides = array<i32>} : memref<1000x16xf32, #tpu.memory_space<vmem>>, vector<1x16xf32>,
    }
    %scan3A_29 = arith.constant 1000 : i32
    %barrier3A = arith.constant 0 : index
    tpu.barrier barrier_id(%barrier3A)
    %run_scoped3A = arith.constant 1 : i32
    "tpu.region"() ({
      %run_scoped3A_65 = tpu.sem_alloc : memref<!tpu.dma_semaphore, #tpu.memory_space<semaphore_mem>>
      %dma_start3A_66 = tpu.memref_slice %arg2[%run_scoped3A, %multiple_of3A] : memref<2x320000xi32, #tpu.memory_space<hbm>> -> memref<1x10000xi32, #tpu.memory_space<hbm>>
      %dma_start3A_67 = tpu.memref_squeeze %dma_start3A_66 : memref<1x10000xi32, #tpu.memory_space<hbm>> -> memref<10000xi32, #tpu.memory_space<hbm>>
      %dma_start3A_68 = tpu.memref_slice %arg2[%run_scoped3A, %multiple_of3A] : memref<2x320000xi32, #tpu.memory_space<hbm>> -> memref<1x10000xi32, #tpu.memory_space<hbm>>
      %dma_start3A_69 = tpu.memref_squeeze %dma_start3A_68 : memref<1x10000xi32, #tpu.memory_space<hbm>> -> memref<10000xi32, #tpu.memory_space<hbm>>
      tpu.enqueue_dma source(%dma_start3A_69 : memref<10000xi32, #tpu.memory_space<hbm>>) target(%arg5 : memref<10000xi32, #tpu.memory_space<vmem>>) target_semaphore(%run_scoped3A_65 : memref<!tpu.dma_semaphore, #tpu.memory_space<semaphore_mem>>)
      %dma_wait3A = tpu.memref_slice %arg2[%run_scoped3A, %multiple_of3A] : memref<2x320000xi32, #tpu.memory_space<hbm>> -> memref<1x10000xi32, #tpu.memory_space<hbm>>
      %dma_wait3A_70 = tpu.memref_squeeze %dma_wait3A : memref<1x10000xi32, #tpu.memory_space<hbm>> -> memref<10000xi32, #tpu.memory_space<hbm>>
      %dma_wait3A_71 = tpu.memref_slice %arg2[%run_scoped3A, %multiple_of3A] : memref<2x320000xi32, #tpu.memory_space<hbm>> -> memref<1x10000xi32, #tpu.memory_space<hbm>>
      %dma_wait3A_72 = tpu.memref_squeeze %dma_wait3A_71 : memref<1x10000xi32, #tpu.memory_space<hbm>> -> memref<10000xi32, #tpu.memory_space<hbm>>
      tpu.wait_dma2 semaphore(%run_scoped3A_65 : memref<!tpu.dma_semaphore, #tpu.memory_space<semaphore_mem>>) src(%dma_wait3A_72 : memref<10000xi32, #tpu.memory_space<hbm>>) dst(%arg5 : memref<10000xi32, #tpu.memory_space<vmem>>)
      tpu.yield
    }) : () -> ()
    %multiple_of3A_30 = arith.constant 0 : i32
    %multiple_of3A_31 = tpu.assume_multiple %multiple_of3A_30, 1000 : i32
    %add3A_32 = arith.addi %multiple_of3A, %multiple_of3A_31 : i32
    %dma_start3A = arith.constant 0 : i32
    %dma_start3A_33 = arith.constant 0 : i32
    %dma_start3A_34 = arith.constant 0 : i32
    %dma_start3A_35 = arith.constant 0 : i32
    %dma_start3A_36 = tpu.memref_slice %arg6[%dma_start3A, %dma_start3A_34, %dma_start3A_35] : memref<2x1000x16xf32, #tpu.memory_space<vmem>> -> memref<1x1000x16xf32, #tpu.memory_space<vmem>>
    %dma_start3A_37 = tpu.memref_squeeze %dma_start3A_36 : memref<1x1000x16xf32, #tpu.memory_space<vmem>> -> memref<1000x16xf32, #tpu.memory_space<vmem>>
    %dma_start3A_38 = arith.constant 0 : i32
    %dma_start3A_39 = tpu.memref_slice %arg3[%add3A_32, %dma_start3A_38] : memref<320000x16xf32, #tpu.memory_space<hbm>> -> memref<1000x16xf32, #tpu.memory_space<hbm>>
    %dma_start3A_40 = tpu.memref_slice %arg11[%dma_start3A_33] : memref<2x!tpu.dma_semaphore, #tpu.memory_space<semaphore_mem>> -> memref<1x!tpu.dma_semaphore, #tpu.memory_space<semaphore_mem>>
    %dma_start3A_41 = tpu.memref_squeeze %dma_start3A_40 : memref<1x!tpu.dma_semaphore, #tpu.memory_space<semaphore_mem>> -> memref<!tpu.dma_semaphore, #tpu.memory_space<semaphore_mem>>
    %dma_start3A_42 = arith.constant 0 : i32
    %dma_start3A_43 = arith.constant 0 : i32
    %dma_start3A_44 = tpu.memref_slice %arg6[%dma_start3A, %dma_start3A_42, %dma_start3A_43] : memref<2x1000x16xf32, #tpu.memory_space<vmem>> -> memref<1x1000x16xf32, #tpu.memory_space<vmem>>
    %dma_start3A_45 = tpu.memref_squeeze %dma_start3A_44 : memref<1x1000x16xf32, #tpu.memory_space<vmem>> -> memref<1000x16xf32, #tpu.memory_space<vmem>>
    %dma_start3A_46 = arith.constant 0 : i32
    %dma_start3A_47 = tpu.memref_slice %arg3[%add3A_32, %dma_start3A_46] : memref<320000x16xf32, #tpu.memory_space<hbm>> -> memref<1000x16xf32, #tpu.memory_space<hbm>>
    tpu.enqueue_dma source(%dma_start3A_47 : memref<1000x16xf32, #tpu.memory_space<hbm>>) target(%dma_start3A_45 : memref<1000x16xf32, #tpu.memory_space<vmem>>) target_semaphore(%dma_start3A_41 : memref<!tpu.dma_semaphore, #tpu.memory_space<semaphore_mem>>)
    %scan3A_48 = arith.constant 0 : i32
    %scan3A_49 = arith.constant 0 : i32
    %scan3A_50 = arith.constant 10 : i32
    %scan3A_51 = arith.addi %scan3A_49, %scan3A_50 : i32
    %scan3A_52 = arith.constant 1 : i32
    scf.for %scan3A_65 = %scan3A_49 to %scan3A_51 step %scan3A_52  : i32 {
      %rem3A = arith.constant 2 : i32
      %rem3A_66 = arith.remsi %scan3A_65, %rem3A : i32
      %lt3A = arith.constant 9 : i32
      %lt3A_67 = arith.cmpi slt, %scan3A_65, %lt3A : i32
      %convert_element_type3A = arith.extui %lt3A_67 : i1 to i32
      %cond3A = arith.constant 0 : i32
      %cond3A_68 = arith.cmpi ne, %convert_element_type3A, %cond3A : i32
      scf.if %cond3A_68 {
        %add3A_86 = arith.constant 1 : i32
        %add3A_87 = arith.addi %scan3A_65, %add3A_86 : i32
        %sub3A = arith.constant 1 : i32
        %sub3A_88 = arith.subi %sub3A, %rem3A_66 : i32
        %mul3A_89 = arith.constant 1000 : i32
        %mul3A_90 = arith.muli %add3A_87, %mul3A_89 : i32
        %multiple_of3A_91 = tpu.assume_multiple %mul3A_90, 1000 : i32
        %add3A_92 = arith.addi %multiple_of3A, %multiple_of3A_91 : i32
        %dma_start3A_93 = arith.constant 0 : i32
        %dma_start3A_94 = arith.constant 0 : i32
        %dma_start3A_95 = tpu.memref_slice %arg6[%sub3A_88, %dma_start3A_93, %dma_start3A_94] : memref<2x1000x16xf32, #tpu.memory_space<vmem>> -> memref<1x1000x16xf32, #tpu.memory_space<vmem>>
        %dma_start3A_96 = tpu.memref_squeeze %dma_start3A_95 : memref<1x1000x16xf32, #tpu.memory_space<vmem>> -> memref<1000x16xf32, #tpu.memory_space<vmem>>
        %dma_start3A_97 = arith.constant 0 : i32
        %dma_start3A_98 = tpu.memref_slice %arg3[%add3A_92, %dma_start3A_97] : memref<320000x16xf32, #tpu.memory_space<hbm>> -> memref<1000x16xf32, #tpu.memory_space<hbm>>
        %dma_start3A_99 = tpu.memref_slice %arg11[%sub3A_88] : memref<2x!tpu.dma_semaphore, #tpu.memory_space<semaphore_mem>> -> memref<1x!tpu.dma_semaphore, #tpu.memory_space<semaphore_mem>>
        %dma_start3A_100 = tpu.memref_squeeze %dma_start3A_99 : memref<1x!tpu.dma_semaphore, #tpu.memory_space<semaphore_mem>> -> memref<!tpu.dma_semaphore, #tpu.memory_space<semaphore_mem>>
        %dma_start3A_101 = arith.constant 0 : i32
        %dma_start3A_102 = arith.constant 0 : i32
        %dma_start3A_103 = tpu.memref_slice %arg6[%sub3A_88, %dma_start3A_101, %dma_start3A_102] : memref<2x1000x16xf32, #tpu.memory_space<vmem>> -> memref<1x1000x16xf32, #tpu.memory_space<vmem>>
        %dma_start3A_104 = tpu.memref_squeeze %dma_start3A_103 : memref<1x1000x16xf32, #tpu.memory_space<vmem>> -> memref<1000x16xf32, #tpu.memory_space<vmem>>
        %dma_start3A_105 = arith.constant 0 : i32
        %dma_start3A_106 = tpu.memref_slice %arg3[%add3A_92, %dma_start3A_105] : memref<320000x16xf32, #tpu.memory_space<hbm>> -> memref<1000x16xf32, #tpu.memory_space<hbm>>
        tpu.enqueue_dma source(%dma_start3A_106 : memref<1000x16xf32, #tpu.memory_space<hbm>>) target(%dma_start3A_104 : memref<1000x16xf32, #tpu.memory_space<vmem>>) target_semaphore(%dma_start3A_100 : memref<!tpu.dma_semaphore, #tpu.memory_space<semaphore_mem>>)
      } else {
      }
      %mul3A_69 = arith.constant 1000 : i32
      %mul3A_70 = arith.muli %scan3A_65, %mul3A_69 : i32
      %multiple_of3A_71 = tpu.assume_multiple %mul3A_70, 1000 : i32
      %add3A_72 = arith.addi %multiple_of3A, %multiple_of3A_71 : i32
      %dma_wait3A = arith.constant 0 : i32
      %dma_wait3A_73 = arith.constant 0 : i32
      %dma_wait3A_74 = tpu.memref_slice %arg6[%rem3A_66, %dma_wait3A, %dma_wait3A_73] : memref<2x1000x16xf32, #tpu.memory_space<vmem>> -> memref<1x1000x16xf32, #tpu.memory_space<vmem>>
      %dma_wait3A_75 = tpu.memref_squeeze %dma_wait3A_74 : memref<1x1000x16xf32, #tpu.memory_space<vmem>> -> memref<1000x16xf32, #tpu.memory_space<vmem>>
      %dma_wait3A_76 = arith.constant 0 : i32
      %dma_wait3A_77 = tpu.memref_slice %arg3[%add3A_72, %dma_wait3A_76] : memref<320000x16xf32, #tpu.memory_space<hbm>> -> memref<1000x16xf32, #tpu.memory_space<hbm>>
      %dma_wait3A_78 = tpu.memref_slice %arg11[%rem3A_66] : memref<2x!tpu.dma_semaphore, #tpu.memory_space<semaphore_mem>> -> memref<1x!tpu.dma_semaphore, #tpu.memory_space<semaphore_mem>>
      %dma_wait3A_79 = tpu.memref_squeeze %dma_wait3A_78 : memref<1x!tpu.dma_semaphore, #tpu.memory_space<semaphore_mem>> -> memref<!tpu.dma_semaphore, #tpu.memory_space<semaphore_mem>>
      %dma_wait3A_80 = arith.constant 0 : i32
      %dma_wait3A_81 = arith.constant 0 : i32
      %dma_wait3A_82 = tpu.memref_slice %arg6[%rem3A_66, %dma_wait3A_80, %dma_wait3A_81] : memref<2x1000x16xf32, #tpu.memory_space<vmem>> -> memref<1x1000x16xf32, #tpu.memory_space<vmem>>
      %dma_wait3A_83 = tpu.memref_squeeze %dma_wait3A_82 : memref<1x1000x16xf32, #tpu.memory_space<vmem>> -> memref<1000x16xf32, #tpu.memory_space<vmem>>
      %dma_wait3A_84 = arith.constant 0 : i32
      %dma_wait3A_85 = tpu.memref_slice %arg3[%add3A_72, %dma_wait3A_84] : memref<320000x16xf32, #tpu.memory_space<hbm>> -> memref<1000x16xf32, #tpu.memory_space<hbm>>
      tpu.wait_dma2 semaphore(%dma_wait3A_79 : memref<!tpu.dma_semaphore, #tpu.memory_space<semaphore_mem>>) src(%dma_wait3A_85 : memref<1000x16xf32, #tpu.memory_space<hbm>>) dst(%dma_wait3A_83 : memref<1000x16xf32, #tpu.memory_space<vmem>>)
      "tpu.region"() ({
        %run_scoped3A_86 = tpu.sem_alloc : memref<!tpu.dma_semaphore, #tpu.memory_space<semaphore_mem>>
        %dma_start3A_87 = arith.constant 0 : i32
        %dma_start3A_88 = arith.constant 0 : i32
        %dma_start3A_89 = tpu.memref_slice %arg6[%rem3A_66, %dma_start3A_87, %dma_start3A_88] : memref<2x1000x16xf32, #tpu.memory_space<vmem>> -> memref<1x1000x16xf32, #tpu.memory_space<vmem>>
        %dma_start3A_90 = tpu.memref_squeeze %dma_start3A_89 : memref<1x1000x16xf32, #tpu.memory_space<vmem>> -> memref<1000x16xf32, #tpu.memory_space<vmem>>
        %dma_start3A_91 = tpu.memref_slice %arg5[%multiple_of3A_71] : memref<10000xi32, #tpu.memory_space<vmem>> -> memref<1000xi32, #tpu.memory_space<vmem>>
        %dma_start3A_92 = arith.constant 0 : i32
        %dma_start3A_93 = arith.constant 0 : i32
        %dma_start3A_94 = tpu.memref_slice %arg9[%dma_start3A_92, %dma_start3A_93] : memref<10240x16xf32, #tpu.memory_space<vmem_shared>> -> memref<10240x16xf32, #tpu.memory_space<vmem_shared>>
        tpu.enqueue_indirect_dma source(%dma_start3A_90 : memref<1000x16xf32, #tpu.memory_space<vmem>>) target(%dma_start3A_94 : memref<10240x16xf32, #tpu.memory_space<vmem_shared>>) offsets(%dma_start3A_91 : memref<1000xi32, #tpu.memory_space<vmem>>) semaphore(%run_scoped3A_86 : memref<!tpu.dma_semaphore, #tpu.memory_space<semaphore_mem>>) {add = true}
        %dma_wait3A_95 = arith.constant 0 : i32
        %dma_wait3A_96 = arith.constant 0 : i32
        %dma_wait3A_97 = tpu.memref_slice %arg6[%rem3A_66, %dma_wait3A_95, %dma_wait3A_96] : memref<2x1000x16xf32, #tpu.memory_space<vmem>> -> memref<1x1000x16xf32, #tpu.memory_space<vmem>>
        %dma_wait3A_98 = tpu.memref_squeeze %dma_wait3A_97 : memref<1x1000x16xf32, #tpu.memory_space<vmem>> -> memref<1000x16xf32, #tpu.memory_space<vmem>>
        %dma_wait3A_99 = tpu.memref_slice %arg5[%multiple_of3A_71] : memref<10000xi32, #tpu.memory_space<vmem>> -> memref<1000xi32, #tpu.memory_space<vmem>>
        %dma_wait3A_100 = arith.constant 0 : i32
        %dma_wait3A_101 = arith.constant 0 : i32
        %dma_wait3A_102 = tpu.memref_slice %arg9[%dma_wait3A_100, %dma_wait3A_101] : memref<10240x16xf32, #tpu.memory_space<vmem_shared>> -> memref<10240x16xf32, #tpu.memory_space<vmem_shared>>
        tpu.wait_indirect_dma semaphore(%run_scoped3A_86 : memref<!tpu.dma_semaphore, #tpu.memory_space<semaphore_mem>>) src(%dma_wait3A_98 : memref<1000x16xf32, #tpu.memory_space<vmem>>) dst(%dma_wait3A_102 : memref<10240x16xf32, #tpu.memory_space<vmem_shared>>)
        tpu.yield
      }) : () -> ()
      "tpu.region"() ({
        %run_scoped3A_86 = tpu.sem_alloc : memref<!tpu.dma_semaphore, #tpu.memory_space<semaphore_mem>>
        %dma_start3A_87 = tpu.memref_slice %arg5[%multiple_of3A_71] : memref<10000xi32, #tpu.memory_space<vmem>> -> memref<1000xi32, #tpu.memory_space<vmem>>
        %dma_start3A_88 = arith.constant 0 : i32
        %dma_start3A_89 = arith.constant 0 : i32
        %dma_start3A_90 = tpu.memref_slice %arg10[%dma_start3A_88, %dma_start3A_89] : memref<10240x16xf32, #tpu.memory_space<vmem_shared>> -> memref<10240x16xf32, #tpu.memory_space<vmem_shared>>
        tpu.enqueue_indirect_dma source(%arg7 : memref<1000x16xf32, #tpu.memory_space<vmem>>) target(%dma_start3A_90 : memref<10240x16xf32, #tpu.memory_space<vmem_shared>>) offsets(%dma_start3A_87 : memref<1000xi32, #tpu.memory_space<vmem>>) semaphore(%run_scoped3A_86 : memref<!tpu.dma_semaphore, #tpu.memory_space<semaphore_mem>>) {add = true}
        %dma_wait3A_91 = tpu.memref_slice %arg5[%multiple_of3A_71] : memref<10000xi32, #tpu.memory_space<vmem>> -> memref<1000xi32, #tpu.memory_space<vmem>>
        %dma_wait3A_92 = arith.constant 0 : i32
        %dma_wait3A_93 = arith.constant 0 : i32
        %dma_wait3A_94 = tpu.memref_slice %arg10[%dma_wait3A_92, %dma_wait3A_93] : memref<10240x16xf32, #tpu.memory_space<vmem_shared>> -> memref<10240x16xf32, #tpu.memory_space<vmem_shared>>
        tpu.wait_indirect_dma semaphore(%run_scoped3A_86 : memref<!tpu.dma_semaphore, #tpu.memory_space<semaphore_mem>>) src(%arg7 : memref<1000x16xf32, #tpu.memory_space<vmem>>) dst(%dma_wait3A_94 : memref<10240x16xf32, #tpu.memory_space<vmem_shared>>)
        tpu.yield
      }) : () -> ()
    }
    %scan3A_53 = arith.constant 10 : i32
    %barrier3A_54 = arith.constant 0 : index
    tpu.barrier barrier_id(%barrier3A_54)
    %add3A_55 = arith.constant 0 : i32
    %add3A_56 = arith.addi %multiple_of3A_5, %add3A_55 : i32
    "tpu.region"() ({
      %run_scoped3A_65 = tpu.sem_alloc : memref<!tpu.dma_semaphore, #tpu.memory_space<semaphore_mem>>
      %dma_start3A_66 = arith.constant 0 : i32
      %dma_start3A_67 = tpu.memref_slice %arg9[%add3A_56, %dma_start3A_66] : memref<10240x16xf32, #tpu.memory_space<vmem_shared>> -> memref<128x16xf32, #tpu.memory_space<vmem_shared>>
      %dma_start3A_68 = arith.constant 0 : i32
      %dma_start3A_69 = tpu.memref_slice %arg9[%add3A_56, %dma_start3A_68] : memref<10240x16xf32, #tpu.memory_space<vmem_shared>> -> memref<128x16xf32, #tpu.memory_space<vmem_shared>>
      tpu.enqueue_dma source(%dma_start3A_69 : memref<128x16xf32, #tpu.memory_space<vmem_shared>>) target(%arg8 : memref<128x16xf32, #tpu.memory_space<vmem>>) target_semaphore(%run_scoped3A_65 : memref<!tpu.dma_semaphore, #tpu.memory_space<semaphore_mem>>)
      %dma_wait3A = arith.constant 0 : i32
      %dma_wait3A_70 = tpu.memref_slice %arg9[%add3A_56, %dma_wait3A] : memref<10240x16xf32, #tpu.memory_space<vmem_shared>> -> memref<128x16xf32, #tpu.memory_space<vmem_shared>>
      %dma_wait3A_71 = arith.constant 0 : i32
      %dma_wait3A_72 = tpu.memref_slice %arg9[%add3A_56, %dma_wait3A_71] : memref<10240x16xf32, #tpu.memory_space<vmem_shared>> -> memref<128x16xf32, #tpu.memory_space<vmem_shared>>
      tpu.wait_dma2 semaphore(%run_scoped3A_65 : memref<!tpu.dma_semaphore, #tpu.memory_space<semaphore_mem>>) src(%dma_wait3A_72 : memref<128x16xf32, #tpu.memory_space<vmem_shared>>) dst(%arg8 : memref<128x16xf32, #tpu.memory_space<vmem>>)
      tpu.yield
    }) : () -> ()
    "tpu.region"() ({
      %run_scoped3A_65 = tpu.sem_alloc : memref<!tpu.dma_semaphore, #tpu.memory_space<semaphore_mem>>
      %dma_start3A_66 = arith.constant 0 : i32
      %dma_start3A_67 = tpu.memref_slice %arg4[%arg0, %add3A_56, %dma_start3A_66] : memref<2x10240x128xf32, #tpu.memory_space<hbm>> -> memref<1x128x16xf32, #tpu.memory_space<hbm>>
      %dma_start3A_68 = tpu.memref_squeeze %dma_start3A_67 : memref<1x128x16xf32, #tpu.memory_space<hbm>> -> memref<128x16xf32, #tpu.memory_space<hbm>>
      %dma_start3A_69 = arith.constant 0 : i32
      %dma_start3A_70 = tpu.memref_slice %arg4[%arg0, %add3A_56, %dma_start3A_69] : memref<2x10240x128xf32, #tpu.memory_space<hbm>> -> memref<1x128x16xf32, #tpu.memory_space<hbm>>
      %dma_start3A_71 = tpu.memref_squeeze %dma_start3A_70 : memref<1x128x16xf32, #tpu.memory_space<hbm>> -> memref<128x16xf32, #tpu.memory_space<hbm>>
      tpu.enqueue_dma source(%arg8 : memref<128x16xf32, #tpu.memory_space<vmem>>) target(%dma_start3A_71 : memref<128x16xf32, #tpu.memory_space<hbm>>) target_semaphore(%run_scoped3A_65 : memref<!tpu.dma_semaphore, #tpu.memory_space<semaphore_mem>>)
      %dma_wait3A = arith.constant 0 : i32
      %dma_wait3A_72 = tpu.memref_slice %arg4[%arg0, %add3A_56, %dma_wait3A] : memref<2x10240x128xf32, #tpu.memory_space<hbm>> -> memref<1x128x16xf32, #tpu.memory_space<hbm>>
      %dma_wait3A_73 = tpu.memref_squeeze %dma_wait3A_72 : memref<1x128x16xf32, #tpu.memory_space<hbm>> -> memref<128x16xf32, #tpu.memory_space<hbm>>
      %dma_wait3A_74 = arith.constant 0 : i32
      %dma_wait3A_75 = tpu.memref_slice %arg4[%arg0, %add3A_56, %dma_wait3A_74] : memref<2x10240x128xf32, #tpu.memory_space<hbm>> -> memref<1x128x16xf32, #tpu.memory_space<hbm>>
      %dma_wait3A_76 = tpu.memref_squeeze %dma_wait3A_75 : memref<1x128x16xf32, #tpu.memory_space<hbm>> -> memref<128x16xf32, #tpu.memory_space<hbm>>
      tpu.wait_dma2 semaphore(%run_scoped3A_65 : memref<!tpu.dma_semaphore, #tpu.memory_space<semaphore_mem>>) src(%arg8 : memref<128x16xf32, #tpu.memory_space<vmem>>) dst(%dma_wait3A_76 : memref<128x16xf32, #tpu.memory_space<hbm>>)
      tpu.yield
    }) : () -> ()
    "tpu.region"() ({
      %run_scoped3A_65 = tpu.sem_alloc : memref<!tpu.dma_semaphore, #tpu.memory_space<semaphore_mem>>
      %dma_start3A_66 = arith.constant 0 : i32
      %dma_start3A_67 = tpu.memref_slice %arg10[%add3A_56, %dma_start3A_66] : memref<10240x16xf32, #tpu.memory_space<vmem_shared>> -> memref<128x16xf32, #tpu.memory_space<vmem_shared>>
      %dma_start3A_68 = arith.constant 0 : i32
      %dma_start3A_69 = tpu.memref_slice %arg10[%add3A_56, %dma_start3A_68] : memref<10240x16xf32, #tpu.memory_space<vmem_shared>> -> memref<128x16xf32, #tpu.memory_space<vmem_shared>>
      tpu.enqueue_dma source(%dma_start3A_69 : memref<128x16xf32, #tpu.memory_space<vmem_shared>>) target(%arg8 : memref<128x16xf32, #tpu.memory_space<vmem>>) target_semaphore(%run_scoped3A_65 : memref<!tpu.dma_semaphore, #tpu.memory_space<semaphore_mem>>)
      %dma_wait3A = arith.constant 0 : i32
      %dma_wait3A_70 = tpu.memref_slice %arg10[%add3A_56, %dma_wait3A] : memref<10240x16xf32, #tpu.memory_space<vmem_shared>> -> memref<128x16xf32, #tpu.memory_space<vmem_shared>>
      %dma_wait3A_71 = arith.constant 0 : i32
      %dma_wait3A_72 = tpu.memref_slice %arg10[%add3A_56, %dma_wait3A_71] : memref<10240x16xf32, #tpu.memory_space<vmem_shared>> -> memref<128x16xf32, #tpu.memory_space<vmem_shared>>
      tpu.wait_dma2 semaphore(%run_scoped3A_65 : memref<!tpu.dma_semaphore, #tpu.memory_space<semaphore_mem>>) src(%dma_wait3A_72 : memref<128x16xf32, #tpu.memory_space<vmem_shared>>) dst(%arg8 : memref<128x16xf32, #tpu.memory_space<vmem>>)
      tpu.yield
    }) : () -> ()
    "tpu.region"() ({
      %run_scoped3A_65 = tpu.sem_alloc : memref<!tpu.dma_semaphore, #tpu.memory_space<semaphore_mem>>
      %dma_start3A_66 = arith.constant 16 : i32
      %dma_start3A_67 = tpu.memref_slice %arg4[%arg0, %add3A_56, %dma_start3A_66] : memref<2x10240x128xf32, #tpu.memory_space<hbm>> -> memref<1x128x16xf32, #tpu.memory_space<hbm>>
      %dma_start3A_68 = tpu.memref_squeeze %dma_start3A_67 : memref<1x128x16xf32, #tpu.memory_space<hbm>> -> memref<128x16xf32, #tpu.memory_space<hbm>>
      %dma_start3A_69 = arith.constant 16 : i32
      %dma_start3A_70 = tpu.memref_slice %arg4[%arg0, %add3A_56, %dma_start3A_69] : memref<2x10240x128xf32, #tpu.memory_space<hbm>> -> memref<1x128x16xf32, #tpu.memory_space<hbm>>
      %dma_start3A_71 = tpu.memref_squeeze %dma_start3A_70 : memref<1x128x16xf32, #tpu.memory_space<hbm>> -> memref<128x16xf32, #tpu.memory_space<hbm>>
      tpu.enqueue_dma source(%arg8 : memref<128x16xf32, #tpu.memory_space<vmem>>) target(%dma_start3A_71 : memref<128x16xf32, #tpu.memory_space<hbm>>) target_semaphore(%run_scoped3A_65 : memref<!tpu.dma_semaphore, #tpu.memory_space<semaphore_mem>>)
      %dma_wait3A = arith.constant 16 : i32
      %dma_wait3A_72 = tpu.memref_slice %arg4[%arg0, %add3A_56, %dma_wait3A] : memref<2x10240x128xf32, #tpu.memory_space<hbm>> -> memref<1x128x16xf32, #tpu.memory_space<hbm>>
      %dma_wait3A_73 = tpu.memref_squeeze %dma_wait3A_72 : memref<1x128x16xf32, #tpu.memory_space<hbm>> -> memref<128x16xf32, #tpu.memory_space<hbm>>
      %dma_wait3A_74 = arith.constant 16 : i32
      %dma_wait3A_75 = tpu.memref_slice %arg4[%arg0, %add3A_56, %dma_wait3A_74] : memref<2x10240x128xf32, #tpu.memory_space<hbm>> -> memref<1x128x16xf32, #tpu.memory_space<hbm>>
      %dma_wait3A_76 = tpu.memref_squeeze %dma_wait3A_75 : memref<1x128x16xf32, #tpu.memory_space<hbm>> -> memref<128x16xf32, #tpu.memory_space<hbm>>
      tpu.wait_dma2 semaphore(%run_scoped3A_65 : memref<!tpu.dma_semaphore, #tpu.memory_space<semaphore_mem>>) src(%arg8 : memref<128x16xf32, #tpu.memory_space<vmem>>) dst(%dma_wait3A_76 : memref<128x16xf32, #tpu.memory_space<hbm>>)
      tpu.yield
    }) : () -> ()
    %add3A_57 = arith.constant 128 : i32
    %add3A_58 = arith.addi %multiple_of3A_5, %add3A_57 : i32
    "tpu.region"() ({
      %run_scoped3A_65 = tpu.sem_alloc : memref<!tpu.dma_semaphore, #tpu.memory_space<semaphore_mem>>
      %dma_start3A_66 = arith.constant 0 : i32
      %dma_start3A_67 = tpu.memref_slice %arg9[%add3A_58, %dma_start3A_66] : memref<10240x16xf32, #tpu.memory_space<vmem_shared>> -> memref<128x16xf32, #tpu.memory_space<vmem_shared>>
      %dma_start3A_68 = arith.constant 0 : i32
      %dma_start3A_69 = tpu.memref_slice %arg9[%add3A_58, %dma_start3A_68] : memref<10240x16xf32, #tpu.memory_space<vmem_shared>> -> memref<128x16xf32, #tpu.memory_space<vmem_shared>>
      tpu.enqueue_dma source(%dma_start3A_69 : memref<128x16xf32, #tpu.memory_space<vmem_shared>>) target(%arg8 : memref<128x16xf32, #tpu.memory_space<vmem>>) target_semaphore(%run_scoped3A_65 : memref<!tpu.dma_semaphore, #tpu.memory_space<semaphore_mem>>)
      %dma_wait3A = arith.constant 0 : i32
      %dma_wait3A_70 = tpu.memref_slice %arg9[%add3A_58, %dma_wait3A] : memref<10240x16xf32, #tpu.memory_space<vmem_shared>> -> memref<128x16xf32, #tpu.memory_space<vmem_shared>>
      %dma_wait3A_71 = arith.constant 0 : i32
      %dma_wait3A_72 = tpu.memref_slice %arg9[%add3A_58, %dma_wait3A_71] : memref<10240x16xf32, #tpu.memory_space<vmem_shared>> -> memref<128x16xf32, #tpu.memory_space<vmem_shared>>
      tpu.wait_dma2 semaphore(%run_scoped3A_65 : memref<!tpu.dma_semaphore, #tpu.memory_space<semaphore_mem>>) src(%dma_wait3A_72 : memref<128x16xf32, #tpu.memory_space<vmem_shared>>) dst(%arg8 : memref<128x16xf32, #tpu.memory_space<vmem>>)
      tpu.yield
    }) : () -> ()
    "tpu.region"() ({
      %run_scoped3A_65 = tpu.sem_alloc : memref<!tpu.dma_semaphore, #tpu.memory_space<semaphore_mem>>
      %dma_start3A_66 = arith.constant 0 : i32
      %dma_start3A_67 = tpu.memref_slice %arg4[%arg0, %add3A_58, %dma_start3A_66] : memref<2x10240x128xf32, #tpu.memory_space<hbm>> -> memref<1x128x16xf32, #tpu.memory_space<hbm>>
      %dma_start3A_68 = tpu.memref_squeeze %dma_start3A_67 : memref<1x128x16xf32, #tpu.memory_space<hbm>> -> memref<128x16xf32, #tpu.memory_space<hbm>>
      %dma_start3A_69 = arith.constant 0 : i32
      %dma_start3A_70 = tpu.memref_slice %arg4[%arg0, %add3A_58, %dma_start3A_69] : memref<2x10240x128xf32, #tpu.memory_space<hbm>> -> memref<1x128x16xf32, #tpu.memory_space<hbm>>
      %dma_start3A_71 = tpu.memref_squeeze %dma_start3A_70 : memref<1x128x16xf32, #tpu.memory_space<hbm>> -> memref<128x16xf32, #tpu.memory_space<hbm>>
      tpu.enqueue_dma source(%arg8 : memref<128x16xf32, #tpu.memory_space<vmem>>) target(%dma_start3A_71 : memref<128x16xf32, #tpu.memory_space<hbm>>) target_semaphore(%run_scoped3A_65 : memref<!tpu.dma_semaphore, #tpu.memory_space<semaphore_mem>>)
      %dma_wait3A = arith.constant 0 : i32
      %dma_wait3A_72 = tpu.memref_slice %arg4[%arg0, %add3A_58, %dma_wait3A] : memref<2x10240x128xf32, #tpu.memory_space<hbm>> -> memref<1x128x16xf32, #tpu.memory_space<hbm>>
      %dma_wait3A_73 = tpu.memref_squeeze %dma_wait3A_72 : memref<1x128x16xf32, #tpu.memory_space<hbm>> -> memref<128x16xf32, #tpu.memory_space<hbm>>
      %dma_wait3A_74 = arith.constant 0 : i32
      %dma_wait3A_75 = tpu.memref_slice %arg4[%arg0, %add3A_58, %dma_wait3A_74] : memref<2x10240x128xf32, #tpu.memory_space<hbm>> -> memref<1x128x16xf32, #tpu.memory_space<hbm>>
      %dma_wait3A_76 = tpu.memref_squeeze %dma_wait3A_75 : memref<1x128x16xf32, #tpu.memory_space<hbm>> -> memref<128x16xf32, #tpu.memory_space<hbm>>
      tpu.wait_dma2 semaphore(%run_scoped3A_65 : memref<!tpu.dma_semaphore, #tpu.memory_space<semaphore_mem>>) src(%arg8 : memref<128x16xf32, #tpu.memory_space<vmem>>) dst(%dma_wait3A_76 : memref<128x16xf32, #tpu.memory_space<hbm>>)
      tpu.yield
    }) : () -> ()
    "tpu.region"() ({
      %run_scoped3A_65 = tpu.sem_alloc : memref<!tpu.dma_semaphore, #tpu.memory_space<semaphore_mem>>
      %dma_start3A_66 = arith.constant 0 : i32
      %dma_start3A_67 = tpu.memref_slice %arg10[%add3A_58, %dma_start3A_66] : memref<10240x16xf32, #tpu.memory_space<vmem_shared>> -> memref<128x16xf32, #tpu.memory_space<vmem_shared>>
      %dma_start3A_68 = arith.constant 0 : i32
      %dma_start3A_69 = tpu.memref_slice %arg10[%add3A_58, %dma_start3A_68] : memref<10240x16xf32, #tpu.memory_space<vmem_shared>> -> memref<128x16xf32, #tpu.memory_space<vmem_shared>>
      tpu.enqueue_dma source(%dma_start3A_69 : memref<128x16xf32, #tpu.memory_space<vmem_shared>>) target(%arg8 : memref<128x16xf32, #tpu.memory_space<vmem>>) target_semaphore(%run_scoped3A_65 : memref<!tpu.dma_semaphore, #tpu.memory_space<semaphore_mem>>)
      %dma_wait3A = arith.constant 0 : i32
      %dma_wait3A_70 = tpu.memref_slice %arg10[%add3A_58, %dma_wait3A] : memref<10240x16xf32, #tpu.memory_space<vmem_shared>> -> memref<128x16xf32, #tpu.memory_space<vmem_shared>>
      %dma_wait3A_71 = arith.constant 0 : i32
      %dma_wait3A_72 = tpu.memref_slice %arg10[%add3A_58, %dma_wait3A_71] : memref<10240x16xf32, #tpu.memory_space<vmem_shared>> -> memref<128x16xf32, #tpu.memory_space<vmem_shared>>
      tpu.wait_dma2 semaphore(%run_scoped3A_65 : memref<!tpu.dma_semaphore, #tpu.memory_space<semaphore_mem>>) src(%dma_wait3A_72 : memref<128x16xf32, #tpu.memory_space<vmem_shared>>) dst(%arg8 : memref<128x16xf32, #tpu.memory_space<vmem>>)
      tpu.yield
    }) : () -> ()
    "tpu.region"() ({
      %run_scoped3A_65 = tpu.sem_alloc : memref<!tpu.dma_semaphore, #tpu.memory_space<semaphore_mem>>
      %dma_start3A_66 = arith.constant 16 : i32
      %dma_start3A_67 = tpu.memref_slice %arg4[%arg0, %add3A_58, %dma_start3A_66] : memref<2x10240x128xf32, #tpu.memory_space<hbm>> -> memref<1x128x16xf32, #tpu.memory_space<hbm>>
      %dma_start3A_68 = tpu.memref_squeeze %dma_start3A_67 : memref<1x128x16xf32, #tpu.memory_space<hbm>> -> memref<128x16xf32, #tpu.memory_space<hbm>>
      %dma_start3A_69 = arith.constant 16 : i32
      %dma_start3A_70 = tpu.memref_slice %arg4[%arg0, %add3A_58, %dma_start3A_69] : memref<2x10240x128xf32, #tpu.memory_space<hbm>> -> memref<1x128x16xf32, #tpu.memory_space<hbm>>
      %dma_start3A_71 = tpu.memref_squeeze %dma_start3A_70 : memref<1x128x16xf32, #tpu.memory_space<hbm>> -> memref<128x16xf32, #tpu.memory_space<hbm>>
      tpu.enqueue_dma source(%arg8 : memref<128x16xf32, #tpu.memory_space<vmem>>) target(%dma_start3A_71 : memref<128x16xf32, #tpu.memory_space<hbm>>) target_semaphore(%run_scoped3A_65 : memref<!tpu.dma_semaphore, #tpu.memory_space<semaphore_mem>>)
      %dma_wait3A = arith.constant 16 : i32
      %dma_wait3A_72 = tpu.memref_slice %arg4[%arg0, %add3A_58, %dma_wait3A] : memref<2x10240x128xf32, #tpu.memory_space<hbm>> -> memref<1x128x16xf32, #tpu.memory_space<hbm>>
      %dma_wait3A_73 = tpu.memref_squeeze %dma_wait3A_72 : memref<1x128x16xf32, #tpu.memory_space<hbm>> -> memref<128x16xf32, #tpu.memory_space<hbm>>
      %dma_wait3A_74 = arith.constant 16 : i32
      %dma_wait3A_75 = tpu.memref_slice %arg4[%arg0, %add3A_58, %dma_wait3A_74] : memref<2x10240x128xf32, #tpu.memory_space<hbm>> -> memref<1x128x16xf32, #tpu.memory_space<hbm>>
      %dma_wait3A_76 = tpu.memref_squeeze %dma_wait3A_75 : memref<1x128x16xf32, #tpu.memory_space<hbm>> -> memref<128x16xf32, #tpu.memory_space<hbm>>
      tpu.wait_dma2 semaphore(%run_scoped3A_65 : memref<!tpu.dma_semaphore, #tpu.memory_space<semaphore_mem>>) src(%arg8 : memref<128x16xf32, #tpu.memory_space<vmem>>) dst(%dma_wait3A_76 : memref<128x16xf32, #tpu.memory_space<hbm>>)
      tpu.yield
    }) : () -> ()
    %add3A_59 = arith.constant 256 : i32
    %add3A_60 = arith.addi %multiple_of3A_5, %add3A_59 : i32
    "tpu.region"() ({
      %run_scoped3A_65 = tpu.sem_alloc : memref<!tpu.dma_semaphore, #tpu.memory_space<semaphore_mem>>
      %dma_start3A_66 = arith.constant 0 : i32
      %dma_start3A_67 = tpu.memref_slice %arg9[%add3A_60, %dma_start3A_66] : memref<10240x16xf32, #tpu.memory_space<vmem_shared>> -> memref<128x16xf32, #tpu.memory_space<vmem_shared>>
      %dma_start3A_68 = arith.constant 0 : i32
      %dma_start3A_69 = tpu.memref_slice %arg9[%add3A_60, %dma_start3A_68] : memref<10240x16xf32, #tpu.memory_space<vmem_shared>> -> memref<128x16xf32, #tpu.memory_space<vmem_shared>>
      tpu.enqueue_dma source(%dma_start3A_69 : memref<128x16xf32, #tpu.memory_space<vmem_shared>>) target(%arg8 : memref<128x16xf32, #tpu.memory_space<vmem>>) target_semaphore(%run_scoped3A_65 : memref<!tpu.dma_semaphore, #tpu.memory_space<semaphore_mem>>)
      %dma_wait3A = arith.constant 0 : i32
      %dma_wait3A_70 = tpu.memref_slice %arg9[%add3A_60, %dma_wait3A] : memref<10240x16xf32, #tpu.memory_space<vmem_shared>> -> memref<128x16xf32, #tpu.memory_space<vmem_shared>>
      %dma_wait3A_71 = arith.constant 0 : i32
      %dma_wait3A_72 = tpu.memref_slice %arg9[%add3A_60, %dma_wait3A_71] : memref<10240x16xf32, #tpu.memory_space<vmem_shared>> -> memref<128x16xf32, #tpu.memory_space<vmem_shared>>
      tpu.wait_dma2 semaphore(%run_scoped3A_65 : memref<!tpu.dma_semaphore, #tpu.memory_space<semaphore_mem>>) src(%dma_wait3A_72 : memref<128x16xf32, #tpu.memory_space<vmem_shared>>) dst(%arg8 : memref<128x16xf32, #tpu.memory_space<vmem>>)
      tpu.yield
    }) : () -> ()
    "tpu.region"() ({
      %run_scoped3A_65 = tpu.sem_alloc : memref<!tpu.dma_semaphore, #tpu.memory_space<semaphore_mem>>
      %dma_start3A_66 = arith.constant 0 : i32
      %dma_start3A_67 = tpu.memref_slice %arg4[%arg0, %add3A_60, %dma_start3A_66] : memref<2x10240x128xf32, #tpu.memory_space<hbm>> -> memref<1x128x16xf32, #tpu.memory_space<hbm>>
      %dma_start3A_68 = tpu.memref_squeeze %dma_start3A_67 : memref<1x128x16xf32, #tpu.memory_space<hbm>> -> memref<128x16xf32, #tpu.memory_space<hbm>>
      %dma_start3A_69 = arith.constant 0 : i32
      %dma_start3A_70 = tpu.memref_slice %arg4[%arg0, %add3A_60, %dma_start3A_69] : memref<2x10240x128xf32, #tpu.memory_space<hbm>> -> memref<1x128x16xf32, #tpu.memory_space<hbm>>
      %dma_start3A_71 = tpu.memref_squeeze %dma_start3A_70 : memref<1x128x16xf32, #tpu.memory_space<hbm>> -> memref<128x16xf32, #tpu.memory_space<hbm>>
      tpu.enqueue_dma source(%arg8 : memref<128x16xf32, #tpu.memory_space<vmem>>) target(%dma_start3A_71 : memref<128x16xf32, #tpu.memory_space<hbm>>) target_semaphore(%run_scoped3A_65 : memref<!tpu.dma_semaphore, #tpu.memory_space<semaphore_mem>>)
      %dma_wait3A = arith.constant 0 : i32
      %dma_wait3A_72 = tpu.memref_slice %arg4[%arg0, %add3A_60, %dma_wait3A] : memref<2x10240x128xf32, #tpu.memory_space<hbm>> -> memref<1x128x16xf32, #tpu.memory_space<hbm>>
      %dma_wait3A_73 = tpu.memref_squeeze %dma_wait3A_72 : memref<1x128x16xf32, #tpu.memory_space<hbm>> -> memref<128x16xf32, #tpu.memory_space<hbm>>
      %dma_wait3A_74 = arith.constant 0 : i32
      %dma_wait3A_75 = tpu.memref_slice %arg4[%arg0, %add3A_60, %dma_wait3A_74] : memref<2x10240x128xf32, #tpu.memory_space<hbm>> -> memref<1x128x16xf32, #tpu.memory_space<hbm>>
      %dma_wait3A_76 = tpu.memref_squeeze %dma_wait3A_75 : memref<1x128x16xf32, #tpu.memory_space<hbm>> -> memref<128x16xf32, #tpu.memory_space<hbm>>
      tpu.wait_dma2 semaphore(%run_scoped3A_65 : memref<!tpu.dma_semaphore, #tpu.memory_space<semaphore_mem>>) src(%arg8 : memref<128x16xf32, #tpu.memory_space<vmem>>) dst(%dma_wait3A_76 : memref<128x16xf32, #tpu.memory_space<hbm>>)
      tpu.yield
    }) : () -> ()
    "tpu.region"() ({
      %run_scoped3A_65 = tpu.sem_alloc : memref<!tpu.dma_semaphore, #tpu.memory_space<semaphore_mem>>
      %dma_start3A_66 = arith.constant 0 : i32
      %dma_start3A_67 = tpu.memref_slice %arg10[%add3A_60, %dma_start3A_66] : memref<10240x16xf32, #tpu.memory_space<vmem_shared>> -> memref<128x16xf32, #tpu.memory_space<vmem_shared>>
      %dma_start3A_68 = arith.constant 0 : i32
      %dma_start3A_69 = tpu.memref_slice %arg10[%add3A_60, %dma_start3A_68] : memref<10240x16xf32, #tpu.memory_space<vmem_shared>> -> memref<128x16xf32, #tpu.memory_space<vmem_shared>>
      tpu.enqueue_dma source(%dma_start3A_69 : memref<128x16xf32, #tpu.memory_space<vmem_shared>>) target(%arg8 : memref<128x16xf32, #tpu.memory_space<vmem>>) target_semaphore(%run_scoped3A_65 : memref<!tpu.dma_semaphore, #tpu.memory_space<semaphore_mem>>)
      %dma_wait3A = arith.constant 0 : i32
      %dma_wait3A_70 = tpu.memref_slice %arg10[%add3A_60, %dma_wait3A] : memref<10240x16xf32, #tpu.memory_space<vmem_shared>> -> memref<128x16xf32, #tpu.memory_space<vmem_shared>>
      %dma_wait3A_71 = arith.constant 0 : i32
      %dma_wait3A_72 = tpu.memref_slice %arg10[%add3A_60, %dma_wait3A_71] : memref<10240x16xf32, #tpu.memory_space<vmem_shared>> -> memref<128x16xf32, #tpu.memory_space<vmem_shared>>
      tpu.wait_dma2 semaphore(%run_scoped3A_65 : memref<!tpu.dma_semaphore, #tpu.memory_space<semaphore_mem>>) src(%dma_wait3A_72 : memref<128x16xf32, #tpu.memory_space<vmem_shared>>) dst(%arg8 : memref<128x16xf32, #tpu.memory_space<vmem>>)
      tpu.yield
    }) : () -> ()
    "tpu.region"() ({
      %run_scoped3A_65 = tpu.sem_alloc : memref<!tpu.dma_semaphore, #tpu.memory_space<semaphore_mem>>
      %dma_start3A_66 = arith.constant 16 : i32
      %dma_start3A_67 = tpu.memref_slice %arg4[%arg0, %add3A_60, %dma_start3A_66] : memref<2x10240x128xf32, #tpu.memory_space<hbm>> -> memref<1x128x16xf32, #tpu.memory_space<hbm>>
      %dma_start3A_68 = tpu.memref_squeeze %dma_start3A_67 : memref<1x128x16xf32, #tpu.memory_space<hbm>> -> memref<128x16xf32, #tpu.memory_space<hbm>>
      %dma_start3A_69 = arith.constant 16 : i32
      %dma_start3A_70 = tpu.memref_slice %arg4[%arg0, %add3A_60, %dma_start3A_69] : memref<2x10240x128xf32, #tpu.memory_space<hbm>> -> memref<1x128x16xf32, #tpu.memory_space<hbm>>
      %dma_start3A_71 = tpu.memref_squeeze %dma_start3A_70 : memref<1x128x16xf32, #tpu.memory_space<hbm>> -> memref<128x16xf32, #tpu.memory_space<hbm>>
      tpu.enqueue_dma source(%arg8 : memref<128x16xf32, #tpu.memory_space<vmem>>) target(%dma_start3A_71 : memref<128x16xf32, #tpu.memory_space<hbm>>) target_semaphore(%run_scoped3A_65 : memref<!tpu.dma_semaphore, #tpu.memory_space<semaphore_mem>>)
      %dma_wait3A = arith.constant 16 : i32
      %dma_wait3A_72 = tpu.memref_slice %arg4[%arg0, %add3A_60, %dma_wait3A] : memref<2x10240x128xf32, #tpu.memory_space<hbm>> -> memref<1x128x16xf32, #tpu.memory_space<hbm>>
      %dma_wait3A_73 = tpu.memref_squeeze %dma_wait3A_72 : memref<1x128x16xf32, #tpu.memory_space<hbm>> -> memref<128x16xf32, #tpu.memory_space<hbm>>
      %dma_wait3A_74 = arith.constant 16 : i32
      %dma_wait3A_75 = tpu.memref_slice %arg4[%arg0, %add3A_60, %dma_wait3A_74] : memref<2x10240x128xf32, #tpu.memory_space<hbm>> -> memref<1x128x16xf32, #tpu.memory_space<hbm>>
      %dma_wait3A_76 = tpu.memref_squeeze %dma_wait3A_75 : memref<1x128x16xf32, #tpu.memory_space<hbm>> -> memref<128x16xf32, #tpu.memory_space<hbm>>
      tpu.wait_dma2 semaphore(%run_scoped3A_65 : memref<!tpu.dma_semaphore, #tpu.memory_space<semaphore_mem>>) src(%arg8 : memref<128x16xf32, #tpu.memory_space<vmem>>) dst(%dma_wait3A_76 : memref<128x16xf32, #tpu.memory_space<hbm>>)
      tpu.yield
    }) : () -> ()
    %add3A_61 = arith.constant 384 : i32
    %add3A_62 = arith.addi %multiple_of3A_5, %add3A_61 : i32
    "tpu.region"() ({
      %run_scoped3A_65 = tpu.sem_alloc : memref<!tpu.dma_semaphore, #tpu.memory_space<semaphore_mem>>
      %dma_start3A_66 = arith.constant 0 : i32
      %dma_start3A_67 = tpu.memref_slice %arg9[%add3A_62, %dma_start3A_66] : memref<10240x16xf32, #tpu.memory_space<vmem_shared>> -> memref<128x16xf32, #tpu.memory_space<vmem_shared>>
      %dma_start3A_68 = arith.constant 0 : i32
      %dma_start3A_69 = tpu.memref_slice %arg9[%add3A_62, %dma_start3A_68] : memref<10240x16xf32, #tpu.memory_space<vmem_shared>> -> memref<128x16xf32, #tpu.memory_space<vmem_shared>>
      tpu.enqueue_dma source(%dma_start3A_69 : memref<128x16xf32, #tpu.memory_space<vmem_shared>>) target(%arg8 : memref<128x16xf32, #tpu.memory_space<vmem>>) target_semaphore(%run_scoped3A_65 : memref<!tpu.dma_semaphore, #tpu.memory_space<semaphore_mem>>)
      %dma_wait3A = arith.constant 0 : i32
      %dma_wait3A_70 = tpu.memref_slice %arg9[%add3A_62, %dma_wait3A] : memref<10240x16xf32, #tpu.memory_space<vmem_shared>> -> memref<128x16xf32, #tpu.memory_space<vmem_shared>>
      %dma_wait3A_71 = arith.constant 0 : i32
      %dma_wait3A_72 = tpu.memref_slice %arg9[%add3A_62, %dma_wait3A_71] : memref<10240x16xf32, #tpu.memory_space<vmem_shared>> -> memref<128x16xf32, #tpu.memory_space<vmem_shared>>
      tpu.wait_dma2 semaphore(%run_scoped3A_65 : memref<!tpu.dma_semaphore, #tpu.memory_space<semaphore_mem>>) src(%dma_wait3A_72 : memref<128x16xf32, #tpu.memory_space<vmem_shared>>) dst(%arg8 : memref<128x16xf32, #tpu.memory_space<vmem>>)
      tpu.yield
    }) : () -> ()
    "tpu.region"() ({
      %run_scoped3A_65 = tpu.sem_alloc : memref<!tpu.dma_semaphore, #tpu.memory_space<semaphore_mem>>
      %dma_start3A_66 = arith.constant 0 : i32
      %dma_start3A_67 = tpu.memref_slice %arg4[%arg0, %add3A_62, %dma_start3A_66] : memref<2x10240x128xf32, #tpu.memory_space<hbm>> -> memref<1x128x16xf32, #tpu.memory_space<hbm>>
      %dma_start3A_68 = tpu.memref_squeeze %dma_start3A_67 : memref<1x128x16xf32, #tpu.memory_space<hbm>> -> memref<128x16xf32, #tpu.memory_space<hbm>>
      %dma_start3A_69 = arith.constant 0 : i32
      %dma_start3A_70 = tpu.memref_slice %arg4[%arg0, %add3A_62, %dma_start3A_69] : memref<2x10240x128xf32, #tpu.memory_space<hbm>> -> memref<1x128x16xf32, #tpu.memory_space<hbm>>
      %dma_start3A_71 = tpu.memref_squeeze %dma_start3A_70 : memref<1x128x16xf32, #tpu.memory_space<hbm>> -> memref<128x16xf32, #tpu.memory_space<hbm>>
      tpu.enqueue_dma source(%arg8 : memref<128x16xf32, #tpu.memory_space<vmem>>) target(%dma_start3A_71 : memref<128x16xf32, #tpu.memory_space<hbm>>) target_semaphore(%run_scoped3A_65 : memref<!tpu.dma_semaphore, #tpu.memory_space<semaphore_mem>>)
      %dma_wait3A = arith.constant 0 : i32
      %dma_wait3A_72 = tpu.memref_slice %arg4[%arg0, %add3A_62, %dma_wait3A] : memref<2x10240x128xf32, #tpu.memory_space<hbm>> -> memref<1x128x16xf32, #tpu.memory_space<hbm>>
      %dma_wait3A_73 = tpu.memref_squeeze %dma_wait3A_72 : memref<1x128x16xf32, #tpu.memory_space<hbm>> -> memref<128x16xf32, #tpu.memory_space<hbm>>
      %dma_wait3A_74 = arith.constant 0 : i32
      %dma_wait3A_75 = tpu.memref_slice %arg4[%arg0, %add3A_62, %dma_wait3A_74] : memref<2x10240x128xf32, #tpu.memory_space<hbm>> -> memref<1x128x16xf32, #tpu.memory_space<hbm>>
      %dma_wait3A_76 = tpu.memref_squeeze %dma_wait3A_75 : memref<1x128x16xf32, #tpu.memory_space<hbm>> -> memref<128x16xf32, #tpu.memory_space<hbm>>
      tpu.wait_dma2 semaphore(%run_scoped3A_65 : memref<!tpu.dma_semaphore, #tpu.memory_space<semaphore_mem>>) src(%arg8 : memref<128x16xf32, #tpu.memory_space<vmem>>) dst(%dma_wait3A_76 : memref<128x16xf32, #tpu.memory_space<hbm>>)
      tpu.yield
    }) : () -> ()
    "tpu.region"() ({
      %run_scoped3A_65 = tpu.sem_alloc : memref<!tpu.dma_semaphore, #tpu.memory_space<semaphore_mem>>
      %dma_start3A_66 = arith.constant 0 : i32
      %dma_start3A_67 = tpu.memref_slice %arg10[%add3A_62, %dma_start3A_66] : memref<10240x16xf32, #tpu.memory_space<vmem_shared>> -> memref<128x16xf32, #tpu.memory_space<vmem_shared>>
      %dma_start3A_68 = arith.constant 0 : i32
      %dma_start3A_69 = tpu.memref_slice %arg10[%add3A_62, %dma_start3A_68] : memref<10240x16xf32, #tpu.memory_space<vmem_shared>> -> memref<128x16xf32, #tpu.memory_space<vmem_shared>>
      tpu.enqueue_dma source(%dma_start3A_69 : memref<128x16xf32, #tpu.memory_space<vmem_shared>>) target(%arg8 : memref<128x16xf32, #tpu.memory_space<vmem>>) target_semaphore(%run_scoped3A_65 : memref<!tpu.dma_semaphore, #tpu.memory_space<semaphore_mem>>)
      %dma_wait3A = arith.constant 0 : i32
      %dma_wait3A_70 = tpu.memref_slice %arg10[%add3A_62, %dma_wait3A] : memref<10240x16xf32, #tpu.memory_space<vmem_shared>> -> memref<128x16xf32, #tpu.memory_space<vmem_shared>>
      %dma_wait3A_71 = arith.constant 0 : i32
      %dma_wait3A_72 = tpu.memref_slice %arg10[%add3A_62, %dma_wait3A_71] : memref<10240x16xf32, #tpu.memory_space<vmem_shared>> -> memref<128x16xf32, #tpu.memory_space<vmem_shared>>
      tpu.wait_dma2 semaphore(%run_scoped3A_65 : memref<!tpu.dma_semaphore, #tpu.memory_space<semaphore_mem>>) src(%dma_wait3A_72 : memref<128x16xf32, #tpu.memory_space<vmem_shared>>) dst(%arg8 : memref<128x16xf32, #tpu.memory_space<vmem>>)
      tpu.yield
    }) : () -> ()
    "tpu.region"() ({
      %run_scoped3A_65 = tpu.sem_alloc : memref<!tpu.dma_semaphore, #tpu.memory_space<semaphore_mem>>
      %dma_start3A_66 = arith.constant 16 : i32
      %dma_start3A_67 = tpu.memref_slice %arg4[%arg0, %add3A_62, %dma_start3A_66] : memref<2x10240x128xf32, #tpu.memory_space<hbm>> -> memref<1x128x16xf32, #tpu.memory_space<hbm>>
      %dma_start3A_68 = tpu.memref_squeeze %dma_start3A_67 : memref<1x128x16xf32, #tpu.memory_space<hbm>> -> memref<128x16xf32, #tpu.memory_space<hbm>>
      %dma_start3A_69 = arith.constant 16 : i32
      %dma_start3A_70 = tpu.memref_slice %arg4[%arg0, %add3A_62, %dma_start3A_69] : memref<2x10240x128xf32, #tpu.memory_space<hbm>> -> memref<1x128x16xf32, #tpu.memory_space<hbm>>
      %dma_start3A_71 = tpu.memref_squeeze %dma_start3A_70 : memref<1x128x16xf32, #tpu.memory_space<hbm>> -> memref<128x16xf32, #tpu.memory_space<hbm>>
      tpu.enqueue_dma source(%arg8 : memref<128x16xf32, #tpu.memory_space<vmem>>) target(%dma_start3A_71 : memref<128x16xf32, #tpu.memory_space<hbm>>) target_semaphore(%run_scoped3A_65 : memref<!tpu.dma_semaphore, #tpu.memory_space<semaphore_mem>>)
      %dma_wait3A = arith.constant 16 : i32
      %dma_wait3A_72 = tpu.memref_slice %arg4[%arg0, %add3A_62, %dma_wait3A] : memref<2x10240x128xf32, #tpu.memory_space<hbm>> -> memref<1x128x16xf32, #tpu.memory_space<hbm>>
      %dma_wait3A_73 = tpu.memref_squeeze %dma_wait3A_72 : memref<1x128x16xf32, #tpu.memory_space<hbm>> -> memref<128x16xf32, #tpu.memory_space<hbm>>
      %dma_wait3A_74 = arith.constant 16 : i32
      %dma_wait3A_75 = tpu.memref_slice %arg4[%arg0, %add3A_62, %dma_wait3A_74] : memref<2x10240x128xf32, #tpu.memory_space<hbm>> -> memref<1x128x16xf32, #tpu.memory_space<hbm>>
      %dma_wait3A_76 = tpu.memref_squeeze %dma_wait3A_75 : memref<1x128x16xf32, #tpu.memory_space<hbm>> -> memref<128x16xf32, #tpu.memory_space<hbm>>
      tpu.wait_dma2 semaphore(%run_scoped3A_65 : memref<!tpu.dma_semaphore, #tpu.memory_space<semaphore_mem>>) src(%arg8 : memref<128x16xf32, #tpu.memory_space<vmem>>) dst(%dma_wait3A_76 : memref<128x16xf32, #tpu.memory_space<hbm>>)
      tpu.yield
    }) : () -> ()
    %add3A_63 = arith.constant 512 : i32
    %add3A_64 = arith.addi %multiple_of3A_5, %add3A_63 : i32
    "tpu.region"() ({
      %run_scoped3A_65 = tpu.sem_alloc : memref<!tpu.dma_semaphore, #tpu.memory_space<semaphore_mem>>
      %dma_start3A_66 = arith.constant 0 : i32
      %dma_start3A_67 = tpu.memref_slice %arg9[%add3A_64, %dma_start3A_66] : memref<10240x16xf32, #tpu.memory_space<vmem_shared>> -> memref<128x16xf32, #tpu.memory_space<vmem_shared>>
      %dma_start3A_68 = arith.constant 0 : i32
      %dma_start3A_69 = tpu.memref_slice %arg9[%add3A_64, %dma_start3A_68] : memref<10240x16xf32, #tpu.memory_space<vmem_shared>> -> memref<128x16xf32, #tpu.memory_space<vmem_shared>>
      tpu.enqueue_dma source(%dma_start3A_69 : memref<128x16xf32, #tpu.memory_space<vmem_shared>>) target(%arg8 : memref<128x16xf32, #tpu.memory_space<vmem>>) target_semaphore(%run_scoped3A_65 : memref<!tpu.dma_semaphore, #tpu.memory_space<semaphore_mem>>)
      %dma_wait3A = arith.constant 0 : i32
      %dma_wait3A_70 = tpu.memref_slice %arg9[%add3A_64, %dma_wait3A] : memref<10240x16xf32, #tpu.memory_space<vmem_shared>> -> memref<128x16xf32, #tpu.memory_space<vmem_shared>>
      %dma_wait3A_71 = arith.constant 0 : i32
      %dma_wait3A_72 = tpu.memref_slice %arg9[%add3A_64, %dma_wait3A_71] : memref<10240x16xf32, #tpu.memory_space<vmem_shared>> -> memref<128x16xf32, #tpu.memory_space<vmem_shared>>
      tpu.wait_dma2 semaphore(%run_scoped3A_65 : memref<!tpu.dma_semaphore, #tpu.memory_space<semaphore_mem>>) src(%dma_wait3A_72 : memref<128x16xf32, #tpu.memory_space<vmem_shared>>) dst(%arg8 : memref<128x16xf32, #tpu.memory_space<vmem>>)
      tpu.yield
    }) : () -> ()
    "tpu.region"() ({
      %run_scoped3A_65 = tpu.sem_alloc : memref<!tpu.dma_semaphore, #tpu.memory_space<semaphore_mem>>
      %dma_start3A_66 = arith.constant 0 : i32
      %dma_start3A_67 = tpu.memref_slice %arg4[%arg0, %add3A_64, %dma_start3A_66] : memref<2x10240x128xf32, #tpu.memory_space<hbm>> -> memref<1x128x16xf32, #tpu.memory_space<hbm>>
      %dma_start3A_68 = tpu.memref_squeeze %dma_start3A_67 : memref<1x128x16xf32, #tpu.memory_space<hbm>> -> memref<128x16xf32, #tpu.memory_space<hbm>>
      %dma_start3A_69 = arith.constant 0 : i32
      %dma_start3A_70 = tpu.memref_slice %arg4[%arg0, %add3A_64, %dma_start3A_69] : memref<2x10240x128xf32, #tpu.memory_space<hbm>> -> memref<1x128x16xf32, #tpu.memory_space<hbm>>
      %dma_start3A_71 = tpu.memref_squeeze %dma_start3A_70 : memref<1x128x16xf32, #tpu.memory_space<hbm>> -> memref<128x16xf32, #tpu.memory_space<hbm>>
      tpu.enqueue_dma source(%arg8 : memref<128x16xf32, #tpu.memory_space<vmem>>) target(%dma_start3A_71 : memref<128x16xf32, #tpu.memory_space<hbm>>) target_semaphore(%run_scoped3A_65 : memref<!tpu.dma_semaphore, #tpu.memory_space<semaphore_mem>>)
      %dma_wait3A = arith.constant 0 : i32
      %dma_wait3A_72 = tpu.memref_slice %arg4[%arg0, %add3A_64, %dma_wait3A] : memref<2x10240x128xf32, #tpu.memory_space<hbm>> -> memref<1x128x16xf32, #tpu.memory_space<hbm>>
      %dma_wait3A_73 = tpu.memref_squeeze %dma_wait3A_72 : memref<1x128x16xf32, #tpu.memory_space<hbm>> -> memref<128x16xf32, #tpu.memory_space<hbm>>
      %dma_wait3A_74 = arith.constant 0 : i32
      %dma_wait3A_75 = tpu.memref_slice %arg4[%arg0, %add3A_64, %dma_wait3A_74] : memref<2x10240x128xf32, #tpu.memory_space<hbm>> -> memref<1x128x16xf32, #tpu.memory_space<hbm>>
      %dma_wait3A_76 = tpu.memref_squeeze %dma_wait3A_75 : memref<1x128x16xf32, #tpu.memory_space<hbm>> -> memref<128x16xf32, #tpu.memory_space<hbm>>
      tpu.wait_dma2 semaphore(%run_scoped3A_65 : memref<!tpu.dma_semaphore, #tpu.memory_space<semaphore_mem>>) src(%arg8 : memref<128x16xf32, #tpu.memory_space<vmem>>) dst(%dma_wait3A_76 : memref<128x16xf32, #tpu.memory_space<hbm>>)
      tpu.yield
    }) : () -> ()
    "tpu.region"() ({
      %run_scoped3A_65 = tpu.sem_alloc : memref<!tpu.dma_semaphore, #tpu.memory_space<semaphore_mem>>
      %dma_start3A_66 = arith.constant 0 : i32
      %dma_start3A_67 = tpu.memref_slice %arg10[%add3A_64, %dma_start3A_66] : memref<10240x16xf32, #tpu.memory_space<vmem_shared>> -> memref<128x16xf32, #tpu.memory_space<vmem_shared>>
      %dma_start3A_68 = arith.constant 0 : i32
      %dma_start3A_69 = tpu.memref_slice %arg10[%add3A_64, %dma_start3A_68] : memref<10240x16xf32, #tpu.memory_space<vmem_shared>> -> memref<128x16xf32, #tpu.memory_space<vmem_shared>>
      tpu.enqueue_dma source(%dma_start3A_69 : memref<128x16xf32, #tpu.memory_space<vmem_shared>>) target(%arg8 : memref<128x16xf32, #tpu.memory_space<vmem>>) target_semaphore(%run_scoped3A_65 : memref<!tpu.dma_semaphore, #tpu.memory_space<semaphore_mem>>)
      %dma_wait3A = arith.constant 0 : i32
      %dma_wait3A_70 = tpu.memref_slice %arg10[%add3A_64, %dma_wait3A] : memref<10240x16xf32, #tpu.memory_space<vmem_shared>> -> memref<128x16xf32, #tpu.memory_space<vmem_shared>>
      %dma_wait3A_71 = arith.constant 0 : i32
      %dma_wait3A_72 = tpu.memref_slice %arg10[%add3A_64, %dma_wait3A_71] : memref<10240x16xf32, #tpu.memory_space<vmem_shared>> -> memref<128x16xf32, #tpu.memory_space<vmem_shared>>
      tpu.wait_dma2 semaphore(%run_scoped3A_65 : memref<!tpu.dma_semaphore, #tpu.memory_space<semaphore_mem>>) src(%dma_wait3A_72 : memref<128x16xf32, #tpu.memory_space<vmem_shared>>) dst(%arg8 : memref<128x16xf32, #tpu.memory_space<vmem>>)
      tpu.yield
    }) : () -> ()
    "tpu.region"() ({
      %run_scoped3A_65 = tpu.sem_alloc : memref<!tpu.dma_semaphore, #tpu.memory_space<semaphore_mem>>
      %dma_start3A_66 = arith.constant 16 : i32
      %dma_start3A_67 = tpu.memref_slice %arg4[%arg0, %add3A_64, %dma_start3A_66] : memref<2x10240x128xf32, #tpu.memory_space<hbm>> -> memref<1x128x16xf32, #tpu.memory_space<hbm>>
      %dma_start3A_68 = tpu.memref_squeeze %dma_start3A_67 : memref<1x128x16xf32, #tpu.memory_space<hbm>> -> memref<128x16xf32, #tpu.memory_space<hbm>>
      %dma_start3A_69 = arith.constant 16 : i32
      %dma_start3A_70 = tpu.memref_slice %arg4[%arg0, %add3A_64, %dma_start3A_69] : memref<2x10240x128xf32, #tpu.memory_space<hbm>> -> memref<1x128x16xf32, #tpu.memory_space<hbm>>
      %dma_start3A_71 = tpu.memref_squeeze %dma_start3A_70 : memref<1x128x16xf32, #tpu.memory_space<hbm>> -> memref<128x16xf32, #tpu.memory_space<hbm>>
      tpu.enqueue_dma source(%arg8 : memref<128x16xf32, #tpu.memory_space<vmem>>) target(%dma_start3A_71 : memref<128x16xf32, #tpu.memory_space<hbm>>) target_semaphore(%run_scoped3A_65 : memref<!tpu.dma_semaphore, #tpu.memory_space<semaphore_mem>>)
      %dma_wait3A = arith.constant 16 : i32
      %dma_wait3A_72 = tpu.memref_slice %arg4[%arg0, %add3A_64, %dma_wait3A] : memref<2x10240x128xf32, #tpu.memory_space<hbm>> -> memref<1x128x16xf32, #tpu.memory_space<hbm>>
      %dma_wait3A_73 = tpu.memref_squeeze %dma_wait3A_72 : memref<1x128x16xf32, #tpu.memory_space<hbm>> -> memref<128x16xf32, #tpu.memory_space<hbm>>
      %dma_wait3A_74 = arith.constant 16 : i32
      %dma_wait3A_75 = tpu.memref_slice %arg4[%arg0, %add3A_64, %dma_wait3A_74] : memref<2x10240x128xf32, #tpu.memory_space<hbm>> -> memref<1x128x16xf32, #tpu.memory_space<hbm>>
      %dma_wait3A_76 = tpu.memref_squeeze %dma_wait3A_75 : memref<1x128x16xf32, #tpu.memory_space<hbm>> -> memref<128x16xf32, #tpu.memory_space<hbm>>
      tpu.wait_dma2 semaphore(%run_scoped3A_65 : memref<!tpu.dma_semaphore, #tpu.memory_space<semaphore_mem>>) src(%arg8 : memref<128x16xf32, #tpu.memory_space<vmem>>) dst(%dma_wait3A_76 : memref<128x16xf32, #tpu.memory_space<hbm>>)
      tpu.yield
    }) : () -> ()
    return
  }
}

#map = affine_map<(d0, d1) -> (0, 0)>
#map1 = affine_map<(d0, d1) -> (0, 0, 0)>
module attributes {stable_mosaic.version = 14 : i64} {
  func.func @edge_pass(%arg0: i32, %arg1: i32, %arg2: memref<2x320000xi32, #tpu.memory_space<hbm>>, %arg3: memref<10000x64xf32, #tpu.memory_space<hbm>>, %arg4: memref<2x10240x128xf32, #tpu.memory_space<hbm>>, %arg5: memref<10000xi32, #tpu.memory_space<vmem>>, %arg6: memref<10000xi32, #tpu.memory_space<vmem>>, %arg7: memref<2x400x64xf32, #tpu.memory_space<vmem>>, %arg8: memref<128x64xf32, #tpu.memory_space<vmem>>, %arg9: memref<10240x64xf32, #tpu.memory_space<vmem_shared>>, %arg10: memref<2x!tpu.dma_semaphore, #tpu.memory_space<semaphore_mem>>) attributes {dimension_semantics = [#tpu.dimension_semantics<core_parallel>, #tpu.dimension_semantics<subcore_parallel>], iteration_bounds = array<i64: 2, 16>, scalar_prefetch = 0 : i64, scratch_operands = 6 : i64, tpu.core_type = #tpu.core_type<sc_vector_subcore>, window_params = [{transform_indices = #map}, {transform_indices = #map}, {transform_indices = #map1}]} {
    %mul3A = arith.constant 2 : i32
    %mul3A_0 = arith.muli %arg1, %mul3A : i32
    %add3A = arith.addi %mul3A_0, %arg0 : i32
    %mul3A_1 = arith.constant 10000 : i32
    %mul3A_2 = arith.muli %add3A, %mul3A_1 : i32
    %multiple_of3A = tpu.assume_multiple %mul3A_2, 400 : i32
    %mul3A_3 = arith.constant 640 : i32
    %mul3A_4 = arith.muli %arg1, %mul3A_3 : i32
    %multiple_of3A_5 = tpu.assume_multiple %mul3A_4, 128 : i32
    %broadcast_in_dim3A = arith.constant 0.000000e+00 : f32
    %broadcast_in_dim3A_6 = vector.broadcast %broadcast_in_dim3A : f32 to vector<16xf32>
    %scan3A = arith.constant 0 : i32
    %scan3A_7 = arith.constant 0 : i32
    %scan3A_8 = arith.constant 128 : i32
    %scan3A_9 = arith.addi %scan3A_7, %scan3A_8 : i32
    %scan3A_10 = arith.constant 1 : i32
    scf.for %scan3A_53 = %scan3A_7 to %scan3A_9 step %scan3A_10  : i32 {
      %swap3A = arith.index_cast %scan3A_53 : i32 to index
      %swap3A_54 = arith.constant 0 : index
      %swap3A_55 = tpu.vector_load %arg8[%swap3A, %swap3A_54] {strides = array<i32>} : memref<128x64xf32, #tpu.memory_space<vmem>>, vector<1x16xf32>,
      %swap3A_56 = vector.shape_cast %swap3A_55 : vector<1x16xf32> to vector<16xf32>
      %swap3A_57 = vector.shape_cast %broadcast_in_dim3A_6 : vector<16xf32> to vector<1x16xf32>
      tpu.vector_store %arg8[%swap3A, %swap3A_54], %swap3A_57 {strides = array<i32>} : memref<128x64xf32, #tpu.memory_space<vmem>>, vector<1x16xf32>,
      %swap3A_58 = arith.index_cast %scan3A_53 : i32 to index
      %swap3A_59 = arith.constant 16 : index
      %swap3A_60 = tpu.vector_load %arg8[%swap3A_58, %swap3A_59] {strides = array<i32>} : memref<128x64xf32, #tpu.memory_space<vmem>>, vector<1x16xf32>,
      %swap3A_61 = vector.shape_cast %swap3A_60 : vector<1x16xf32> to vector<16xf32>
      %swap3A_62 = vector.shape_cast %broadcast_in_dim3A_6 : vector<16xf32> to vector<1x16xf32>
      tpu.vector_store %arg8[%swap3A_58, %swap3A_59], %swap3A_62 {strides = array<i32>} : memref<128x64xf32, #tpu.memory_space<vmem>>, vector<1x16xf32>,
      %swap3A_63 = arith.index_cast %scan3A_53 : i32 to index
      %swap3A_64 = arith.constant 32 : index
      %swap3A_65 = tpu.vector_load %arg8[%swap3A_63, %swap3A_64] {strides = array<i32>} : memref<128x64xf32, #tpu.memory_space<vmem>>, vector<1x16xf32>,
      %swap3A_66 = vector.shape_cast %swap3A_65 : vector<1x16xf32> to vector<16xf32>
      %swap3A_67 = vector.shape_cast %broadcast_in_dim3A_6 : vector<16xf32> to vector<1x16xf32>
      tpu.vector_store %arg8[%swap3A_63, %swap3A_64], %swap3A_67 {strides = array<i32>} : memref<128x64xf32, #tpu.memory_space<vmem>>, vector<1x16xf32>,
      %swap3A_68 = arith.index_cast %scan3A_53 : i32 to index
      %swap3A_69 = arith.constant 48 : index
      %swap3A_70 = tpu.vector_load %arg8[%swap3A_68, %swap3A_69] {strides = array<i32>} : memref<128x64xf32, #tpu.memory_space<vmem>>, vector<1x16xf32>,
      %swap3A_71 = vector.shape_cast %swap3A_70 : vector<1x16xf32> to vector<16xf32>
      %swap3A_72 = vector.shape_cast %broadcast_in_dim3A_6 : vector<16xf32> to vector<1x16xf32>
      tpu.vector_store %arg8[%swap3A_68, %swap3A_69], %swap3A_72 {strides = array<i32>} : memref<128x64xf32, #tpu.memory_space<vmem>>, vector<1x16xf32>,
    }
    %scan3A_11 = arith.constant 128 : i32
    %add3A_12 = arith.constant 0 : i32
    %add3A_13 = arith.addi %multiple_of3A_5, %add3A_12 : i32
    "tpu.region"() ({
      %run_scoped3A_53 = tpu.sem_alloc : memref<!tpu.dma_semaphore, #tpu.memory_space<semaphore_mem>>
      %dma_start3A_54 = arith.constant 0 : i32
      %dma_start3A_55 = tpu.memref_slice %arg9[%add3A_13, %dma_start3A_54] : memref<10240x64xf32, #tpu.memory_space<vmem_shared>> -> memref<128x64xf32, #tpu.memory_space<vmem_shared>>
      %dma_start3A_56 = arith.constant 0 : i32
      %dma_start3A_57 = tpu.memref_slice %arg9[%add3A_13, %dma_start3A_56] : memref<10240x64xf32, #tpu.memory_space<vmem_shared>> -> memref<128x64xf32, #tpu.memory_space<vmem_shared>>
      tpu.enqueue_dma source(%arg8 : memref<128x64xf32, #tpu.memory_space<vmem>>) target(%dma_start3A_57 : memref<128x64xf32, #tpu.memory_space<vmem_shared>>) target_semaphore(%run_scoped3A_53 : memref<!tpu.dma_semaphore, #tpu.memory_space<semaphore_mem>>)
      %dma_wait3A = arith.constant 0 : i32
      %dma_wait3A_58 = tpu.memref_slice %arg9[%add3A_13, %dma_wait3A] : memref<10240x64xf32, #tpu.memory_space<vmem_shared>> -> memref<128x64xf32, #tpu.memory_space<vmem_shared>>
      %dma_wait3A_59 = arith.constant 0 : i32
      %dma_wait3A_60 = tpu.memref_slice %arg9[%add3A_13, %dma_wait3A_59] : memref<10240x64xf32, #tpu.memory_space<vmem_shared>> -> memref<128x64xf32, #tpu.memory_space<vmem_shared>>
      tpu.wait_dma2 semaphore(%run_scoped3A_53 : memref<!tpu.dma_semaphore, #tpu.memory_space<semaphore_mem>>) src(%arg8 : memref<128x64xf32, #tpu.memory_space<vmem>>) dst(%dma_wait3A_60 : memref<128x64xf32, #tpu.memory_space<vmem_shared>>)
      tpu.yield
    }) : () -> ()
    %add3A_14 = arith.constant 128 : i32
    %add3A_15 = arith.addi %multiple_of3A_5, %add3A_14 : i32
    "tpu.region"() ({
      %run_scoped3A_53 = tpu.sem_alloc : memref<!tpu.dma_semaphore, #tpu.memory_space<semaphore_mem>>
      %dma_start3A_54 = arith.constant 0 : i32
      %dma_start3A_55 = tpu.memref_slice %arg9[%add3A_15, %dma_start3A_54] : memref<10240x64xf32, #tpu.memory_space<vmem_shared>> -> memref<128x64xf32, #tpu.memory_space<vmem_shared>>
      %dma_start3A_56 = arith.constant 0 : i32
      %dma_start3A_57 = tpu.memref_slice %arg9[%add3A_15, %dma_start3A_56] : memref<10240x64xf32, #tpu.memory_space<vmem_shared>> -> memref<128x64xf32, #tpu.memory_space<vmem_shared>>
      tpu.enqueue_dma source(%arg8 : memref<128x64xf32, #tpu.memory_space<vmem>>) target(%dma_start3A_57 : memref<128x64xf32, #tpu.memory_space<vmem_shared>>) target_semaphore(%run_scoped3A_53 : memref<!tpu.dma_semaphore, #tpu.memory_space<semaphore_mem>>)
      %dma_wait3A = arith.constant 0 : i32
      %dma_wait3A_58 = tpu.memref_slice %arg9[%add3A_15, %dma_wait3A] : memref<10240x64xf32, #tpu.memory_space<vmem_shared>> -> memref<128x64xf32, #tpu.memory_space<vmem_shared>>
      %dma_wait3A_59 = arith.constant 0 : i32
      %dma_wait3A_60 = tpu.memref_slice %arg9[%add3A_15, %dma_wait3A_59] : memref<10240x64xf32, #tpu.memory_space<vmem_shared>> -> memref<128x64xf32, #tpu.memory_space<vmem_shared>>
      tpu.wait_dma2 semaphore(%run_scoped3A_53 : memref<!tpu.dma_semaphore, #tpu.memory_space<semaphore_mem>>) src(%arg8 : memref<128x64xf32, #tpu.memory_space<vmem>>) dst(%dma_wait3A_60 : memref<128x64xf32, #tpu.memory_space<vmem_shared>>)
      tpu.yield
    }) : () -> ()
    %add3A_16 = arith.constant 256 : i32
    %add3A_17 = arith.addi %multiple_of3A_5, %add3A_16 : i32
    "tpu.region"() ({
      %run_scoped3A_53 = tpu.sem_alloc : memref<!tpu.dma_semaphore, #tpu.memory_space<semaphore_mem>>
      %dma_start3A_54 = arith.constant 0 : i32
      %dma_start3A_55 = tpu.memref_slice %arg9[%add3A_17, %dma_start3A_54] : memref<10240x64xf32, #tpu.memory_space<vmem_shared>> -> memref<128x64xf32, #tpu.memory_space<vmem_shared>>
      %dma_start3A_56 = arith.constant 0 : i32
      %dma_start3A_57 = tpu.memref_slice %arg9[%add3A_17, %dma_start3A_56] : memref<10240x64xf32, #tpu.memory_space<vmem_shared>> -> memref<128x64xf32, #tpu.memory_space<vmem_shared>>
      tpu.enqueue_dma source(%arg8 : memref<128x64xf32, #tpu.memory_space<vmem>>) target(%dma_start3A_57 : memref<128x64xf32, #tpu.memory_space<vmem_shared>>) target_semaphore(%run_scoped3A_53 : memref<!tpu.dma_semaphore, #tpu.memory_space<semaphore_mem>>)
      %dma_wait3A = arith.constant 0 : i32
      %dma_wait3A_58 = tpu.memref_slice %arg9[%add3A_17, %dma_wait3A] : memref<10240x64xf32, #tpu.memory_space<vmem_shared>> -> memref<128x64xf32, #tpu.memory_space<vmem_shared>>
      %dma_wait3A_59 = arith.constant 0 : i32
      %dma_wait3A_60 = tpu.memref_slice %arg9[%add3A_17, %dma_wait3A_59] : memref<10240x64xf32, #tpu.memory_space<vmem_shared>> -> memref<128x64xf32, #tpu.memory_space<vmem_shared>>
      tpu.wait_dma2 semaphore(%run_scoped3A_53 : memref<!tpu.dma_semaphore, #tpu.memory_space<semaphore_mem>>) src(%arg8 : memref<128x64xf32, #tpu.memory_space<vmem>>) dst(%dma_wait3A_60 : memref<128x64xf32, #tpu.memory_space<vmem_shared>>)
      tpu.yield
    }) : () -> ()
    %add3A_18 = arith.constant 384 : i32
    %add3A_19 = arith.addi %multiple_of3A_5, %add3A_18 : i32
    "tpu.region"() ({
      %run_scoped3A_53 = tpu.sem_alloc : memref<!tpu.dma_semaphore, #tpu.memory_space<semaphore_mem>>
      %dma_start3A_54 = arith.constant 0 : i32
      %dma_start3A_55 = tpu.memref_slice %arg9[%add3A_19, %dma_start3A_54] : memref<10240x64xf32, #tpu.memory_space<vmem_shared>> -> memref<128x64xf32, #tpu.memory_space<vmem_shared>>
      %dma_start3A_56 = arith.constant 0 : i32
      %dma_start3A_57 = tpu.memref_slice %arg9[%add3A_19, %dma_start3A_56] : memref<10240x64xf32, #tpu.memory_space<vmem_shared>> -> memref<128x64xf32, #tpu.memory_space<vmem_shared>>
      tpu.enqueue_dma source(%arg8 : memref<128x64xf32, #tpu.memory_space<vmem>>) target(%dma_start3A_57 : memref<128x64xf32, #tpu.memory_space<vmem_shared>>) target_semaphore(%run_scoped3A_53 : memref<!tpu.dma_semaphore, #tpu.memory_space<semaphore_mem>>)
      %dma_wait3A = arith.constant 0 : i32
      %dma_wait3A_58 = tpu.memref_slice %arg9[%add3A_19, %dma_wait3A] : memref<10240x64xf32, #tpu.memory_space<vmem_shared>> -> memref<128x64xf32, #tpu.memory_space<vmem_shared>>
      %dma_wait3A_59 = arith.constant 0 : i32
      %dma_wait3A_60 = tpu.memref_slice %arg9[%add3A_19, %dma_wait3A_59] : memref<10240x64xf32, #tpu.memory_space<vmem_shared>> -> memref<128x64xf32, #tpu.memory_space<vmem_shared>>
      tpu.wait_dma2 semaphore(%run_scoped3A_53 : memref<!tpu.dma_semaphore, #tpu.memory_space<semaphore_mem>>) src(%arg8 : memref<128x64xf32, #tpu.memory_space<vmem>>) dst(%dma_wait3A_60 : memref<128x64xf32, #tpu.memory_space<vmem_shared>>)
      tpu.yield
    }) : () -> ()
    %add3A_20 = arith.constant 512 : i32
    %add3A_21 = arith.addi %multiple_of3A_5, %add3A_20 : i32
    "tpu.region"() ({
      %run_scoped3A_53 = tpu.sem_alloc : memref<!tpu.dma_semaphore, #tpu.memory_space<semaphore_mem>>
      %dma_start3A_54 = arith.constant 0 : i32
      %dma_start3A_55 = tpu.memref_slice %arg9[%add3A_21, %dma_start3A_54] : memref<10240x64xf32, #tpu.memory_space<vmem_shared>> -> memref<128x64xf32, #tpu.memory_space<vmem_shared>>
      %dma_start3A_56 = arith.constant 0 : i32
      %dma_start3A_57 = tpu.memref_slice %arg9[%add3A_21, %dma_start3A_56] : memref<10240x64xf32, #tpu.memory_space<vmem_shared>> -> memref<128x64xf32, #tpu.memory_space<vmem_shared>>
      tpu.enqueue_dma source(%arg8 : memref<128x64xf32, #tpu.memory_space<vmem>>) target(%dma_start3A_57 : memref<128x64xf32, #tpu.memory_space<vmem_shared>>) target_semaphore(%run_scoped3A_53 : memref<!tpu.dma_semaphore, #tpu.memory_space<semaphore_mem>>)
      %dma_wait3A = arith.constant 0 : i32
      %dma_wait3A_58 = tpu.memref_slice %arg9[%add3A_21, %dma_wait3A] : memref<10240x64xf32, #tpu.memory_space<vmem_shared>> -> memref<128x64xf32, #tpu.memory_space<vmem_shared>>
      %dma_wait3A_59 = arith.constant 0 : i32
      %dma_wait3A_60 = tpu.memref_slice %arg9[%add3A_21, %dma_wait3A_59] : memref<10240x64xf32, #tpu.memory_space<vmem_shared>> -> memref<128x64xf32, #tpu.memory_space<vmem_shared>>
      tpu.wait_dma2 semaphore(%run_scoped3A_53 : memref<!tpu.dma_semaphore, #tpu.memory_space<semaphore_mem>>) src(%arg8 : memref<128x64xf32, #tpu.memory_space<vmem>>) dst(%dma_wait3A_60 : memref<128x64xf32, #tpu.memory_space<vmem_shared>>)
      tpu.yield
    }) : () -> ()
    %barrier3A = arith.constant 0 : index
    tpu.barrier barrier_id(%barrier3A)
    %run_scoped3A = arith.constant 0 : i32
    "tpu.region"() ({
      %run_scoped3A_53 = tpu.sem_alloc : memref<!tpu.dma_semaphore, #tpu.memory_space<semaphore_mem>>
      %dma_start3A_54 = tpu.memref_slice %arg2[%run_scoped3A, %multiple_of3A] : memref<2x320000xi32, #tpu.memory_space<hbm>> -> memref<1x10000xi32, #tpu.memory_space<hbm>>
      %dma_start3A_55 = tpu.memref_squeeze %dma_start3A_54 : memref<1x10000xi32, #tpu.memory_space<hbm>> -> memref<10000xi32, #tpu.memory_space<hbm>>
      %dma_start3A_56 = tpu.memref_slice %arg2[%run_scoped3A, %multiple_of3A] : memref<2x320000xi32, #tpu.memory_space<hbm>> -> memref<1x10000xi32, #tpu.memory_space<hbm>>
      %dma_start3A_57 = tpu.memref_squeeze %dma_start3A_56 : memref<1x10000xi32, #tpu.memory_space<hbm>> -> memref<10000xi32, #tpu.memory_space<hbm>>
      tpu.enqueue_dma source(%dma_start3A_57 : memref<10000xi32, #tpu.memory_space<hbm>>) target(%arg5 : memref<10000xi32, #tpu.memory_space<vmem>>) target_semaphore(%run_scoped3A_53 : memref<!tpu.dma_semaphore, #tpu.memory_space<semaphore_mem>>)
      %dma_wait3A = tpu.memref_slice %arg2[%run_scoped3A, %multiple_of3A] : memref<2x320000xi32, #tpu.memory_space<hbm>> -> memref<1x10000xi32, #tpu.memory_space<hbm>>
      %dma_wait3A_58 = tpu.memref_squeeze %dma_wait3A : memref<1x10000xi32, #tpu.memory_space<hbm>> -> memref<10000xi32, #tpu.memory_space<hbm>>
      %dma_wait3A_59 = tpu.memref_slice %arg2[%run_scoped3A, %multiple_of3A] : memref<2x320000xi32, #tpu.memory_space<hbm>> -> memref<1x10000xi32, #tpu.memory_space<hbm>>
      %dma_wait3A_60 = tpu.memref_squeeze %dma_wait3A_59 : memref<1x10000xi32, #tpu.memory_space<hbm>> -> memref<10000xi32, #tpu.memory_space<hbm>>
      tpu.wait_dma2 semaphore(%run_scoped3A_53 : memref<!tpu.dma_semaphore, #tpu.memory_space<semaphore_mem>>) src(%dma_wait3A_60 : memref<10000xi32, #tpu.memory_space<hbm>>) dst(%arg5 : memref<10000xi32, #tpu.memory_space<vmem>>)
      tpu.yield
    }) : () -> ()
    %run_scoped3A_22 = arith.constant 1 : i32
    "tpu.region"() ({
      %run_scoped3A_53 = tpu.sem_alloc : memref<!tpu.dma_semaphore, #tpu.memory_space<semaphore_mem>>
      %dma_start3A_54 = tpu.memref_slice %arg2[%run_scoped3A_22, %multiple_of3A] : memref<2x320000xi32, #tpu.memory_space<hbm>> -> memref<1x10000xi32, #tpu.memory_space<hbm>>
      %dma_start3A_55 = tpu.memref_squeeze %dma_start3A_54 : memref<1x10000xi32, #tpu.memory_space<hbm>> -> memref<10000xi32, #tpu.memory_space<hbm>>
      %dma_start3A_56 = tpu.memref_slice %arg2[%run_scoped3A_22, %multiple_of3A] : memref<2x320000xi32, #tpu.memory_space<hbm>> -> memref<1x10000xi32, #tpu.memory_space<hbm>>
      %dma_start3A_57 = tpu.memref_squeeze %dma_start3A_56 : memref<1x10000xi32, #tpu.memory_space<hbm>> -> memref<10000xi32, #tpu.memory_space<hbm>>
      tpu.enqueue_dma source(%dma_start3A_57 : memref<10000xi32, #tpu.memory_space<hbm>>) target(%arg6 : memref<10000xi32, #tpu.memory_space<vmem>>) target_semaphore(%run_scoped3A_53 : memref<!tpu.dma_semaphore, #tpu.memory_space<semaphore_mem>>)
      %dma_wait3A = tpu.memref_slice %arg2[%run_scoped3A_22, %multiple_of3A] : memref<2x320000xi32, #tpu.memory_space<hbm>> -> memref<1x10000xi32, #tpu.memory_space<hbm>>
      %dma_wait3A_58 = tpu.memref_squeeze %dma_wait3A : memref<1x10000xi32, #tpu.memory_space<hbm>> -> memref<10000xi32, #tpu.memory_space<hbm>>
      %dma_wait3A_59 = tpu.memref_slice %arg2[%run_scoped3A_22, %multiple_of3A] : memref<2x320000xi32, #tpu.memory_space<hbm>> -> memref<1x10000xi32, #tpu.memory_space<hbm>>
      %dma_wait3A_60 = tpu.memref_squeeze %dma_wait3A_59 : memref<1x10000xi32, #tpu.memory_space<hbm>> -> memref<10000xi32, #tpu.memory_space<hbm>>
      tpu.wait_dma2 semaphore(%run_scoped3A_53 : memref<!tpu.dma_semaphore, #tpu.memory_space<semaphore_mem>>) src(%dma_wait3A_60 : memref<10000xi32, #tpu.memory_space<hbm>>) dst(%arg6 : memref<10000xi32, #tpu.memory_space<vmem>>)
      tpu.yield
    }) : () -> ()
    %multiple_of3A_23 = arith.constant 0 : i32
    %multiple_of3A_24 = tpu.assume_multiple %multiple_of3A_23, 400 : i32
    %dma_start3A = arith.constant 0 : i32
    %dma_start3A_25 = arith.constant 0 : i32
    %dma_start3A_26 = arith.constant 0 : i32
    %dma_start3A_27 = arith.constant 0 : i32
    %dma_start3A_28 = tpu.memref_slice %arg7[%dma_start3A, %dma_start3A_26, %dma_start3A_27] : memref<2x400x64xf32, #tpu.memory_space<vmem>> -> memref<1x400x64xf32, #tpu.memory_space<vmem>>
    %dma_start3A_29 = tpu.memref_squeeze %dma_start3A_28 : memref<1x400x64xf32, #tpu.memory_space<vmem>> -> memref<400x64xf32, #tpu.memory_space<vmem>>
    %dma_start3A_30 = tpu.memref_slice %arg5[%multiple_of3A_24] : memref<10000xi32, #tpu.memory_space<vmem>> -> memref<400xi32, #tpu.memory_space<vmem>>
    %dma_start3A_31 = arith.constant 0 : i32
    %dma_start3A_32 = arith.constant 0 : i32
    %dma_start3A_33 = tpu.memref_slice %arg3[%dma_start3A_31, %dma_start3A_32] : memref<10000x64xf32, #tpu.memory_space<hbm>> -> memref<10000x64xf32, #tpu.memory_space<hbm>>
    %dma_start3A_34 = tpu.memref_slice %arg10[%dma_start3A_25] : memref<2x!tpu.dma_semaphore, #tpu.memory_space<semaphore_mem>> -> memref<1x!tpu.dma_semaphore, #tpu.memory_space<semaphore_mem>>
    %dma_start3A_35 = tpu.memref_squeeze %dma_start3A_34 : memref<1x!tpu.dma_semaphore, #tpu.memory_space<semaphore_mem>> -> memref<!tpu.dma_semaphore, #tpu.memory_space<semaphore_mem>>
    tpu.enqueue_indirect_dma source(%dma_start3A_33 : memref<10000x64xf32, #tpu.memory_space<hbm>>) target(%dma_start3A_29 : memref<400x64xf32, #tpu.memory_space<vmem>>) offsets(%dma_start3A_30 : memref<400xi32, #tpu.memory_space<vmem>>) semaphore(%dma_start3A_35 : memref<!tpu.dma_semaphore, #tpu.memory_space<semaphore_mem>>)
    %scan3A_36 = arith.constant 0 : i32
    %scan3A_37 = arith.constant 0 : i32
    %scan3A_38 = arith.constant 25 : i32
    %scan3A_39 = arith.addi %scan3A_37, %scan3A_38 : i32
    %scan3A_40 = arith.constant 1 : i32
    scf.for %scan3A_53 = %scan3A_37 to %scan3A_39 step %scan3A_40  : i32 {
      %rem3A = arith.constant 2 : i32
      %rem3A_54 = arith.remsi %scan3A_53, %rem3A : i32
      %lt3A = arith.constant 24 : i32
      %lt3A_55 = arith.cmpi slt, %scan3A_53, %lt3A : i32
      %convert_element_type3A = arith.extui %lt3A_55 : i1 to i32
      %cond3A = arith.constant 0 : i32
      %cond3A_56 = arith.cmpi ne, %convert_element_type3A, %cond3A : i32
      scf.if %cond3A_56 {
        %add3A_69 = arith.constant 1 : i32
        %add3A_70 = arith.addi %scan3A_53, %add3A_69 : i32
        %sub3A = arith.constant 1 : i32
        %sub3A_71 = arith.subi %sub3A, %rem3A_54 : i32
        %mul3A_72 = arith.constant 400 : i32
        %mul3A_73 = arith.muli %add3A_70, %mul3A_72 : i32
        %multiple_of3A_74 = tpu.assume_multiple %mul3A_73, 400 : i32
        %dma_start3A_75 = arith.constant 0 : i32
        %dma_start3A_76 = arith.constant 0 : i32
        %dma_start3A_77 = tpu.memref_slice %arg7[%sub3A_71, %dma_start3A_75, %dma_start3A_76] : memref<2x400x64xf32, #tpu.memory_space<vmem>> -> memref<1x400x64xf32, #tpu.memory_space<vmem>>
        %dma_start3A_78 = tpu.memref_squeeze %dma_start3A_77 : memref<1x400x64xf32, #tpu.memory_space<vmem>> -> memref<400x64xf32, #tpu.memory_space<vmem>>
        %dma_start3A_79 = tpu.memref_slice %arg5[%multiple_of3A_74] : memref<10000xi32, #tpu.memory_space<vmem>> -> memref<400xi32, #tpu.memory_space<vmem>>
        %dma_start3A_80 = arith.constant 0 : i32
        %dma_start3A_81 = arith.constant 0 : i32
        %dma_start3A_82 = tpu.memref_slice %arg3[%dma_start3A_80, %dma_start3A_81] : memref<10000x64xf32, #tpu.memory_space<hbm>> -> memref<10000x64xf32, #tpu.memory_space<hbm>>
        %dma_start3A_83 = tpu.memref_slice %arg10[%sub3A_71] : memref<2x!tpu.dma_semaphore, #tpu.memory_space<semaphore_mem>> -> memref<1x!tpu.dma_semaphore, #tpu.memory_space<semaphore_mem>>
        %dma_start3A_84 = tpu.memref_squeeze %dma_start3A_83 : memref<1x!tpu.dma_semaphore, #tpu.memory_space<semaphore_mem>> -> memref<!tpu.dma_semaphore, #tpu.memory_space<semaphore_mem>>
        tpu.enqueue_indirect_dma source(%dma_start3A_82 : memref<10000x64xf32, #tpu.memory_space<hbm>>) target(%dma_start3A_78 : memref<400x64xf32, #tpu.memory_space<vmem>>) offsets(%dma_start3A_79 : memref<400xi32, #tpu.memory_space<vmem>>) semaphore(%dma_start3A_84 : memref<!tpu.dma_semaphore, #tpu.memory_space<semaphore_mem>>)
      } else {
      }
      %mul3A_57 = arith.constant 400 : i32
      %mul3A_58 = arith.muli %scan3A_53, %mul3A_57 : i32
      %multiple_of3A_59 = tpu.assume_multiple %mul3A_58, 400 : i32
      %dma_wait3A = arith.constant 0 : i32
      %dma_wait3A_60 = arith.constant 0 : i32
      %dma_wait3A_61 = tpu.memref_slice %arg7[%rem3A_54, %dma_wait3A, %dma_wait3A_60] : memref<2x400x64xf32, #tpu.memory_space<vmem>> -> memref<1x400x64xf32, #tpu.memory_space<vmem>>
      %dma_wait3A_62 = tpu.memref_squeeze %dma_wait3A_61 : memref<1x400x64xf32, #tpu.memory_space<vmem>> -> memref<400x64xf32, #tpu.memory_space<vmem>>
      %dma_wait3A_63 = tpu.memref_slice %arg5[%multiple_of3A_59] : memref<10000xi32, #tpu.memory_space<vmem>> -> memref<400xi32, #tpu.memory_space<vmem>>
      %dma_wait3A_64 = arith.constant 0 : i32
      %dma_wait3A_65 = arith.constant 0 : i32
      %dma_wait3A_66 = tpu.memref_slice %arg3[%dma_wait3A_64, %dma_wait3A_65] : memref<10000x64xf32, #tpu.memory_space<hbm>> -> memref<10000x64xf32, #tpu.memory_space<hbm>>
      %dma_wait3A_67 = tpu.memref_slice %arg10[%rem3A_54] : memref<2x!tpu.dma_semaphore, #tpu.memory_space<semaphore_mem>> -> memref<1x!tpu.dma_semaphore, #tpu.memory_space<semaphore_mem>>
      %dma_wait3A_68 = tpu.memref_squeeze %dma_wait3A_67 : memref<1x!tpu.dma_semaphore, #tpu.memory_space<semaphore_mem>> -> memref<!tpu.dma_semaphore, #tpu.memory_space<semaphore_mem>>
      tpu.wait_indirect_dma semaphore(%dma_wait3A_68 : memref<!tpu.dma_semaphore, #tpu.memory_space<semaphore_mem>>) src(%dma_wait3A_66 : memref<10000x64xf32, #tpu.memory_space<hbm>>) dst(%dma_wait3A_62 : memref<400x64xf32, #tpu.memory_space<vmem>>)
      "tpu.region"() ({
        %run_scoped3A_69 = tpu.sem_alloc : memref<!tpu.dma_semaphore, #tpu.memory_space<semaphore_mem>>
        %dma_start3A_70 = arith.constant 0 : i32
        %dma_start3A_71 = arith.constant 0 : i32
        %dma_start3A_72 = tpu.memref_slice %arg7[%rem3A_54, %dma_start3A_70, %dma_start3A_71] : memref<2x400x64xf32, #tpu.memory_space<vmem>> -> memref<1x400x64xf32, #tpu.memory_space<vmem>>
        %dma_start3A_73 = tpu.memref_squeeze %dma_start3A_72 : memref<1x400x64xf32, #tpu.memory_space<vmem>> -> memref<400x64xf32, #tpu.memory_space<vmem>>
        %dma_start3A_74 = tpu.memref_slice %arg6[%multiple_of3A_59] : memref<10000xi32, #tpu.memory_space<vmem>> -> memref<400xi32, #tpu.memory_space<vmem>>
        %dma_start3A_75 = arith.constant 0 : i32
        %dma_start3A_76 = arith.constant 0 : i32
        %dma_start3A_77 = tpu.memref_slice %arg9[%dma_start3A_75, %dma_start3A_76] : memref<10240x64xf32, #tpu.memory_space<vmem_shared>> -> memref<10240x64xf32, #tpu.memory_space<vmem_shared>>
        tpu.enqueue_indirect_dma source(%dma_start3A_73 : memref<400x64xf32, #tpu.memory_space<vmem>>) target(%dma_start3A_77 : memref<10240x64xf32, #tpu.memory_space<vmem_shared>>) offsets(%dma_start3A_74 : memref<400xi32, #tpu.memory_space<vmem>>) semaphore(%run_scoped3A_69 : memref<!tpu.dma_semaphore, #tpu.memory_space<semaphore_mem>>) {add = true}
        %dma_wait3A_78 = arith.constant 0 : i32
        %dma_wait3A_79 = arith.constant 0 : i32
        %dma_wait3A_80 = tpu.memref_slice %arg7[%rem3A_54, %dma_wait3A_78, %dma_wait3A_79] : memref<2x400x64xf32, #tpu.memory_space<vmem>> -> memref<1x400x64xf32, #tpu.memory_space<vmem>>
        %dma_wait3A_81 = tpu.memref_squeeze %dma_wait3A_80 : memref<1x400x64xf32, #tpu.memory_space<vmem>> -> memref<400x64xf32, #tpu.memory_space<vmem>>
        %dma_wait3A_82 = tpu.memref_slice %arg6[%multiple_of3A_59] : memref<10000xi32, #tpu.memory_space<vmem>> -> memref<400xi32, #tpu.memory_space<vmem>>
        %dma_wait3A_83 = arith.constant 0 : i32
        %dma_wait3A_84 = arith.constant 0 : i32
        %dma_wait3A_85 = tpu.memref_slice %arg9[%dma_wait3A_83, %dma_wait3A_84] : memref<10240x64xf32, #tpu.memory_space<vmem_shared>> -> memref<10240x64xf32, #tpu.memory_space<vmem_shared>>
        tpu.wait_indirect_dma semaphore(%run_scoped3A_69 : memref<!tpu.dma_semaphore, #tpu.memory_space<semaphore_mem>>) src(%dma_wait3A_81 : memref<400x64xf32, #tpu.memory_space<vmem>>) dst(%dma_wait3A_85 : memref<10240x64xf32, #tpu.memory_space<vmem_shared>>)
        tpu.yield
      }) : () -> ()
    }
    %scan3A_41 = arith.constant 25 : i32
    %barrier3A_42 = arith.constant 0 : index
    tpu.barrier barrier_id(%barrier3A_42)
    %add3A_43 = arith.constant 0 : i32
    %add3A_44 = arith.addi %multiple_of3A_5, %add3A_43 : i32
    "tpu.region"() ({
      %run_scoped3A_53 = tpu.sem_alloc : memref<!tpu.dma_semaphore, #tpu.memory_space<semaphore_mem>>
      %dma_start3A_54 = arith.constant 0 : i32
      %dma_start3A_55 = tpu.memref_slice %arg9[%add3A_44, %dma_start3A_54] : memref<10240x64xf32, #tpu.memory_space<vmem_shared>> -> memref<128x64xf32, #tpu.memory_space<vmem_shared>>
      %dma_start3A_56 = arith.constant 0 : i32
      %dma_start3A_57 = tpu.memref_slice %arg9[%add3A_44, %dma_start3A_56] : memref<10240x64xf32, #tpu.memory_space<vmem_shared>> -> memref<128x64xf32, #tpu.memory_space<vmem_shared>>
      tpu.enqueue_dma source(%dma_start3A_57 : memref<128x64xf32, #tpu.memory_space<vmem_shared>>) target(%arg8 : memref<128x64xf32, #tpu.memory_space<vmem>>) target_semaphore(%run_scoped3A_53 : memref<!tpu.dma_semaphore, #tpu.memory_space<semaphore_mem>>)
      %dma_wait3A = arith.constant 0 : i32
      %dma_wait3A_58 = tpu.memref_slice %arg9[%add3A_44, %dma_wait3A] : memref<10240x64xf32, #tpu.memory_space<vmem_shared>> -> memref<128x64xf32, #tpu.memory_space<vmem_shared>>
      %dma_wait3A_59 = arith.constant 0 : i32
      %dma_wait3A_60 = tpu.memref_slice %arg9[%add3A_44, %dma_wait3A_59] : memref<10240x64xf32, #tpu.memory_space<vmem_shared>> -> memref<128x64xf32, #tpu.memory_space<vmem_shared>>
      tpu.wait_dma2 semaphore(%run_scoped3A_53 : memref<!tpu.dma_semaphore, #tpu.memory_space<semaphore_mem>>) src(%dma_wait3A_60 : memref<128x64xf32, #tpu.memory_space<vmem_shared>>) dst(%arg8 : memref<128x64xf32, #tpu.memory_space<vmem>>)
      tpu.yield
    }) : () -> ()
    "tpu.region"() ({
      %run_scoped3A_53 = tpu.sem_alloc : memref<!tpu.dma_semaphore, #tpu.memory_space<semaphore_mem>>
      %dma_start3A_54 = arith.constant 0 : i32
      %dma_start3A_55 = tpu.memref_slice %arg4[%arg0, %add3A_44, %dma_start3A_54] : memref<2x10240x128xf32, #tpu.memory_space<hbm>> -> memref<1x128x64xf32, #tpu.memory_space<hbm>>
      %dma_start3A_56 = tpu.memref_squeeze %dma_start3A_55 : memref<1x128x64xf32, #tpu.memory_space<hbm>> -> memref<128x64xf32, #tpu.memory_space<hbm>>
      %dma_start3A_57 = arith.constant 0 : i32
      %dma_start3A_58 = tpu.memref_slice %arg4[%arg0, %add3A_44, %dma_start3A_57] : memref<2x10240x128xf32, #tpu.memory_space<hbm>> -> memref<1x128x64xf32, #tpu.memory_space<hbm>>
      %dma_start3A_59 = tpu.memref_squeeze %dma_start3A_58 : memref<1x128x64xf32, #tpu.memory_space<hbm>> -> memref<128x64xf32, #tpu.memory_space<hbm>>
      tpu.enqueue_dma source(%arg8 : memref<128x64xf32, #tpu.memory_space<vmem>>) target(%dma_start3A_59 : memref<128x64xf32, #tpu.memory_space<hbm>>) target_semaphore(%run_scoped3A_53 : memref<!tpu.dma_semaphore, #tpu.memory_space<semaphore_mem>>)
      %dma_wait3A = arith.constant 0 : i32
      %dma_wait3A_60 = tpu.memref_slice %arg4[%arg0, %add3A_44, %dma_wait3A] : memref<2x10240x128xf32, #tpu.memory_space<hbm>> -> memref<1x128x64xf32, #tpu.memory_space<hbm>>
      %dma_wait3A_61 = tpu.memref_squeeze %dma_wait3A_60 : memref<1x128x64xf32, #tpu.memory_space<hbm>> -> memref<128x64xf32, #tpu.memory_space<hbm>>
      %dma_wait3A_62 = arith.constant 0 : i32
      %dma_wait3A_63 = tpu.memref_slice %arg4[%arg0, %add3A_44, %dma_wait3A_62] : memref<2x10240x128xf32, #tpu.memory_space<hbm>> -> memref<1x128x64xf32, #tpu.memory_space<hbm>>
      %dma_wait3A_64 = tpu.memref_squeeze %dma_wait3A_63 : memref<1x128x64xf32, #tpu.memory_space<hbm>> -> memref<128x64xf32, #tpu.memory_space<hbm>>
      tpu.wait_dma2 semaphore(%run_scoped3A_53 : memref<!tpu.dma_semaphore, #tpu.memory_space<semaphore_mem>>) src(%arg8 : memref<128x64xf32, #tpu.memory_space<vmem>>) dst(%dma_wait3A_64 : memref<128x64xf32, #tpu.memory_space<hbm>>)
      tpu.yield
    }) : () -> ()
    %add3A_45 = arith.constant 128 : i32
    %add3A_46 = arith.addi %multiple_of3A_5, %add3A_45 : i32
    "tpu.region"() ({
      %run_scoped3A_53 = tpu.sem_alloc : memref<!tpu.dma_semaphore, #tpu.memory_space<semaphore_mem>>
      %dma_start3A_54 = arith.constant 0 : i32
      %dma_start3A_55 = tpu.memref_slice %arg9[%add3A_46, %dma_start3A_54] : memref<10240x64xf32, #tpu.memory_space<vmem_shared>> -> memref<128x64xf32, #tpu.memory_space<vmem_shared>>
      %dma_start3A_56 = arith.constant 0 : i32
      %dma_start3A_57 = tpu.memref_slice %arg9[%add3A_46, %dma_start3A_56] : memref<10240x64xf32, #tpu.memory_space<vmem_shared>> -> memref<128x64xf32, #tpu.memory_space<vmem_shared>>
      tpu.enqueue_dma source(%dma_start3A_57 : memref<128x64xf32, #tpu.memory_space<vmem_shared>>) target(%arg8 : memref<128x64xf32, #tpu.memory_space<vmem>>) target_semaphore(%run_scoped3A_53 : memref<!tpu.dma_semaphore, #tpu.memory_space<semaphore_mem>>)
      %dma_wait3A = arith.constant 0 : i32
      %dma_wait3A_58 = tpu.memref_slice %arg9[%add3A_46, %dma_wait3A] : memref<10240x64xf32, #tpu.memory_space<vmem_shared>> -> memref<128x64xf32, #tpu.memory_space<vmem_shared>>
      %dma_wait3A_59 = arith.constant 0 : i32
      %dma_wait3A_60 = tpu.memref_slice %arg9[%add3A_46, %dma_wait3A_59] : memref<10240x64xf32, #tpu.memory_space<vmem_shared>> -> memref<128x64xf32, #tpu.memory_space<vmem_shared>>
      tpu.wait_dma2 semaphore(%run_scoped3A_53 : memref<!tpu.dma_semaphore, #tpu.memory_space<semaphore_mem>>) src(%dma_wait3A_60 : memref<128x64xf32, #tpu.memory_space<vmem_shared>>) dst(%arg8 : memref<128x64xf32, #tpu.memory_space<vmem>>)
      tpu.yield
    }) : () -> ()
    "tpu.region"() ({
      %run_scoped3A_53 = tpu.sem_alloc : memref<!tpu.dma_semaphore, #tpu.memory_space<semaphore_mem>>
      %dma_start3A_54 = arith.constant 0 : i32
      %dma_start3A_55 = tpu.memref_slice %arg4[%arg0, %add3A_46, %dma_start3A_54] : memref<2x10240x128xf32, #tpu.memory_space<hbm>> -> memref<1x128x64xf32, #tpu.memory_space<hbm>>
      %dma_start3A_56 = tpu.memref_squeeze %dma_start3A_55 : memref<1x128x64xf32, #tpu.memory_space<hbm>> -> memref<128x64xf32, #tpu.memory_space<hbm>>
      %dma_start3A_57 = arith.constant 0 : i32
      %dma_start3A_58 = tpu.memref_slice %arg4[%arg0, %add3A_46, %dma_start3A_57] : memref<2x10240x128xf32, #tpu.memory_space<hbm>> -> memref<1x128x64xf32, #tpu.memory_space<hbm>>
      %dma_start3A_59 = tpu.memref_squeeze %dma_start3A_58 : memref<1x128x64xf32, #tpu.memory_space<hbm>> -> memref<128x64xf32, #tpu.memory_space<hbm>>
      tpu.enqueue_dma source(%arg8 : memref<128x64xf32, #tpu.memory_space<vmem>>) target(%dma_start3A_59 : memref<128x64xf32, #tpu.memory_space<hbm>>) target_semaphore(%run_scoped3A_53 : memref<!tpu.dma_semaphore, #tpu.memory_space<semaphore_mem>>)
      %dma_wait3A = arith.constant 0 : i32
      %dma_wait3A_60 = tpu.memref_slice %arg4[%arg0, %add3A_46, %dma_wait3A] : memref<2x10240x128xf32, #tpu.memory_space<hbm>> -> memref<1x128x64xf32, #tpu.memory_space<hbm>>
      %dma_wait3A_61 = tpu.memref_squeeze %dma_wait3A_60 : memref<1x128x64xf32, #tpu.memory_space<hbm>> -> memref<128x64xf32, #tpu.memory_space<hbm>>
      %dma_wait3A_62 = arith.constant 0 : i32
      %dma_wait3A_63 = tpu.memref_slice %arg4[%arg0, %add3A_46, %dma_wait3A_62] : memref<2x10240x128xf32, #tpu.memory_space<hbm>> -> memref<1x128x64xf32, #tpu.memory_space<hbm>>
      %dma_wait3A_64 = tpu.memref_squeeze %dma_wait3A_63 : memref<1x128x64xf32, #tpu.memory_space<hbm>> -> memref<128x64xf32, #tpu.memory_space<hbm>>
      tpu.wait_dma2 semaphore(%run_scoped3A_53 : memref<!tpu.dma_semaphore, #tpu.memory_space<semaphore_mem>>) src(%arg8 : memref<128x64xf32, #tpu.memory_space<vmem>>) dst(%dma_wait3A_64 : memref<128x64xf32, #tpu.memory_space<hbm>>)
      tpu.yield
    }) : () -> ()
    %add3A_47 = arith.constant 256 : i32
    %add3A_48 = arith.addi %multiple_of3A_5, %add3A_47 : i32
    "tpu.region"() ({
      %run_scoped3A_53 = tpu.sem_alloc : memref<!tpu.dma_semaphore, #tpu.memory_space<semaphore_mem>>
      %dma_start3A_54 = arith.constant 0 : i32
      %dma_start3A_55 = tpu.memref_slice %arg9[%add3A_48, %dma_start3A_54] : memref<10240x64xf32, #tpu.memory_space<vmem_shared>> -> memref<128x64xf32, #tpu.memory_space<vmem_shared>>
      %dma_start3A_56 = arith.constant 0 : i32
      %dma_start3A_57 = tpu.memref_slice %arg9[%add3A_48, %dma_start3A_56] : memref<10240x64xf32, #tpu.memory_space<vmem_shared>> -> memref<128x64xf32, #tpu.memory_space<vmem_shared>>
      tpu.enqueue_dma source(%dma_start3A_57 : memref<128x64xf32, #tpu.memory_space<vmem_shared>>) target(%arg8 : memref<128x64xf32, #tpu.memory_space<vmem>>) target_semaphore(%run_scoped3A_53 : memref<!tpu.dma_semaphore, #tpu.memory_space<semaphore_mem>>)
      %dma_wait3A = arith.constant 0 : i32
      %dma_wait3A_58 = tpu.memref_slice %arg9[%add3A_48, %dma_wait3A] : memref<10240x64xf32, #tpu.memory_space<vmem_shared>> -> memref<128x64xf32, #tpu.memory_space<vmem_shared>>
      %dma_wait3A_59 = arith.constant 0 : i32
      %dma_wait3A_60 = tpu.memref_slice %arg9[%add3A_48, %dma_wait3A_59] : memref<10240x64xf32, #tpu.memory_space<vmem_shared>> -> memref<128x64xf32, #tpu.memory_space<vmem_shared>>
      tpu.wait_dma2 semaphore(%run_scoped3A_53 : memref<!tpu.dma_semaphore, #tpu.memory_space<semaphore_mem>>) src(%dma_wait3A_60 : memref<128x64xf32, #tpu.memory_space<vmem_shared>>) dst(%arg8 : memref<128x64xf32, #tpu.memory_space<vmem>>)
      tpu.yield
    }) : () -> ()
    "tpu.region"() ({
      %run_scoped3A_53 = tpu.sem_alloc : memref<!tpu.dma_semaphore, #tpu.memory_space<semaphore_mem>>
      %dma_start3A_54 = arith.constant 0 : i32
      %dma_start3A_55 = tpu.memref_slice %arg4[%arg0, %add3A_48, %dma_start3A_54] : memref<2x10240x128xf32, #tpu.memory_space<hbm>> -> memref<1x128x64xf32, #tpu.memory_space<hbm>>
      %dma_start3A_56 = tpu.memref_squeeze %dma_start3A_55 : memref<1x128x64xf32, #tpu.memory_space<hbm>> -> memref<128x64xf32, #tpu.memory_space<hbm>>
      %dma_start3A_57 = arith.constant 0 : i32
      %dma_start3A_58 = tpu.memref_slice %arg4[%arg0, %add3A_48, %dma_start3A_57] : memref<2x10240x128xf32, #tpu.memory_space<hbm>> -> memref<1x128x64xf32, #tpu.memory_space<hbm>>
      %dma_start3A_59 = tpu.memref_squeeze %dma_start3A_58 : memref<1x128x64xf32, #tpu.memory_space<hbm>> -> memref<128x64xf32, #tpu.memory_space<hbm>>
      tpu.enqueue_dma source(%arg8 : memref<128x64xf32, #tpu.memory_space<vmem>>) target(%dma_start3A_59 : memref<128x64xf32, #tpu.memory_space<hbm>>) target_semaphore(%run_scoped3A_53 : memref<!tpu.dma_semaphore, #tpu.memory_space<semaphore_mem>>)
      %dma_wait3A = arith.constant 0 : i32
      %dma_wait3A_60 = tpu.memref_slice %arg4[%arg0, %add3A_48, %dma_wait3A] : memref<2x10240x128xf32, #tpu.memory_space<hbm>> -> memref<1x128x64xf32, #tpu.memory_space<hbm>>
      %dma_wait3A_61 = tpu.memref_squeeze %dma_wait3A_60 : memref<1x128x64xf32, #tpu.memory_space<hbm>> -> memref<128x64xf32, #tpu.memory_space<hbm>>
      %dma_wait3A_62 = arith.constant 0 : i32
      %dma_wait3A_63 = tpu.memref_slice %arg4[%arg0, %add3A_48, %dma_wait3A_62] : memref<2x10240x128xf32, #tpu.memory_space<hbm>> -> memref<1x128x64xf32, #tpu.memory_space<hbm>>
      %dma_wait3A_64 = tpu.memref_squeeze %dma_wait3A_63 : memref<1x128x64xf32, #tpu.memory_space<hbm>> -> memref<128x64xf32, #tpu.memory_space<hbm>>
      tpu.wait_dma2 semaphore(%run_scoped3A_53 : memref<!tpu.dma_semaphore, #tpu.memory_space<semaphore_mem>>) src(%arg8 : memref<128x64xf32, #tpu.memory_space<vmem>>) dst(%dma_wait3A_64 : memref<128x64xf32, #tpu.memory_space<hbm>>)
      tpu.yield
    }) : () -> ()
    %add3A_49 = arith.constant 384 : i32
    %add3A_50 = arith.addi %multiple_of3A_5, %add3A_49 : i32
    "tpu.region"() ({
      %run_scoped3A_53 = tpu.sem_alloc : memref<!tpu.dma_semaphore, #tpu.memory_space<semaphore_mem>>
      %dma_start3A_54 = arith.constant 0 : i32
      %dma_start3A_55 = tpu.memref_slice %arg9[%add3A_50, %dma_start3A_54] : memref<10240x64xf32, #tpu.memory_space<vmem_shared>> -> memref<128x64xf32, #tpu.memory_space<vmem_shared>>
      %dma_start3A_56 = arith.constant 0 : i32
      %dma_start3A_57 = tpu.memref_slice %arg9[%add3A_50, %dma_start3A_56] : memref<10240x64xf32, #tpu.memory_space<vmem_shared>> -> memref<128x64xf32, #tpu.memory_space<vmem_shared>>
      tpu.enqueue_dma source(%dma_start3A_57 : memref<128x64xf32, #tpu.memory_space<vmem_shared>>) target(%arg8 : memref<128x64xf32, #tpu.memory_space<vmem>>) target_semaphore(%run_scoped3A_53 : memref<!tpu.dma_semaphore, #tpu.memory_space<semaphore_mem>>)
      %dma_wait3A = arith.constant 0 : i32
      %dma_wait3A_58 = tpu.memref_slice %arg9[%add3A_50, %dma_wait3A] : memref<10240x64xf32, #tpu.memory_space<vmem_shared>> -> memref<128x64xf32, #tpu.memory_space<vmem_shared>>
      %dma_wait3A_59 = arith.constant 0 : i32
      %dma_wait3A_60 = tpu.memref_slice %arg9[%add3A_50, %dma_wait3A_59] : memref<10240x64xf32, #tpu.memory_space<vmem_shared>> -> memref<128x64xf32, #tpu.memory_space<vmem_shared>>
      tpu.wait_dma2 semaphore(%run_scoped3A_53 : memref<!tpu.dma_semaphore, #tpu.memory_space<semaphore_mem>>) src(%dma_wait3A_60 : memref<128x64xf32, #tpu.memory_space<vmem_shared>>) dst(%arg8 : memref<128x64xf32, #tpu.memory_space<vmem>>)
      tpu.yield
    }) : () -> ()
    "tpu.region"() ({
      %run_scoped3A_53 = tpu.sem_alloc : memref<!tpu.dma_semaphore, #tpu.memory_space<semaphore_mem>>
      %dma_start3A_54 = arith.constant 0 : i32
      %dma_start3A_55 = tpu.memref_slice %arg4[%arg0, %add3A_50, %dma_start3A_54] : memref<2x10240x128xf32, #tpu.memory_space<hbm>> -> memref<1x128x64xf32, #tpu.memory_space<hbm>>
      %dma_start3A_56 = tpu.memref_squeeze %dma_start3A_55 : memref<1x128x64xf32, #tpu.memory_space<hbm>> -> memref<128x64xf32, #tpu.memory_space<hbm>>
      %dma_start3A_57 = arith.constant 0 : i32
      %dma_start3A_58 = tpu.memref_slice %arg4[%arg0, %add3A_50, %dma_start3A_57] : memref<2x10240x128xf32, #tpu.memory_space<hbm>> -> memref<1x128x64xf32, #tpu.memory_space<hbm>>
      %dma_start3A_59 = tpu.memref_squeeze %dma_start3A_58 : memref<1x128x64xf32, #tpu.memory_space<hbm>> -> memref<128x64xf32, #tpu.memory_space<hbm>>
      tpu.enqueue_dma source(%arg8 : memref<128x64xf32, #tpu.memory_space<vmem>>) target(%dma_start3A_59 : memref<128x64xf32, #tpu.memory_space<hbm>>) target_semaphore(%run_scoped3A_53 : memref<!tpu.dma_semaphore, #tpu.memory_space<semaphore_mem>>)
      %dma_wait3A = arith.constant 0 : i32
      %dma_wait3A_60 = tpu.memref_slice %arg4[%arg0, %add3A_50, %dma_wait3A] : memref<2x10240x128xf32, #tpu.memory_space<hbm>> -> memref<1x128x64xf32, #tpu.memory_space<hbm>>
      %dma_wait3A_61 = tpu.memref_squeeze %dma_wait3A_60 : memref<1x128x64xf32, #tpu.memory_space<hbm>> -> memref<128x64xf32, #tpu.memory_space<hbm>>
      %dma_wait3A_62 = arith.constant 0 : i32
      %dma_wait3A_63 = tpu.memref_slice %arg4[%arg0, %add3A_50, %dma_wait3A_62] : memref<2x10240x128xf32, #tpu.memory_space<hbm>> -> memref<1x128x64xf32, #tpu.memory_space<hbm>>
      %dma_wait3A_64 = tpu.memref_squeeze %dma_wait3A_63 : memref<1x128x64xf32, #tpu.memory_space<hbm>> -> memref<128x64xf32, #tpu.memory_space<hbm>>
      tpu.wait_dma2 semaphore(%run_scoped3A_53 : memref<!tpu.dma_semaphore, #tpu.memory_space<semaphore_mem>>) src(%arg8 : memref<128x64xf32, #tpu.memory_space<vmem>>) dst(%dma_wait3A_64 : memref<128x64xf32, #tpu.memory_space<hbm>>)
      tpu.yield
    }) : () -> ()
    %add3A_51 = arith.constant 512 : i32
    %add3A_52 = arith.addi %multiple_of3A_5, %add3A_51 : i32
    "tpu.region"() ({
      %run_scoped3A_53 = tpu.sem_alloc : memref<!tpu.dma_semaphore, #tpu.memory_space<semaphore_mem>>
      %dma_start3A_54 = arith.constant 0 : i32
      %dma_start3A_55 = tpu.memref_slice %arg9[%add3A_52, %dma_start3A_54] : memref<10240x64xf32, #tpu.memory_space<vmem_shared>> -> memref<128x64xf32, #tpu.memory_space<vmem_shared>>
      %dma_start3A_56 = arith.constant 0 : i32
      %dma_start3A_57 = tpu.memref_slice %arg9[%add3A_52, %dma_start3A_56] : memref<10240x64xf32, #tpu.memory_space<vmem_shared>> -> memref<128x64xf32, #tpu.memory_space<vmem_shared>>
      tpu.enqueue_dma source(%dma_start3A_57 : memref<128x64xf32, #tpu.memory_space<vmem_shared>>) target(%arg8 : memref<128x64xf32, #tpu.memory_space<vmem>>) target_semaphore(%run_scoped3A_53 : memref<!tpu.dma_semaphore, #tpu.memory_space<semaphore_mem>>)
      %dma_wait3A = arith.constant 0 : i32
      %dma_wait3A_58 = tpu.memref_slice %arg9[%add3A_52, %dma_wait3A] : memref<10240x64xf32, #tpu.memory_space<vmem_shared>> -> memref<128x64xf32, #tpu.memory_space<vmem_shared>>
      %dma_wait3A_59 = arith.constant 0 : i32
      %dma_wait3A_60 = tpu.memref_slice %arg9[%add3A_52, %dma_wait3A_59] : memref<10240x64xf32, #tpu.memory_space<vmem_shared>> -> memref<128x64xf32, #tpu.memory_space<vmem_shared>>
      tpu.wait_dma2 semaphore(%run_scoped3A_53 : memref<!tpu.dma_semaphore, #tpu.memory_space<semaphore_mem>>) src(%dma_wait3A_60 : memref<128x64xf32, #tpu.memory_space<vmem_shared>>) dst(%arg8 : memref<128x64xf32, #tpu.memory_space<vmem>>)
      tpu.yield
    }) : () -> ()
    "tpu.region"() ({
      %run_scoped3A_53 = tpu.sem_alloc : memref<!tpu.dma_semaphore, #tpu.memory_space<semaphore_mem>>
      %dma_start3A_54 = arith.constant 0 : i32
      %dma_start3A_55 = tpu.memref_slice %arg4[%arg0, %add3A_52, %dma_start3A_54] : memref<2x10240x128xf32, #tpu.memory_space<hbm>> -> memref<1x128x64xf32, #tpu.memory_space<hbm>>
      %dma_start3A_56 = tpu.memref_squeeze %dma_start3A_55 : memref<1x128x64xf32, #tpu.memory_space<hbm>> -> memref<128x64xf32, #tpu.memory_space<hbm>>
      %dma_start3A_57 = arith.constant 0 : i32
      %dma_start3A_58 = tpu.memref_slice %arg4[%arg0, %add3A_52, %dma_start3A_57] : memref<2x10240x128xf32, #tpu.memory_space<hbm>> -> memref<1x128x64xf32, #tpu.memory_space<hbm>>
      %dma_start3A_59 = tpu.memref_squeeze %dma_start3A_58 : memref<1x128x64xf32, #tpu.memory_space<hbm>> -> memref<128x64xf32, #tpu.memory_space<hbm>>
      tpu.enqueue_dma source(%arg8 : memref<128x64xf32, #tpu.memory_space<vmem>>) target(%dma_start3A_59 : memref<128x64xf32, #tpu.memory_space<hbm>>) target_semaphore(%run_scoped3A_53 : memref<!tpu.dma_semaphore, #tpu.memory_space<semaphore_mem>>)
      %dma_wait3A = arith.constant 0 : i32
      %dma_wait3A_60 = tpu.memref_slice %arg4[%arg0, %add3A_52, %dma_wait3A] : memref<2x10240x128xf32, #tpu.memory_space<hbm>> -> memref<1x128x64xf32, #tpu.memory_space<hbm>>
      %dma_wait3A_61 = tpu.memref_squeeze %dma_wait3A_60 : memref<1x128x64xf32, #tpu.memory_space<hbm>> -> memref<128x64xf32, #tpu.memory_space<hbm>>
      %dma_wait3A_62 = arith.constant 0 : i32
      %dma_wait3A_63 = tpu.memref_slice %arg4[%arg0, %add3A_52, %dma_wait3A_62] : memref<2x10240x128xf32, #tpu.memory_space<hbm>> -> memref<1x128x64xf32, #tpu.memory_space<hbm>>
      %dma_wait3A_64 = tpu.memref_squeeze %dma_wait3A_63 : memref<1x128x64xf32, #tpu.memory_space<hbm>> -> memref<128x64xf32, #tpu.memory_space<hbm>>
      tpu.wait_dma2 semaphore(%run_scoped3A_53 : memref<!tpu.dma_semaphore, #tpu.memory_space<semaphore_mem>>) src(%arg8 : memref<128x64xf32, #tpu.memory_space<vmem>>) dst(%dma_wait3A_64 : memref<128x64xf32, #tpu.memory_space<hbm>>)
      tpu.yield
    }) : () -> ()
    return
  }
}

#map = affine_map<(d0, d1) -> (0, 0)>
#map1 = affine_map<(d0, d1) -> (0, 0, 0)>
module attributes {stable_mosaic.version = 14 : i64} {
  func.func @edge_pass(%arg0: i32, %arg1: i32, %arg2: memref<2x320000xi32, #tpu.memory_space<hbm>>, %arg3: memref<10000x16xf32, #tpu.memory_space<hbm>>, %arg4: memref<2x10240x128xf32, #tpu.memory_space<hbm>>, %arg5: memref<10000xi32, #tpu.memory_space<vmem>>, %arg6: memref<10000xi32, #tpu.memory_space<vmem>>, %arg7: memref<2x1000x16xf32, #tpu.memory_space<vmem>>, %arg8: memref<128x16xf32, #tpu.memory_space<vmem>>, %arg9: memref<10240x16xf32, #tpu.memory_space<vmem_shared>>, %arg10: memref<2x!tpu.dma_semaphore, #tpu.memory_space<semaphore_mem>>) attributes {dimension_semantics = [#tpu.dimension_semantics<core_parallel>, #tpu.dimension_semantics<subcore_parallel>], iteration_bounds = array<i64: 2, 16>, scalar_prefetch = 0 : i64, scratch_operands = 6 : i64, tpu.core_type = #tpu.core_type<sc_vector_subcore>, window_params = [{transform_indices = #map}, {transform_indices = #map}, {transform_indices = #map1}]} {
    %mul3A = arith.constant 2 : i32
    %mul3A_0 = arith.muli %arg1, %mul3A : i32
    %add3A = arith.addi %mul3A_0, %arg0 : i32
    %mul3A_1 = arith.constant 10000 : i32
    %mul3A_2 = arith.muli %add3A, %mul3A_1 : i32
    %multiple_of3A = tpu.assume_multiple %mul3A_2, 1000 : i32
    %mul3A_3 = arith.constant 640 : i32
    %mul3A_4 = arith.muli %arg1, %mul3A_3 : i32
    %multiple_of3A_5 = tpu.assume_multiple %mul3A_4, 128 : i32
    %broadcast_in_dim3A = arith.constant 0.000000e+00 : f32
    %broadcast_in_dim3A_6 = vector.broadcast %broadcast_in_dim3A : f32 to vector<16xf32>
    %scan3A = arith.constant 0 : i32
    %scan3A_7 = arith.constant 0 : i32
    %scan3A_8 = arith.constant 128 : i32
    %scan3A_9 = arith.addi %scan3A_7, %scan3A_8 : i32
    %scan3A_10 = arith.constant 1 : i32
    scf.for %scan3A_53 = %scan3A_7 to %scan3A_9 step %scan3A_10  : i32 {
      %swap3A = arith.index_cast %scan3A_53 : i32 to index
      %swap3A_54 = arith.constant 0 : index
      %swap3A_55 = tpu.vector_load %arg8[%swap3A, %swap3A_54] {strides = array<i32>} : memref<128x16xf32, #tpu.memory_space<vmem>>, vector<1x16xf32>,
      %swap3A_56 = vector.shape_cast %swap3A_55 : vector<1x16xf32> to vector<16xf32>
      %swap3A_57 = vector.shape_cast %broadcast_in_dim3A_6 : vector<16xf32> to vector<1x16xf32>
      tpu.vector_store %arg8[%swap3A, %swap3A_54], %swap3A_57 {strides = array<i32>} : memref<128x16xf32, #tpu.memory_space<vmem>>, vector<1x16xf32>,
    }
    %scan3A_11 = arith.constant 128 : i32
    %add3A_12 = arith.constant 0 : i32
    %add3A_13 = arith.addi %multiple_of3A_5, %add3A_12 : i32
    "tpu.region"() ({
      %run_scoped3A_53 = tpu.sem_alloc : memref<!tpu.dma_semaphore, #tpu.memory_space<semaphore_mem>>
      %dma_start3A_54 = arith.constant 0 : i32
      %dma_start3A_55 = tpu.memref_slice %arg9[%add3A_13, %dma_start3A_54] : memref<10240x16xf32, #tpu.memory_space<vmem_shared>> -> memref<128x16xf32, #tpu.memory_space<vmem_shared>>
      %dma_start3A_56 = arith.constant 0 : i32
      %dma_start3A_57 = tpu.memref_slice %arg9[%add3A_13, %dma_start3A_56] : memref<10240x16xf32, #tpu.memory_space<vmem_shared>> -> memref<128x16xf32, #tpu.memory_space<vmem_shared>>
      tpu.enqueue_dma source(%arg8 : memref<128x16xf32, #tpu.memory_space<vmem>>) target(%dma_start3A_57 : memref<128x16xf32, #tpu.memory_space<vmem_shared>>) target_semaphore(%run_scoped3A_53 : memref<!tpu.dma_semaphore, #tpu.memory_space<semaphore_mem>>)
      %dma_wait3A = arith.constant 0 : i32
      %dma_wait3A_58 = tpu.memref_slice %arg9[%add3A_13, %dma_wait3A] : memref<10240x16xf32, #tpu.memory_space<vmem_shared>> -> memref<128x16xf32, #tpu.memory_space<vmem_shared>>
      %dma_wait3A_59 = arith.constant 0 : i32
      %dma_wait3A_60 = tpu.memref_slice %arg9[%add3A_13, %dma_wait3A_59] : memref<10240x16xf32, #tpu.memory_space<vmem_shared>> -> memref<128x16xf32, #tpu.memory_space<vmem_shared>>
      tpu.wait_dma2 semaphore(%run_scoped3A_53 : memref<!tpu.dma_semaphore, #tpu.memory_space<semaphore_mem>>) src(%arg8 : memref<128x16xf32, #tpu.memory_space<vmem>>) dst(%dma_wait3A_60 : memref<128x16xf32, #tpu.memory_space<vmem_shared>>)
      tpu.yield
    }) : () -> ()
    %add3A_14 = arith.constant 128 : i32
    %add3A_15 = arith.addi %multiple_of3A_5, %add3A_14 : i32
    "tpu.region"() ({
      %run_scoped3A_53 = tpu.sem_alloc : memref<!tpu.dma_semaphore, #tpu.memory_space<semaphore_mem>>
      %dma_start3A_54 = arith.constant 0 : i32
      %dma_start3A_55 = tpu.memref_slice %arg9[%add3A_15, %dma_start3A_54] : memref<10240x16xf32, #tpu.memory_space<vmem_shared>> -> memref<128x16xf32, #tpu.memory_space<vmem_shared>>
      %dma_start3A_56 = arith.constant 0 : i32
      %dma_start3A_57 = tpu.memref_slice %arg9[%add3A_15, %dma_start3A_56] : memref<10240x16xf32, #tpu.memory_space<vmem_shared>> -> memref<128x16xf32, #tpu.memory_space<vmem_shared>>
      tpu.enqueue_dma source(%arg8 : memref<128x16xf32, #tpu.memory_space<vmem>>) target(%dma_start3A_57 : memref<128x16xf32, #tpu.memory_space<vmem_shared>>) target_semaphore(%run_scoped3A_53 : memref<!tpu.dma_semaphore, #tpu.memory_space<semaphore_mem>>)
      %dma_wait3A = arith.constant 0 : i32
      %dma_wait3A_58 = tpu.memref_slice %arg9[%add3A_15, %dma_wait3A] : memref<10240x16xf32, #tpu.memory_space<vmem_shared>> -> memref<128x16xf32, #tpu.memory_space<vmem_shared>>
      %dma_wait3A_59 = arith.constant 0 : i32
      %dma_wait3A_60 = tpu.memref_slice %arg9[%add3A_15, %dma_wait3A_59] : memref<10240x16xf32, #tpu.memory_space<vmem_shared>> -> memref<128x16xf32, #tpu.memory_space<vmem_shared>>
      tpu.wait_dma2 semaphore(%run_scoped3A_53 : memref<!tpu.dma_semaphore, #tpu.memory_space<semaphore_mem>>) src(%arg8 : memref<128x16xf32, #tpu.memory_space<vmem>>) dst(%dma_wait3A_60 : memref<128x16xf32, #tpu.memory_space<vmem_shared>>)
      tpu.yield
    }) : () -> ()
    %add3A_16 = arith.constant 256 : i32
    %add3A_17 = arith.addi %multiple_of3A_5, %add3A_16 : i32
    "tpu.region"() ({
      %run_scoped3A_53 = tpu.sem_alloc : memref<!tpu.dma_semaphore, #tpu.memory_space<semaphore_mem>>
      %dma_start3A_54 = arith.constant 0 : i32
      %dma_start3A_55 = tpu.memref_slice %arg9[%add3A_17, %dma_start3A_54] : memref<10240x16xf32, #tpu.memory_space<vmem_shared>> -> memref<128x16xf32, #tpu.memory_space<vmem_shared>>
      %dma_start3A_56 = arith.constant 0 : i32
      %dma_start3A_57 = tpu.memref_slice %arg9[%add3A_17, %dma_start3A_56] : memref<10240x16xf32, #tpu.memory_space<vmem_shared>> -> memref<128x16xf32, #tpu.memory_space<vmem_shared>>
      tpu.enqueue_dma source(%arg8 : memref<128x16xf32, #tpu.memory_space<vmem>>) target(%dma_start3A_57 : memref<128x16xf32, #tpu.memory_space<vmem_shared>>) target_semaphore(%run_scoped3A_53 : memref<!tpu.dma_semaphore, #tpu.memory_space<semaphore_mem>>)
      %dma_wait3A = arith.constant 0 : i32
      %dma_wait3A_58 = tpu.memref_slice %arg9[%add3A_17, %dma_wait3A] : memref<10240x16xf32, #tpu.memory_space<vmem_shared>> -> memref<128x16xf32, #tpu.memory_space<vmem_shared>>
      %dma_wait3A_59 = arith.constant 0 : i32
      %dma_wait3A_60 = tpu.memref_slice %arg9[%add3A_17, %dma_wait3A_59] : memref<10240x16xf32, #tpu.memory_space<vmem_shared>> -> memref<128x16xf32, #tpu.memory_space<vmem_shared>>
      tpu.wait_dma2 semaphore(%run_scoped3A_53 : memref<!tpu.dma_semaphore, #tpu.memory_space<semaphore_mem>>) src(%arg8 : memref<128x16xf32, #tpu.memory_space<vmem>>) dst(%dma_wait3A_60 : memref<128x16xf32, #tpu.memory_space<vmem_shared>>)
      tpu.yield
    }) : () -> ()
    %add3A_18 = arith.constant 384 : i32
    %add3A_19 = arith.addi %multiple_of3A_5, %add3A_18 : i32
    "tpu.region"() ({
      %run_scoped3A_53 = tpu.sem_alloc : memref<!tpu.dma_semaphore, #tpu.memory_space<semaphore_mem>>
      %dma_start3A_54 = arith.constant 0 : i32
      %dma_start3A_55 = tpu.memref_slice %arg9[%add3A_19, %dma_start3A_54] : memref<10240x16xf32, #tpu.memory_space<vmem_shared>> -> memref<128x16xf32, #tpu.memory_space<vmem_shared>>
      %dma_start3A_56 = arith.constant 0 : i32
      %dma_start3A_57 = tpu.memref_slice %arg9[%add3A_19, %dma_start3A_56] : memref<10240x16xf32, #tpu.memory_space<vmem_shared>> -> memref<128x16xf32, #tpu.memory_space<vmem_shared>>
      tpu.enqueue_dma source(%arg8 : memref<128x16xf32, #tpu.memory_space<vmem>>) target(%dma_start3A_57 : memref<128x16xf32, #tpu.memory_space<vmem_shared>>) target_semaphore(%run_scoped3A_53 : memref<!tpu.dma_semaphore, #tpu.memory_space<semaphore_mem>>)
      %dma_wait3A = arith.constant 0 : i32
      %dma_wait3A_58 = tpu.memref_slice %arg9[%add3A_19, %dma_wait3A] : memref<10240x16xf32, #tpu.memory_space<vmem_shared>> -> memref<128x16xf32, #tpu.memory_space<vmem_shared>>
      %dma_wait3A_59 = arith.constant 0 : i32
      %dma_wait3A_60 = tpu.memref_slice %arg9[%add3A_19, %dma_wait3A_59] : memref<10240x16xf32, #tpu.memory_space<vmem_shared>> -> memref<128x16xf32, #tpu.memory_space<vmem_shared>>
      tpu.wait_dma2 semaphore(%run_scoped3A_53 : memref<!tpu.dma_semaphore, #tpu.memory_space<semaphore_mem>>) src(%arg8 : memref<128x16xf32, #tpu.memory_space<vmem>>) dst(%dma_wait3A_60 : memref<128x16xf32, #tpu.memory_space<vmem_shared>>)
      tpu.yield
    }) : () -> ()
    %add3A_20 = arith.constant 512 : i32
    %add3A_21 = arith.addi %multiple_of3A_5, %add3A_20 : i32
    "tpu.region"() ({
      %run_scoped3A_53 = tpu.sem_alloc : memref<!tpu.dma_semaphore, #tpu.memory_space<semaphore_mem>>
      %dma_start3A_54 = arith.constant 0 : i32
      %dma_start3A_55 = tpu.memref_slice %arg9[%add3A_21, %dma_start3A_54] : memref<10240x16xf32, #tpu.memory_space<vmem_shared>> -> memref<128x16xf32, #tpu.memory_space<vmem_shared>>
      %dma_start3A_56 = arith.constant 0 : i32
      %dma_start3A_57 = tpu.memref_slice %arg9[%add3A_21, %dma_start3A_56] : memref<10240x16xf32, #tpu.memory_space<vmem_shared>> -> memref<128x16xf32, #tpu.memory_space<vmem_shared>>
      tpu.enqueue_dma source(%arg8 : memref<128x16xf32, #tpu.memory_space<vmem>>) target(%dma_start3A_57 : memref<128x16xf32, #tpu.memory_space<vmem_shared>>) target_semaphore(%run_scoped3A_53 : memref<!tpu.dma_semaphore, #tpu.memory_space<semaphore_mem>>)
      %dma_wait3A = arith.constant 0 : i32
      %dma_wait3A_58 = tpu.memref_slice %arg9[%add3A_21, %dma_wait3A] : memref<10240x16xf32, #tpu.memory_space<vmem_shared>> -> memref<128x16xf32, #tpu.memory_space<vmem_shared>>
      %dma_wait3A_59 = arith.constant 0 : i32
      %dma_wait3A_60 = tpu.memref_slice %arg9[%add3A_21, %dma_wait3A_59] : memref<10240x16xf32, #tpu.memory_space<vmem_shared>> -> memref<128x16xf32, #tpu.memory_space<vmem_shared>>
      tpu.wait_dma2 semaphore(%run_scoped3A_53 : memref<!tpu.dma_semaphore, #tpu.memory_space<semaphore_mem>>) src(%arg8 : memref<128x16xf32, #tpu.memory_space<vmem>>) dst(%dma_wait3A_60 : memref<128x16xf32, #tpu.memory_space<vmem_shared>>)
      tpu.yield
    }) : () -> ()
    %barrier3A = arith.constant 0 : index
    tpu.barrier barrier_id(%barrier3A)
    %run_scoped3A = arith.constant 0 : i32
    "tpu.region"() ({
      %run_scoped3A_53 = tpu.sem_alloc : memref<!tpu.dma_semaphore, #tpu.memory_space<semaphore_mem>>
      %dma_start3A_54 = tpu.memref_slice %arg2[%run_scoped3A, %multiple_of3A] : memref<2x320000xi32, #tpu.memory_space<hbm>> -> memref<1x10000xi32, #tpu.memory_space<hbm>>
      %dma_start3A_55 = tpu.memref_squeeze %dma_start3A_54 : memref<1x10000xi32, #tpu.memory_space<hbm>> -> memref<10000xi32, #tpu.memory_space<hbm>>
      %dma_start3A_56 = tpu.memref_slice %arg2[%run_scoped3A, %multiple_of3A] : memref<2x320000xi32, #tpu.memory_space<hbm>> -> memref<1x10000xi32, #tpu.memory_space<hbm>>
      %dma_start3A_57 = tpu.memref_squeeze %dma_start3A_56 : memref<1x10000xi32, #tpu.memory_space<hbm>> -> memref<10000xi32, #tpu.memory_space<hbm>>
      tpu.enqueue_dma source(%dma_start3A_57 : memref<10000xi32, #tpu.memory_space<hbm>>) target(%arg5 : memref<10000xi32, #tpu.memory_space<vmem>>) target_semaphore(%run_scoped3A_53 : memref<!tpu.dma_semaphore, #tpu.memory_space<semaphore_mem>>)
      %dma_wait3A = tpu.memref_slice %arg2[%run_scoped3A, %multiple_of3A] : memref<2x320000xi32, #tpu.memory_space<hbm>> -> memref<1x10000xi32, #tpu.memory_space<hbm>>
      %dma_wait3A_58 = tpu.memref_squeeze %dma_wait3A : memref<1x10000xi32, #tpu.memory_space<hbm>> -> memref<10000xi32, #tpu.memory_space<hbm>>
      %dma_wait3A_59 = tpu.memref_slice %arg2[%run_scoped3A, %multiple_of3A] : memref<2x320000xi32, #tpu.memory_space<hbm>> -> memref<1x10000xi32, #tpu.memory_space<hbm>>
      %dma_wait3A_60 = tpu.memref_squeeze %dma_wait3A_59 : memref<1x10000xi32, #tpu.memory_space<hbm>> -> memref<10000xi32, #tpu.memory_space<hbm>>
      tpu.wait_dma2 semaphore(%run_scoped3A_53 : memref<!tpu.dma_semaphore, #tpu.memory_space<semaphore_mem>>) src(%dma_wait3A_60 : memref<10000xi32, #tpu.memory_space<hbm>>) dst(%arg5 : memref<10000xi32, #tpu.memory_space<vmem>>)
      tpu.yield
    }) : () -> ()
    %run_scoped3A_22 = arith.constant 1 : i32
    "tpu.region"() ({
      %run_scoped3A_53 = tpu.sem_alloc : memref<!tpu.dma_semaphore, #tpu.memory_space<semaphore_mem>>
      %dma_start3A_54 = tpu.memref_slice %arg2[%run_scoped3A_22, %multiple_of3A] : memref<2x320000xi32, #tpu.memory_space<hbm>> -> memref<1x10000xi32, #tpu.memory_space<hbm>>
      %dma_start3A_55 = tpu.memref_squeeze %dma_start3A_54 : memref<1x10000xi32, #tpu.memory_space<hbm>> -> memref<10000xi32, #tpu.memory_space<hbm>>
      %dma_start3A_56 = tpu.memref_slice %arg2[%run_scoped3A_22, %multiple_of3A] : memref<2x320000xi32, #tpu.memory_space<hbm>> -> memref<1x10000xi32, #tpu.memory_space<hbm>>
      %dma_start3A_57 = tpu.memref_squeeze %dma_start3A_56 : memref<1x10000xi32, #tpu.memory_space<hbm>> -> memref<10000xi32, #tpu.memory_space<hbm>>
      tpu.enqueue_dma source(%dma_start3A_57 : memref<10000xi32, #tpu.memory_space<hbm>>) target(%arg6 : memref<10000xi32, #tpu.memory_space<vmem>>) target_semaphore(%run_scoped3A_53 : memref<!tpu.dma_semaphore, #tpu.memory_space<semaphore_mem>>)
      %dma_wait3A = tpu.memref_slice %arg2[%run_scoped3A_22, %multiple_of3A] : memref<2x320000xi32, #tpu.memory_space<hbm>> -> memref<1x10000xi32, #tpu.memory_space<hbm>>
      %dma_wait3A_58 = tpu.memref_squeeze %dma_wait3A : memref<1x10000xi32, #tpu.memory_space<hbm>> -> memref<10000xi32, #tpu.memory_space<hbm>>
      %dma_wait3A_59 = tpu.memref_slice %arg2[%run_scoped3A_22, %multiple_of3A] : memref<2x320000xi32, #tpu.memory_space<hbm>> -> memref<1x10000xi32, #tpu.memory_space<hbm>>
      %dma_wait3A_60 = tpu.memref_squeeze %dma_wait3A_59 : memref<1x10000xi32, #tpu.memory_space<hbm>> -> memref<10000xi32, #tpu.memory_space<hbm>>
      tpu.wait_dma2 semaphore(%run_scoped3A_53 : memref<!tpu.dma_semaphore, #tpu.memory_space<semaphore_mem>>) src(%dma_wait3A_60 : memref<10000xi32, #tpu.memory_space<hbm>>) dst(%arg6 : memref<10000xi32, #tpu.memory_space<vmem>>)
      tpu.yield
    }) : () -> ()
    %multiple_of3A_23 = arith.constant 0 : i32
    %multiple_of3A_24 = tpu.assume_multiple %multiple_of3A_23, 1000 : i32
    %dma_start3A = arith.constant 0 : i32
    %dma_start3A_25 = arith.constant 0 : i32
    %dma_start3A_26 = arith.constant 0 : i32
    %dma_start3A_27 = arith.constant 0 : i32
    %dma_start3A_28 = tpu.memref_slice %arg7[%dma_start3A, %dma_start3A_26, %dma_start3A_27] : memref<2x1000x16xf32, #tpu.memory_space<vmem>> -> memref<1x1000x16xf32, #tpu.memory_space<vmem>>
    %dma_start3A_29 = tpu.memref_squeeze %dma_start3A_28 : memref<1x1000x16xf32, #tpu.memory_space<vmem>> -> memref<1000x16xf32, #tpu.memory_space<vmem>>
    %dma_start3A_30 = tpu.memref_slice %arg5[%multiple_of3A_24] : memref<10000xi32, #tpu.memory_space<vmem>> -> memref<1000xi32, #tpu.memory_space<vmem>>
    %dma_start3A_31 = arith.constant 0 : i32
    %dma_start3A_32 = arith.constant 0 : i32
    %dma_start3A_33 = tpu.memref_slice %arg3[%dma_start3A_31, %dma_start3A_32] : memref<10000x16xf32, #tpu.memory_space<hbm>> -> memref<10000x16xf32, #tpu.memory_space<hbm>>
    %dma_start3A_34 = tpu.memref_slice %arg10[%dma_start3A_25] : memref<2x!tpu.dma_semaphore, #tpu.memory_space<semaphore_mem>> -> memref<1x!tpu.dma_semaphore, #tpu.memory_space<semaphore_mem>>
    %dma_start3A_35 = tpu.memref_squeeze %dma_start3A_34 : memref<1x!tpu.dma_semaphore, #tpu.memory_space<semaphore_mem>> -> memref<!tpu.dma_semaphore, #tpu.memory_space<semaphore_mem>>
    tpu.enqueue_indirect_dma source(%dma_start3A_33 : memref<10000x16xf32, #tpu.memory_space<hbm>>) target(%dma_start3A_29 : memref<1000x16xf32, #tpu.memory_space<vmem>>) offsets(%dma_start3A_30 : memref<1000xi32, #tpu.memory_space<vmem>>) semaphore(%dma_start3A_35 : memref<!tpu.dma_semaphore, #tpu.memory_space<semaphore_mem>>)
    %scan3A_36 = arith.constant 0 : i32
    %scan3A_37 = arith.constant 0 : i32
    %scan3A_38 = arith.constant 10 : i32
    %scan3A_39 = arith.addi %scan3A_37, %scan3A_38 : i32
    %scan3A_40 = arith.constant 1 : i32
    scf.for %scan3A_53 = %scan3A_37 to %scan3A_39 step %scan3A_40  : i32 {
      %rem3A = arith.constant 2 : i32
      %rem3A_54 = arith.remsi %scan3A_53, %rem3A : i32
      %lt3A = arith.constant 9 : i32
      %lt3A_55 = arith.cmpi slt, %scan3A_53, %lt3A : i32
      %convert_element_type3A = arith.extui %lt3A_55 : i1 to i32
      %cond3A = arith.constant 0 : i32
      %cond3A_56 = arith.cmpi ne, %convert_element_type3A, %cond3A : i32
      scf.if %cond3A_56 {
        %add3A_69 = arith.constant 1 : i32
        %add3A_70 = arith.addi %scan3A_53, %add3A_69 : i32
        %sub3A = arith.constant 1 : i32
        %sub3A_71 = arith.subi %sub3A, %rem3A_54 : i32
        %mul3A_72 = arith.constant 1000 : i32
        %mul3A_73 = arith.muli %add3A_70, %mul3A_72 : i32
        %multiple_of3A_74 = tpu.assume_multiple %mul3A_73, 1000 : i32
        %dma_start3A_75 = arith.constant 0 : i32
        %dma_start3A_76 = arith.constant 0 : i32
        %dma_start3A_77 = tpu.memref_slice %arg7[%sub3A_71, %dma_start3A_75, %dma_start3A_76] : memref<2x1000x16xf32, #tpu.memory_space<vmem>> -> memref<1x1000x16xf32, #tpu.memory_space<vmem>>
        %dma_start3A_78 = tpu.memref_squeeze %dma_start3A_77 : memref<1x1000x16xf32, #tpu.memory_space<vmem>> -> memref<1000x16xf32, #tpu.memory_space<vmem>>
        %dma_start3A_79 = tpu.memref_slice %arg5[%multiple_of3A_74] : memref<10000xi32, #tpu.memory_space<vmem>> -> memref<1000xi32, #tpu.memory_space<vmem>>
        %dma_start3A_80 = arith.constant 0 : i32
        %dma_start3A_81 = arith.constant 0 : i32
        %dma_start3A_82 = tpu.memref_slice %arg3[%dma_start3A_80, %dma_start3A_81] : memref<10000x16xf32, #tpu.memory_space<hbm>> -> memref<10000x16xf32, #tpu.memory_space<hbm>>
        %dma_start3A_83 = tpu.memref_slice %arg10[%sub3A_71] : memref<2x!tpu.dma_semaphore, #tpu.memory_space<semaphore_mem>> -> memref<1x!tpu.dma_semaphore, #tpu.memory_space<semaphore_mem>>
        %dma_start3A_84 = tpu.memref_squeeze %dma_start3A_83 : memref<1x!tpu.dma_semaphore, #tpu.memory_space<semaphore_mem>> -> memref<!tpu.dma_semaphore, #tpu.memory_space<semaphore_mem>>
        tpu.enqueue_indirect_dma source(%dma_start3A_82 : memref<10000x16xf32, #tpu.memory_space<hbm>>) target(%dma_start3A_78 : memref<1000x16xf32, #tpu.memory_space<vmem>>) offsets(%dma_start3A_79 : memref<1000xi32, #tpu.memory_space<vmem>>) semaphore(%dma_start3A_84 : memref<!tpu.dma_semaphore, #tpu.memory_space<semaphore_mem>>)
      } else {
      }
      %mul3A_57 = arith.constant 1000 : i32
      %mul3A_58 = arith.muli %scan3A_53, %mul3A_57 : i32
      %multiple_of3A_59 = tpu.assume_multiple %mul3A_58, 1000 : i32
      %dma_wait3A = arith.constant 0 : i32
      %dma_wait3A_60 = arith.constant 0 : i32
      %dma_wait3A_61 = tpu.memref_slice %arg7[%rem3A_54, %dma_wait3A, %dma_wait3A_60] : memref<2x1000x16xf32, #tpu.memory_space<vmem>> -> memref<1x1000x16xf32, #tpu.memory_space<vmem>>
      %dma_wait3A_62 = tpu.memref_squeeze %dma_wait3A_61 : memref<1x1000x16xf32, #tpu.memory_space<vmem>> -> memref<1000x16xf32, #tpu.memory_space<vmem>>
      %dma_wait3A_63 = tpu.memref_slice %arg5[%multiple_of3A_59] : memref<10000xi32, #tpu.memory_space<vmem>> -> memref<1000xi32, #tpu.memory_space<vmem>>
      %dma_wait3A_64 = arith.constant 0 : i32
      %dma_wait3A_65 = arith.constant 0 : i32
      %dma_wait3A_66 = tpu.memref_slice %arg3[%dma_wait3A_64, %dma_wait3A_65] : memref<10000x16xf32, #tpu.memory_space<hbm>> -> memref<10000x16xf32, #tpu.memory_space<hbm>>
      %dma_wait3A_67 = tpu.memref_slice %arg10[%rem3A_54] : memref<2x!tpu.dma_semaphore, #tpu.memory_space<semaphore_mem>> -> memref<1x!tpu.dma_semaphore, #tpu.memory_space<semaphore_mem>>
      %dma_wait3A_68 = tpu.memref_squeeze %dma_wait3A_67 : memref<1x!tpu.dma_semaphore, #tpu.memory_space<semaphore_mem>> -> memref<!tpu.dma_semaphore, #tpu.memory_space<semaphore_mem>>
      tpu.wait_indirect_dma semaphore(%dma_wait3A_68 : memref<!tpu.dma_semaphore, #tpu.memory_space<semaphore_mem>>) src(%dma_wait3A_66 : memref<10000x16xf32, #tpu.memory_space<hbm>>) dst(%dma_wait3A_62 : memref<1000x16xf32, #tpu.memory_space<vmem>>)
      "tpu.region"() ({
        %run_scoped3A_69 = tpu.sem_alloc : memref<!tpu.dma_semaphore, #tpu.memory_space<semaphore_mem>>
        %dma_start3A_70 = arith.constant 0 : i32
        %dma_start3A_71 = arith.constant 0 : i32
        %dma_start3A_72 = tpu.memref_slice %arg7[%rem3A_54, %dma_start3A_70, %dma_start3A_71] : memref<2x1000x16xf32, #tpu.memory_space<vmem>> -> memref<1x1000x16xf32, #tpu.memory_space<vmem>>
        %dma_start3A_73 = tpu.memref_squeeze %dma_start3A_72 : memref<1x1000x16xf32, #tpu.memory_space<vmem>> -> memref<1000x16xf32, #tpu.memory_space<vmem>>
        %dma_start3A_74 = tpu.memref_slice %arg6[%multiple_of3A_59] : memref<10000xi32, #tpu.memory_space<vmem>> -> memref<1000xi32, #tpu.memory_space<vmem>>
        %dma_start3A_75 = arith.constant 0 : i32
        %dma_start3A_76 = arith.constant 0 : i32
        %dma_start3A_77 = tpu.memref_slice %arg9[%dma_start3A_75, %dma_start3A_76] : memref<10240x16xf32, #tpu.memory_space<vmem_shared>> -> memref<10240x16xf32, #tpu.memory_space<vmem_shared>>
        tpu.enqueue_indirect_dma source(%dma_start3A_73 : memref<1000x16xf32, #tpu.memory_space<vmem>>) target(%dma_start3A_77 : memref<10240x16xf32, #tpu.memory_space<vmem_shared>>) offsets(%dma_start3A_74 : memref<1000xi32, #tpu.memory_space<vmem>>) semaphore(%run_scoped3A_69 : memref<!tpu.dma_semaphore, #tpu.memory_space<semaphore_mem>>) {add = true}
        %dma_wait3A_78 = arith.constant 0 : i32
        %dma_wait3A_79 = arith.constant 0 : i32
        %dma_wait3A_80 = tpu.memref_slice %arg7[%rem3A_54, %dma_wait3A_78, %dma_wait3A_79] : memref<2x1000x16xf32, #tpu.memory_space<vmem>> -> memref<1x1000x16xf32, #tpu.memory_space<vmem>>
        %dma_wait3A_81 = tpu.memref_squeeze %dma_wait3A_80 : memref<1x1000x16xf32, #tpu.memory_space<vmem>> -> memref<1000x16xf32, #tpu.memory_space<vmem>>
        %dma_wait3A_82 = tpu.memref_slice %arg6[%multiple_of3A_59] : memref<10000xi32, #tpu.memory_space<vmem>> -> memref<1000xi32, #tpu.memory_space<vmem>>
        %dma_wait3A_83 = arith.constant 0 : i32
        %dma_wait3A_84 = arith.constant 0 : i32
        %dma_wait3A_85 = tpu.memref_slice %arg9[%dma_wait3A_83, %dma_wait3A_84] : memref<10240x16xf32, #tpu.memory_space<vmem_shared>> -> memref<10240x16xf32, #tpu.memory_space<vmem_shared>>
        tpu.wait_indirect_dma semaphore(%run_scoped3A_69 : memref<!tpu.dma_semaphore, #tpu.memory_space<semaphore_mem>>) src(%dma_wait3A_81 : memref<1000x16xf32, #tpu.memory_space<vmem>>) dst(%dma_wait3A_85 : memref<10240x16xf32, #tpu.memory_space<vmem_shared>>)
        tpu.yield
      }) : () -> ()
    }
    %scan3A_41 = arith.constant 10 : i32
    %barrier3A_42 = arith.constant 0 : index
    tpu.barrier barrier_id(%barrier3A_42)
    %add3A_43 = arith.constant 0 : i32
    %add3A_44 = arith.addi %multiple_of3A_5, %add3A_43 : i32
    "tpu.region"() ({
      %run_scoped3A_53 = tpu.sem_alloc : memref<!tpu.dma_semaphore, #tpu.memory_space<semaphore_mem>>
      %dma_start3A_54 = arith.constant 0 : i32
      %dma_start3A_55 = tpu.memref_slice %arg9[%add3A_44, %dma_start3A_54] : memref<10240x16xf32, #tpu.memory_space<vmem_shared>> -> memref<128x16xf32, #tpu.memory_space<vmem_shared>>
      %dma_start3A_56 = arith.constant 0 : i32
      %dma_start3A_57 = tpu.memref_slice %arg9[%add3A_44, %dma_start3A_56] : memref<10240x16xf32, #tpu.memory_space<vmem_shared>> -> memref<128x16xf32, #tpu.memory_space<vmem_shared>>
      tpu.enqueue_dma source(%dma_start3A_57 : memref<128x16xf32, #tpu.memory_space<vmem_shared>>) target(%arg8 : memref<128x16xf32, #tpu.memory_space<vmem>>) target_semaphore(%run_scoped3A_53 : memref<!tpu.dma_semaphore, #tpu.memory_space<semaphore_mem>>)
      %dma_wait3A = arith.constant 0 : i32
      %dma_wait3A_58 = tpu.memref_slice %arg9[%add3A_44, %dma_wait3A] : memref<10240x16xf32, #tpu.memory_space<vmem_shared>> -> memref<128x16xf32, #tpu.memory_space<vmem_shared>>
      %dma_wait3A_59 = arith.constant 0 : i32
      %dma_wait3A_60 = tpu.memref_slice %arg9[%add3A_44, %dma_wait3A_59] : memref<10240x16xf32, #tpu.memory_space<vmem_shared>> -> memref<128x16xf32, #tpu.memory_space<vmem_shared>>
      tpu.wait_dma2 semaphore(%run_scoped3A_53 : memref<!tpu.dma_semaphore, #tpu.memory_space<semaphore_mem>>) src(%dma_wait3A_60 : memref<128x16xf32, #tpu.memory_space<vmem_shared>>) dst(%arg8 : memref<128x16xf32, #tpu.memory_space<vmem>>)
      tpu.yield
    }) : () -> ()
    "tpu.region"() ({
      %run_scoped3A_53 = tpu.sem_alloc : memref<!tpu.dma_semaphore, #tpu.memory_space<semaphore_mem>>
      %dma_start3A_54 = arith.constant 0 : i32
      %dma_start3A_55 = tpu.memref_slice %arg4[%arg0, %add3A_44, %dma_start3A_54] : memref<2x10240x128xf32, #tpu.memory_space<hbm>> -> memref<1x128x16xf32, #tpu.memory_space<hbm>>
      %dma_start3A_56 = tpu.memref_squeeze %dma_start3A_55 : memref<1x128x16xf32, #tpu.memory_space<hbm>> -> memref<128x16xf32, #tpu.memory_space<hbm>>
      %dma_start3A_57 = arith.constant 0 : i32
      %dma_start3A_58 = tpu.memref_slice %arg4[%arg0, %add3A_44, %dma_start3A_57] : memref<2x10240x128xf32, #tpu.memory_space<hbm>> -> memref<1x128x16xf32, #tpu.memory_space<hbm>>
      %dma_start3A_59 = tpu.memref_squeeze %dma_start3A_58 : memref<1x128x16xf32, #tpu.memory_space<hbm>> -> memref<128x16xf32, #tpu.memory_space<hbm>>
      tpu.enqueue_dma source(%arg8 : memref<128x16xf32, #tpu.memory_space<vmem>>) target(%dma_start3A_59 : memref<128x16xf32, #tpu.memory_space<hbm>>) target_semaphore(%run_scoped3A_53 : memref<!tpu.dma_semaphore, #tpu.memory_space<semaphore_mem>>)
      %dma_wait3A = arith.constant 0 : i32
      %dma_wait3A_60 = tpu.memref_slice %arg4[%arg0, %add3A_44, %dma_wait3A] : memref<2x10240x128xf32, #tpu.memory_space<hbm>> -> memref<1x128x16xf32, #tpu.memory_space<hbm>>
      %dma_wait3A_61 = tpu.memref_squeeze %dma_wait3A_60 : memref<1x128x16xf32, #tpu.memory_space<hbm>> -> memref<128x16xf32, #tpu.memory_space<hbm>>
      %dma_wait3A_62 = arith.constant 0 : i32
      %dma_wait3A_63 = tpu.memref_slice %arg4[%arg0, %add3A_44, %dma_wait3A_62] : memref<2x10240x128xf32, #tpu.memory_space<hbm>> -> memref<1x128x16xf32, #tpu.memory_space<hbm>>
      %dma_wait3A_64 = tpu.memref_squeeze %dma_wait3A_63 : memref<1x128x16xf32, #tpu.memory_space<hbm>> -> memref<128x16xf32, #tpu.memory_space<hbm>>
      tpu.wait_dma2 semaphore(%run_scoped3A_53 : memref<!tpu.dma_semaphore, #tpu.memory_space<semaphore_mem>>) src(%arg8 : memref<128x16xf32, #tpu.memory_space<vmem>>) dst(%dma_wait3A_64 : memref<128x16xf32, #tpu.memory_space<hbm>>)
      tpu.yield
    }) : () -> ()
    %add3A_45 = arith.constant 128 : i32
    %add3A_46 = arith.addi %multiple_of3A_5, %add3A_45 : i32
    "tpu.region"() ({
      %run_scoped3A_53 = tpu.sem_alloc : memref<!tpu.dma_semaphore, #tpu.memory_space<semaphore_mem>>
      %dma_start3A_54 = arith.constant 0 : i32
      %dma_start3A_55 = tpu.memref_slice %arg9[%add3A_46, %dma_start3A_54] : memref<10240x16xf32, #tpu.memory_space<vmem_shared>> -> memref<128x16xf32, #tpu.memory_space<vmem_shared>>
      %dma_start3A_56 = arith.constant 0 : i32
      %dma_start3A_57 = tpu.memref_slice %arg9[%add3A_46, %dma_start3A_56] : memref<10240x16xf32, #tpu.memory_space<vmem_shared>> -> memref<128x16xf32, #tpu.memory_space<vmem_shared>>
      tpu.enqueue_dma source(%dma_start3A_57 : memref<128x16xf32, #tpu.memory_space<vmem_shared>>) target(%arg8 : memref<128x16xf32, #tpu.memory_space<vmem>>) target_semaphore(%run_scoped3A_53 : memref<!tpu.dma_semaphore, #tpu.memory_space<semaphore_mem>>)
      %dma_wait3A = arith.constant 0 : i32
      %dma_wait3A_58 = tpu.memref_slice %arg9[%add3A_46, %dma_wait3A] : memref<10240x16xf32, #tpu.memory_space<vmem_shared>> -> memref<128x16xf32, #tpu.memory_space<vmem_shared>>
      %dma_wait3A_59 = arith.constant 0 : i32
      %dma_wait3A_60 = tpu.memref_slice %arg9[%add3A_46, %dma_wait3A_59] : memref<10240x16xf32, #tpu.memory_space<vmem_shared>> -> memref<128x16xf32, #tpu.memory_space<vmem_shared>>
      tpu.wait_dma2 semaphore(%run_scoped3A_53 : memref<!tpu.dma_semaphore, #tpu.memory_space<semaphore_mem>>) src(%dma_wait3A_60 : memref<128x16xf32, #tpu.memory_space<vmem_shared>>) dst(%arg8 : memref<128x16xf32, #tpu.memory_space<vmem>>)
      tpu.yield
    }) : () -> ()
    "tpu.region"() ({
      %run_scoped3A_53 = tpu.sem_alloc : memref<!tpu.dma_semaphore, #tpu.memory_space<semaphore_mem>>
      %dma_start3A_54 = arith.constant 0 : i32
      %dma_start3A_55 = tpu.memref_slice %arg4[%arg0, %add3A_46, %dma_start3A_54] : memref<2x10240x128xf32, #tpu.memory_space<hbm>> -> memref<1x128x16xf32, #tpu.memory_space<hbm>>
      %dma_start3A_56 = tpu.memref_squeeze %dma_start3A_55 : memref<1x128x16xf32, #tpu.memory_space<hbm>> -> memref<128x16xf32, #tpu.memory_space<hbm>>
      %dma_start3A_57 = arith.constant 0 : i32
      %dma_start3A_58 = tpu.memref_slice %arg4[%arg0, %add3A_46, %dma_start3A_57] : memref<2x10240x128xf32, #tpu.memory_space<hbm>> -> memref<1x128x16xf32, #tpu.memory_space<hbm>>
      %dma_start3A_59 = tpu.memref_squeeze %dma_start3A_58 : memref<1x128x16xf32, #tpu.memory_space<hbm>> -> memref<128x16xf32, #tpu.memory_space<hbm>>
      tpu.enqueue_dma source(%arg8 : memref<128x16xf32, #tpu.memory_space<vmem>>) target(%dma_start3A_59 : memref<128x16xf32, #tpu.memory_space<hbm>>) target_semaphore(%run_scoped3A_53 : memref<!tpu.dma_semaphore, #tpu.memory_space<semaphore_mem>>)
      %dma_wait3A = arith.constant 0 : i32
      %dma_wait3A_60 = tpu.memref_slice %arg4[%arg0, %add3A_46, %dma_wait3A] : memref<2x10240x128xf32, #tpu.memory_space<hbm>> -> memref<1x128x16xf32, #tpu.memory_space<hbm>>
      %dma_wait3A_61 = tpu.memref_squeeze %dma_wait3A_60 : memref<1x128x16xf32, #tpu.memory_space<hbm>> -> memref<128x16xf32, #tpu.memory_space<hbm>>
      %dma_wait3A_62 = arith.constant 0 : i32
      %dma_wait3A_63 = tpu.memref_slice %arg4[%arg0, %add3A_46, %dma_wait3A_62] : memref<2x10240x128xf32, #tpu.memory_space<hbm>> -> memref<1x128x16xf32, #tpu.memory_space<hbm>>
      %dma_wait3A_64 = tpu.memref_squeeze %dma_wait3A_63 : memref<1x128x16xf32, #tpu.memory_space<hbm>> -> memref<128x16xf32, #tpu.memory_space<hbm>>
      tpu.wait_dma2 semaphore(%run_scoped3A_53 : memref<!tpu.dma_semaphore, #tpu.memory_space<semaphore_mem>>) src(%arg8 : memref<128x16xf32, #tpu.memory_space<vmem>>) dst(%dma_wait3A_64 : memref<128x16xf32, #tpu.memory_space<hbm>>)
      tpu.yield
    }) : () -> ()
    %add3A_47 = arith.constant 256 : i32
    %add3A_48 = arith.addi %multiple_of3A_5, %add3A_47 : i32
    "tpu.region"() ({
      %run_scoped3A_53 = tpu.sem_alloc : memref<!tpu.dma_semaphore, #tpu.memory_space<semaphore_mem>>
      %dma_start3A_54 = arith.constant 0 : i32
      %dma_start3A_55 = tpu.memref_slice %arg9[%add3A_48, %dma_start3A_54] : memref<10240x16xf32, #tpu.memory_space<vmem_shared>> -> memref<128x16xf32, #tpu.memory_space<vmem_shared>>
      %dma_start3A_56 = arith.constant 0 : i32
      %dma_start3A_57 = tpu.memref_slice %arg9[%add3A_48, %dma_start3A_56] : memref<10240x16xf32, #tpu.memory_space<vmem_shared>> -> memref<128x16xf32, #tpu.memory_space<vmem_shared>>
      tpu.enqueue_dma source(%dma_start3A_57 : memref<128x16xf32, #tpu.memory_space<vmem_shared>>) target(%arg8 : memref<128x16xf32, #tpu.memory_space<vmem>>) target_semaphore(%run_scoped3A_53 : memref<!tpu.dma_semaphore, #tpu.memory_space<semaphore_mem>>)
      %dma_wait3A = arith.constant 0 : i32
      %dma_wait3A_58 = tpu.memref_slice %arg9[%add3A_48, %dma_wait3A] : memref<10240x16xf32, #tpu.memory_space<vmem_shared>> -> memref<128x16xf32, #tpu.memory_space<vmem_shared>>
      %dma_wait3A_59 = arith.constant 0 : i32
      %dma_wait3A_60 = tpu.memref_slice %arg9[%add3A_48, %dma_wait3A_59] : memref<10240x16xf32, #tpu.memory_space<vmem_shared>> -> memref<128x16xf32, #tpu.memory_space<vmem_shared>>
      tpu.wait_dma2 semaphore(%run_scoped3A_53 : memref<!tpu.dma_semaphore, #tpu.memory_space<semaphore_mem>>) src(%dma_wait3A_60 : memref<128x16xf32, #tpu.memory_space<vmem_shared>>) dst(%arg8 : memref<128x16xf32, #tpu.memory_space<vmem>>)
      tpu.yield
    }) : () -> ()
    "tpu.region"() ({
      %run_scoped3A_53 = tpu.sem_alloc : memref<!tpu.dma_semaphore, #tpu.memory_space<semaphore_mem>>
      %dma_start3A_54 = arith.constant 0 : i32
      %dma_start3A_55 = tpu.memref_slice %arg4[%arg0, %add3A_48, %dma_start3A_54] : memref<2x10240x128xf32, #tpu.memory_space<hbm>> -> memref<1x128x16xf32, #tpu.memory_space<hbm>>
      %dma_start3A_56 = tpu.memref_squeeze %dma_start3A_55 : memref<1x128x16xf32, #tpu.memory_space<hbm>> -> memref<128x16xf32, #tpu.memory_space<hbm>>
      %dma_start3A_57 = arith.constant 0 : i32
      %dma_start3A_58 = tpu.memref_slice %arg4[%arg0, %add3A_48, %dma_start3A_57] : memref<2x10240x128xf32, #tpu.memory_space<hbm>> -> memref<1x128x16xf32, #tpu.memory_space<hbm>>
      %dma_start3A_59 = tpu.memref_squeeze %dma_start3A_58 : memref<1x128x16xf32, #tpu.memory_space<hbm>> -> memref<128x16xf32, #tpu.memory_space<hbm>>
      tpu.enqueue_dma source(%arg8 : memref<128x16xf32, #tpu.memory_space<vmem>>) target(%dma_start3A_59 : memref<128x16xf32, #tpu.memory_space<hbm>>) target_semaphore(%run_scoped3A_53 : memref<!tpu.dma_semaphore, #tpu.memory_space<semaphore_mem>>)
      %dma_wait3A = arith.constant 0 : i32
      %dma_wait3A_60 = tpu.memref_slice %arg4[%arg0, %add3A_48, %dma_wait3A] : memref<2x10240x128xf32, #tpu.memory_space<hbm>> -> memref<1x128x16xf32, #tpu.memory_space<hbm>>
      %dma_wait3A_61 = tpu.memref_squeeze %dma_wait3A_60 : memref<1x128x16xf32, #tpu.memory_space<hbm>> -> memref<128x16xf32, #tpu.memory_space<hbm>>
      %dma_wait3A_62 = arith.constant 0 : i32
      %dma_wait3A_63 = tpu.memref_slice %arg4[%arg0, %add3A_48, %dma_wait3A_62] : memref<2x10240x128xf32, #tpu.memory_space<hbm>> -> memref<1x128x16xf32, #tpu.memory_space<hbm>>
      %dma_wait3A_64 = tpu.memref_squeeze %dma_wait3A_63 : memref<1x128x16xf32, #tpu.memory_space<hbm>> -> memref<128x16xf32, #tpu.memory_space<hbm>>
      tpu.wait_dma2 semaphore(%run_scoped3A_53 : memref<!tpu.dma_semaphore, #tpu.memory_space<semaphore_mem>>) src(%arg8 : memref<128x16xf32, #tpu.memory_space<vmem>>) dst(%dma_wait3A_64 : memref<128x16xf32, #tpu.memory_space<hbm>>)
      tpu.yield
    }) : () -> ()
    %add3A_49 = arith.constant 384 : i32
    %add3A_50 = arith.addi %multiple_of3A_5, %add3A_49 : i32
    "tpu.region"() ({
      %run_scoped3A_53 = tpu.sem_alloc : memref<!tpu.dma_semaphore, #tpu.memory_space<semaphore_mem>>
      %dma_start3A_54 = arith.constant 0 : i32
      %dma_start3A_55 = tpu.memref_slice %arg9[%add3A_50, %dma_start3A_54] : memref<10240x16xf32, #tpu.memory_space<vmem_shared>> -> memref<128x16xf32, #tpu.memory_space<vmem_shared>>
      %dma_start3A_56 = arith.constant 0 : i32
      %dma_start3A_57 = tpu.memref_slice %arg9[%add3A_50, %dma_start3A_56] : memref<10240x16xf32, #tpu.memory_space<vmem_shared>> -> memref<128x16xf32, #tpu.memory_space<vmem_shared>>
      tpu.enqueue_dma source(%dma_start3A_57 : memref<128x16xf32, #tpu.memory_space<vmem_shared>>) target(%arg8 : memref<128x16xf32, #tpu.memory_space<vmem>>) target_semaphore(%run_scoped3A_53 : memref<!tpu.dma_semaphore, #tpu.memory_space<semaphore_mem>>)
      %dma_wait3A = arith.constant 0 : i32
      %dma_wait3A_58 = tpu.memref_slice %arg9[%add3A_50, %dma_wait3A] : memref<10240x16xf32, #tpu.memory_space<vmem_shared>> -> memref<128x16xf32, #tpu.memory_space<vmem_shared>>
      %dma_wait3A_59 = arith.constant 0 : i32
      %dma_wait3A_60 = tpu.memref_slice %arg9[%add3A_50, %dma_wait3A_59] : memref<10240x16xf32, #tpu.memory_space<vmem_shared>> -> memref<128x16xf32, #tpu.memory_space<vmem_shared>>
      tpu.wait_dma2 semaphore(%run_scoped3A_53 : memref<!tpu.dma_semaphore, #tpu.memory_space<semaphore_mem>>) src(%dma_wait3A_60 : memref<128x16xf32, #tpu.memory_space<vmem_shared>>) dst(%arg8 : memref<128x16xf32, #tpu.memory_space<vmem>>)
      tpu.yield
    }) : () -> ()
    "tpu.region"() ({
      %run_scoped3A_53 = tpu.sem_alloc : memref<!tpu.dma_semaphore, #tpu.memory_space<semaphore_mem>>
      %dma_start3A_54 = arith.constant 0 : i32
      %dma_start3A_55 = tpu.memref_slice %arg4[%arg0, %add3A_50, %dma_start3A_54] : memref<2x10240x128xf32, #tpu.memory_space<hbm>> -> memref<1x128x16xf32, #tpu.memory_space<hbm>>
      %dma_start3A_56 = tpu.memref_squeeze %dma_start3A_55 : memref<1x128x16xf32, #tpu.memory_space<hbm>> -> memref<128x16xf32, #tpu.memory_space<hbm>>
      %dma_start3A_57 = arith.constant 0 : i32
      %dma_start3A_58 = tpu.memref_slice %arg4[%arg0, %add3A_50, %dma_start3A_57] : memref<2x10240x128xf32, #tpu.memory_space<hbm>> -> memref<1x128x16xf32, #tpu.memory_space<hbm>>
      %dma_start3A_59 = tpu.memref_squeeze %dma_start3A_58 : memref<1x128x16xf32, #tpu.memory_space<hbm>> -> memref<128x16xf32, #tpu.memory_space<hbm>>
      tpu.enqueue_dma source(%arg8 : memref<128x16xf32, #tpu.memory_space<vmem>>) target(%dma_start3A_59 : memref<128x16xf32, #tpu.memory_space<hbm>>) target_semaphore(%run_scoped3A_53 : memref<!tpu.dma_semaphore, #tpu.memory_space<semaphore_mem>>)
      %dma_wait3A = arith.constant 0 : i32
      %dma_wait3A_60 = tpu.memref_slice %arg4[%arg0, %add3A_50, %dma_wait3A] : memref<2x10240x128xf32, #tpu.memory_space<hbm>> -> memref<1x128x16xf32, #tpu.memory_space<hbm>>
      %dma_wait3A_61 = tpu.memref_squeeze %dma_wait3A_60 : memref<1x128x16xf32, #tpu.memory_space<hbm>> -> memref<128x16xf32, #tpu.memory_space<hbm>>
      %dma_wait3A_62 = arith.constant 0 : i32
      %dma_wait3A_63 = tpu.memref_slice %arg4[%arg0, %add3A_50, %dma_wait3A_62] : memref<2x10240x128xf32, #tpu.memory_space<hbm>> -> memref<1x128x16xf32, #tpu.memory_space<hbm>>
      %dma_wait3A_64 = tpu.memref_squeeze %dma_wait3A_63 : memref<1x128x16xf32, #tpu.memory_space<hbm>> -> memref<128x16xf32, #tpu.memory_space<hbm>>
      tpu.wait_dma2 semaphore(%run_scoped3A_53 : memref<!tpu.dma_semaphore, #tpu.memory_space<semaphore_mem>>) src(%arg8 : memref<128x16xf32, #tpu.memory_space<vmem>>) dst(%dma_wait3A_64 : memref<128x16xf32, #tpu.memory_space<hbm>>)
      tpu.yield
    }) : () -> ()
    %add3A_51 = arith.constant 512 : i32
    %add3A_52 = arith.addi %multiple_of3A_5, %add3A_51 : i32
    "tpu.region"() ({
      %run_scoped3A_53 = tpu.sem_alloc : memref<!tpu.dma_semaphore, #tpu.memory_space<semaphore_mem>>
      %dma_start3A_54 = arith.constant 0 : i32
      %dma_start3A_55 = tpu.memref_slice %arg9[%add3A_52, %dma_start3A_54] : memref<10240x16xf32, #tpu.memory_space<vmem_shared>> -> memref<128x16xf32, #tpu.memory_space<vmem_shared>>
      %dma_start3A_56 = arith.constant 0 : i32
      %dma_start3A_57 = tpu.memref_slice %arg9[%add3A_52, %dma_start3A_56] : memref<10240x16xf32, #tpu.memory_space<vmem_shared>> -> memref<128x16xf32, #tpu.memory_space<vmem_shared>>
      tpu.enqueue_dma source(%dma_start3A_57 : memref<128x16xf32, #tpu.memory_space<vmem_shared>>) target(%arg8 : memref<128x16xf32, #tpu.memory_space<vmem>>) target_semaphore(%run_scoped3A_53 : memref<!tpu.dma_semaphore, #tpu.memory_space<semaphore_mem>>)
      %dma_wait3A = arith.constant 0 : i32
      %dma_wait3A_58 = tpu.memref_slice %arg9[%add3A_52, %dma_wait3A] : memref<10240x16xf32, #tpu.memory_space<vmem_shared>> -> memref<128x16xf32, #tpu.memory_space<vmem_shared>>
      %dma_wait3A_59 = arith.constant 0 : i32
      %dma_wait3A_60 = tpu.memref_slice %arg9[%add3A_52, %dma_wait3A_59] : memref<10240x16xf32, #tpu.memory_space<vmem_shared>> -> memref<128x16xf32, #tpu.memory_space<vmem_shared>>
      tpu.wait_dma2 semaphore(%run_scoped3A_53 : memref<!tpu.dma_semaphore, #tpu.memory_space<semaphore_mem>>) src(%dma_wait3A_60 : memref<128x16xf32, #tpu.memory_space<vmem_shared>>) dst(%arg8 : memref<128x16xf32, #tpu.memory_space<vmem>>)
      tpu.yield
    }) : () -> ()
    "tpu.region"() ({
      %run_scoped3A_53 = tpu.sem_alloc : memref<!tpu.dma_semaphore, #tpu.memory_space<semaphore_mem>>
      %dma_start3A_54 = arith.constant 0 : i32
      %dma_start3A_55 = tpu.memref_slice %arg4[%arg0, %add3A_52, %dma_start3A_54] : memref<2x10240x128xf32, #tpu.memory_space<hbm>> -> memref<1x128x16xf32, #tpu.memory_space<hbm>>
      %dma_start3A_56 = tpu.memref_squeeze %dma_start3A_55 : memref<1x128x16xf32, #tpu.memory_space<hbm>> -> memref<128x16xf32, #tpu.memory_space<hbm>>
      %dma_start3A_57 = arith.constant 0 : i32
      %dma_start3A_58 = tpu.memref_slice %arg4[%arg0, %add3A_52, %dma_start3A_57] : memref<2x10240x128xf32, #tpu.memory_space<hbm>> -> memref<1x128x16xf32, #tpu.memory_space<hbm>>
      %dma_start3A_59 = tpu.memref_squeeze %dma_start3A_58 : memref<1x128x16xf32, #tpu.memory_space<hbm>> -> memref<128x16xf32, #tpu.memory_space<hbm>>
      tpu.enqueue_dma source(%arg8 : memref<128x16xf32, #tpu.memory_space<vmem>>) target(%dma_start3A_59 : memref<128x16xf32, #tpu.memory_space<hbm>>) target_semaphore(%run_scoped3A_53 : memref<!tpu.dma_semaphore, #tpu.memory_space<semaphore_mem>>)
      %dma_wait3A = arith.constant 0 : i32
      %dma_wait3A_60 = tpu.memref_slice %arg4[%arg0, %add3A_52, %dma_wait3A] : memref<2x10240x128xf32, #tpu.memory_space<hbm>> -> memref<1x128x16xf32, #tpu.memory_space<hbm>>
      %dma_wait3A_61 = tpu.memref_squeeze %dma_wait3A_60 : memref<1x128x16xf32, #tpu.memory_space<hbm>> -> memref<128x16xf32, #tpu.memory_space<hbm>>
      %dma_wait3A_62 = arith.constant 0 : i32
      %dma_wait3A_63 = tpu.memref_slice %arg4[%arg0, %add3A_52, %dma_wait3A_62] : memref<2x10240x128xf32, #tpu.memory_space<hbm>> -> memref<1x128x16xf32, #tpu.memory_space<hbm>>
      %dma_wait3A_64 = tpu.memref_squeeze %dma_wait3A_63 : memref<1x128x16xf32, #tpu.memory_space<hbm>> -> memref<128x16xf32, #tpu.memory_space<hbm>>
      tpu.wait_dma2 semaphore(%run_scoped3A_53 : memref<!tpu.dma_semaphore, #tpu.memory_space<semaphore_mem>>) src(%arg8 : memref<128x16xf32, #tpu.memory_space<vmem>>) dst(%dma_wait3A_64 : memref<128x16xf32, #tpu.memory_space<hbm>>)
      tpu.yield
    }) : () -> ()
    return
  }
}

module attributes {stable_mosaic.version = 14 : i64} {
  func.func @_mm_body(%arg0: memref<10000x128xf32, #tpu.memory_space<vmem>>, %arg1: memref<128x64xf32, #tpu.memory_space<vmem>>, %arg2: memref<10000x64xf32, #tpu.memory_space<vmem>>) attributes {dimension_semantics = [], scalar_prefetch = 0 : i64, scratch_operands = 0 : i64, tpu.core_type = #tpu.core_type<tc>} {
    %get3A = arith.constant 0 : index
    %get3A_0 = arith.constant 0 : index
    %get3A_1 = vector.load %arg0[%get3A, %get3A_0] : memref<10000x128xf32, #tpu.memory_space<vmem>>, vector<10000x128xf32>
    %get3A_2 = arith.constant 0 : index
    %get3A_3 = arith.constant 0 : index
    %get3A_4 = vector.load %arg1[%get3A_2, %get3A_3] : memref<128x64xf32, #tpu.memory_space<vmem>>, vector<128x64xf32>
    %dot_general3A = arith.constant dense<0.000000e+00> : vector<10000x64xf32>
    %dot_general3A_5 = tpu.matmul %get3A_1, %get3A_4, %dot_general3A {dimension_numbers = #tpu.dot_dimension_numbers<[1], [0], [0], [1], [0, 0, 1, 1], [], []>, transpose_lhs_hint = false} : vector<10000x128xf32>, vector<128x64xf32>, vector<10000x64xf32> -> vector<10000x64xf32>
    %swap3A = arith.constant 0 : index
    %swap3A_6 = arith.constant 0 : index
    %swap3A_7 = vector.load %arg2[%swap3A, %swap3A_6] : memref<10000x64xf32, #tpu.memory_space<vmem>>, vector<10000x64xf32>
    tpu.vector_store %arg2[%swap3A, %swap3A_6], %dot_general3A_5 {strides = array<i32>} : memref<10000x64xf32, #tpu.memory_space<vmem>>, vector<10000x64xf32>,
    return
  }
}

module attributes {stable_mosaic.version = 14 : i64} {
  func.func @body(%arg0: i32, %arg1: memref<2000x128xf32, #tpu.memory_space<vmem>>, %arg2: memref<128x64xf32, #tpu.memory_space<vmem>>, %arg3: memref<2x2000x128xf32, #tpu.memory_space<vmem>>, %arg4: memref<2x2000x128xf32, #tpu.memory_space<vmem>>, %arg5: memref<16x64xf32, #tpu.memory_space<vmem>>, %arg6: memref<1x64xf32, #tpu.memory_space<vmem>>, %arg7: memref<64x64xf32, #tpu.memory_space<vmem>>, %arg8: memref<2000x64xf32, #tpu.memory_space<vmem>>, %arg9: memref<2000x64xf32, #tpu.memory_space<vmem>>) attributes {dimension_semantics = [#tpu.dimension_semantics<arbitrary>], iteration_bounds = array<i64: 5>, scalar_prefetch = 0 : i64, scratch_operands = 0 : i64, tpu.core_type = #tpu.core_type<tc>, window_params = [{transform_indices = @transform_0, window_bounds = array<i64: 2000, 128>}, {pipeline_mode = #tpu.pipeline_mode<synchronous>, transform_indices = @transform_1, window_bounds = array<i64: 128, 64>}, {transform_indices = @transform_2, window_bounds = array<i64: 2, 2000, 128>}, {transform_indices = @transform_3, window_bounds = array<i64: 2, 2000, 128>}, {pipeline_mode = #tpu.pipeline_mode<synchronous>, transform_indices = @transform_4, window_bounds = array<i64: 16, 64>}, {pipeline_mode = #tpu.pipeline_mode<synchronous>, transform_indices = @transform_5, window_bounds = array<i64: 1, 64>}, {pipeline_mode = #tpu.pipeline_mode<synchronous>, transform_indices = @transform_6, window_bounds = array<i64: 64, 64>}, {transform_indices = @transform_7, window_bounds = array<i64: 2000, 64>}, {transform_indices = @transform_8, window_bounds = array<i64: 2000, 64>}]} {
    %get3A = arith.constant 0 : index
    %get3A_0 = arith.constant 0 : index
    %get3A_1 = arith.constant 0 : index
    %get3A_2 = vector.load %arg3[%get3A, %get3A_0, %get3A_1] : memref<2x2000x128xf32, #tpu.memory_space<vmem>>, vector<1x2000x64xf32>
    %get3A_3 = vector.shape_cast %get3A_2 : vector<1x2000x64xf32> to vector<2000x64xf32>
    %get3A_4 = arith.constant 1 : index
    %get3A_5 = arith.constant 0 : index
    %get3A_6 = arith.constant 0 : index
    %get3A_7 = vector.load %arg3[%get3A_4, %get3A_5, %get3A_6] : memref<2x2000x128xf32, #tpu.memory_space<vmem>>, vector<1x2000x64xf32>
    %get3A_8 = vector.shape_cast %get3A_7 : vector<1x2000x64xf32> to vector<2000x64xf32>
    %add3A = arith.addf %get3A_3, %get3A_8 : vector<2000x64xf32>
    %get3A_9 = arith.constant 0 : index
    %get3A_10 = arith.constant 0 : index
    %get3A_11 = arith.constant 0 : index
    %get3A_12 = vector.load %arg4[%get3A_9, %get3A_10, %get3A_11] : memref<2x2000x128xf32, #tpu.memory_space<vmem>>, vector<1x2000x16xf32>
    %get3A_13 = vector.shape_cast %get3A_12 : vector<1x2000x16xf32> to vector<2000x16xf32>
    %get3A_14 = arith.constant 1 : index
    %get3A_15 = arith.constant 0 : index
    %get3A_16 = arith.constant 0 : index
    %get3A_17 = vector.load %arg4[%get3A_14, %get3A_15, %get3A_16] : memref<2x2000x128xf32, #tpu.memory_space<vmem>>, vector<1x2000x16xf32>
    %get3A_18 = vector.shape_cast %get3A_17 : vector<1x2000x16xf32> to vector<2000x16xf32>
    %add3A_19 = arith.addf %get3A_13, %get3A_18 : vector<2000x16xf32>
    %get3A_20 = arith.constant 0 : index
    %get3A_21 = arith.constant 0 : index
    %get3A_22 = arith.constant 16 : index
    %get3A_23 = vector.load %arg4[%get3A_20, %get3A_21, %get3A_22] : memref<2x2000x128xf32, #tpu.memory_space<vmem>>, vector<1x2000x1xf32>
    %get3A_24 = vector.shape_cast %get3A_23 : vector<1x2000x1xf32> to vector<2000x1xf32>
    %get3A_25 = arith.constant 1 : index
    %get3A_26 = arith.constant 0 : index
    %get3A_27 = arith.constant 16 : index
    %get3A_28 = vector.load %arg4[%get3A_25, %get3A_26, %get3A_27] : memref<2x2000x128xf32, #tpu.memory_space<vmem>>, vector<1x2000x1xf32>
    %get3A_29 = vector.shape_cast %get3A_28 : vector<1x2000x1xf32> to vector<2000x1xf32>
    %add3A_30 = arith.addf %get3A_24, %get3A_29 : vector<2000x1xf32>
    %max3A = arith.constant 1.000000e+00 : f32
    %max3A_31 = vector.broadcast %max3A : f32 to vector<2000x1xf32>
    %max3A_32 = arith.maximumf %add3A_30, %max3A_31 : vector<2000x1xf32>
    %get3A_33 = arith.constant 0 : index
    %get3A_34 = arith.constant 0 : index
    %get3A_35 = vector.load %arg5[%get3A_33, %get3A_34] : memref<16x64xf32, #tpu.memory_space<vmem>>, vector<16x64xf32>
    %dot_general3A = arith.constant dense<0.000000e+00> : vector<2000x64xf32>
    %dot_general3A_36 = tpu.matmul %add3A_19, %get3A_35, %dot_general3A {dimension_numbers = #tpu.dot_dimension_numbers<[1], [0], [0], [1], [0, 0, 1, 1], [], []>, precision = #tpu.contract_precision<fp32>, transpose_lhs_hint = false} : vector<2000x16xf32>, vector<16x64xf32>, vector<2000x64xf32> -> vector<2000x64xf32>
    %add3A_37 = arith.addf %add3A, %dot_general3A_36 : vector<2000x64xf32>
    %div3A = vector.broadcast %max3A_32 : vector<2000x1xf32> to vector<2000x64xf32>
    %div3A_38 = arith.divf %add3A_37, %div3A : vector<2000x64xf32>
    %get3A_39 = arith.constant 0 : index
    %get3A_40 = arith.constant 0 : index
    %get3A_41 = vector.load %arg1[%get3A_39, %get3A_40] : memref<2000x128xf32, #tpu.memory_space<vmem>>, vector<2000x128xf32>
    %get3A_42 = arith.constant 0 : index
    %get3A_43 = arith.constant 0 : index
    %get3A_44 = vector.load %arg2[%get3A_42, %get3A_43] : memref<128x64xf32, #tpu.memory_space<vmem>>, vector<128x64xf32>
    %dot_general3A_45 = arith.constant dense<0.000000e+00> : vector<2000x64xf32>
    %dot_general3A_46 = tpu.matmul %get3A_41, %get3A_44, %dot_general3A_45 {dimension_numbers = #tpu.dot_dimension_numbers<[1], [0], [0], [1], [0, 0, 1, 1], [], []>, transpose_lhs_hint = false} : vector<2000x128xf32>, vector<128x64xf32>, vector<2000x64xf32> -> vector<2000x64xf32>
    %add3A_47 = arith.addf %dot_general3A_46, %div3A_38 : vector<2000x64xf32>
    %get3A_48 = arith.constant 0 : index
    %get3A_49 = arith.constant 0 : index
    %get3A_50 = vector.load %arg6[%get3A_48, %get3A_49] : memref<1x64xf32, #tpu.memory_space<vmem>>, vector<1x64xf32>
    %add3A_51 = vector.broadcast %get3A_50 : vector<1x64xf32> to vector<2000x64xf32>
    %add3A_52 = arith.addf %add3A_47, %add3A_51 : vector<2000x64xf32>
    %max3A_53 = arith.constant 0.000000e+00 : f32
    %max3A_54 = vector.broadcast %max3A_53 : f32 to vector<2000x64xf32>
    %max3A_55 = arith.maximumf %add3A_52, %max3A_54 : vector<2000x64xf32>
    %swap3A = arith.constant 0 : index
    %swap3A_56 = arith.constant 0 : index
    %swap3A_57 = vector.load %arg8[%swap3A, %swap3A_56] : memref<2000x64xf32, #tpu.memory_space<vmem>>, vector<2000x64xf32>
    tpu.vector_store %arg8[%swap3A, %swap3A_56], %max3A_55 {strides = array<i32>} : memref<2000x64xf32, #tpu.memory_space<vmem>>, vector<2000x64xf32>,
    %get3A_58 = arith.constant 0 : index
    %get3A_59 = arith.constant 0 : index
    %get3A_60 = vector.load %arg7[%get3A_58, %get3A_59] : memref<64x64xf32, #tpu.memory_space<vmem>>, vector<64x64xf32>
    %dot_general3A_61 = arith.constant dense<0.000000e+00> : vector<2000x64xf32>
    %dot_general3A_62 = tpu.matmul %max3A_55, %get3A_60, %dot_general3A_61 {dimension_numbers = #tpu.dot_dimension_numbers<[1], [0], [0], [1], [0, 0, 1, 1], [], []>, transpose_lhs_hint = false} : vector<2000x64xf32>, vector<64x64xf32>, vector<2000x64xf32> -> vector<2000x64xf32>
    %swap3A_63 = arith.constant 0 : index
    %swap3A_64 = arith.constant 0 : index
    %swap3A_65 = vector.load %arg9[%swap3A_63, %swap3A_64] : memref<2000x64xf32, #tpu.memory_space<vmem>>, vector<2000x64xf32>
    tpu.vector_store %arg9[%swap3A_63, %swap3A_64], %dot_general3A_62 {strides = array<i32>} : memref<2000x64xf32, #tpu.memory_space<vmem>>, vector<2000x64xf32>,
    return
  }
  func.func @transform_0(%arg0: i32) -> (i32, i32) {
    %c0_i32 = arith.constant 0 : i32
    %c0_i32_0 = arith.constant 0 : i32
    return %arg0, %c0_i32 : i32, i32
  }
  func.func @transform_1(%arg0: i32) -> (i32, i32) {
    %c0_i32 = arith.constant 0 : i32
    %c0_i32_0 = arith.constant 0 : i32
    %c0_i32_1 = arith.constant 0 : i32
    return %c0_i32, %c0_i32_0 : i32, i32
  }
  func.func @transform_2(%arg0: i32) -> (i32, i32, i32) {
    %c0_i32 = arith.constant 0 : i32
    %c0_i32_0 = arith.constant 0 : i32
    %c0_i32_1 = arith.constant 0 : i32
    return %c0_i32, %arg0, %c0_i32_0 : i32, i32, i32
  }
  func.func @transform_3(%arg0: i32) -> (i32, i32, i32) {
    %c0_i32 = arith.constant 0 : i32
    %c0_i32_0 = arith.constant 0 : i32
    %c0_i32_1 = arith.constant 0 : i32
    return %c0_i32, %arg0, %c0_i32_0 : i32, i32, i32
  }
  func.func @transform_4(%arg0: i32) -> (i32, i32) {
    %c0_i32 = arith.constant 0 : i32
    %c0_i32_0 = arith.constant 0 : i32
    %c0_i32_1 = arith.constant 0 : i32
    return %c0_i32, %c0_i32_0 : i32, i32
  }
  func.func @transform_5(%arg0: i32) -> (i32, i32) {
    %c0_i32 = arith.constant 0 : i32
    %c0_i32_0 = arith.constant 0 : i32
    %c0_i32_1 = arith.constant 0 : i32
    return %c0_i32, %c0_i32_0 : i32, i32
  }
  func.func @transform_6(%arg0: i32) -> (i32, i32) {
    %c0_i32 = arith.constant 0 : i32
    %c0_i32_0 = arith.constant 0 : i32
    %c0_i32_1 = arith.constant 0 : i32
    return %c0_i32, %c0_i32_0 : i32, i32
  }
  func.func @transform_7(%arg0: i32) -> (i32, i32) {
    %c0_i32 = arith.constant 0 : i32
    %c0_i32_0 = arith.constant 0 : i32
    return %arg0, %c0_i32 : i32, i32
  }
  func.func @transform_8(%arg0: i32) -> (i32, i32) {
    %c0_i32 = arith.constant 0 : i32
    %c0_i32_0 = arith.constant 0 : i32
    return %arg0, %c0_i32 : i32, i32
  }
}

module attributes {stable_mosaic.version = 14 : i64} {
  func.func @body(%arg0: i32, %arg1: memref<2000x64xf32, #tpu.memory_space<vmem>>, %arg2: memref<64x64xf32, #tpu.memory_space<vmem>>, %arg3: memref<2x2000x128xf32, #tpu.memory_space<vmem>>, %arg4: memref<2x2000x128xf32, #tpu.memory_space<vmem>>, %arg5: memref<16x64xf32, #tpu.memory_space<vmem>>, %arg6: memref<1x64xf32, #tpu.memory_space<vmem>>, %arg7: memref<64x16xf32, #tpu.memory_space<vmem>>, %arg8: memref<2000x64xf32, #tpu.memory_space<vmem>>, %arg9: memref<2000x16xf32, #tpu.memory_space<vmem>>) attributes {dimension_semantics = [#tpu.dimension_semantics<arbitrary>], iteration_bounds = array<i64: 5>, scalar_prefetch = 0 : i64, scratch_operands = 0 : i64, tpu.core_type = #tpu.core_type<tc>, window_params = [{transform_indices = @transform_0, window_bounds = array<i64: 2000, 64>}, {pipeline_mode = #tpu.pipeline_mode<synchronous>, transform_indices = @transform_1, window_bounds = array<i64: 64, 64>}, {transform_indices = @transform_2, window_bounds = array<i64: 2, 2000, 128>}, {transform_indices = @transform_3, window_bounds = array<i64: 2, 2000, 128>}, {pipeline_mode = #tpu.pipeline_mode<synchronous>, transform_indices = @transform_4, window_bounds = array<i64: 16, 64>}, {pipeline_mode = #tpu.pipeline_mode<synchronous>, transform_indices = @transform_5, window_bounds = array<i64: 1, 64>}, {pipeline_mode = #tpu.pipeline_mode<synchronous>, transform_indices = @transform_6, window_bounds = array<i64: 64, 16>}, {transform_indices = @transform_7, window_bounds = array<i64: 2000, 64>}, {transform_indices = @transform_8, window_bounds = array<i64: 2000, 16>}]} {
    %get3A = arith.constant 0 : index
    %get3A_0 = arith.constant 0 : index
    %get3A_1 = arith.constant 0 : index
    %get3A_2 = vector.load %arg3[%get3A, %get3A_0, %get3A_1] : memref<2x2000x128xf32, #tpu.memory_space<vmem>>, vector<1x2000x64xf32>
    %get3A_3 = vector.shape_cast %get3A_2 : vector<1x2000x64xf32> to vector<2000x64xf32>
    %get3A_4 = arith.constant 1 : index
    %get3A_5 = arith.constant 0 : index
    %get3A_6 = arith.constant 0 : index
    %get3A_7 = vector.load %arg3[%get3A_4, %get3A_5, %get3A_6] : memref<2x2000x128xf32, #tpu.memory_space<vmem>>, vector<1x2000x64xf32>
    %get3A_8 = vector.shape_cast %get3A_7 : vector<1x2000x64xf32> to vector<2000x64xf32>
    %add3A = arith.addf %get3A_3, %get3A_8 : vector<2000x64xf32>
    %get3A_9 = arith.constant 0 : index
    %get3A_10 = arith.constant 0 : index
    %get3A_11 = arith.constant 0 : index
    %get3A_12 = vector.load %arg4[%get3A_9, %get3A_10, %get3A_11] : memref<2x2000x128xf32, #tpu.memory_space<vmem>>, vector<1x2000x16xf32>
    %get3A_13 = vector.shape_cast %get3A_12 : vector<1x2000x16xf32> to vector<2000x16xf32>
    %get3A_14 = arith.constant 1 : index
    %get3A_15 = arith.constant 0 : index
    %get3A_16 = arith.constant 0 : index
    %get3A_17 = vector.load %arg4[%get3A_14, %get3A_15, %get3A_16] : memref<2x2000x128xf32, #tpu.memory_space<vmem>>, vector<1x2000x16xf32>
    %get3A_18 = vector.shape_cast %get3A_17 : vector<1x2000x16xf32> to vector<2000x16xf32>
    %add3A_19 = arith.addf %get3A_13, %get3A_18 : vector<2000x16xf32>
    %get3A_20 = arith.constant 0 : index
    %get3A_21 = arith.constant 0 : index
    %get3A_22 = arith.constant 16 : index
    %get3A_23 = vector.load %arg4[%get3A_20, %get3A_21, %get3A_22] : memref<2x2000x128xf32, #tpu.memory_space<vmem>>, vector<1x2000x1xf32>
    %get3A_24 = vector.shape_cast %get3A_23 : vector<1x2000x1xf32> to vector<2000x1xf32>
    %get3A_25 = arith.constant 1 : index
    %get3A_26 = arith.constant 0 : index
    %get3A_27 = arith.constant 16 : index
    %get3A_28 = vector.load %arg4[%get3A_25, %get3A_26, %get3A_27] : memref<2x2000x128xf32, #tpu.memory_space<vmem>>, vector<1x2000x1xf32>
    %get3A_29 = vector.shape_cast %get3A_28 : vector<1x2000x1xf32> to vector<2000x1xf32>
    %add3A_30 = arith.addf %get3A_24, %get3A_29 : vector<2000x1xf32>
    %max3A = arith.constant 1.000000e+00 : f32
    %max3A_31 = vector.broadcast %max3A : f32 to vector<2000x1xf32>
    %max3A_32 = arith.maximumf %add3A_30, %max3A_31 : vector<2000x1xf32>
    %get3A_33 = arith.constant 0 : index
    %get3A_34 = arith.constant 0 : index
    %get3A_35 = vector.load %arg5[%get3A_33, %get3A_34] : memref<16x64xf32, #tpu.memory_space<vmem>>, vector<16x64xf32>
    %dot_general3A = arith.constant dense<0.000000e+00> : vector<2000x64xf32>
    %dot_general3A_36 = tpu.matmul %add3A_19, %get3A_35, %dot_general3A {dimension_numbers = #tpu.dot_dimension_numbers<[1], [0], [0], [1], [0, 0, 1, 1], [], []>, precision = #tpu.contract_precision<fp32>, transpose_lhs_hint = false} : vector<2000x16xf32>, vector<16x64xf32>, vector<2000x64xf32> -> vector<2000x64xf32>
    %add3A_37 = arith.addf %add3A, %dot_general3A_36 : vector<2000x64xf32>
    %div3A = vector.broadcast %max3A_32 : vector<2000x1xf32> to vector<2000x64xf32>
    %div3A_38 = arith.divf %add3A_37, %div3A : vector<2000x64xf32>
    %get3A_39 = arith.constant 0 : index
    %get3A_40 = arith.constant 0 : index
    %get3A_41 = vector.load %arg1[%get3A_39, %get3A_40] : memref<2000x64xf32, #tpu.memory_space<vmem>>, vector<2000x64xf32>
    %get3A_42 = arith.constant 0 : index
    %get3A_43 = arith.constant 0 : index
    %get3A_44 = vector.load %arg2[%get3A_42, %get3A_43] : memref<64x64xf32, #tpu.memory_space<vmem>>, vector<64x64xf32>
    %dot_general3A_45 = arith.constant dense<0.000000e+00> : vector<2000x64xf32>
    %dot_general3A_46 = tpu.matmul %get3A_41, %get3A_44, %dot_general3A_45 {dimension_numbers = #tpu.dot_dimension_numbers<[1], [0], [0], [1], [0, 0, 1, 1], [], []>, transpose_lhs_hint = false} : vector<2000x64xf32>, vector<64x64xf32>, vector<2000x64xf32> -> vector<2000x64xf32>
    %add3A_47 = arith.addf %dot_general3A_46, %div3A_38 : vector<2000x64xf32>
    %get3A_48 = arith.constant 0 : index
    %get3A_49 = arith.constant 0 : index
    %get3A_50 = vector.load %arg6[%get3A_48, %get3A_49] : memref<1x64xf32, #tpu.memory_space<vmem>>, vector<1x64xf32>
    %add3A_51 = vector.broadcast %get3A_50 : vector<1x64xf32> to vector<2000x64xf32>
    %add3A_52 = arith.addf %add3A_47, %add3A_51 : vector<2000x64xf32>
    %max3A_53 = arith.constant 0.000000e+00 : f32
    %max3A_54 = vector.broadcast %max3A_53 : f32 to vector<2000x64xf32>
    %max3A_55 = arith.maximumf %add3A_52, %max3A_54 : vector<2000x64xf32>
    %swap3A = arith.constant 0 : index
    %swap3A_56 = arith.constant 0 : index
    %swap3A_57 = vector.load %arg8[%swap3A, %swap3A_56] : memref<2000x64xf32, #tpu.memory_space<vmem>>, vector<2000x64xf32>
    tpu.vector_store %arg8[%swap3A, %swap3A_56], %max3A_55 {strides = array<i32>} : memref<2000x64xf32, #tpu.memory_space<vmem>>, vector<2000x64xf32>,
    %get3A_58 = arith.constant 0 : index
    %get3A_59 = arith.constant 0 : index
    %get3A_60 = vector.load %arg7[%get3A_58, %get3A_59] : memref<64x16xf32, #tpu.memory_space<vmem>>, vector<64x16xf32>
    %dot_general3A_61 = arith.constant dense<0.000000e+00> : vector<2000x16xf32>
    %dot_general3A_62 = tpu.matmul %max3A_55, %get3A_60, %dot_general3A_61 {dimension_numbers = #tpu.dot_dimension_numbers<[1], [0], [0], [1], [0, 0, 1, 1], [], []>, transpose_lhs_hint = false} : vector<2000x64xf32>, vector<64x16xf32>, vector<2000x16xf32> -> vector<2000x16xf32>
    %swap3A_63 = arith.constant 0 : index
    %swap3A_64 = arith.constant 0 : index
    %swap3A_65 = vector.load %arg9[%swap3A_63, %swap3A_64] : memref<2000x16xf32, #tpu.memory_space<vmem>>, vector<2000x16xf32>
    tpu.vector_store %arg9[%swap3A_63, %swap3A_64], %dot_general3A_62 {strides = array<i32>} : memref<2000x16xf32, #tpu.memory_space<vmem>>, vector<2000x16xf32>,
    return
  }
  func.func @transform_0(%arg0: i32) -> (i32, i32) {
    %c0_i32 = arith.constant 0 : i32
    %c0_i32_0 = arith.constant 0 : i32
    return %arg0, %c0_i32 : i32, i32
  }
  func.func @transform_1(%arg0: i32) -> (i32, i32) {
    %c0_i32 = arith.constant 0 : i32
    %c0_i32_0 = arith.constant 0 : i32
    %c0_i32_1 = arith.constant 0 : i32
    return %c0_i32, %c0_i32_0 : i32, i32
  }
  func.func @transform_2(%arg0: i32) -> (i32, i32, i32) {
    %c0_i32 = arith.constant 0 : i32
    %c0_i32_0 = arith.constant 0 : i32
    %c0_i32_1 = arith.constant 0 : i32
    return %c0_i32, %arg0, %c0_i32_0 : i32, i32, i32
  }
  func.func @transform_3(%arg0: i32) -> (i32, i32, i32) {
    %c0_i32 = arith.constant 0 : i32
    %c0_i32_0 = arith.constant 0 : i32
    %c0_i32_1 = arith.constant 0 : i32
    return %c0_i32, %arg0, %c0_i32_0 : i32, i32, i32
  }
  func.func @transform_4(%arg0: i32) -> (i32, i32) {
    %c0_i32 = arith.constant 0 : i32
    %c0_i32_0 = arith.constant 0 : i32
    %c0_i32_1 = arith.constant 0 : i32
    return %c0_i32, %c0_i32_0 : i32, i32
  }
  func.func @transform_5(%arg0: i32) -> (i32, i32) {
    %c0_i32 = arith.constant 0 : i32
    %c0_i32_0 = arith.constant 0 : i32
    %c0_i32_1 = arith.constant 0 : i32
    return %c0_i32, %c0_i32_0 : i32, i32
  }
  func.func @transform_6(%arg0: i32) -> (i32, i32) {
    %c0_i32 = arith.constant 0 : i32
    %c0_i32_0 = arith.constant 0 : i32
    %c0_i32_1 = arith.constant 0 : i32
    return %c0_i32, %c0_i32_0 : i32, i32
  }
  func.func @transform_7(%arg0: i32) -> (i32, i32) {
    %c0_i32 = arith.constant 0 : i32
    %c0_i32_0 = arith.constant 0 : i32
    return %arg0, %c0_i32 : i32, i32
  }
  func.func @transform_8(%arg0: i32) -> (i32, i32) {
    %c0_i32 = arith.constant 0 : i32
    %c0_i32_0 = arith.constant 0 : i32
    return %arg0, %c0_i32 : i32, i32
  }
}

module attributes {stable_mosaic.version = 14 : i64} {
  func.func @body(%arg0: i32, %arg1: memref<8x64xf32, #tpu.memory_space<vmem>>, %arg2: memref<64x16xf32, #tpu.memory_space<vmem>>, %arg3: memref<2x8x128xf32, #tpu.memory_space<vmem>>, %arg4: memref<2x8x128xf32, #tpu.memory_space<vmem>>, %arg5: memref<16x16xf32, #tpu.memory_space<vmem>>, %arg6: memref<1x16xf32, #tpu.memory_space<vmem>>, %arg7: memref<8x16xf32, #tpu.memory_space<vmem>>) attributes {dimension_semantics = [#tpu.dimension_semantics<arbitrary>], iteration_bounds = array<i64: 1>, scalar_prefetch = 0 : i64, scratch_operands = 0 : i64, tpu.core_type = #tpu.core_type<tc>, window_params = [{transform_indices = @transform_0, window_bounds = array<i64: 8, 64>}, {pipeline_mode = #tpu.pipeline_mode<synchronous>, transform_indices = @transform_1, window_bounds = array<i64: 64, 16>}, {transform_indices = @transform_2, window_bounds = array<i64: 2, 8, 128>}, {transform_indices = @transform_3, window_bounds = array<i64: 2, 8, 128>}, {pipeline_mode = #tpu.pipeline_mode<synchronous>, transform_indices = @transform_4, window_bounds = array<i64: 16, 16>}, {pipeline_mode = #tpu.pipeline_mode<synchronous>, transform_indices = @transform_5, window_bounds = array<i64: 1, 16>}, {transform_indices = @transform_6, window_bounds = array<i64: 8, 16>}]} {
    %get3A = arith.constant 0 : index
    %get3A_0 = arith.constant 0 : index
    %get3A_1 = arith.constant 0 : index
    %get3A_2 = vector.load %arg3[%get3A, %get3A_0, %get3A_1] : memref<2x8x128xf32, #tpu.memory_space<vmem>>, vector<1x8x16xf32>
    %get3A_3 = vector.shape_cast %get3A_2 : vector<1x8x16xf32> to vector<8x16xf32>
    %get3A_4 = arith.constant 1 : index
    %get3A_5 = arith.constant 0 : index
    %get3A_6 = arith.constant 0 : index
    %get3A_7 = vector.load %arg3[%get3A_4, %get3A_5, %get3A_6] : memref<2x8x128xf32, #tpu.memory_space<vmem>>, vector<1x8x16xf32>
    %get3A_8 = vector.shape_cast %get3A_7 : vector<1x8x16xf32> to vector<8x16xf32>
    %add3A = arith.addf %get3A_3, %get3A_8 : vector<8x16xf32>
    %get3A_9 = arith.constant 0 : index
    %get3A_10 = arith.constant 0 : index
    %get3A_11 = arith.constant 0 : index
    %get3A_12 = vector.load %arg4[%get3A_9, %get3A_10, %get3A_11] : memref<2x8x128xf32, #tpu.memory_space<vmem>>, vector<1x8x16xf32>
    %get3A_13 = vector.shape_cast %get3A_12 : vector<1x8x16xf32> to vector<8x16xf32>
    %get3A_14 = arith.constant 1 : index
    %get3A_15 = arith.constant 0 : index
    %get3A_16 = arith.constant 0 : index
    %get3A_17 = vector.load %arg4[%get3A_14, %get3A_15, %get3A_16] : memref<2x8x128xf32, #tpu.memory_space<vmem>>, vector<1x8x16xf32>
    %get3A_18 = vector.shape_cast %get3A_17 : vector<1x8x16xf32> to vector<8x16xf32>
    %add3A_19 = arith.addf %get3A_13, %get3A_18 : vector<8x16xf32>
    %get3A_20 = arith.constant 0 : index
    %get3A_21 = arith.constant 0 : index
    %get3A_22 = arith.constant 16 : index
    %get3A_23 = vector.load %arg4[%get3A_20, %get3A_21, %get3A_22] : memref<2x8x128xf32, #tpu.memory_space<vmem>>, vector<1x8x1xf32>
    %get3A_24 = vector.shape_cast %get3A_23 : vector<1x8x1xf32> to vector<8x1xf32>
    %get3A_25 = arith.constant 1 : index
    %get3A_26 = arith.constant 0 : index
    %get3A_27 = arith.constant 16 : index
    %get3A_28 = vector.load %arg4[%get3A_25, %get3A_26, %get3A_27] : memref<2x8x128xf32, #tpu.memory_space<vmem>>, vector<1x8x1xf32>
    %get3A_29 = vector.shape_cast %get3A_28 : vector<1x8x1xf32> to vector<8x1xf32>
    %add3A_30 = arith.addf %get3A_24, %get3A_29 : vector<8x1xf32>
    %max3A = arith.constant 1.000000e+00 : f32
    %max3A_31 = vector.broadcast %max3A : f32 to vector<8x1xf32>
    %max3A_32 = arith.maximumf %add3A_30, %max3A_31 : vector<8x1xf32>
    %get3A_33 = arith.constant 0 : index
    %get3A_34 = arith.constant 0 : index
    %get3A_35 = vector.load %arg5[%get3A_33, %get3A_34] : memref<16x16xf32, #tpu.memory_space<vmem>>, vector<16x16xf32>
    %dot_general3A = arith.constant dense<0.000000e+00> : vector<8x16xf32>
    %dot_general3A_36 = tpu.matmul %add3A_19, %get3A_35, %dot_general3A {dimension_numbers = #tpu.dot_dimension_numbers<[1], [0], [0], [1], [0, 0, 1, 1], [], []>, precision = #tpu.contract_precision<fp32>, transpose_lhs_hint = false} : vector<8x16xf32>, vector<16x16xf32>, vector<8x16xf32> -> vector<8x16xf32>
    %add3A_37 = arith.addf %add3A, %dot_general3A_36 : vector<8x16xf32>
    %div3A = vector.broadcast %max3A_32 : vector<8x1xf32> to vector<8x16xf32>
    %div3A_38 = arith.divf %add3A_37, %div3A : vector<8x16xf32>
    %get3A_39 = arith.constant 0 : index
    %get3A_40 = arith.constant 0 : index
    %get3A_41 = vector.load %arg1[%get3A_39, %get3A_40] : memref<8x64xf32, #tpu.memory_space<vmem>>, vector<8x64xf32>
    %get3A_42 = arith.constant 0 : index
    %get3A_43 = arith.constant 0 : index
    %get3A_44 = vector.load %arg2[%get3A_42, %get3A_43] : memref<64x16xf32, #tpu.memory_space<vmem>>, vector<64x16xf32>
    %dot_general3A_45 = arith.constant dense<0.000000e+00> : vector<8x16xf32>
    %dot_general3A_46 = tpu.matmul %get3A_41, %get3A_44, %dot_general3A_45 {dimension_numbers = #tpu.dot_dimension_numbers<[1], [0], [0], [1], [0, 0, 1, 1], [], []>, transpose_lhs_hint = false} : vector<8x64xf32>, vector<64x16xf32>, vector<8x16xf32> -> vector<8x16xf32>
    %add3A_47 = arith.addf %dot_general3A_46, %div3A_38 : vector<8x16xf32>
    %get3A_48 = arith.constant 0 : index
    %get3A_49 = arith.constant 0 : index
    %get3A_50 = vector.load %arg6[%get3A_48, %get3A_49] : memref<1x16xf32, #tpu.memory_space<vmem>>, vector<1x16xf32>
    %add3A_51 = vector.broadcast %get3A_50 : vector<1x16xf32> to vector<8x16xf32>
    %add3A_52 = arith.addf %add3A_47, %add3A_51 : vector<8x16xf32>
    %tanh3A = math.tanh %add3A_52 : vector<8x16xf32>
    %swap3A = arith.constant 0 : index
    %swap3A_53 = arith.constant 0 : index
    %swap3A_54 = vector.load %arg7[%swap3A, %swap3A_53] : memref<8x16xf32, #tpu.memory_space<vmem>>, vector<8x16xf32>
    tpu.vector_store %arg7[%swap3A, %swap3A_53], %tanh3A {strides = array<i32>} : memref<8x16xf32, #tpu.memory_space<vmem>>, vector<8x16xf32>,
    return
  }
  func.func @transform_0(%arg0: i32) -> (i32, i32) {
    %c0_i32 = arith.constant 0 : i32
    %c0_i32_0 = arith.constant 0 : i32
    return %arg0, %c0_i32 : i32, i32
  }
  func.func @transform_1(%arg0: i32) -> (i32, i32) {
    %c0_i32 = arith.constant 0 : i32
    %c0_i32_0 = arith.constant 0 : i32
    %c0_i32_1 = arith.constant 0 : i32
    return %c0_i32, %c0_i32_0 : i32, i32
  }
  func.func @transform_2(%arg0: i32) -> (i32, i32, i32) {
    %c0_i32 = arith.constant 0 : i32
    %c0_i32_0 = arith.constant 0 : i32
    %c0_i32_1 = arith.constant 0 : i32
    return %c0_i32, %arg0, %c0_i32_0 : i32, i32, i32
  }
  func.func @transform_3(%arg0: i32) -> (i32, i32, i32) {
    %c0_i32 = arith.constant 0 : i32
    %c0_i32_0 = arith.constant 0 : i32
    %c0_i32_1 = arith.constant 0 : i32
    return %c0_i32, %arg0, %c0_i32_0 : i32, i32, i32
  }
  func.func @transform_4(%arg0: i32) -> (i32, i32) {
    %c0_i32 = arith.constant 0 : i32
    %c0_i32_0 = arith.constant 0 : i32
    %c0_i32_1 = arith.constant 0 : i32
    return %c0_i32, %c0_i32_0 : i32, i32
  }
  func.func @transform_5(%arg0: i32) -> (i32, i32) {
    %c0_i32 = arith.constant 0 : i32
    %c0_i32_0 = arith.constant 0 : i32
    %c0_i32_1 = arith.constant 0 : i32
    return %c0_i32, %c0_i32_0 : i32, i32
  }
  func.func @transform_6(%arg0: i32) -> (i32, i32) {
    %c0_i32 = arith.constant 0 : i32
    %c0_i32_0 = arith.constant 0 : i32
    return %arg0, %c0_i32 : i32, i32
  }
}

</mosaic_0001>

<sc_bundles>
// kernel: kernel.10.cloned.1.call-start
scs
__scs_entry_jumppad:
0x0: {  	(pc) =	sbr.rel $0x88, $3  }
0x1: {  	(tag) =	ssettag $0x0;
	lr =	simm.s32 $0x1  }
0x2: {  	[smem:$0x3F92] =	sst lr;
	_ =	strace $0xD0000000  }
0x3: {  	_ = 	snop  }
0x4: {  	_ = 	snop  }
0x5: {  	_ = 	snop  }
0x6: {  	_ = 	snop  }
0x7: {  	_ = 	snop  }
__scs_overlays_trampoline_lowered:
0x8: {  	[smem:$0x3FA1] =	sst s0  }
0x9: {  	[smem:$0x3FA2] =	sst s1  }
0xa: {  	[smem:$0x3FA3] =	sst s2  }
0xb: {  	[smem:$0x3FA4] =	sst s3  }
0xc: {  	[smem:$0x3FA5] =	sst s4  }
0xd: {  	[smem:$0x3FA6] =	sst s5  }
0xe: {  	[smem:$0x3FA7] =	sst s6  }
0xf: {  	[smem:$0x3FA8] =	sst s7  }
0x10: {  	[smem:$0x3FA9] =	sst s8  }
0x11: {  	[smem:$0x3FAA] =	sst s9;
	s0 =	simm.s32 @!p0 $0x0  }
0x12: {  	s1 =	sld [smem:$0x3F90];
	s0 =	simm.s32 @p0 $0x1  }
0x13: {  	[smem:$0x3FAB] =	sst s0;
	s0 =	simm.s32 @!p1 $0x0  }
0x14: {  	s2 =	sld [smem:$0x3F8F];
	s0 =	simm.s32 @p1 $0x1  }
0x15: {  	[smem:$0x3FAC] =	sst s0;
	s0 =	simm.s32 @!p2 $0x0  }
0x16: {  	s3 =	sld [smem:$0x3FDB];
	s0 =	simm.s32 @p2 $0x1  }
0x17: {  	s4 =	simm.s32 $0x1BF5;
	[smem:$0x3FAE] =	sst s0  }
0x18: {  	s0 =	sld [smem:$0x3F91];
	_ =	swait.ge [sflag:s4], $0x0  }
0x19: {  	s7 =	sld [smem:$0x3F92]  }
0x1a: {  	s8 =	sadd.s32 $0xFFFFE003, lr  }
0x1b: {  	s9 =	sadd.s32 $0xFFFFFEF7, lr;
	s5 =	simm.s32 $0xFFFFFFFF;
	p2 =	slt.u32 s8, $0xFFFFF086  }
0x1c: {  	p1 =	slt.u32 s9, $0xF7A;
	s5 =	simm.s32 @!p2 $0x0  }
0x1d: {  	s5 =	simm.s32 @p1 $0x1;
	p0 =	seq.s32 s7, s2  }
0x1e: {  	s7 =	smul.u32 @!p0 $0xF7A, s2;
	p2 =	seq.s32 @!p0 s5, $0x0  }
0x1f: {  	s9 =	smul.u32 $0xF7A, s1;
	s8 =	simm.s32 @!p0 $0x1BF5;
	p2 =	por !p2, p0  }
0x20: {  	[sflag:s8] =	ssyncset.s32 @!p0 $0xFFFFF086;
	s6 =	sadd.s32 @!p0 s3, s7;
	s7 =	simm.s32 @!p0 $0x108  }
0x21: {  	s3 =	sadd.s32 s3, s9;
	s6 =	sadd.s32 @!p0 $0x88, s6;
	s7 =	simm.s32 @p2 $0x1082  }
0x22: {  	[simem:s7], [sflag:s8] =	dma.local @!p0 [hbm:s6], $0xF7A  }
0x23: {  	s9 =	sor.u32 $0xD0000000, s2;
	s6 =	simm.s32 $0x108;
	_ =	swait.ge @!p0 [sflag:s8], $0x0  }
0x24: {  	s3 =	sadd.s32 $0x88, s3;
	s6 =	simm.s32 @!p1 $0x1082;
	[sflag:s4] =	ssyncset.s32 $0xFFFFF086  }
0x25: {  	[simem:s6], [sflag:s4] =	dma.local [hbm:s3], $0xF7A  }
0x26: {  	[smem:$0x3F92] =	sst s1;
	(tag) =	ssettag s2;
	_ =	strace s9  }
0x27: {  	s1 =	sld [smem:$0x3FA2]  }
0x28: {  	s2 =	sld [smem:$0x3FA3]  }
0x29: {  	s4 =	sld [smem:$0x3FA5]  }
0x2a: {  	p0 =	seq.s32 s5, $0x0;
	s5 =	sld [smem:$0x3FA6]  }
0x2b: {  	s6 =	sld [smem:$0x3FA7]  }
0x2c: {  	s7 =	sld [smem:$0x3FA8]  }
0x2d: {  	s3 =	simm.s32 $0x108;
	s8 =	sld [smem:$0x3FA9]  }
0x2e: {  	s3 =	simm.s32 @!p0 $0x1082;
	s9 =	sld [smem:$0x3FAA]  }
0x2f: {  	lr =	sadd.s32 s0, s3;
	s0 =	sld [smem:$0x3FA1]  }
0x30: {  	s3 =	sld [smem:$0x3FA4]  }
0x31: {  	[smem:$0x3FAD] =	sst s10  }
0x32: {  	s10 =	sld [smem:$0x3FAB];
	_ =	sdelay $0x3  }
0x33: {  	p0 =	seq.s32 s10, $0x1;
	s10 =	sld [smem:$0x3FAD];
	_ =	sdelay $0x3  }
0x34: {  	[smem:$0x3FAD] =	sst s10  }
0x35: {  	s10 =	sld [smem:$0x3FAC];
	_ =	sdelay $0x3  }
0x36: {  	p1 =	seq.s32 s10, $0x1;
	s10 =	sld [smem:$0x3FAD];
	_ =	sdelay $0x3  }
0x37: {  	[smem:$0x3FAD] =	sst s10  }
0x38: {  	s10 =	sld [smem:$0x3FAE]  }
0x39: {  	_ = 	snop;
	(pc) =	sbr.ind lr, $3  }
0x3a: {  	_ = 	snop  }
0x3b: {  	_ = 	snop  }
0x3c: {  	p2 =	seq.s32 s10, $0x1;
	s10 =	sld [smem:$0x3FAD]  }
0x3d: {  	_ =	shalt  }
0x3e: {  	_ =	shalt  }
0x3f: {  	_ =	shalt  }
0x40: {  	_ =	shalt  }
0x41: {  	_ =	shalt  }
0x42: {  	_ =	shalt  }
0x43: {  	_ =	shalt  }
0x44: {  	_ =	shalt  }
0x45: {  	_ =	shalt  }
0x46: {  	_ =	shalt  }
0x47: {  	_ =	shalt  }
0x48: {  	_ =	shalt  }
0x49: {  	_ =	shalt  }
0x4a: {  	_ =	shalt  }
0x4b: {  	_ =	shalt  }
0x4c: {  	_ =	shalt  }
0x4d: {  	_ =	shalt  }
0x4e: {  	_ =	shalt  }
0x4f: {  	_ =	shalt  }
0x50: {  	_ =	shalt  }
0x51: {  	_ =	shalt  }
0x52: {  	_ =	shalt  }
0x53: {  	_ =	shalt  }
0x54: {  	_ =	shalt  }
0x55: {  	_ =	shalt  }
0x56: {  	_ =	shalt  }
0x57: {  	_ =	shalt  }
0x58: {  	_ =	shalt  }
0x59: {  	_ =	shalt  }
0x5a: {  	_ =	shalt  }
0x5b: {  	_ =	shalt  }
0x5c: {  	_ =	shalt  }
0x5d: {  	_ =	shalt  }
0x5e: {  	_ =	shalt  }
0x5f: {  	_ =	shalt  }
0x60: {  	_ =	shalt  }
0x61: {  	_ =	shalt  }
0x62: {  	_ =	shalt  }
0x63: {  	_ =	shalt  }
0x64: {  	_ =	shalt  }
0x65: {  	_ =	shalt  }
0x66: {  	_ =	shalt  }
0x67: {  	_ =	shalt  }
0x68: {  	_ =	shalt  }
0x69: {  	_ =	shalt  }
0x6a: {  	_ =	shalt  }
0x6b: {  	_ =	shalt  }
0x6c: {  	_ =	shalt  }
0x6d: {  	_ =	shalt  }
0x6e: {  	_ =	shalt  }
0x6f: {  	_ =	shalt  }
0x70: {  	_ =	shalt  }
0x71: {  	_ =	shalt  }
0x72: {  	_ =	shalt  }
0x73: {  	_ =	shalt  }
0x74: {  	_ =	shalt  }
0x75: {  	_ =	shalt  }
0x76: {  	_ =	shalt  }
0x77: {  	_ =	shalt  }
0x78: {  	_ =	shalt  }
0x79: {  	_ =	shalt  }
0x7a: {  	_ =	shalt  }
0x7b: {  	_ =	shalt  }
0x7c: {  	_ =	shalt  }
0x7d: {  	_ =	shalt  }
0x7e: {  	_ =	shalt  }
0x7f: {  	_ =	shalt  }
0x80: {  	_ =	shalt  }
0x81: {  	_ =	shalt  }
0x82: {  	_ =	shalt  }
0x83: {  	_ =	shalt  }
0x84: {  	_ =	shalt  }
0x85: {  	_ =	shalt  }
0x86: {  	_ =	shalt  }
0x87: {  	_ =	shalt  }
.Lfunc_end0:
.L_simem_size_0:
called_computation_lowered:
.L_overlay_start_0:
0x88: {  	s2 =	sld [smem:$0x3FD9]  }
0x89: {  	s3 =	sld [smem:$0x3FFE];
	_ =	sdelay $0x1  }
0x8a: {  	s1 =	srdreg.scid  }
0x8b: {  	s0 =	sand.u32 $0x1, s1  }
0x8c: {  	s17 =	sshll.u32 s0, $0xA;
	s2 =	sadd.s32 s3, s2  }
0x8d: {  	s2 =	sadd.s32 s2, s17  }
0x8e: {  	[smem:$0x3FB9] =	sst s2  }
0x8f: {  	_ = 	snop  }
0x90: {  	(tm) =	ssettm $0x1  }
0x91: {  	s18 =	sld [smem:$0x3FFB];
	_ =	sdelay $0x3  }
0x92: {  	_ =	strace s18  }
0x93: {  	s2 =	sld [smem:$0x3FFC];
	_ =	sdelay $0x3  }
0x94: {  	_ =	strace s2  }
0x95: {  	s2 =	sld [smem:$0x3FFD];
	_ =	sdelay $0x3  }
0x96: {  	_ =	strace s2  }
0x97: {  	_ =	strace $0x8FFFFFFF  }
0x98: {  	s19 =	sld [smem:$0x3FDB];
	_ =	sdelay $0x1  }
0x99: {  	s20 =	simm.s32 $_scs_section_size  }
0x9a: {  	s4 =	simm.s32 $_size__tile_overlayer_lowered;
	s5 =	simm.s32 $_tile_overlayer_lowered  }
0x9b: {  	s6 =	simm.s32 $0x1BFF;
	s21 =	sshll.u32 s5, $0x1;
	s3 =	sadd.s32 s20, s19  }
0x9c: {  	s22 =	simm.s32 $0x0;
	s4 =	sshll.u32 s4, $0x1;
	s5 =	sadd.s32 s21, s3  }
0x9d: {  	[timem:s22], [sflag:s6] =	dma.local [hbm:s5], s4  }
0x9e: {  	_ =	swait.ge [sflag:s6], s4  }
0x9f: {  	s4 =	ssub.s32 $0x0, s4;
	[sflag:s6] =	ssyncset.done $0x0  }
0xa0: {  	[sflag:s6] =	ssyncadd.s32 s4;
	_ =	sdelay $0x1  }
0xa1: {  	s23 =	simm.s32 $0x1B8B  }
0xa2: {  	_ =	swait.ge [sflag:s23], $0x1  }
0xa3: {  	[sflag:s23] =	ssyncset.done $0x0  }
0xa4: {  	[sflag:s23] =	ssyncadd.s32 $0xFFFFFFFF  }
0xa5: {  	s4 =	sld [smem:$0x0]  }
0xa6: {  	s5 =	sand.u32 $0xFFFFFFFE, s1  }
0xa7: {  	p0 =	sne.s32 s1, s5  }
0xa8: {  	s5 =	sshll.u32 @p0 s5, $0xE  }
0xa9: {  	s5 =	sadd.s32 @p0 $0x11B8D, s5;
	s6 =	sshll.u32 @p0 s4, $0x11  }
0xaa: {  	s5 =	sor.u32 @p0 s6, s5  }
0xab: {  	[sflag:s5] =	ssyncadd.remote.s32 @p0 $0x1;
	_ =	sdelay $0x1  }
0xac: {  	s5 =	simm.s32 @p0 $0x1B8D  }
0xad: {  	_ =	swait.eq @p0 [sflag:s5], $0x1  }
0xae: {  	[sflag:s5] =	ssyncadd.s32 @p0 $0xFFFFFFFF  }
0xaf: {  	s6 =	sshll.u32 @!p0 s1, $0xE  }
0xb0: {  	s6 =	sor.u32 @!p0 $0x4000, s6;
	s5 =	simm.s32 @!p0 $0x1B8D  }
0xb1: {  	s4 =	sshll.u32 @!p0 s4, $0x11;
	s6 =	sadd.s32 @!p0 $0x11B8D, s6;
	_ =	swait.eq @!p0 [sflag:s5], $0x1  }
0xb2: {  	s4 =	sor.u32 @!p0 s4, s6;
	[sflag:s5] =	ssyncadd.s32 @!p0 $0xFFFFFFFF  }
0xb3: {  	s25 =	simm.s32 $0x1B8E;
	s24 =	sld [smem:$0x3FFE];
	[sflag:s4] =	ssyncadd.remote.s32 @!p0 $0x1  }
0xb4: {  	s26 =	simm.s32 $execute0_lowered;
	[smem:$0x3FD2] =	sst s25  }
0xb5: {  	s5 =	sshll.u32 s26, $0x1;
	_ =	strace $0x80000049;
	[dreg:$0x1] =	wrdreg $0xFFFFFFFF  }
0xb6: {  	s28 =	simm.s32 $_size_execute0_lowered;
	s3 =	sadd.s32 s3, s5;
	[dreg:$0x0] =	wrdreg $0x0  }
0xb7: {  	s5 =	sshll.u32 s28, $0x1;
	[dreg:$0x2] =	wrdreg s3  }
0xb8: {  	[dreg:$0x3] =	wrdreg s5  }
0xb9: {  	[dreg:$0x4] =	wrdreg $0xC0  }
0xba: {  	_ =	task [dreg:s22], $0x5FFFF  }
0xbb: {  	[dreg:$0x1] =	wrdreg $0xFFFFFFFF  }
0xbc: {  	[dreg:$0x0] =	wrdreg $0x60  }
0xbd: {  	[dreg:$0x2] =	wrdreg s24  }
0xbe: {  	[dreg:$0x3] =	wrdreg $0x136200  }
0xbf: {  	[dreg:$0x4] =	wrdreg $0x9  }
0xc0: {  	_ =	task.clear_ibuf [dreg:s22], $0x5FFFF;
	_ =	strace $0x90000049  }
0xc1: {  	s29 =	simm.s32 $0x9;
	_ =	strace $0x8000004B  }
0xc2: {  	_ =	swait.ge [sflag:s29], $0x1  }
0xc3: {  	[sflag:s29] =	ssyncadd.s32 $0xFFFFFFFF  }
0xc4: {  	_ =	strace $0x9000004B  }
0xc5: {  	_ =	sfence  }
0xc6: {  	s30 =	sld [smem:$0x0];
	_ =	sdelay $0x2  }
0xc7: {  	s31 =	sshll.u32 s1, $0xD;
	s1 =	sshrl.u32 s1, $0x2  }
0xc8: {  	s4 =	sand.u32 $0x4000, s31;
	s1 =	sadd.s32 s1, s30  }
0xc9: {  	s0 =	sor.u32 s4, s0;
	s1 =	sshll.u32 s1, $0x11  }
0xca: {  	s0 =	sor.u32 s1, s0  }
0xcb: {  	s0 =	sadd.s32 $0x8F2B, s0  }
0xcc: {  	[sflag:s0] =	ssyncadd.remote.s32 $0x1  }
0xcd: {  	_ =	sfence.sel $0xFFFF  }
0xce: {  	[dreg:$0x0] =	wrdreg $0xFFFFFFFF;
	(pc) =	sbr.abs _section_cstart, $3  }
0xcf: {  	[dreg:$0x1] =	wrdreg $0xFFFFFFFF  }
0xd0: {  	_ =	task.clear_ibuf [dreg:s22], $0x2FFFF;
	_ =	strace $0x9FFFFFFF  }
0xd1: {  	(tm) =	ssettm $0x7FFFFFFF  }
tec
execute0_lowered:
.L_overlay_start_1:
0x0: {  	(tag) =	ssettag $0x1  }
0x1: {  	s0 =	srdreg.scid;
	s1 =	rddreg [dreg:$0x0]  }
0x2: {  	s12 =	stileid.u32;
	s2 =	rddreg [dreg:$0x1]  }
0x3: {  	s18 =	simm.s32 $0x11620;
	s19 =	simm.s32 $0x3;
	s20 =	simm.s32 $0x4E20  }
0x4: {  	s21 =	simm.s32 $0x190;
	s22 =	simm.s32 $0x1;
	s8 =	smul.u32 $0x280, s12  }
0x5: {  	s0 =	sand.u32 $0x1, s0;
	s3 =	sshll.u32 s12, $0x1;
	s7 =	smul.u32 $0x28000, s12  }
0x6: {  	s24 =	simm.s32 $0x40;
	s12 =	smul.u32 $0x14000, s12;
	s4 =	sor.u32 s0, s3  }
0x7: {  	s3 =	simm.s32 $0x0;
	s5 =	ssub.s32 $0x2, s0;
	s0 =	smul.u32 $0x140000, s0  }
0x8: {  	s4 =	smul.u32 $0x2710, s4;
	[smem:$0x7FF] =	sst s3;
	s6 =	sshrl.u32 s5, $0x1  }
0x9: {  	s9 =	sadd.s32 $0x80, s8;
	s25 =	sshrl.u32 s7, $0x2;
	s14 =	sadd.s32 $0x100, s8  }
0xa: {  	s15 =	sadd.s32 $0x180, s8;
	s16 =	sadd.s32 $0x200, s8;
	_ =	strace $0x8000004A  }
0xb: {  	s17 =	ssub.s32 s5, s6;
	s26 =	sshll.u32 s9, $0x6;
	s5 =	sadd.s32 s25, s2  }
0xc: {  	s28 =	sshll.u32 s14, $0x6;
	s10 =	sshll.u32 s15, $0x6;
	s29 =	sshll.u32 s16, $0x6  }
0xd: {  	s13 =	sshll.u32 s9, $0x7;
	s12 =	sadd.s32 s12, s0;
	s14 =	sshll.u32 s14, $0x7  }
0xe: {  	s15 =	sshll.u32 s15, $0x7;
	s16 =	sshll.u32 s16, $0x7;
	s25 =	simm.s32 $0x80  }
0xf: {  	s4 =	sshrl.u32 s4, $0x3;
	s6 =	sadd.s32 s26, s2;
	s7 =	sadd.s32 s28, s2  }
0x10: {  	s8 =	sadd.s32 s10, s2;
	s9 =	sadd.s32 s29, s2;
	s13 =	sadd.s32 s0, s13  }
0x11: {  	s12 =	sshrl.u32 s12, $0x3;
	s14 =	sadd.s32 s0, s14;
	s15 =	sadd.s32 s0, s15  }
0x12: {  	s0 =	sadd.s32 s0, s16;
	s17 =	smax.u32 s17, $0x1;
	s11 =	sadd.s32 s4, s1  }
0x13: {  	s4 =	sadd.s32 $0x67000, s1;
	s1 =	sadd.s32 $0x7AA00, s1;
	s13 =	sshrl.u32 s13, $0x3  }
0x14: {  	s14 =	sshrl.u32 s14, $0x3;
	s15 =	sshrl.u32 s15, $0x3;
	s0 =	sshrl.u32 s0, $0x3  }
0x15: {  	s30 =	sadd.s32 $0x3600, s11;
	s31 =	sadd.s32 $0xD240, s11;
	s12 =	sadd.s32 s1, s12  }
0x16: {  	s13 =	sadd.s32 s1, s13;
	s14 =	sadd.s32 s1, s14;
	[dreg:$0x3] =	wrdreg s30  }
0x17: {  	v0 =	vimm.f32 $0.0e+00;
	s15 =	sadd.s32 s1, s15;
	s16 =	sadd.s32 s1, s0;
	[dreg:$0x4] =	wrdreg s31  }
.LBB2_1:
0x18: {  	s26 =	simm.s32 $0x100;
	s1 =	simm.s32 $0x0  }
.LBB2_2:
0x19: {  	p0 =	sne.s32 s26, $0x7F00;
	[tilespmem:s1+$0x11650] =	vst v0;
	s0 =	smov.u32 s26;
	s26 =	sadd.s32 $0x100, s26  }
.Ltmp0:
0x1a: {  	[tilespmem:s1+$0x11640] =	vst v0;
	(pc) =	sbr.rel @p0 .LBB2_2-.Ltmp0, $3  }
0x1b: {  	[tilespmem:s1+$0x11620] =	vst v0  }
0x1c: {  	[tilespmem:s1+$0x11630] =	vst v0;
	_ =	sdelay $0x1  }
0x1d: {  	s1 =	sshra.s32 s0, $0x2  }
0x1e: {  	[tilespmem:s1+$0x11650] =	vst v0  }
0x1f: {  	[tilespmem:s1+$0x11640] =	vst v0  }
0x20: {  	[tilespmem:s1+$0x11620] =	vst v0  }
0x21: {  	[tilespmem:s1+$0x11630] =	vst v0  }
0x22: {  	[spmem:s5] =	stream.linear.scatter [tilespmem:s18], [sflag:$0x3], $0x2000, $0x38;
	[tilespmem:$0x1D620] =	vst v63  }
0x23: {  	_ =	swait.ge [sflag:s19], $0x2000  }
0x24: {  	[sflag:s19] =	ssyncset.done $0x0  }
0x25: {  	[sflag:s19] =	ssyncadd.s32 $0xFFFFE000  }
0x26: {  	[spmem:s6] =	stream.linear.scatter [tilespmem:s18], [sflag:$0x3], $0x2000, $0x38;
	[tilespmem:$0x1D620] =	vst v63  }
0x27: {  	_ =	swait.ge [sflag:s19], $0x2000  }
0x28: {  	[sflag:s19] =	ssyncset.done $0x0  }
0x29: {  	[sflag:s19] =	ssyncadd.s32 $0xFFFFE000  }
0x2a: {  	[spmem:s7] =	stream.linear.scatter [tilespmem:s18], [sflag:$0x3], $0x2000, $0x38;
	[tilespmem:$0x1D620] =	vst v63  }
0x2b: {  	_ =	swait.ge [sflag:s19], $0x2000  }
0x2c: {  	[sflag:s19] =	ssyncset.done $0x0  }
0x2d: {  	[sflag:s19] =	ssyncadd.s32 $0xFFFFE000  }
0x2e: {  	[spmem:s8] =	stream.linear.scatter [tilespmem:s18], [sflag:$0x3], $0x2000, $0x38;
	[tilespmem:$0x1D620] =	vst v63  }
0x2f: {  	_ =	swait.ge [sflag:s19], $0x2000  }
0x30: {  	[sflag:s19] =	ssyncset.done $0x0  }
0x31: {  	[sflag:s19] =	ssyncadd.s32 $0xFFFFE000  }
0x32: {  	[spmem:s9] =	stream.linear.scatter [tilespmem:s18], [sflag:$0x3], $0x2000, $0x38;
	[tilespmem:$0x1D620] =	vst v63  }
0x33: {  	_ =	swait.ge [sflag:s19], $0x2000  }
0x34: {  	[sflag:s19] =	ssyncset.done $0x0  }
0x35: {  	[sflag:s19] =	ssyncadd.s32 $0xFFFFE000  }
0x36: {  	[bflag:$0x0] =	sbarrier.arrive $0xFFFF  }
0x37: {  	s0 =	simm.s32 $0x0;
	s10 =	rddreg [dreg:$0x3]  }
0x38: {  	[tilespmem:s0], [sflag:$0x3] =	stream.linear.gather [hbm4b:s10+s0], $0x2710, $0x38;
	[tilespmem:$0x1D620] =	vst v63  }
0x39: {  	_ =	swait.ge [sflag:s19], $0x2710  }
0x3a: {  	s1 =	simm.s32 $0x2710;
	s26 =	sand.u32 $0x1, s0;
	[sflag:s19] =	ssyncset.done $0x0  }
0x3b: {  	s28 =	sxor.u32 $0x1, s26;
	s10 =	rddreg [dreg:$0x4];
	[sflag:s19] =	ssyncadd.s32 $0xFFFFD8F0  }
0x3c: {  	[tilespmem:s1], [sflag:$0x3] =	stream.linear.gather [hbm4b:s10+s0], $0x2710, $0x38;
	[tilespmem:$0x1D620] =	vst v63  }
0x3d: {  	s30 =	smul.u32 $0x19000, s28;
	_ =	swait.ge [sflag:s19], $0x2710  }
0x3e: {  	s29 =	simm.s32 $0x190;
	[sflag:s19] =	ssyncset.done $0x0  }
0x3f: {  	s23 =	smul.u32 $0x19000, s26;
	s11 =	sshrl.u32 s30, $0x2;
	[sflag:s19] =	ssyncadd.s32 $0xFFFFD8F0  }
0x40: {  	[tilespmem:s20], [sflag:$0x1] =	stream.indirect.gather [hbm4b:s4+s29], $0x40, s0, s29, $0xb8;
	[tilespmem:$0x1D620] =	vst v63  }
0x41: {  	s26 =	sadd.s32 $0x1, s26;
	s28 =	sadd.s32 $0x1, s28;
	s0 =	sadd.s32 $0x4E20, s11  }
0x42: {  	[tilespmem:s0], [sflag:s28] =	stream.indirect.gather [hbm4b:s4+s21], $0x40, s29, s21, $0xb8;
	[tilespmem:$0x1D620] =	vst v63  }
0x43: {  	s28 =	simm.s32 $0x1;
	s0 =	sshrl.u32 s23, $0x2;
	_ =	swait.ge [sflag:s26], $0x6400  }
0x44: {  	s28 =	sand.u32 $0x1, s28;
	s0 =	sadd.s32 $0x4E20, s0;
	[sflag:s26] =	ssyncset.done $0x0  }
0x45: {  	s30 =	sxor.u32 $0x1, s28;
	s31 =	smul.u32 $0x19000, s28;
	[sflag:s26] =	ssyncadd.s32 $0xFFFF9C00  }
0x46: {  	[spmem:s2] =	stream.indirect.scatter.add.f32 [tilespmem:s0], [sflag:$0x3], $0x40, s1, s21, $0xb8;
	[tilespmem:$0x1D620] =	vst v63  }
0x47: {  	s0 =	smul.u32 $0x19000, s30  }
0x48: {  	s29 =	simm.s32 $0x320;
	s26 =	simm.s32 $0x28A0;
	s1 =	simm.s32 $0x2  }
.LBB2_4:
0x49: {  	s0 =	sshrl.u32 s0, $0x2;
	s31 =	sshrl.u32 s31, $0x2;
	_ =	swait.ge [sflag:s19], $0x6400  }
0x4a: {  	s23 =	smov.u32 s1;
	s10 =	smov.u32 s26;
	s11 =	sadd.s32 $0x1, s1  }
0x4b: {  	p0 =	sne.s32 s1, $0x17;
	s0 =	sadd.s32 $0x4E20, s0;
	[sflag:s19] =	ssyncset.done $0x0  }
0x4c: {  	s1 =	sadd.s32 $0x1, s30;
	s26 =	sadd.s32 $0x190, s26;
	[sflag:s19] =	ssyncadd.s32 $0xFFFF9C00  }
0x4d: {  	[tilespmem:s0], [sflag:s1] =	stream.indirect.gather [hbm4b:s4+s21], $0x40, s29, s21, $0xb8;
	[tilespmem:$0x1D620] =	vst v63  }
.Ltmp1:
0x4e: {  	s1 =	sadd.s32 $0x1, s28;
	s29 =	sadd.s32 $0x190, s29;
	(pc) =	sbr.rel @p0 .LBB2_4-.Ltmp1, $4  }
0x4f: {  	s28 =	sand.u32 $0x1, s23;
	s23 =	sadd.s32 $0x4E20, s31;
	_ =	swait.ge [sflag:s1], $0x6400  }
0x50: {  	s30 =	sxor.u32 $0x1, s28;
	s31 =	smul.u32 $0x19000, s28;
	[sflag:s1] =	ssyncset.done $0x0  }
0x51: {  	s0 =	smul.u32 $0x19000, s30;
	[sflag:s1] =	ssyncadd.s32 $0xFFFF9C00;
	s1 =	smov.u32 s11  }
0x52: {  	[spmem:s2] =	stream.indirect.scatter.add.f32 [tilespmem:s23], [sflag:$0x3], $0x40, s10, s21, $0xb8;
	[tilespmem:$0x1D620] =	vst v63  }
0x53: {  	_ =	swait.ge [sflag:s19], $0x6400  }
0x54: {  	s0 =	sshrl.u32 s0, $0x2;
	s1 =	sadd.s32 $0x1, s30;
	[sflag:s19] =	ssyncset.done $0x0  }
0x55: {  	s28 =	sadd.s32 $0x1, s28;
	s0 =	sadd.s32 $0x4E20, s0;
	[sflag:s19] =	ssyncadd.s32 $0xFFFF9C00  }
0x56: {  	[tilespmem:s0], [sflag:s1] =	stream.indirect.gather [hbm4b:s4+s21], $0x40, s29, s21, $0xb8;
	[tilespmem:$0x1D620] =	vst v63  }
0x57: {  	_ =	swait.ge [sflag:s28], $0x6400  }
0x58: {  	s29 =	sshrl.u32 s31, $0x2;
	[sflag:s28] =	ssyncset.done $0x0  }
0x59: {  	s30 =	sadd.s32 $0x4E20, s29;
	[sflag:s28] =	ssyncadd.s32 $0xFFFF9C00  }
0x5a: {  	[spmem:s2] =	stream.indirect.scatter.add.f32 [tilespmem:s30], [sflag:$0x3], $0x40, s26, s21, $0xb8;
	[tilespmem:$0x1D620] =	vst v63  }
0x5b: {  	_ =	swait.ge [sflag:s19], $0x6400  }
0x5c: {  	[sflag:s19] =	ssyncset.done $0x0  }
0x5d: {  	[sflag:s19] =	ssyncadd.s32 $0xFFFF9C00  }
0x5e: {  	_ =	swait.ge [sflag:s22], $0x6400  }
0x5f: {  	[sflag:s22] =	ssyncset.done $0x0  }
0x60: {  	s31 =	simm.s32 $0x4C90;
	[sflag:s22] =	ssyncadd.s32 $0xFFFF9C00  }
0x61: {  	[spmem:s2] =	stream.indirect.scatter.add.f32 [tilespmem:s20], [sflag:$0x3], $0x40, s31, s21, $0xb8;
	[tilespmem:$0x1D620] =	vst v63  }
0x62: {  	_ =	swait.ge [sflag:s19], $0x6400  }
0x63: {  	[sflag:s19] =	ssyncset.done $0x0  }
0x64: {  	[sflag:s19] =	ssyncadd.s32 $0xFFFF9C00  }
0x65: {  	[bflag:$0x0] =	sbarrier.arrive $0xFFFF  }
0x66: {  	[tilespmem:s18], [sflag:$0x3] =	stream.linear.gather [spmem:s5], $0x2000, $0x38;
	[tilespmem:$0x1D620] =	vst v63  }
0x67: {  	_ =	swait.ge [sflag:s19], $0x2000  }
0x68: {  	[sflag:s19] =	ssyncset.done $0x0  }
0x69: {  	[sflag:s19] =	ssyncadd.s32 $0xFFFFE000  }
0x6a: {  	[hbm4b:s12+s24] =	stream.strided.scatter [tilespmem:s18], [sflag:$0x3], $0x2000, s25, s24, $0x38;
	[tilespmem:$0x1D620] =	vst v63  }
0x6b: {  	_ =	swait.ge [sflag:s19], $0x2000  }
0x6c: {  	[sflag:s19] =	ssyncset.done $0x0  }
0x6d: {  	[sflag:s19] =	ssyncadd.s32 $0xFFFFE000  }
0x6e: {  	[tilespmem:s18], [sflag:$0x3] =	stream.linear.gather [spmem:s6], $0x2000, $0x38;
	[tilespmem:$0x1D620] =	vst v63  }
0x6f: {  	_ =	swait.ge [sflag:s19], $0x2000  }
0x70: {  	[sflag:s19] =	ssyncset.done $0x0  }
0x71: {  	[sflag:s19] =	ssyncadd.s32 $0xFFFFE000  }
0x72: {  	[hbm4b:s13+s24] =	stream.strided.scatter [tilespmem:s18], [sflag:$0x3], $0x2000, s25, s24, $0x38;
	[tilespmem:$0x1D620] =	vst v63  }
0x73: {  	_ =	swait.ge [sflag:s19], $0x2000  }
0x74: {  	[sflag:s19] =	ssyncset.done $0x0  }
0x75: {  	[sflag:s19] =	ssyncadd.s32 $0xFFFFE000  }
0x76: {  	[tilespmem:s18], [sflag:$0x3] =	stream.linear.gather [spmem:s7], $0x2000, $0x38;
	[tilespmem:$0x1D620] =	vst v63  }
0x77: {  	_ =	swait.ge [sflag:s19], $0x2000  }
0x78: {  	[sflag:s19] =	ssyncset.done $0x0  }
0x79: {  	[sflag:s19] =	ssyncadd.s32 $0xFFFFE000  }
0x7a: {  	[hbm4b:s14+s24] =	stream.strided.scatter [tilespmem:s18], [sflag:$0x3], $0x2000, s25, s24, $0x38;
	[tilespmem:$0x1D620] =	vst v63  }
0x7b: {  	_ =	swait.ge [sflag:s19], $0x2000  }
0x7c: {  	[sflag:s19] =	ssyncset.done $0x0  }
0x7d: {  	[sflag:s19] =	ssyncadd.s32 $0xFFFFE000  }
0x7e: {  	[tilespmem:s18], [sflag:$0x3] =	stream.linear.gather [spmem:s8], $0x2000, $0x38;
	[tilespmem:$0x1D620] =	vst v63  }
0x7f: {  	_ =	swait.ge [sflag:s19], $0x2000  }
0x80: {  	[sflag:s19] =	ssyncset.done $0x0  }
0x81: {  	[sflag:s19] =	ssyncadd.s32 $0xFFFFE000  }
0x82: {  	[hbm4b:s15+s24] =	stream.strided.scatter [tilespmem:s18], [sflag:$0x3], $0x2000, s25, s24, $0x38;
	[tilespmem:$0x1D620] =	vst v63  }
0x83: {  	_ =	swait.ge [sflag:s19], $0x2000  }
0x84: {  	[sflag:s19] =	ssyncset.done $0x0  }
0x85: {  	[sflag:s19] =	ssyncadd.s32 $0xFFFFE000  }
0x86: {  	[tilespmem:s18], [sflag:$0x3] =	stream.linear.gather [spmem:s9], $0x2000, $0x38;
	[tilespmem:$0x1D620] =	vst v63  }
0x87: {  	s3 =	sadd.s32 $0x1, s3;
	_ =	swait.ge [sflag:s19], $0x2000  }
0x88: {  	p0 =	sne.s32 s3, s17;
	[sflag:s19] =	ssyncset.done $0x0  }
.Ltmp2:
0x89: {  	[sflag:s19] =	ssyncadd.s32 $0xFFFFE000;
	(pc) =	sbr.rel @p0 .LBB2_1-.Ltmp2, $4  }
0x8a: {  	[hbm4b:s16+s24] =	stream.strided.scatter [tilespmem:s18], [sflag:$0x3], $0x2000, s25, s24, $0x38;
	[tilespmem:$0x1D620] =	vst v63  }
0x8b: {  	_ =	swait.ge [sflag:s19], $0x2000  }
0x8c: {  	[sflag:s19] =	ssyncset.done $0x0  }
0x8d: {  	[sflag:s19] =	ssyncadd.s32 $0xFFFFE000  }
0x8e: {  	_ =	sfence.sel $0x180000  }
0x8f: {  	[bflag:$0x0] =	sbarrier.arrive $0xFFFF  }
0x90: {  	_ =	strace $0x9000004A  }
0x91: {  	s0 =	stileid.u32;
	[bflag:$0x2] =	sbarrier.arrive $0xFFFF  }
0x92: {  	p0 =	sne.s32 s0, $0x0;
	s0 =	rddreg [dreg:$0x2]  }
0x93: {  	s0 =	sadd.s32 @!p0 $0x100000, s0  }
0x94: {  	[sflag:s0] =	ssyncadd.tile.s32 @!p0 $0x1;
	_ =	shalt  }
.Lfunc_end2:
_tile_overlayer_lowered:
.L_overlay_start_2:
0x95: {  	(tag) =	ssettag $0x2  }
0x96: {  	s0 =	rddreg [dreg:$0x0];
	s2 =	stileid.u32  }
0x97: {  	s1 =	rddreg [dreg:$0x1];
	p0 =	sne.s32 s2, $0x0  }
0x98: {  	s3 =	rddreg [dreg:$0x2];
	[bflag:$0x3] =	sbarrier.arrive $0xFFFF;
	s2 =	simm.s32 @!p0 $0x1C03  }
0x99: {  	[timem:s3], [sflag:s2] =	dma.local @!p0 [hbm:s0], s1  }
0x9a: {  	s0 =	simm.s32 @!p0 $0x3  }
0x9b: {  	_ =	swait.ge @!p0 [sflag:s0], s1  }
0x9c: {  	s1 =	ssub.s32 @!p0 $0x0, s1;
	[sflag:s0] =	ssyncset.done @!p0 $0x0  }
0x9d: {  	[sflag:s0] =	ssyncadd.s32 @!p0 s1  }
0x9e: {  	[bflag:$0x3] =	sbarrier.arrive $0xFFFF  }
0x9f: {  	_ =	shalt  }

// kernel: kernel.13.cloned.1.call-start
scs
__scs_entry_jumppad:
0x0: {  	(pc) =	sbr.rel $0x88, $3  }
0x1: {  	(tag) =	ssettag $0x0;
	lr =	simm.s32 $0x1  }
0x2: {  	[smem:$0x3F92] =	sst lr;
	_ =	strace $0xD0000000  }
0x3: {  	_ = 	snop  }
0x4: {  	_ = 	snop  }
0x5: {  	_ = 	snop  }
0x6: {  	_ = 	snop  }
0x7: {  	_ = 	snop  }
__scs_overlays_trampoline_lowered:
0x8: {  	[smem:$0x3FA1] =	sst s0  }
0x9: {  	[smem:$0x3FA2] =	sst s1  }
0xa: {  	[smem:$0x3FA3] =	sst s2  }
0xb: {  	[smem:$0x3FA4] =	sst s3  }
0xc: {  	[smem:$0x3FA5] =	sst s4  }
0xd: {  	[smem:$0x3FA6] =	sst s5  }
0xe: {  	[smem:$0x3FA7] =	sst s6  }
0xf: {  	[smem:$0x3FA8] =	sst s7  }
0x10: {  	[smem:$0x3FA9] =	sst s8  }
0x11: {  	[smem:$0x3FAA] =	sst s9;
	s0 =	simm.s32 @!p0 $0x0  }
0x12: {  	s1 =	sld [smem:$0x3F90];
	s0 =	simm.s32 @p0 $0x1  }
0x13: {  	[smem:$0x3FAB] =	sst s0;
	s0 =	simm.s32 @!p1 $0x0  }
0x14: {  	s2 =	sld [smem:$0x3F8F];
	s0 =	simm.s32 @p1 $0x1  }
0x15: {  	[smem:$0x3FAC] =	sst s0;
	s0 =	simm.s32 @!p2 $0x0  }
0x16: {  	s3 =	sld [smem:$0x3FDB];
	s0 =	simm.s32 @p2 $0x1  }
0x17: {  	s4 =	simm.s32 $0x1BF5;
	[smem:$0x3FAE] =	sst s0  }
0x18: {  	s0 =	sld [smem:$0x3F91];
	_ =	swait.ge [sflag:s4], $0x0  }
0x19: {  	s7 =	sld [smem:$0x3F92]  }
0x1a: {  	s8 =	sadd.s32 $0xFFFFE003, lr  }
0x1b: {  	s9 =	sadd.s32 $0xFFFFFEF7, lr;
	s5 =	simm.s32 $0xFFFFFFFF;
	p2 =	slt.u32 s8, $0xFFFFF086  }
0x1c: {  	p1 =	slt.u32 s9, $0xF7A;
	s5 =	simm.s32 @!p2 $0x0  }
0x1d: {  	s5 =	simm.s32 @p1 $0x1;
	p0 =	seq.s32 s7, s2  }
0x1e: {  	s7 =	smul.u32 @!p0 $0xF7A, s2;
	p2 =	seq.s32 @!p0 s5, $0x0  }
0x1f: {  	s9 =	smul.u32 $0xF7A, s1;
	s8 =	simm.s32 @!p0 $0x1BF5;
	p2 =	por !p2, p0  }
0x20: {  	[sflag:s8] =	ssyncset.s32 @!p0 $0xFFFFF086;
	s6 =	sadd.s32 @!p0 s3, s7;
	s7 =	simm.s32 @!p0 $0x108  }
0x21: {  	s3 =	sadd.s32 s3, s9;
	s6 =	sadd.s32 @!p0 $0x88, s6;
	s7 =	simm.s32 @p2 $0x1082  }
0x22: {  	[simem:s7], [sflag:s8] =	dma.local @!p0 [hbm:s6], $0xF7A  }
0x23: {  	s9 =	sor.u32 $0xD0000000, s2;
	s6 =	simm.s32 $0x108;
	_ =	swait.ge @!p0 [sflag:s8], $0x0  }
0x24: {  	s3 =	sadd.s32 $0x88, s3;
	s6 =	simm.s32 @!p1 $0x1082;
	[sflag:s4] =	ssyncset.s32 $0xFFFFF086  }
0x25: {  	[simem:s6], [sflag:s4] =	dma.local [hbm:s3], $0xF7A  }
0x26: {  	[smem:$0x3F92] =	sst s1;
	(tag) =	ssettag s2;
	_ =	strace s9  }
0x27: {  	s1 =	sld [smem:$0x3FA2]  }
0x28: {  	s2 =	sld [smem:$0x3FA3]  }
0x29: {  	s4 =	sld [smem:$0x3FA5]  }
0x2a: {  	p0 =	seq.s32 s5, $0x0;
	s5 =	sld [smem:$0x3FA6]  }
0x2b: {  	s6 =	sld [smem:$0x3FA7]  }
0x2c: {  	s7 =	sld [smem:$0x3FA8]  }
0x2d: {  	s3 =	simm.s32 $0x108;
	s8 =	sld [smem:$0x3FA9]  }
0x2e: {  	s3 =	simm.s32 @!p0 $0x1082;
	s9 =	sld [smem:$0x3FAA]  }
0x2f: {  	lr =	sadd.s32 s0, s3;
	s0 =	sld [smem:$0x3FA1]  }
0x30: {  	s3 =	sld [smem:$0x3FA4]  }
0x31: {  	[smem:$0x3FAD] =	sst s10  }
0x32: {  	s10 =	sld [smem:$0x3FAB];
	_ =	sdelay $0x3  }
0x33: {  	p0 =	seq.s32 s10, $0x1;
	s10 =	sld [smem:$0x3FAD];
	_ =	sdelay $0x3  }
0x34: {  	[smem:$0x3FAD] =	sst s10  }
0x35: {  	s10 =	sld [smem:$0x3FAC];
	_ =	sdelay $0x3  }
0x36: {  	p1 =	seq.s32 s10, $0x1;
	s10 =	sld [smem:$0x3FAD];
	_ =	sdelay $0x3  }
0x37: {  	[smem:$0x3FAD] =	sst s10  }
0x38: {  	s10 =	sld [smem:$0x3FAE]  }
0x39: {  	_ = 	snop;
	(pc) =	sbr.ind lr, $3  }
0x3a: {  	_ = 	snop  }
0x3b: {  	_ = 	snop  }
0x3c: {  	p2 =	seq.s32 s10, $0x1;
	s10 =	sld [smem:$0x3FAD]  }
0x3d: {  	_ =	shalt  }
0x3e: {  	_ =	shalt  }
0x3f: {  	_ =	shalt  }
0x40: {  	_ =	shalt  }
0x41: {  	_ =	shalt  }
0x42: {  	_ =	shalt  }
0x43: {  	_ =	shalt  }
0x44: {  	_ =	shalt  }
0x45: {  	_ =	shalt  }
0x46: {  	_ =	shalt  }
0x47: {  	_ =	shalt  }
0x48: {  	_ =	shalt  }
0x49: {  	_ =	shalt  }
0x4a: {  	_ =	shalt  }
0x4b: {  	_ =	shalt  }
0x4c: {  	_ =	shalt  }
0x4d: {  	_ =	shalt  }
0x4e: {  	_ =	shalt  }
0x4f: {  	_ =	shalt  }
0x50: {  	_ =	shalt  }
0x51: {  	_ =	shalt  }
0x52: {  	_ =	shalt  }
0x53: {  	_ =	shalt  }
0x54: {  	_ =	shalt  }
0x55: {  	_ =	shalt  }
0x56: {  	_ =	shalt  }
0x57: {  	_ =	shalt  }
0x58: {  	_ =	shalt  }
0x59: {  	_ =	shalt  }
0x5a: {  	_ =	shalt  }
0x5b: {  	_ =	shalt  }
0x5c: {  	_ =	shalt  }
0x5d: {  	_ =	shalt  }
0x5e: {  	_ =	shalt  }
0x5f: {  	_ =	shalt  }
0x60: {  	_ =	shalt  }
0x61: {  	_ =	shalt  }
0x62: {  	_ =	shalt  }
0x63: {  	_ =	shalt  }
0x64: {  	_ =	shalt  }
0x65: {  	_ =	shalt  }
0x66: {  	_ =	shalt  }
0x67: {  	_ =	shalt  }
0x68: {  	_ =	shalt  }
0x69: {  	_ =	shalt  }
0x6a: {  	_ =	shalt  }
0x6b: {  	_ =	shalt  }
0x6c: {  	_ =	shalt  }
0x6d: {  	_ =	shalt  }
0x6e: {  	_ =	shalt  }
0x6f: {  	_ =	shalt  }
0x70: {  	_ =	shalt  }
0x71: {  	_ =	shalt  }
0x72: {  	_ =	shalt  }
0x73: {  	_ =	shalt  }
0x74: {  	_ =	shalt  }
0x75: {  	_ =	shalt  }
0x76: {  	_ =	shalt  }
0x77: {  	_ =	shalt  }
0x78: {  	_ =	shalt  }
0x79: {  	_ =	shalt  }
0x7a: {  	_ =	shalt  }
0x7b: {  	_ =	shalt  }
0x7c: {  	_ =	shalt  }
0x7d: {  	_ =	shalt  }
0x7e: {  	_ =	shalt  }
0x7f: {  	_ =	shalt  }
0x80: {  	_ =	shalt  }
0x81: {  	_ =	shalt  }
0x82: {  	_ =	shalt  }
0x83: {  	_ =	shalt  }
0x84: {  	_ =	shalt  }
0x85: {  	_ =	shalt  }
0x86: {  	_ =	shalt  }
0x87: {  	_ =	shalt  }
.Lfunc_end0:
.L_simem_size_0:
called_computation.1_lowered:
.L_overlay_start_0:
0x88: {  	s2 =	sld [smem:$0x3FD9]  }
0x89: {  	s3 =	sld [smem:$0x3FFE];
	_ =	sdelay $0x1  }
0x8a: {  	s1 =	srdreg.scid  }
0x8b: {  	s0 =	sand.u32 $0x1, s1  }
0x8c: {  	s16 =	sshll.u32 s0, $0xA;
	s2 =	sadd.s32 s3, s2  }
0x8d: {  	s2 =	sadd.s32 s2, s16  }
0x8e: {  	[smem:$0x3FB9] =	sst s2  }
0x8f: {  	_ = 	snop  }
0x90: {  	(tm) =	ssettm $0x1  }
0x91: {  	s17 =	sld [smem:$0x3FFB];
	_ =	sdelay $0x3  }
0x92: {  	_ =	strace s17  }
0x93: {  	s2 =	sld [smem:$0x3FFC];
	_ =	sdelay $0x3  }
0x94: {  	_ =	strace s2  }
0x95: {  	s2 =	sld [smem:$0x3FFD];
	_ =	sdelay $0x3  }
0x96: {  	_ =	strace s2  }
0x97: {  	_ =	strace $0x8FFFFFFF  }
0x98: {  	s18 =	sld [smem:$0x3FDB];
	_ =	sdelay $0x1  }
0x99: {  	s19 =	simm.s32 $_scs_section_size  }
0x9a: {  	s4 =	simm.s32 $_size__tile_overlayer_lowered;
	s5 =	simm.s32 $_tile_overlayer_lowered  }
0x9b: {  	s22 =	simm.s32 $0x1BFF;
	s21 =	sshll.u32 s5, $0x1;
	s2 =	sadd.s32 s19, s18  }
0x9c: {  	s6 =	simm.s32 $0x0;
	s20 =	sshll.u32 s4, $0x1;
	s4 =	sadd.s32 s21, s2  }
0x9d: {  	[timem:s6], [sflag:s22] =	dma.local [hbm:s4], s20  }
0x9e: {  	_ =	swait.ge [sflag:s22], s20  }
0x9f: {  	s3 =	ssub.s32 $0x0, s20;
	[sflag:s22] =	ssyncset.done $0x0  }
0xa0: {  	[sflag:s22] =	ssyncadd.s32 s3;
	_ =	sdelay $0x1  }
0xa1: {  	s23 =	simm.s32 $0x1B8B  }
0xa2: {  	_ =	swait.ge [sflag:s23], $0x1  }
0xa3: {  	[sflag:s23] =	ssyncset.done $0x0  }
0xa4: {  	s25 =	simm.s32 $0x1B8E;
	s24 =	sld [smem:$0x3FFE];
	[sflag:s23] =	ssyncadd.s32 $0xFFFFFFFF  }
0xa5: {  	s26 =	simm.s32 $execute0_lowered;
	[smem:$0x3FD2] =	sst s25  }
0xa6: {  	s4 =	sshll.u32 s26, $0x1;
	_ =	strace $0x80000046;
	[dreg:$0x1] =	wrdreg $0xFFFFFFFF  }
0xa7: {  	s28 =	simm.s32 $_size_execute0_lowered;
	s2 =	sadd.s32 s2, s4;
	[dreg:$0x0] =	wrdreg $0x0  }
0xa8: {  	s4 =	sshll.u32 s28, $0x1;
	[dreg:$0x2] =	wrdreg s2  }
0xa9: {  	[dreg:$0x3] =	wrdreg s4  }
0xaa: {  	[dreg:$0x4] =	wrdreg $0xC0  }
0xab: {  	_ =	task [dreg:s6], $0x5FFFF  }
0xac: {  	[dreg:$0x1] =	wrdreg $0xFFFFFFFF  }
0xad: {  	[dreg:$0x0] =	wrdreg $0x60  }
0xae: {  	[dreg:$0x2] =	wrdreg s24  }
0xaf: {  	[dreg:$0x3] =	wrdreg $0xEA900  }
0xb0: {  	[dreg:$0x4] =	wrdreg $0x112900  }
0xb1: {  	[dreg:$0x5] =	wrdreg $0xA  }
0xb2: {  	_ =	task.clear_ibuf [dreg:s6], $0x6FFFF;
	_ =	strace $0x90000046  }
0xb3: {  	s29 =	simm.s32 $0xA;
	_ =	strace $0x80000048  }
0xb4: {  	_ =	swait.ge [sflag:s29], $0x1  }
0xb5: {  	[sflag:s29] =	ssyncadd.s32 $0xFFFFFFFF  }
0xb6: {  	_ =	strace $0x90000048  }
0xb7: {  	_ =	sfence  }
0xb8: {  	s30 =	sld [smem:$0x0];
	_ =	sdelay $0x2  }
0xb9: {  	s31 =	sshll.u32 s1, $0xD;
	s1 =	sshrl.u32 s1, $0x2  }
0xba: {  	s3 =	sand.u32 $0x4000, s31;
	s1 =	sadd.s32 s1, s30  }
0xbb: {  	s0 =	sor.u32 s3, s0;
	s1 =	sshll.u32 s1, $0x11  }
0xbc: {  	s0 =	sor.u32 s1, s0  }
0xbd: {  	s0 =	sadd.s32 $0x8F2B, s0  }
0xbe: {  	[sflag:s0] =	ssyncadd.remote.s32 $0x1  }
0xbf: {  	_ =	sfence.sel $0xFFFF  }
0xc0: {  	[dreg:$0x0] =	wrdreg $0xFFFFFFFF;
	(pc) =	sbr.abs _section_cstart, $3  }
0xc1: {  	[dreg:$0x1] =	wrdreg $0xFFFFFFFF  }
0xc2: {  	_ =	task.clear_ibuf [dreg:s6], $0x2FFFF;
	_ =	strace $0x9FFFFFFF  }
0xc3: {  	(tm) =	ssettm $0x7FFFFFFF  }
tec
execute0_lowered:
.L_overlay_start_1:
0x0: {  	(tag) =	ssettag $0x1  }
0x1: {  	s1 =	rddreg [dreg:$0x0]  }
0x2: {  	s2 =	rddreg [dreg:$0x1];
	s0 =	srdreg.scid  }
0x3: {  	s16 =	stileid.u32;
	s3 =	rddreg [dreg:$0x2];
	s4 =	simm.s32 $0x0  }
0x4: {  	s31 =	simm.s32 $0x1388;
	s8 =	sand.u32 $0x1, s0;
	s9 =	smul.u32 $0x280, s16  }
0x5: {  	s19 =	sshll.u32 s16, $0x1;
	[smem:$0x7FF] =	sst s4;
	s10 =	smul.u32 $0x2800, s16  }
0x6: {  	s11 =	sadd.s32 $0x17000, s1;
	s16 =	smul.u32 $0x14000, s16;
	s5 =	sor.u32 s8, s19  }
0x7: {  	_ =	strace $0x80000047;
	s6 =	ssub.s32 $0x2, s8;
	s20 =	smul.u32 $0x140000, s8  }
0x8: {  	s0 =	smul.u32 $0x4E20, s5;
	s7 =	sshrl.u32 s6, $0x1;
	s13 =	sadd.s32 $0x80, s9  }
0x9: {  	s14 =	smul.u32 $0x2710, s5;
	s5 =	sadd.s32 s10, s2;
	s21 =	sadd.s32 $0x100, s9  }
0xa: {  	s18 =	sadd.s32 $0x180, s9;
	s9 =	sadd.s32 $0x200, s9;
	s12 =	ssub.s32 s6, s7  }
0xb: {  	s15 =	sshll.u32 s13, $0x4;
	s6 =	sadd.s32 s10, s3;
	s17 =	sshll.u32 s21, $0x4  }
0xc: {  	s16 =	sadd.s32 s16, s20;
	s13 =	sshll.u32 s13, $0x7;
	s24 =	sshll.u32 s18, $0x7  }
0xd: {  	s25 =	sshll.u32 s9, $0x7;
	s0 =	sadd.s32 s0, s1;
	s7 =	sadd.s32 s15, s2  }
0xe: {  	s8 =	sadd.s32 s15, s3;
	s14 =	sshrl.u32 s14, $0x3;
	s16 =	sshrl.u32 s16, $0x3  }
0xf: {  	s13 =	sadd.s32 s20, s13;
	s15 =	sshll.u32 s21, $0x7;
	s10 =	sadd.s32 s20, s25  }
0x10: {  	s14 =	sadd.s32 s1, s14;
	s19 =	sadd.s32 s11, s16;
	s1 =	sadd.s32 $0x17002, s1  }
0x11: {  	s13 =	sshrl.u32 s13, $0x3;
	s23 =	sadd.s32 s20, s15;
	s15 =	sadd.s32 s20, s24  }
0x12: {  	s10 =	sshrl.u32 s10, $0x3;
	s24 =	smax.u32 s12, $0x1;
	[dreg:$0x4] =	wrdreg s19  }
0x13: {  	s20 =	sadd.s32 s17, s3;
	s25 =	sadd.s32 $0x4FC6B0, s0;
	[dreg:$0x15] =	wrdreg s24  }
0x14: {  	s12 =	simm.s32 $0x80;
	s16 =	sadd.s32 s16, s1;
	[dreg:$0x16] =	wrdreg s25  }
0x15: {  	s22 =	sadd.s32 s11, s13;
	s13 =	sadd.s32 s13, s1;
	[dreg:$0x5] =	wrdreg s16  }
0x16: {  	s15 =	sshrl.u32 s15, $0x3;
	s19 =	sadd.s32 s17, s2;
	[dreg:$0x6] =	wrdreg s22  }
0x17: {  	s17 =	sadd.s32 $0x4FAF40, s0;
	s24 =	simm.s32 $0x2;
	[dreg:$0x7] =	wrdreg s13  }
0x18: {  	s25 =	simm.s32 $0x0;
	s28 =	sadd.s32 s11, s15;
	[dreg:$0x12] =	wrdreg s17  }
0x19: {  	s13 =	sshrl.u32 s23, $0x3;
	s29 =	sadd.s32 s15, s1;
	[dreg:$0xa] =	wrdreg s28  }
0x1a: {  	s15 =	sadd.s32 $0x4F9FA0, s0;
	s16 =	sadd.s32 $0x4FA770, s0;
	[dreg:$0xb] =	wrdreg s29  }
0x1b: {  	s23 =	sadd.s32 $0x4FBEE0, s0;
	s17 =	simm.s32 $0x1;
	[dreg:$0x10] =	wrdreg s15  }
0x1c: {  	s26 =	sadd.s32 s11, s13;
	s13 =	sadd.s32 s13, s1;
	[dreg:$0x11] =	wrdreg s16  }
0x1d: {  	s11 =	sadd.s32 s11, s10;
	s1 =	sadd.s32 s10, s1;
	[dreg:$0x14] =	wrdreg s23  }
0x1e: {  	s10 =	sshll.u32 s18, $0x4;
	s18 =	sadd.s32 $0x4FB710, s0;
	[dreg:$0x8] =	wrdreg s26  }
0x1f: {  	s28 =	sadd.s32 $0x4FCE80, s0;
	s29 =	sadd.s32 $0x4F9000, s0;
	[dreg:$0x9] =	wrdreg s13  }
0x20: {  	s15 =	simm.s32 $0x2710;
	s16 =	simm.s32 $0x6590;
	[dreg:$0xc] =	wrdreg s11  }
0x21: {  	s23 =	simm.s32 $0xA410;
	[dreg:$0xd] =	wrdreg s1;
	s21 =	sadd.s32 s10, s2  }
0x22: {  	s22 =	sadd.s32 s10, s3;
	s11 =	sadd.s32 $0xD240, s14;
	[dreg:$0x13] =	wrdreg s18  }
0x23: {  	s13 =	sshll.u32 s9, $0x4;
	s14 =	sadd.s32 $0x4F97D0, s0;
	[dreg:$0x17] =	wrdreg s28  }
0x24: {  	[dreg:$0x18] =	wrdreg s29;
	s0 =	sadd.s32 $0x4FD650, s0;
	s18 =	simm.s32 $0x3E8  }
0x25: {  	s1 =	simm.s32 $0x1770;
	s9 =	simm.s32 $0x1F40;
	[dreg:$0xe] =	wrdreg s11  }
0x26: {  	s10 =	simm.s32 $0x2328;
	[dreg:$0xf] =	wrdreg s14;
	s26 =	sadd.s32 s13, s2  }
0x27: {  	s30 =	sadd.s32 s13, s3;
	[dreg:$0x19] =	wrdreg s0;
	s13 =	simm.s32 $0xE290  }
0x28: {  	v0 =	vimm.f32 $0.0e+00;
	v1 =	vimm.f32 $1.000000000e+00;
	s14 =	simm.s32 $0x3;
	s0 =	simm.s32 $0x1B58;
	s11 =	simm.s32 $0x10  }
.LBB2_1:
0x29: {  	s28 =	simm.s32 $0x40;
	s29 =	simm.s32 $0x0  }
.LBB2_2:
0x2a: {  	p0 =	sne.s32 s28, $0x1FC0;
	[tilespmem:s29+$0xE290] =	vst v0;
	s29 =	smov.u32 s28;
	s28 =	sadd.s32 $0x40, s28  }
.Ltmp0:
0x2b: {  	(pc) =	sbr.rel @p0 .LBB2_2-.Ltmp0, $2  }
0x2c: {  	_ =	sdelay $0x2  }
0x2d: {  	s29 =	sshra.s32 s29, $0x2  }
0x2e: {  	[tilespmem:s29+$0xE290] =	vst v0  }
0x2f: {  	[spmem:s5] =	stream.linear.scatter [tilespmem:s13], [sflag:$0x3], $0x800, $0x38;
	[tilespmem:$0x13A90] =	vst v63  }
0x30: {  	_ =	swait.ge [sflag:s14], $0x800  }
0x31: {  	[sflag:s14] =	ssyncset.done $0x0  }
0x32: {  	[sflag:s14] =	ssyncadd.s32 $0xFFFFF800  }
0x33: {  	[spmem:s6] =	stream.linear.scatter [tilespmem:s13], [sflag:$0x3], $0x800, $0x38;
	[tilespmem:$0x13A90] =	vst v63  }
0x34: {  	_ =	swait.ge [sflag:s14], $0x800  }
0x35: {  	[sflag:s14] =	ssyncset.done $0x0  }
0x36: {  	[sflag:s14] =	ssyncadd.s32 $0xFFFFF800  }
0x37: {  	[spmem:s7] =	stream.linear.scatter [tilespmem:s13], [sflag:$0x3], $0x800, $0x38;
	[tilespmem:$0x13A90] =	vst v63  }
0x38: {  	_ =	swait.ge [sflag:s14], $0x800  }
0x39: {  	[sflag:s14] =	ssyncset.done $0x0  }
0x3a: {  	[sflag:s14] =	ssyncadd.s32 $0xFFFFF800  }
0x3b: {  	[spmem:s8] =	stream.linear.scatter [tilespmem:s13], [sflag:$0x3], $0x800, $0x38;
	[tilespmem:$0x13A90] =	vst v63  }
0x3c: {  	_ =	swait.ge [sflag:s14], $0x800  }
0x3d: {  	[sflag:s14] =	ssyncset.done $0x0  }
0x3e: {  	[sflag:s14] =	ssyncadd.s32 $0xFFFFF800  }
0x3f: {  	[spmem:s19] =	stream.linear.scatter [tilespmem:s13], [sflag:$0x3], $0x800, $0x38;
	[tilespmem:$0x13A90] =	vst v63  }
0x40: {  	_ =	swait.ge [sflag:s14], $0x800  }
0x41: {  	[sflag:s14] =	ssyncset.done $0x0  }
0x42: {  	[sflag:s14] =	ssyncadd.s32 $0xFFFFF800  }
0x43: {  	[spmem:s20] =	stream.linear.scatter [tilespmem:s13], [sflag:$0x3], $0x800, $0x38;
	[tilespmem:$0x13A90] =	vst v63  }
0x44: {  	_ =	swait.ge [sflag:s14], $0x800  }
0x45: {  	[sflag:s14] =	ssyncset.done $0x0  }
0x46: {  	[sflag:s14] =	ssyncadd.s32 $0xFFFFF800  }
0x47: {  	[spmem:s21] =	stream.linear.scatter [tilespmem:s13], [sflag:$0x3], $0x800, $0x38;
	[tilespmem:$0x13A90] =	vst v63  }
0x48: {  	_ =	swait.ge [sflag:s14], $0x800  }
0x49: {  	[sflag:s14] =	ssyncset.done $0x0  }
0x4a: {  	[sflag:s14] =	ssyncadd.s32 $0xFFFFF800  }
0x4b: {  	[spmem:s22] =	stream.linear.scatter [tilespmem:s13], [sflag:$0x3], $0x800, $0x38;
	[tilespmem:$0x13A90] =	vst v63  }
0x4c: {  	_ =	swait.ge [sflag:s14], $0x800  }
0x4d: {  	[sflag:s14] =	ssyncset.done $0x0  }
0x4e: {  	[sflag:s14] =	ssyncadd.s32 $0xFFFFF800  }
0x4f: {  	[spmem:s26] =	stream.linear.scatter [tilespmem:s13], [sflag:$0x3], $0x800, $0x38;
	[tilespmem:$0x13A90] =	vst v63  }
0x50: {  	_ =	swait.ge [sflag:s14], $0x800  }
0x51: {  	[sflag:s14] =	ssyncset.done $0x0  }
0x52: {  	[sflag:s14] =	ssyncadd.s32 $0xFFFFF800  }
0x53: {  	[spmem:s30] =	stream.linear.scatter [tilespmem:s13], [sflag:$0x3], $0x800, $0x38;
	[tilespmem:$0x13A90] =	vst v63  }
0x54: {  	_ =	swait.ge [sflag:s14], $0x800  }
0x55: {  	[sflag:s14] =	ssyncset.done $0x0  }
0x56: {  	s28 =	simm.s32 $0x40;
	s29 =	simm.s32 $0x0;
	[sflag:s14] =	ssyncadd.s32 $0xFFFFF800  }
.LBB2_4:
0x57: {  	p0 =	sne.s32 s28, $0xF9C0;
	[tilespmem:s29+$0xA410] =	vst v1;
	s29 =	smov.u32 s28;
	s28 =	sadd.s32 $0x40, s28  }
.Ltmp1:
0x58: {  	(pc) =	sbr.rel @p0 .LBB2_4-.Ltmp1, $2  }
0x59: {  	_ =	sdelay $0x2  }
0x5a: {  	s29 =	sshra.s32 s29, $0x2  }
0x5b: {  	[tilespmem:s29+$0xA410] =	vst v1  }
0x5c: {  	[bflag:$0x0] =	sbarrier.arrive $0xFFFF  }
0x5d: {  	s28 =	rddreg [dreg:$0xe]  }
0x5e: {  	[tilespmem:s4], [sflag:$0x3] =	stream.linear.gather [hbm4b:s28+s4], $0x2710, $0x38;
	[tilespmem:$0x13A90] =	vst v63  }
0x5f: {  	_ =	swait.ge [sflag:s14], $0x2710  }
0x60: {  	[sflag:s14] =	ssyncset.done $0x0  }
0x61: {  	s29 =	rddreg [dreg:$0x18];
	[sflag:s14] =	ssyncadd.s32 $0xFFFFD8F0  }
0x62: {  	[tilespmem:s15], [sflag:$0x1] =	stream.linear.gather [hbm4b:s29+s4], $0x3E80, $0x38;
	[tilespmem:$0x13A90] =	vst v63  }
0x63: {  	s29 =	rddreg [dreg:$0xf]  }
0x64: {  	[tilespmem:s16], [sflag:$0x2] =	stream.linear.gather [hbm4b:s29+s4], $0x3E80, $0x38;
	[tilespmem:$0x13A90] =	vst v63  }
0x65: {  	_ =	swait.ge [sflag:s17], $0x3E80  }
0x66: {  	[sflag:s17] =	ssyncset.done $0x0  }
0x67: {  	[sflag:s17] =	ssyncadd.s32 $0xFFFFC180  }
0x68: {  	[spmem:s2] =	stream.indirect.scatter.add.f32 [tilespmem:s15], [sflag:$0x3], $0x10, s4, s18, $0xb8;
	[tilespmem:$0x13A90] =	vst v63  }
0x69: {  	_ =	swait.ge [sflag:s14], $0x3E80  }
0x6a: {  	[sflag:s14] =	ssyncset.done $0x0  }
0x6b: {  	[sflag:s14] =	ssyncadd.s32 $0xFFFFC180  }
0x6c: {  	[spmem:s3] =	stream.indirect.scatter.add.f32 [tilespmem:s23], [sflag:$0x3], $0x10, s4, s18, $0xb8;
	[tilespmem:$0x13A90] =	vst v63  }
0x6d: {  	_ =	swait.ge [sflag:s14], $0x3E80  }
0x6e: {  	[sflag:s14] =	ssyncset.done $0x0  }
0x6f: {  	s29 =	rddreg [dreg:$0x10];
	[sflag:s14] =	ssyncadd.s32 $0xFFFFC180  }
0x70: {  	[tilespmem:s15], [sflag:$0x1] =	stream.linear.gather [hbm4b:s29+s4], $0x3E80, $0x38;
	[tilespmem:$0x13A90] =	vst v63  }
0x71: {  	_ =	swait.ge [sflag:s24], $0x3E80  }
0x72: {  	[sflag:s24] =	ssyncset.done $0x0  }
0x73: {  	[sflag:s24] =	ssyncadd.s32 $0xFFFFC180  }
0x74: {  	[spmem:s2] =	stream.indirect.scatter.add.f32 [tilespmem:s16], [sflag:$0x3], $0x10, s18, s18, $0xb8;
	[tilespmem:$0x13A90] =	vst v63  }
0x75: {  	_ =	swait.ge [sflag:s14], $0x3E80  }
0x76: {  	[sflag:s14] =	ssyncset.done $0x0  }
0x77: {  	[sflag:s14] =	ssyncadd.s32 $0xFFFFC180  }
0x78: {  	[spmem:s3] =	stream.indirect.scatter.add.f32 [tilespmem:s23], [sflag:$0x3], $0x10, s18, s18, $0xb8;
	[tilespmem:$0x13A90] =	vst v63  }
0x79: {  	_ =	swait.ge [sflag:s14], $0x3E80  }
0x7a: {  	[sflag:s14] =	ssyncset.done $0x0  }
0x7b: {  	s29 =	rddreg [dreg:$0x11];
	[sflag:s14] =	ssyncadd.s32 $0xFFFFC180  }
0x7c: {  	[tilespmem:s16], [sflag:$0x2] =	stream.linear.gather [hbm4b:s29+s4], $0x3E80, $0x38;
	[tilespmem:$0x13A90] =	vst v63  }
0x7d: {  	_ =	swait.ge [sflag:s17], $0x3E80  }
0x7e: {  	[sflag:s17] =	ssyncset.done $0x0  }
0x7f: {  	s29 =	simm.s32 $0x7D0;
	[sflag:s17] =	ssyncadd.s32 $0xFFFFC180  }
0x80: {  	[spmem:s2] =	stream.indirect.scatter.add.f32 [tilespmem:s15], [sflag:$0x3], $0x10, s29, s18, $0xb8;
	[tilespmem:$0x13A90] =	vst v63  }
0x81: {  	_ =	swait.ge [sflag:s14], $0x3E80  }
0x82: {  	[sflag:s14] =	ssyncset.done $0x0  }
0x83: {  	[sflag:s14] =	ssyncadd.s32 $0xFFFFC180  }
0x84: {  	[spmem:s3] =	stream.indirect.scatter.add.f32 [tilespmem:s23], [sflag:$0x3], $0x10, s29, s18, $0xb8;
	[tilespmem:$0x13A90] =	vst v63  }
0x85: {  	_ =	swait.ge [sflag:s14], $0x3E80  }
0x86: {  	[sflag:s14] =	ssyncset.done $0x0  }
0x87: {  	s29 =	rddreg [dreg:$0x12];
	[sflag:s14] =	ssyncadd.s32 $0xFFFFC180  }
0x88: {  	[tilespmem:s15], [sflag:$0x1] =	stream.linear.gather [hbm4b:s29+s4], $0x3E80, $0x38;
	[tilespmem:$0x13A90] =	vst v63  }
0x89: {  	_ =	swait.ge [sflag:s24], $0x3E80  }
0x8a: {  	[sflag:s24] =	ssyncset.done $0x0  }
0x8b: {  	s29 =	simm.s32 $0xBB8;
	[sflag:s24] =	ssyncadd.s32 $0xFFFFC180  }
0x8c: {  	[spmem:s2] =	stream.indirect.scatter.add.f32 [tilespmem:s16], [sflag:$0x3], $0x10, s29, s18, $0xb8;
	[tilespmem:$0x13A90] =	vst v63  }
0x8d: {  	_ =	swait.ge [sflag:s14], $0x3E80  }
0x8e: {  	[sflag:s14] =	ssyncset.done $0x0  }
0x8f: {  	[sflag:s14] =	ssyncadd.s32 $0xFFFFC180  }
0x90: {  	[spmem:s3] =	stream.indirect.scatter.add.f32 [tilespmem:s23], [sflag:$0x3], $0x10, s29, s18, $0xb8;
	[tilespmem:$0x13A90] =	vst v63  }
0x91: {  	_ =	swait.ge [sflag:s14], $0x3E80  }
0x92: {  	[sflag:s14] =	ssyncset.done $0x0  }
0x93: {  	s29 =	rddreg [dreg:$0x13];
	[sflag:s14] =	ssyncadd.s32 $0xFFFFC180  }
0x94: {  	[tilespmem:s16], [sflag:$0x2] =	stream.linear.gather [hbm4b:s29+s4], $0x3E80, $0x38;
	[tilespmem:$0x13A90] =	vst v63  }
0x95: {  	_ =	swait.ge [sflag:s17], $0x3E80  }
0x96: {  	[sflag:s17] =	ssyncset.done $0x0  }
0x97: {  	s29 =	simm.s32 $0xFA0;
	[sflag:s17] =	ssyncadd.s32 $0xFFFFC180  }
0x98: {  	[spmem:s2] =	stream.indirect.scatter.add.f32 [tilespmem:s15], [sflag:$0x3], $0x10, s29, s18, $0xb8;
	[tilespmem:$0x13A90] =	vst v63  }
0x99: {  	_ =	swait.ge [sflag:s14], $0x3E80  }
0x9a: {  	[sflag:s14] =	ssyncset.done $0x0  }
0x9b: {  	[sflag:s14] =	ssyncadd.s32 $0xFFFFC180  }
0x9c: {  	[spmem:s3] =	stream.indirect.scatter.add.f32 [tilespmem:s23], [sflag:$0x3], $0x10, s29, s18, $0xb8;
	[tilespmem:$0x13A90] =	vst v63  }
0x9d: {  	_ =	swait.ge [sflag:s14], $0x3E80  }
0x9e: {  	[sflag:s14] =	ssyncset.done $0x0  }
0x9f: {  	s29 =	rddreg [dreg:$0x14];
	[sflag:s14] =	ssyncadd.s32 $0xFFFFC180  }
0xa0: {  	[tilespmem:s15], [sflag:$0x1] =	stream.linear.gather [hbm4b:s29+s4], $0x3E80, $0x38;
	[tilespmem:$0x13A90] =	vst v63  }
0xa1: {  	_ =	swait.ge [sflag:s24], $0x3E80  }
0xa2: {  	[sflag:s24] =	ssyncset.done $0x0  }
0xa3: {  	[sflag:s24] =	ssyncadd.s32 $0xFFFFC180  }
0xa4: {  	[spmem:s2] =	stream.indirect.scatter.add.f32 [tilespmem:s16], [sflag:$0x3], $0x10, s31, s18, $0xb8;
	[tilespmem:$0x13A90] =	vst v63  }
0xa5: {  	_ =	swait.ge [sflag:s14], $0x3E80  }
0xa6: {  	[sflag:s14] =	ssyncset.done $0x0  }
0xa7: {  	[sflag:s14] =	ssyncadd.s32 $0xFFFFC180  }
0xa8: {  	[spmem:s3] =	stream.indirect.scatter.add.f32 [tilespmem:s23], [sflag:$0x3], $0x10, s31, s18, $0xb8;
	[tilespmem:$0x13A90] =	vst v63  }
0xa9: {  	_ =	swait.ge [sflag:s14], $0x3E80  }
0xaa: {  	[sflag:s14] =	ssyncset.done $0x0  }
0xab: {  	s29 =	rddreg [dreg:$0x16];
	[sflag:s14] =	ssyncadd.s32 $0xFFFFC180  }
0xac: {  	[tilespmem:s16], [sflag:$0x2] =	stream.linear.gather [hbm4b:s29+s4], $0x3E80, $0x38;
	[tilespmem:$0x13A90] =	vst v63  }
0xad: {  	_ =	swait.ge [sflag:s17], $0x3E80  }
0xae: {  	[sflag:s17] =	ssyncset.done $0x0  }
0xaf: {  	[sflag:s17] =	ssyncadd.s32 $0xFFFFC180  }
0xb0: {  	[spmem:s2] =	stream.indirect.scatter.add.f32 [tilespmem:s15], [sflag:$0x3], $0x10, s1, s18, $0xb8;
	[tilespmem:$0x13A90] =	vst v63  }
0xb1: {  	_ =	swait.ge [sflag:s14], $0x3E80  }
0xb2: {  	[sflag:s14] =	ssyncset.done $0x0  }
0xb3: {  	[sflag:s14] =	ssyncadd.s32 $0xFFFFC180  }
0xb4: {  	[spmem:s3] =	stream.indirect.scatter.add.f32 [tilespmem:s23], [sflag:$0x3], $0x10, s1, s18, $0xb8;
	[tilespmem:$0x13A90] =	vst v63  }
0xb5: {  	_ =	swait.ge [sflag:s14], $0x3E80  }
0xb6: {  	[sflag:s14] =	ssyncset.done $0x0  }
0xb7: {  	s29 =	rddreg [dreg:$0x17];
	[sflag:s14] =	ssyncadd.s32 $0xFFFFC180  }
0xb8: {  	[tilespmem:s15], [sflag:$0x1] =	stream.linear.gather [hbm4b:s29+s4], $0x3E80, $0x38;
	[tilespmem:$0x13A90] =	vst v63  }
0xb9: {  	_ =	swait.ge [sflag:s24], $0x3E80  }
0xba: {  	[sflag:s24] =	ssyncset.done $0x0  }
0xbb: {  	[sflag:s24] =	ssyncadd.s32 $0xFFFFC180  }
0xbc: {  	[spmem:s2] =	stream.indirect.scatter.add.f32 [tilespmem:s16], [sflag:$0x3], $0x10, s0, s18, $0xb8;
	[tilespmem:$0x13A90] =	vst v63  }
0xbd: {  	_ =	swait.ge [sflag:s14], $0x3E80  }
0xbe: {  	[sflag:s14] =	ssyncset.done $0x0  }
0xbf: {  	[sflag:s14] =	ssyncadd.s32 $0xFFFFC180  }
0xc0: {  	[spmem:s3] =	stream.indirect.scatter.add.f32 [tilespmem:s23], [sflag:$0x3], $0x10, s0, s18, $0xb8;
	[tilespmem:$0x13A90] =	vst v63  }
0xc1: {  	_ =	swait.ge [sflag:s14], $0x3E80  }
0xc2: {  	[sflag:s14] =	ssyncset.done $0x0  }
0xc3: {  	s29 =	rddreg [dreg:$0x19];
	[sflag:s14] =	ssyncadd.s32 $0xFFFFC180  }
0xc4: {  	[tilespmem:s16], [sflag:$0x2] =	stream.linear.gather [hbm4b:s29+s4], $0x3E80, $0x38;
	[tilespmem:$0x13A90] =	vst v63  }
0xc5: {  	_ =	swait.ge [sflag:s17], $0x3E80  }
0xc6: {  	[sflag:s17] =	ssyncset.done $0x0  }
0xc7: {  	[sflag:s17] =	ssyncadd.s32 $0xFFFFC180  }
0xc8: {  	[spmem:s2] =	stream.indirect.scatter.add.f32 [tilespmem:s15], [sflag:$0x3], $0x10, s9, s18, $0xb8;
	[tilespmem:$0x13A90] =	vst v63  }
0xc9: {  	_ =	swait.ge [sflag:s14], $0x3E80  }
0xca: {  	[sflag:s14] =	ssyncset.done $0x0  }
0xcb: {  	[sflag:s14] =	ssyncadd.s32 $0xFFFFC180  }
0xcc: {  	[spmem:s3] =	stream.indirect.scatter.add.f32 [tilespmem:s23], [sflag:$0x3], $0x10, s9, s18, $0xb8;
	[tilespmem:$0x13A90] =	vst v63  }
0xcd: {  	_ =	swait.ge [sflag:s14], $0x3E80  }
0xce: {  	[sflag:s14] =	ssyncset.done $0x0  }
0xcf: {  	[sflag:s14] =	ssyncadd.s32 $0xFFFFC180  }
0xd0: {  	_ =	swait.ge [sflag:s24], $0x3E80  }
0xd1: {  	[sflag:s24] =	ssyncset.done $0x0  }
0xd2: {  	[sflag:s24] =	ssyncadd.s32 $0xFFFFC180  }
0xd3: {  	[spmem:s2] =	stream.indirect.scatter.add.f32 [tilespmem:s16], [sflag:$0x3], $0x10, s10, s18, $0xb8;
	[tilespmem:$0x13A90] =	vst v63  }
0xd4: {  	_ =	swait.ge [sflag:s14], $0x3E80  }
0xd5: {  	[sflag:s14] =	ssyncset.done $0x0  }
0xd6: {  	[sflag:s14] =	ssyncadd.s32 $0xFFFFC180  }
0xd7: {  	[spmem:s3] =	stream.indirect.scatter.add.f32 [tilespmem:s23], [sflag:$0x3], $0x10, s10, s18, $0xb8;
	[tilespmem:$0x13A90] =	vst v63  }
0xd8: {  	_ =	swait.ge [sflag:s14], $0x3E80  }
0xd9: {  	[sflag:s14] =	ssyncset.done $0x0  }
0xda: {  	[sflag:s14] =	ssyncadd.s32 $0xFFFFC180  }
0xdb: {  	[bflag:$0x0] =	sbarrier.arrive $0xFFFF  }
0xdc: {  	[tilespmem:s13], [sflag:$0x3] =	stream.linear.gather [spmem:s5], $0x800, $0x38;
	[tilespmem:$0x13A90] =	vst v63  }
0xdd: {  	_ =	swait.ge [sflag:s14], $0x800  }
0xde: {  	[sflag:s14] =	ssyncset.done $0x0  }
0xdf: {  	s29 =	rddreg [dreg:$0x4];
	[sflag:s14] =	ssyncadd.s32 $0xFFFFF800  }
0xe0: {  	[hbm4b:s29+s11] =	stream.strided.scatter [tilespmem:s13], [sflag:$0x3], $0x800, s12, s11, $0x38;
	[tilespmem:$0x13A90] =	vst v63  }
0xe1: {  	_ =	swait.ge [sflag:s14], $0x800  }
0xe2: {  	[sflag:s14] =	ssyncset.done $0x0  }
0xe3: {  	[sflag:s14] =	ssyncadd.s32 $0xFFFFF800  }
0xe4: {  	[tilespmem:s13], [sflag:$0x3] =	stream.linear.gather [spmem:s6], $0x800, $0x38;
	[tilespmem:$0x13A90] =	vst v63  }
0xe5: {  	_ =	swait.ge [sflag:s14], $0x800  }
0xe6: {  	[sflag:s14] =	ssyncset.done $0x0  }
0xe7: {  	s29 =	rddreg [dreg:$0x5];
	[sflag:s14] =	ssyncadd.s32 $0xFFFFF800  }
0xe8: {  	[hbm4b:s29+s11] =	stream.strided.scatter [tilespmem:s13], [sflag:$0x3], $0x800, s12, s11, $0x38;
	[tilespmem:$0x13A90] =	vst v63  }
0xe9: {  	_ =	swait.ge [sflag:s14], $0x800  }
0xea: {  	[sflag:s14] =	ssyncset.done $0x0  }
0xeb: {  	[sflag:s14] =	ssyncadd.s32 $0xFFFFF800  }
0xec: {  	[tilespmem:s13], [sflag:$0x3] =	stream.linear.gather [spmem:s7], $0x800, $0x38;
	[tilespmem:$0x13A90] =	vst v63  }
0xed: {  	_ =	swait.ge [sflag:s14], $0x800  }
0xee: {  	[sflag:s14] =	ssyncset.done $0x0  }
0xef: {  	s29 =	rddreg [dreg:$0x6];
	[sflag:s14] =	ssyncadd.s32 $0xFFFFF800  }
0xf0: {  	[hbm4b:s29+s11] =	stream.strided.scatter [tilespmem:s13], [sflag:$0x3], $0x800, s12, s11, $0x38;
	[tilespmem:$0x13A90] =	vst v63  }
0xf1: {  	_ =	swait.ge [sflag:s14], $0x800  }
0xf2: {  	[sflag:s14] =	ssyncset.done $0x0  }
0xf3: {  	[sflag:s14] =	ssyncadd.s32 $0xFFFFF800  }
0xf4: {  	[tilespmem:s13], [sflag:$0x3] =	stream.linear.gather [spmem:s8], $0x800, $0x38;
	[tilespmem:$0x13A90] =	vst v63  }
0xf5: {  	_ =	swait.ge [sflag:s14], $0x800  }
0xf6: {  	[sflag:s14] =	ssyncset.done $0x0  }
0xf7: {  	s29 =	rddreg [dreg:$0x7];
	[sflag:s14] =	ssyncadd.s32 $0xFFFFF800  }
0xf8: {  	[hbm4b:s29+s11] =	stream.strided.scatter [tilespmem:s13], [sflag:$0x3], $0x800, s12, s11, $0x38;
	[tilespmem:$0x13A90] =	vst v63  }
0xf9: {  	_ =	swait.ge [sflag:s14], $0x800  }
0xfa: {  	[sflag:s14] =	ssyncset.done $0x0  }
0xfb: {  	[sflag:s14] =	ssyncadd.s32 $0xFFFFF800  }
0xfc: {  	[tilespmem:s13], [sflag:$0x3] =	stream.linear.gather [spmem:s19], $0x800, $0x38;
	[tilespmem:$0x13A90] =	vst v63  }
0xfd: {  	_ =	swait.ge [sflag:s14], $0x800  }
0xfe: {  	[sflag:s14] =	ssyncset.done $0x0  }
0xff: {  	s29 =	rddreg [dreg:$0x8];
	[sflag:s14] =	ssyncadd.s32 $0xFFFFF800  }
0x100: {  	[hbm4b:s29+s11] =	stream.strided.scatter [tilespmem:s13], [sflag:$0x3], $0x800, s12, s11, $0x38;
	[tilespmem:$0x13A90] =	vst v63  }
0x101: {  	_ =	swait.ge [sflag:s14], $0x800  }
0x102: {  	[sflag:s14] =	ssyncset.done $0x0  }
0x103: {  	[sflag:s14] =	ssyncadd.s32 $0xFFFFF800  }
0x104: {  	[tilespmem:s13], [sflag:$0x3] =	stream.linear.gather [spmem:s20], $0x800, $0x38;
	[tilespmem:$0x13A90] =	vst v63  }
0x105: {  	_ =	swait.ge [sflag:s14], $0x800  }
0x106: {  	[sflag:s14] =	ssyncset.done $0x0  }
0x107: {  	s29 =	rddreg [dreg:$0x9];
	[sflag:s14] =	ssyncadd.s32 $0xFFFFF800  }
0x108: {  	[hbm4b:s29+s11] =	stream.strided.scatter [tilespmem:s13], [sflag:$0x3], $0x800, s12, s11, $0x38;
	[tilespmem:$0x13A90] =	vst v63  }
0x109: {  	_ =	swait.ge [sflag:s14], $0x800  }
0x10a: {  	[sflag:s14] =	ssyncset.done $0x0  }
0x10b: {  	[sflag:s14] =	ssyncadd.s32 $0xFFFFF800  }
0x10c: {  	[tilespmem:s13], [sflag:$0x3] =	stream.linear.gather [spmem:s21], $0x800, $0x38;
	[tilespmem:$0x13A90] =	vst v63  }
0x10d: {  	_ =	swait.ge [sflag:s14], $0x800  }
0x10e: {  	[sflag:s14] =	ssyncset.done $0x0  }
0x10f: {  	s29 =	rddreg [dreg:$0xa];
	[sflag:s14] =	ssyncadd.s32 $0xFFFFF800  }
0x110: {  	[hbm4b:s29+s11] =	stream.strided.scatter [tilespmem:s13], [sflag:$0x3], $0x800, s12, s11, $0x38;
	[tilespmem:$0x13A90] =	vst v63  }
0x111: {  	_ =	swait.ge [sflag:s14], $0x800  }
0x112: {  	[sflag:s14] =	ssyncset.done $0x0  }
0x113: {  	[sflag:s14] =	ssyncadd.s32 $0xFFFFF800  }
0x114: {  	[tilespmem:s13], [sflag:$0x3] =	stream.linear.gather [spmem:s22], $0x800, $0x38;
	[tilespmem:$0x13A90] =	vst v63  }
0x115: {  	_ =	swait.ge [sflag:s14], $0x800  }
0x116: {  	[sflag:s14] =	ssyncset.done $0x0  }
0x117: {  	s29 =	rddreg [dreg:$0xb];
	[sflag:s14] =	ssyncadd.s32 $0xFFFFF800  }
0x118: {  	[hbm4b:s29+s11] =	stream.strided.scatter [tilespmem:s13], [sflag:$0x3], $0x800, s12, s11, $0x38;
	[tilespmem:$0x13A90] =	vst v63  }
0x119: {  	_ =	swait.ge [sflag:s14], $0x800  }
0x11a: {  	[sflag:s14] =	ssyncset.done $0x0  }
0x11b: {  	[sflag:s14] =	ssyncadd.s32 $0xFFFFF800  }
0x11c: {  	[tilespmem:s13], [sflag:$0x3] =	stream.linear.gather [spmem:s26], $0x800, $0x38;
	[tilespmem:$0x13A90] =	vst v63  }
0x11d: {  	_ =	swait.ge [sflag:s14], $0x800  }
0x11e: {  	[sflag:s14] =	ssyncset.done $0x0  }
0x11f: {  	s29 =	rddreg [dreg:$0xc];
	[sflag:s14] =	ssyncadd.s32 $0xFFFFF800  }
0x120: {  	[hbm4b:s29+s11] =	stream.strided.scatter [tilespmem:s13], [sflag:$0x3], $0x800, s12, s11, $0x38;
	[tilespmem:$0x13A90] =	vst v63  }
0x121: {  	_ =	swait.ge [sflag:s14], $0x800  }
0x122: {  	[sflag:s14] =	ssyncset.done $0x0  }
0x123: {  	[sflag:s14] =	ssyncadd.s32 $0xFFFFF800  }
0x124: {  	[tilespmem:s13], [sflag:$0x3] =	stream.linear.gather [spmem:s30], $0x800, $0x38;
	[tilespmem:$0x13A90] =	vst v63  }
0x125: {  	_ =	swait.ge [sflag:s14], $0x800  }
0x126: {  	[sflag:s14] =	ssyncset.done $0x0  }
0x127: {  	s29 =	rddreg [dreg:$0xd];
	[sflag:s14] =	ssyncadd.s32 $0xFFFFF800  }
0x128: {  	[hbm4b:s29+s11] =	stream.strided.scatter [tilespmem:s13], [sflag:$0x3], $0x800, s12, s11, $0x38;
	[tilespmem:$0x13A90] =	vst v63  }
0x129: {  	_ =	swait.ge [sflag:s14], $0x800  }
0x12a: {  	s25 =	sadd.s32 $0x1, s25;
	s29 =	rddreg [dreg:$0x15]  }
0x12b: {  	p0 =	sne.s32 s25, s29  }
.Ltmp2:
0x12c: {  	_ = 	snop;
	(pc) =	sbr.rel @p0 .LBB2_1-.Ltmp2, $3  }
0x12d: {  	_ =	sdelay $0x1  }
0x12e: {  	[sflag:s14] =	ssyncset.done $0x0  }
0x12f: {  	[sflag:s14] =	ssyncadd.s32 $0xFFFFF800  }
0x130: {  	_ =	sfence.sel $0x180000  }
0x131: {  	[bflag:$0x0] =	sbarrier.arrive $0xFFFF  }
0x132: {  	_ =	strace $0x90000047  }
0x133: {  	s0 =	stileid.u32;
	[bflag:$0x2] =	sbarrier.arrive $0xFFFF  }
0x134: {  	p0 =	sne.s32 s0, $0x0;
	s0 =	rddreg [dreg:$0x3]  }
0x135: {  	s0 =	sadd.s32 @!p0 $0x100000, s0  }
0x136: {  	[sflag:s0] =	ssyncadd.tile.s32 @!p0 $0x1;
	_ =	shalt  }
.Lfunc_end2:
_tile_overlayer_lowered:
.L_overlay_start_2:
0x137: {  	(tag) =	ssettag $0x2  }
0x138: {  	s0 =	rddreg [dreg:$0x0];
	s2 =	stileid.u32  }
0x139: {  	s1 =	rddreg [dreg:$0x1];
	p0 =	sne.s32 s2, $0x0  }
0x13a: {  	s3 =	rddreg [dreg:$0x2];
	[bflag:$0x3] =	sbarrier.arrive $0xFFFF;
	s2 =	simm.s32 @!p0 $0x1C03  }
0x13b: {  	[timem:s3], [sflag:s2] =	dma.local @!p0 [hbm:s0], s1  }
0x13c: {  	s0 =	simm.s32 @!p0 $0x3  }
0x13d: {  	_ =	swait.ge @!p0 [sflag:s0], s1  }
0x13e: {  	s1 =	ssub.s32 @!p0 $0x0, s1;
	[sflag:s0] =	ssyncset.done @!p0 $0x0  }
0x13f: {  	[sflag:s0] =	ssyncadd.s32 @!p0 s1  }
0x140: {  	[bflag:$0x3] =	sbarrier.arrive $0xFFFF  }
0x141: {  	_ =	shalt  }

// kernel: kernel.16.cloned.1.call-start
scs
__scs_entry_jumppad:
0x0: {  	(pc) =	sbr.rel $0x88, $3  }
0x1: {  	(tag) =	ssettag $0x0;
	lr =	simm.s32 $0x1  }
0x2: {  	[smem:$0x3F92] =	sst lr;
	_ =	strace $0xD0000000  }
0x3: {  	_ = 	snop  }
0x4: {  	_ = 	snop  }
0x5: {  	_ = 	snop  }
0x6: {  	_ = 	snop  }
0x7: {  	_ = 	snop  }
__scs_overlays_trampoline_lowered:
0x8: {  	[smem:$0x3FA1] =	sst s0  }
0x9: {  	[smem:$0x3FA2] =	sst s1  }
0xa: {  	[smem:$0x3FA3] =	sst s2  }
0xb: {  	[smem:$0x3FA4] =	sst s3  }
0xc: {  	[smem:$0x3FA5] =	sst s4  }
0xd: {  	[smem:$0x3FA6] =	sst s5  }
0xe: {  	[smem:$0x3FA7] =	sst s6  }
0xf: {  	[smem:$0x3FA8] =	sst s7  }
0x10: {  	[smem:$0x3FA9] =	sst s8  }
0x11: {  	[smem:$0x3FAA] =	sst s9;
	s0 =	simm.s32 @!p0 $0x0  }
0x12: {  	s1 =	sld [smem:$0x3F90];
	s0 =	simm.s32 @p0 $0x1  }
0x13: {  	[smem:$0x3FAB] =	sst s0;
	s0 =	simm.s32 @!p1 $0x0  }
0x14: {  	s2 =	sld [smem:$0x3F8F];
	s0 =	simm.s32 @p1 $0x1  }
0x15: {  	[smem:$0x3FAC] =	sst s0;
	s0 =	simm.s32 @!p2 $0x0  }
0x16: {  	s3 =	sld [smem:$0x3FDB];
	s0 =	simm.s32 @p2 $0x1  }
0x17: {  	s4 =	simm.s32 $0x1BF5;
	[smem:$0x3FAE] =	sst s0  }
0x18: {  	s0 =	sld [smem:$0x3F91];
	_ =	swait.ge [sflag:s4], $0x0  }
0x19: {  	s7 =	sld [smem:$0x3F92]  }
0x1a: {  	s8 =	sadd.s32 $0xFFFFE003, lr  }
0x1b: {  	s9 =	sadd.s32 $0xFFFFFEF7, lr;
	s5 =	simm.s32 $0xFFFFFFFF;
	p2 =	slt.u32 s8, $0xFFFFF086  }
0x1c: {  	p1 =	slt.u32 s9, $0xF7A;
	s5 =	simm.s32 @!p2 $0x0  }
0x1d: {  	s5 =	simm.s32 @p1 $0x1;
	p0 =	seq.s32 s7, s2  }
0x1e: {  	s7 =	smul.u32 @!p0 $0xF7A, s2;
	p2 =	seq.s32 @!p0 s5, $0x0  }
0x1f: {  	s9 =	smul.u32 $0xF7A, s1;
	s8 =	simm.s32 @!p0 $0x1BF5;
	p2 =	por !p2, p0  }
0x20: {  	[sflag:s8] =	ssyncset.s32 @!p0 $0xFFFFF086;
	s6 =	sadd.s32 @!p0 s3, s7;
	s7 =	simm.s32 @!p0 $0x108  }
0x21: {  	s3 =	sadd.s32 s3, s9;
	s6 =	sadd.s32 @!p0 $0x88, s6;
	s7 =	simm.s32 @p2 $0x1082  }
0x22: {  	[simem:s7], [sflag:s8] =	dma.local @!p0 [hbm:s6], $0xF7A  }
0x23: {  	s9 =	sor.u32 $0xD0000000, s2;
	s6 =	simm.s32 $0x108;
	_ =	swait.ge @!p0 [sflag:s8], $0x0  }
0x24: {  	s3 =	sadd.s32 $0x88, s3;
	s6 =	simm.s32 @!p1 $0x1082;
	[sflag:s4] =	ssyncset.s32 $0xFFFFF086  }
0x25: {  	[simem:s6], [sflag:s4] =	dma.local [hbm:s3], $0xF7A  }
0x26: {  	[smem:$0x3F92] =	sst s1;
	(tag) =	ssettag s2;
	_ =	strace s9  }
0x27: {  	s1 =	sld [smem:$0x3FA2]  }
0x28: {  	s2 =	sld [smem:$0x3FA3]  }
0x29: {  	s4 =	sld [smem:$0x3FA5]  }
0x2a: {  	p0 =	seq.s32 s5, $0x0;
	s5 =	sld [smem:$0x3FA6]  }
0x2b: {  	s6 =	sld [smem:$0x3FA7]  }
0x2c: {  	s7 =	sld [smem:$0x3FA8]  }
0x2d: {  	s3 =	simm.s32 $0x108;
	s8 =	sld [smem:$0x3FA9]  }
0x2e: {  	s3 =	simm.s32 @!p0 $0x1082;
	s9 =	sld [smem:$0x3FAA]  }
0x2f: {  	lr =	sadd.s32 s0, s3;
	s0 =	sld [smem:$0x3FA1]  }
0x30: {  	s3 =	sld [smem:$0x3FA4]  }
0x31: {  	[smem:$0x3FAD] =	sst s10  }
0x32: {  	s10 =	sld [smem:$0x3FAB];
	_ =	sdelay $0x3  }
0x33: {  	p0 =	seq.s32 s10, $0x1;
	s10 =	sld [smem:$0x3FAD];
	_ =	sdelay $0x3  }
0x34: {  	[smem:$0x3FAD] =	sst s10  }
0x35: {  	s10 =	sld [smem:$0x3FAC];
	_ =	sdelay $0x3  }
0x36: {  	p1 =	seq.s32 s10, $0x1;
	s10 =	sld [smem:$0x3FAD];
	_ =	sdelay $0x3  }
0x37: {  	[smem:$0x3FAD] =	sst s10  }
0x38: {  	s10 =	sld [smem:$0x3FAE]  }
0x39: {  	_ = 	snop;
	(pc) =	sbr.ind lr, $3  }
0x3a: {  	_ = 	snop  }
0x3b: {  	_ = 	snop  }
0x3c: {  	p2 =	seq.s32 s10, $0x1;
	s10 =	sld [smem:$0x3FAD]  }
0x3d: {  	_ =	shalt  }
0x3e: {  	_ =	shalt  }
0x3f: {  	_ =	shalt  }
0x40: {  	_ =	shalt  }
0x41: {  	_ =	shalt  }
0x42: {  	_ =	shalt  }
0x43: {  	_ =	shalt  }
0x44: {  	_ =	shalt  }
0x45: {  	_ =	shalt  }
0x46: {  	_ =	shalt  }
0x47: {  	_ =	shalt  }
0x48: {  	_ =	shalt  }
0x49: {  	_ =	shalt  }
0x4a: {  	_ =	shalt  }
0x4b: {  	_ =	shalt  }
0x4c: {  	_ =	shalt  }
0x4d: {  	_ =	shalt  }
0x4e: {  	_ =	shalt  }
0x4f: {  	_ =	shalt  }
0x50: {  	_ =	shalt  }
0x51: {  	_ =	shalt  }
0x52: {  	_ =	shalt  }
0x53: {  	_ =	shalt  }
0x54: {  	_ =	shalt  }
0x55: {  	_ =	shalt  }
0x56: {  	_ =	shalt  }
0x57: {  	_ =	shalt  }
0x58: {  	_ =	shalt  }
0x59: {  	_ =	shalt  }
0x5a: {  	_ =	shalt  }
0x5b: {  	_ =	shalt  }
0x5c: {  	_ =	shalt  }
0x5d: {  	_ =	shalt  }
0x5e: {  	_ =	shalt  }
0x5f: {  	_ =	shalt  }
0x60: {  	_ =	shalt  }
0x61: {  	_ =	shalt  }
0x62: {  	_ =	shalt  }
0x63: {  	_ =	shalt  }
0x64: {  	_ =	shalt  }
0x65: {  	_ =	shalt  }
0x66: {  	_ =	shalt  }
0x67: {  	_ =	shalt  }
0x68: {  	_ =	shalt  }
0x69: {  	_ =	shalt  }
0x6a: {  	_ =	shalt  }
0x6b: {  	_ =	shalt  }
0x6c: {  	_ =	shalt  }
0x6d: {  	_ =	shalt  }
0x6e: {  	_ =	shalt  }
0x6f: {  	_ =	shalt  }
0x70: {  	_ =	shalt  }
0x71: {  	_ =	shalt  }
0x72: {  	_ =	shalt  }
0x73: {  	_ =	shalt  }
0x74: {  	_ =	shalt  }
0x75: {  	_ =	shalt  }
0x76: {  	_ =	shalt  }
0x77: {  	_ =	shalt  }
0x78: {  	_ =	shalt  }
0x79: {  	_ =	shalt  }
0x7a: {  	_ =	shalt  }
0x7b: {  	_ =	shalt  }
0x7c: {  	_ =	shalt  }
0x7d: {  	_ =	shalt  }
0x7e: {  	_ =	shalt  }
0x7f: {  	_ =	shalt  }
0x80: {  	_ =	shalt  }
0x81: {  	_ =	shalt  }
0x82: {  	_ =	shalt  }
0x83: {  	_ =	shalt  }
0x84: {  	_ =	shalt  }
0x85: {  	_ =	shalt  }
0x86: {  	_ =	shalt  }
0x87: {  	_ =	shalt  }
.Lfunc_end0:
.L_simem_size_0:
called_computation.2_lowered:
.L_overlay_start_0:
0x88: {  	s2 =	sld [smem:$0x3FD9]  }
0x89: {  	s3 =	sld [smem:$0x3FFE];
	_ =	sdelay $0x1  }
0x8a: {  	s1 =	srdreg.scid  }
0x8b: {  	s0 =	sand.u32 $0x1, s1  }
0x8c: {  	s16 =	sshll.u32 s0, $0xA;
	s2 =	sadd.s32 s3, s2  }
0x8d: {  	s2 =	sadd.s32 s2, s16  }
0x8e: {  	[smem:$0x3FB9] =	sst s2  }
0x8f: {  	_ = 	snop  }
0x90: {  	(tm) =	ssettm $0x1  }
0x91: {  	s17 =	sld [smem:$0x3FFB];
	_ =	sdelay $0x3  }
0x92: {  	_ =	strace s17  }
0x93: {  	s2 =	sld [smem:$0x3FFC];
	_ =	sdelay $0x3  }
0x94: {  	_ =	strace s2  }
0x95: {  	s2 =	sld [smem:$0x3FFD];
	_ =	sdelay $0x3  }
0x96: {  	_ =	strace s2  }
0x97: {  	_ =	strace $0x8FFFFFFF  }
0x98: {  	s18 =	sld [smem:$0x3FDB];
	_ =	sdelay $0x1  }
0x99: {  	s19 =	simm.s32 $_scs_section_size  }
0x9a: {  	s4 =	simm.s32 $_size__tile_overlayer_lowered;
	s5 =	simm.s32 $_tile_overlayer_lowered  }
0x9b: {  	s22 =	simm.s32 $0x1BFF;
	s21 =	sshll.u32 s5, $0x1;
	s2 =	sadd.s32 s19, s18  }
0x9c: {  	s6 =	simm.s32 $0x0;
	s20 =	sshll.u32 s4, $0x1;
	s4 =	sadd.s32 s21, s2  }
0x9d: {  	[timem:s6], [sflag:s22] =	dma.local [hbm:s4], s20  }
0x9e: {  	_ =	swait.ge [sflag:s22], s20  }
0x9f: {  	s3 =	ssub.s32 $0x0, s20;
	[sflag:s22] =	ssyncset.done $0x0  }
0xa0: {  	[sflag:s22] =	ssyncadd.s32 s3;
	_ =	sdelay $0x1  }
0xa1: {  	s23 =	simm.s32 $0x1B8B  }
0xa2: {  	_ =	swait.ge [sflag:s23], $0x1  }
0xa3: {  	[sflag:s23] =	ssyncset.done $0x0  }
0xa4: {  	s25 =	simm.s32 $0x1B8E;
	s24 =	sld [smem:$0x3FFE];
	[sflag:s23] =	ssyncadd.s32 $0xFFFFFFFF  }
0xa5: {  	s26 =	simm.s32 $execute0_lowered;
	[smem:$0x3FD2] =	sst s25  }
0xa6: {  	s4 =	sshll.u32 s26, $0x1;
	_ =	strace $0x8000004C;
	[dreg:$0x1] =	wrdreg $0xFFFFFFFF  }
0xa7: {  	s28 =	simm.s32 $_size_execute0_lowered;
	s2 =	sadd.s32 s2, s4;
	[dreg:$0x0] =	wrdreg $0x0  }
0xa8: {  	s4 =	sshll.u32 s28, $0x1;
	[dreg:$0x2] =	wrdreg s2  }
0xa9: {  	[dreg:$0x3] =	wrdreg s4  }
0xaa: {  	[dreg:$0x4] =	wrdreg $0xC0  }
0xab: {  	_ =	task [dreg:s6], $0x5FFFF  }
0xac: {  	[dreg:$0x1] =	wrdreg $0xFFFFFFFF  }
0xad: {  	[dreg:$0x0] =	wrdreg $0x60  }
0xae: {  	[dreg:$0x2] =	wrdreg s24  }
0xaf: {  	[dreg:$0x3] =	wrdreg $0x136200  }
0xb0: {  	[dreg:$0x4] =	wrdreg $0x9  }
0xb1: {  	_ =	task.clear_ibuf [dreg:s6], $0x5FFFF;
	_ =	strace $0x9000004C  }
0xb2: {  	s29 =	simm.s32 $0x9;
	_ =	strace $0x8000004E  }
0xb3: {  	_ =	swait.ge [sflag:s29], $0x1  }
0xb4: {  	[sflag:s29] =	ssyncadd.s32 $0xFFFFFFFF  }
0xb5: {  	_ =	strace $0x9000004E  }
0xb6: {  	_ =	sfence  }
0xb7: {  	s30 =	sld [smem:$0x0];
	_ =	sdelay $0x2  }
0xb8: {  	s31 =	sshll.u32 s1, $0xD;
	s1 =	sshrl.u32 s1, $0x2  }
0xb9: {  	s3 =	sand.u32 $0x4000, s31;
	s1 =	sadd.s32 s1, s30  }
0xba: {  	s0 =	sor.u32 s3, s0;
	s1 =	sshll.u32 s1, $0x11  }
0xbb: {  	s0 =	sor.u32 s1, s0  }
0xbc: {  	s0 =	sadd.s32 $0x8F2B, s0  }
0xbd: {  	[sflag:s0] =	ssyncadd.remote.s32 $0x1  }
0xbe: {  	_ =	sfence.sel $0xFFFF  }
0xbf: {  	[dreg:$0x0] =	wrdreg $0xFFFFFFFF;
	(pc) =	sbr.abs _section_cstart, $3  }
0xc0: {  	[dreg:$0x1] =	wrdreg $0xFFFFFFFF  }
0xc1: {  	_ =	task.clear_ibuf [dreg:s6], $0x2FFFF;
	_ =	strace $0x9FFFFFFF  }
0xc2: {  	(tm) =	ssettm $0x7FFFFFFF  }
0xc3: {  	_ =	shalt  }
tec
execute0_lowered:
.L_overlay_start_1:
0x0: {  	(tag) =	ssettag $0x1  }
0x1: {  	s0 =	srdreg.scid;
	s1 =	rddreg [dreg:$0x0]  }
0x2: {  	s12 =	stileid.u32;
	s2 =	rddreg [dreg:$0x1]  }
0x3: {  	s18 =	simm.s32 $0x11620;
	s19 =	simm.s32 $0x3;
	s20 =	simm.s32 $0x4E20  }
0x4: {  	s21 =	simm.s32 $0x190;
	s22 =	simm.s32 $0x1;
	s8 =	smul.u32 $0x280, s12  }
0x5: {  	s0 =	sand.u32 $0x1, s0;
	s3 =	sshll.u32 s12, $0x1;
	s7 =	smul.u32 $0x28000, s12  }
0x6: {  	s24 =	simm.s32 $0x40;
	s12 =	smul.u32 $0x14000, s12;
	s4 =	sor.u32 s0, s3  }
0x7: {  	s3 =	simm.s32 $0x0;
	s5 =	ssub.s32 $0x2, s0;
	s0 =	smul.u32 $0x140000, s0  }
0x8: {  	s4 =	smul.u32 $0x2710, s4;
	[smem:$0x7FF] =	sst s3;
	s6 =	sshrl.u32 s5, $0x1  }
0x9: {  	s9 =	sadd.s32 $0x80, s8;
	s25 =	sshrl.u32 s7, $0x2;
	s14 =	sadd.s32 $0x100, s8  }
0xa: {  	s15 =	sadd.s32 $0x180, s8;
	s16 =	sadd.s32 $0x200, s8;
	_ =	strace $0x8000004D  }
0xb: {  	s17 =	ssub.s32 s5, s6;
	s26 =	sshll.u32 s9, $0x6;
	s5 =	sadd.s32 s25, s2  }
0xc: {  	s28 =	sshll.u32 s14, $0x6;
	s10 =	sshll.u32 s15, $0x6;
	s29 =	sshll.u32 s16, $0x6  }
0xd: {  	s13 =	sshll.u32 s9, $0x7;
	s12 =	sadd.s32 s12, s0;
	s14 =	sshll.u32 s14, $0x7  }
0xe: {  	s15 =	sshll.u32 s15, $0x7;
	s16 =	sshll.u32 s16, $0x7;
	s25 =	simm.s32 $0x80  }
0xf: {  	s4 =	sshrl.u32 s4, $0x3;
	s6 =	sadd.s32 s26, s2;
	s7 =	sadd.s32 s28, s2  }
0x10: {  	s8 =	sadd.s32 s10, s2;
	s9 =	sadd.s32 s29, s2;
	s13 =	sadd.s32 s0, s13  }
0x11: {  	s12 =	sshrl.u32 s12, $0x3;
	s14 =	sadd.s32 s0, s14;
	s15 =	sadd.s32 s0, s15  }
0x12: {  	s0 =	sadd.s32 s0, s16;
	s17 =	smax.u32 s17, $0x1;
	s11 =	sadd.s32 s4, s1  }
0x13: {  	s4 =	sadd.s32 $0x67000, s1;
	s1 =	sadd.s32 $0x7AA00, s1;
	s13 =	sshrl.u32 s13, $0x3  }
0x14: {  	s14 =	sshrl.u32 s14, $0x3;
	s15 =	sshrl.u32 s15, $0x3;
	s0 =	sshrl.u32 s0, $0x3  }
0x15: {  	s30 =	sadd.s32 $0x3600, s11;
	s31 =	sadd.s32 $0xD240, s11;
	s12 =	sadd.s32 s1, s12  }
0x16: {  	s13 =	sadd.s32 s1, s13;
	s14 =	sadd.s32 s1, s14;
	[dreg:$0x3] =	wrdreg s30  }
0x17: {  	v0 =	vimm.f32 $0.0e+00;
	s15 =	sadd.s32 s1, s15;
	s16 =	sadd.s32 s1, s0;
	[dreg:$0x4] =	wrdreg s31  }
.LBB2_1:
0x18: {  	s26 =	simm.s32 $0x100;
	s1 =	simm.s32 $0x0  }
.LBB2_2:
0x19: {  	p0 =	sne.s32 s26, $0x7F00;
	[tilespmem:s1+$0x11650] =	vst v0;
	s0 =	smov.u32 s26;
	s26 =	sadd.s32 $0x100, s26  }
.Ltmp0:
0x1a: {  	[tilespmem:s1+$0x11640] =	vst v0;
	(pc) =	sbr.rel @p0 .LBB2_2-.Ltmp0, $3  }
0x1b: {  	[tilespmem:s1+$0x11620] =	vst v0  }
0x1c: {  	[tilespmem:s1+$0x11630] =	vst v0;
	_ =	sdelay $0x1  }
0x1d: {  	s1 =	sshra.s32 s0, $0x2  }
0x1e: {  	[tilespmem:s1+$0x11650] =	vst v0  }
0x1f: {  	[tilespmem:s1+$0x11640] =	vst v0  }
0x20: {  	[tilespmem:s1+$0x11620] =	vst v0  }
0x21: {  	[tilespmem:s1+$0x11630] =	vst v0  }
0x22: {  	[spmem:s5] =	stream.linear.scatter [tilespmem:s18], [sflag:$0x3], $0x2000, $0x38;
	[tilespmem:$0x1D620] =	vst v63  }
0x23: {  	_ =	swait.ge [sflag:s19], $0x2000  }
0x24: {  	[sflag:s19] =	ssyncset.done $0x0  }
0x25: {  	[sflag:s19] =	ssyncadd.s32 $0xFFFFE000  }
0x26: {  	[spmem:s6] =	stream.linear.scatter [tilespmem:s18], [sflag:$0x3], $0x2000, $0x38;
	[tilespmem:$0x1D620] =	vst v63  }
0x27: {  	_ =	swait.ge [sflag:s19], $0x2000  }
0x28: {  	[sflag:s19] =	ssyncset.done $0x0  }
0x29: {  	[sflag:s19] =	ssyncadd.s32 $0xFFFFE000  }
0x2a: {  	[spmem:s7] =	stream.linear.scatter [tilespmem:s18], [sflag:$0x3], $0x2000, $0x38;
	[tilespmem:$0x1D620] =	vst v63  }
0x2b: {  	_ =	swait.ge [sflag:s19], $0x2000  }
0x2c: {  	[sflag:s19] =	ssyncset.done $0x0  }
0x2d: {  	[sflag:s19] =	ssyncadd.s32 $0xFFFFE000  }
0x2e: {  	[spmem:s8] =	stream.linear.scatter [tilespmem:s18], [sflag:$0x3], $0x2000, $0x38;
	[tilespmem:$0x1D620] =	vst v63  }
0x2f: {  	_ =	swait.ge [sflag:s19], $0x2000  }
0x30: {  	[sflag:s19] =	ssyncset.done $0x0  }
0x31: {  	[sflag:s19] =	ssyncadd.s32 $0xFFFFE000  }
0x32: {  	[spmem:s9] =	stream.linear.scatter [tilespmem:s18], [sflag:$0x3], $0x2000, $0x38;
	[tilespmem:$0x1D620] =	vst v63  }
0x33: {  	_ =	swait.ge [sflag:s19], $0x2000  }
0x34: {  	[sflag:s19] =	ssyncset.done $0x0  }
0x35: {  	[sflag:s19] =	ssyncadd.s32 $0xFFFFE000  }
0x36: {  	[bflag:$0x0] =	sbarrier.arrive $0xFFFF  }
0x37: {  	s0 =	simm.s32 $0x0;
	s10 =	rddreg [dreg:$0x3]  }
0x38: {  	[tilespmem:s0], [sflag:$0x3] =	stream.linear.gather [hbm4b:s10+s0], $0x2710, $0x38;
	[tilespmem:$0x1D620] =	vst v63  }
0x39: {  	_ =	swait.ge [sflag:s19], $0x2710  }
0x3a: {  	s1 =	simm.s32 $0x2710;
	s26 =	sand.u32 $0x1, s0;
	[sflag:s19] =	ssyncset.done $0x0  }
0x3b: {  	s28 =	sxor.u32 $0x1, s26;
	s10 =	rddreg [dreg:$0x4];
	[sflag:s19] =	ssyncadd.s32 $0xFFFFD8F0  }
0x3c: {  	[tilespmem:s1], [sflag:$0x3] =	stream.linear.gather [hbm4b:s10+s0], $0x2710, $0x38;
	[tilespmem:$0x1D620] =	vst v63  }
0x3d: {  	s30 =	smul.u32 $0x19000, s28;
	_ =	swait.ge [sflag:s19], $0x2710  }
0x3e: {  	s29 =	simm.s32 $0x190;
	[sflag:s19] =	ssyncset.done $0x0  }
0x3f: {  	s23 =	smul.u32 $0x19000, s26;
	s11 =	sshrl.u32 s30, $0x2;
	[sflag:s19] =	ssyncadd.s32 $0xFFFFD8F0  }
0x40: {  	[tilespmem:s20], [sflag:$0x1] =	stream.indirect.gather [hbm4b:s4+s29], $0x40, s0, s29, $0xb8;
	[tilespmem:$0x1D620] =	vst v63  }
0x41: {  	s26 =	sadd.s32 $0x1, s26;
	s28 =	sadd.s32 $0x1, s28;
	s0 =	sadd.s32 $0x4E20, s11  }
0x42: {  	[tilespmem:s0], [sflag:s28] =	stream.indirect.gather [hbm4b:s4+s21], $0x40, s29, s21, $0xb8;
	[tilespmem:$0x1D620] =	vst v63  }
0x43: {  	s28 =	simm.s32 $0x1;
	s0 =	sshrl.u32 s23, $0x2;
	_ =	swait.ge [sflag:s26], $0x6400  }
0x44: {  	s28 =	sand.u32 $0x1, s28;
	s0 =	sadd.s32 $0x4E20, s0;
	[sflag:s26] =	ssyncset.done $0x0  }
0x45: {  	s30 =	sxor.u32 $0x1, s28;
	s31 =	smul.u32 $0x19000, s28;
	[sflag:s26] =	ssyncadd.s32 $0xFFFF9C00  }
0x46: {  	[spmem:s2] =	stream.indirect.scatter.add.f32 [tilespmem:s0], [sflag:$0x3], $0x40, s1, s21, $0xb8;
	[tilespmem:$0x1D620] =	vst v63  }
0x47: {  	s0 =	smul.u32 $0x19000, s30  }
0x48: {  	s29 =	simm.s32 $0x320;
	s26 =	simm.s32 $0x28A0;
	s1 =	simm.s32 $0x2  }
.LBB2_4:
0x49: {  	s0 =	sshrl.u32 s0, $0x2;
	s31 =	sshrl.u32 s31, $0x2;
	_ =	swait.ge [sflag:s19], $0x6400  }
0x4a: {  	s23 =	smov.u32 s1;
	s10 =	smov.u32 s26;
	s11 =	sadd.s32 $0x1, s1  }
0x4b: {  	p0 =	sne.s32 s1, $0x17;
	s0 =	sadd.s32 $0x4E20, s0;
	[sflag:s19] =	ssyncset.done $0x0  }
0x4c: {  	s1 =	sadd.s32 $0x1, s30;
	s26 =	sadd.s32 $0x190, s26;
	[sflag:s19] =	ssyncadd.s32 $0xFFFF9C00  }
0x4d: {  	[tilespmem:s0], [sflag:s1] =	stream.indirect.gather [hbm4b:s4+s21], $0x40, s29, s21, $0xb8;
	[tilespmem:$0x1D620] =	vst v63  }
.Ltmp1:
0x4e: {  	s1 =	sadd.s32 $0x1, s28;
	s29 =	sadd.s32 $0x190, s29;
	(pc) =	sbr.rel @p0 .LBB2_4-.Ltmp1, $4  }
0x4f: {  	s28 =	sand.u32 $0x1, s23;
	s23 =	sadd.s32 $0x4E20, s31;
	_ =	swait.ge [sflag:s1], $0x6400  }
0x50: {  	s30 =	sxor.u32 $0x1, s28;
	s31 =	smul.u32 $0x19000, s28;
	[sflag:s1] =	ssyncset.done $0x0  }
0x51: {  	s0 =	smul.u32 $0x19000, s30;
	[sflag:s1] =	ssyncadd.s32 $0xFFFF9C00;
	s1 =	smov.u32 s11  }
0x52: {  	[spmem:s2] =	stream.indirect.scatter.add.f32 [tilespmem:s23], [sflag:$0x3], $0x40, s10, s21, $0xb8;
	[tilespmem:$0x1D620] =	vst v63  }
0x53: {  	_ =	swait.ge [sflag:s19], $0x6400  }
0x54: {  	s0 =	sshrl.u32 s0, $0x2;
	s1 =	sadd.s32 $0x1, s30;
	[sflag:s19] =	ssyncset.done $0x0  }
0x55: {  	s28 =	sadd.s32 $0x1, s28;
	s0 =	sadd.s32 $0x4E20, s0;
	[sflag:s19] =	ssyncadd.s32 $0xFFFF9C00  }
0x56: {  	[tilespmem:s0], [sflag:s1] =	stream.indirect.gather [hbm4b:s4+s21], $0x40, s29, s21, $0xb8;
	[tilespmem:$0x1D620] =	vst v63  }
0x57: {  	_ =	swait.ge [sflag:s28], $0x6400  }
0x58: {  	s29 =	sshrl.u32 s31, $0x2;
	[sflag:s28] =	ssyncset.done $0x0  }
0x59: {  	s30 =	sadd.s32 $0x4E20, s29;
	[sflag:s28] =	ssyncadd.s32 $0xFFFF9C00  }
0x5a: {  	[spmem:s2] =	stream.indirect.scatter.add.f32 [tilespmem:s30], [sflag:$0x3], $0x40, s26, s21, $0xb8;
	[tilespmem:$0x1D620] =	vst v63  }
0x5b: {  	_ =	swait.ge [sflag:s19], $0x6400  }
0x5c: {  	[sflag:s19] =	ssyncset.done $0x0  }
0x5d: {  	[sflag:s19] =	ssyncadd.s32 $0xFFFF9C00  }
0x5e: {  	_ =	swait.ge [sflag:s22], $0x6400  }
0x5f: {  	[sflag:s22] =	ssyncset.done $0x0  }
0x60: {  	s31 =	simm.s32 $0x4C90;
	[sflag:s22] =	ssyncadd.s32 $0xFFFF9C00  }
0x61: {  	[spmem:s2] =	stream.indirect.scatter.add.f32 [tilespmem:s20], [sflag:$0x3], $0x40, s31, s21, $0xb8;
	[tilespmem:$0x1D620] =	vst v63  }
0x62: {  	_ =	swait.ge [sflag:s19], $0x6400  }
0x63: {  	[sflag:s19] =	ssyncset.done $0x0  }
0x64: {  	[sflag:s19] =	ssyncadd.s32 $0xFFFF9C00  }
0x65: {  	[bflag:$0x0] =	sbarrier.arrive $0xFFFF  }
0x66: {  	[tilespmem:s18], [sflag:$0x3] =	stream.linear.gather [spmem:s5], $0x2000, $0x38;
	[tilespmem:$0x1D620] =	vst v63  }
0x67: {  	_ =	swait.ge [sflag:s19], $0x2000  }
0x68: {  	[sflag:s19] =	ssyncset.done $0x0  }
0x69: {  	[sflag:s19] =	ssyncadd.s32 $0xFFFFE000  }
0x6a: {  	[hbm4b:s12+s24] =	stream.strided.scatter [tilespmem:s18], [sflag:$0x3], $0x2000, s25, s24, $0x38;
	[tilespmem:$0x1D620] =	vst v63  }
0x6b: {  	_ =	swait.ge [sflag:s19], $0x2000  }
0x6c: {  	[sflag:s19] =	ssyncset.done $0x0  }
0x6d: {  	[sflag:s19] =	ssyncadd.s32 $0xFFFFE000  }
0x6e: {  	[tilespmem:s18], [sflag:$0x3] =	stream.linear.gather [spmem:s6], $0x2000, $0x38;
	[tilespmem:$0x1D620] =	vst v63  }
0x6f: {  	_ =	swait.ge [sflag:s19], $0x2000  }
0x70: {  	[sflag:s19] =	ssyncset.done $0x0  }
0x71: {  	[sflag:s19] =	ssyncadd.s32 $0xFFFFE000  }
0x72: {  	[hbm4b:s13+s24] =	stream.strided.scatter [tilespmem:s18], [sflag:$0x3], $0x2000, s25, s24, $0x38;
	[tilespmem:$0x1D620] =	vst v63  }
0x73: {  	_ =	swait.ge [sflag:s19], $0x2000  }
0x74: {  	[sflag:s19] =	ssyncset.done $0x0  }
0x75: {  	[sflag:s19] =	ssyncadd.s32 $0xFFFFE000  }
0x76: {  	[tilespmem:s18], [sflag:$0x3] =	stream.linear.gather [spmem:s7], $0x2000, $0x38;
	[tilespmem:$0x1D620] =	vst v63  }
0x77: {  	_ =	swait.ge [sflag:s19], $0x2000  }
0x78: {  	[sflag:s19] =	ssyncset.done $0x0  }
0x79: {  	[sflag:s19] =	ssyncadd.s32 $0xFFFFE000  }
0x7a: {  	[hbm4b:s14+s24] =	stream.strided.scatter [tilespmem:s18], [sflag:$0x3], $0x2000, s25, s24, $0x38;
	[tilespmem:$0x1D620] =	vst v63  }
0x7b: {  	_ =	swait.ge [sflag:s19], $0x2000  }
0x7c: {  	[sflag:s19] =	ssyncset.done $0x0  }
0x7d: {  	[sflag:s19] =	ssyncadd.s32 $0xFFFFE000  }
0x7e: {  	[tilespmem:s18], [sflag:$0x3] =	stream.linear.gather [spmem:s8], $0x2000, $0x38;
	[tilespmem:$0x1D620] =	vst v63  }
0x7f: {  	_ =	swait.ge [sflag:s19], $0x2000  }
0x80: {  	[sflag:s19] =	ssyncset.done $0x0  }
0x81: {  	[sflag:s19] =	ssyncadd.s32 $0xFFFFE000  }
0x82: {  	[hbm4b:s15+s24] =	stream.strided.scatter [tilespmem:s18], [sflag:$0x3], $0x2000, s25, s24, $0x38;
	[tilespmem:$0x1D620] =	vst v63  }
0x83: {  	_ =	swait.ge [sflag:s19], $0x2000  }
0x84: {  	[sflag:s19] =	ssyncset.done $0x0  }
0x85: {  	[sflag:s19] =	ssyncadd.s32 $0xFFFFE000  }
0x86: {  	[tilespmem:s18], [sflag:$0x3] =	stream.linear.gather [spmem:s9], $0x2000, $0x38;
	[tilespmem:$0x1D620] =	vst v63  }
0x87: {  	s3 =	sadd.s32 $0x1, s3;
	_ =	swait.ge [sflag:s19], $0x2000  }
0x88: {  	p0 =	sne.s32 s3, s17;
	[sflag:s19] =	ssyncset.done $0x0  }
.Ltmp2:
0x89: {  	[sflag:s19] =	ssyncadd.s32 $0xFFFFE000;
	(pc) =	sbr.rel @p0 .LBB2_1-.Ltmp2, $4  }
0x8a: {  	[hbm4b:s16+s24] =	stream.strided.scatter [tilespmem:s18], [sflag:$0x3], $0x2000, s25, s24, $0x38;
	[tilespmem:$0x1D620] =	vst v63  }
0x8b: {  	_ =	swait.ge [sflag:s19], $0x2000  }
0x8c: {  	[sflag:s19] =	ssyncset.done $0x0  }
0x8d: {  	[sflag:s19] =	ssyncadd.s32 $0xFFFFE000  }
0x8e: {  	_ =	sfence.sel $0x180000  }
0x8f: {  	[bflag:$0x0] =	sbarrier.arrive $0xFFFF  }
0x90: {  	_ =	strace $0x9000004D  }
0x91: {  	s0 =	stileid.u32;
	[bflag:$0x2] =	sbarrier.arrive $0xFFFF  }
0x92: {  	p0 =	sne.s32 s0, $0x0;
	s0 =	rddreg [dreg:$0x2]  }
0x93: {  	s0 =	sadd.s32 @!p0 $0x100000, s0  }
0x94: {  	[sflag:s0] =	ssyncadd.tile.s32 @!p0 $0x1;
	_ =	shalt  }
.Lfunc_end2:
_tile_overlayer_lowered:
.L_overlay_start_2:
0x95: {  	(tag) =	ssettag $0x2  }
0x96: {  	s0 =	rddreg [dreg:$0x0];
	s2 =	stileid.u32  }
0x97: {  	s1 =	rddreg [dreg:$0x1];
	p0 =	sne.s32 s2, $0x0  }
0x98: {  	s3 =	rddreg [dreg:$0x2];
	[bflag:$0x3] =	sbarrier.arrive $0xFFFF;
	s2 =	simm.s32 @!p0 $0x1C03  }
0x99: {  	[timem:s3], [sflag:s2] =	dma.local @!p0 [hbm:s0], s1  }
0x9a: {  	s0 =	simm.s32 @!p0 $0x3  }
0x9b: {  	_ =	swait.ge @!p0 [sflag:s0], s1  }
0x9c: {  	s1 =	ssub.s32 @!p0 $0x0, s1;
	[sflag:s0] =	ssyncset.done @!p0 $0x0  }
0x9d: {  	[sflag:s0] =	ssyncadd.s32 @!p0 s1  }
0x9e: {  	[bflag:$0x3] =	sbarrier.arrive $0xFFFF  }
0x9f: {  	_ =	shalt  }

// kernel: kernel.19.cloned.1.call-start
scs
__scs_entry_jumppad:
0x0: {  	(pc) =	sbr.rel $0x88, $3  }
0x1: {  	(tag) =	ssettag $0x0;
	lr =	simm.s32 $0x1  }
0x2: {  	[smem:$0x3F92] =	sst lr;
	_ =	strace $0xD0000000  }
0x3: {  	_ = 	snop  }
0x4: {  	_ = 	snop  }
0x5: {  	_ = 	snop  }
0x6: {  	_ = 	snop  }
0x7: {  	_ = 	snop  }
__scs_overlays_trampoline_lowered:
0x8: {  	[smem:$0x3FA1] =	sst s0  }
0x9: {  	[smem:$0x3FA2] =	sst s1  }
0xa: {  	[smem:$0x3FA3] =	sst s2  }
0xb: {  	[smem:$0x3FA4] =	sst s3  }
0xc: {  	[smem:$0x3FA5] =	sst s4  }
0xd: {  	[smem:$0x3FA6] =	sst s5  }
0xe: {  	[smem:$0x3FA7] =	sst s6  }
0xf: {  	[smem:$0x3FA8] =	sst s7  }
0x10: {  	[smem:$0x3FA9] =	sst s8  }
0x11: {  	[smem:$0x3FAA] =	sst s9;
	s0 =	simm.s32 @!p0 $0x0  }
0x12: {  	s1 =	sld [smem:$0x3F90];
	s0 =	simm.s32 @p0 $0x1  }
0x13: {  	[smem:$0x3FAB] =	sst s0;
	s0 =	simm.s32 @!p1 $0x0  }
0x14: {  	s2 =	sld [smem:$0x3F8F];
	s0 =	simm.s32 @p1 $0x1  }
0x15: {  	[smem:$0x3FAC] =	sst s0;
	s0 =	simm.s32 @!p2 $0x0  }
0x16: {  	s3 =	sld [smem:$0x3FDB];
	s0 =	simm.s32 @p2 $0x1  }
0x17: {  	s4 =	simm.s32 $0x1BF5;
	[smem:$0x3FAE] =	sst s0  }
0x18: {  	s0 =	sld [smem:$0x3F91];
	_ =	swait.ge [sflag:s4], $0x0  }
0x19: {  	s7 =	sld [smem:$0x3F92]  }
0x1a: {  	s8 =	sadd.s32 $0xFFFFE003, lr  }
0x1b: {  	s9 =	sadd.s32 $0xFFFFFEF7, lr;
	s5 =	simm.s32 $0xFFFFFFFF;
	p2 =	slt.u32 s8, $0xFFFFF086  }
0x1c: {  	p1 =	slt.u32 s9, $0xF7A;
	s5 =	simm.s32 @!p2 $0x0  }
0x1d: {  	s5 =	simm.s32 @p1 $0x1;
	p0 =	seq.s32 s7, s2  }
0x1e: {  	s7 =	smul.u32 @!p0 $0xF7A, s2;
	p2 =	seq.s32 @!p0 s5, $0x0  }
0x1f: {  	s9 =	smul.u32 $0xF7A, s1;
	s8 =	simm.s32 @!p0 $0x1BF5;
	p2 =	por !p2, p0  }
0x20: {  	[sflag:s8] =	ssyncset.s32 @!p0 $0xFFFFF086;
	s6 =	sadd.s32 @!p0 s3, s7;
	s7 =	simm.s32 @!p0 $0x108  }
0x21: {  	s3 =	sadd.s32 s3, s9;
	s6 =	sadd.s32 @!p0 $0x88, s6;
	s7 =	simm.s32 @p2 $0x1082  }
0x22: {  	[simem:s7], [sflag:s8] =	dma.local @!p0 [hbm:s6], $0xF7A  }
0x23: {  	s9 =	sor.u32 $0xD0000000, s2;
	s6 =	simm.s32 $0x108;
	_ =	swait.ge @!p0 [sflag:s8], $0x0  }
0x24: {  	s3 =	sadd.s32 $0x88, s3;
	s6 =	simm.s32 @!p1 $0x1082;
	[sflag:s4] =	ssyncset.s32 $0xFFFFF086  }
0x25: {  	[simem:s6], [sflag:s4] =	dma.local [hbm:s3], $0xF7A  }
0x26: {  	[smem:$0x3F92] =	sst s1;
	(tag) =	ssettag s2;
	_ =	strace s9  }
0x27: {  	s1 =	sld [smem:$0x3FA2]  }
0x28: {  	s2 =	sld [smem:$0x3FA3]  }
0x29: {  	s4 =	sld [smem:$0x3FA5]  }
0x2a: {  	p0 =	seq.s32 s5, $0x0;
	s5 =	sld [smem:$0x3FA6]  }
0x2b: {  	s6 =	sld [smem:$0x3FA7]  }
0x2c: {  	s7 =	sld [smem:$0x3FA8]  }
0x2d: {  	s3 =	simm.s32 $0x108;
	s8 =	sld [smem:$0x3FA9]  }
0x2e: {  	s3 =	simm.s32 @!p0 $0x1082;
	s9 =	sld [smem:$0x3FAA]  }
0x2f: {  	lr =	sadd.s32 s0, s3;
	s0 =	sld [smem:$0x3FA1]  }
0x30: {  	s3 =	sld [smem:$0x3FA4]  }
0x31: {  	[smem:$0x3FAD] =	sst s10  }
0x32: {  	s10 =	sld [smem:$0x3FAB];
	_ =	sdelay $0x3  }
0x33: {  	p0 =	seq.s32 s10, $0x1;
	s10 =	sld [smem:$0x3FAD];
	_ =	sdelay $0x3  }
0x34: {  	[smem:$0x3FAD] =	sst s10  }
0x35: {  	s10 =	sld [smem:$0x3FAC];
	_ =	sdelay $0x3  }
0x36: {  	p1 =	seq.s32 s10, $0x1;
	s10 =	sld [smem:$0x3FAD];
	_ =	sdelay $0x3  }
0x37: {  	[smem:$0x3FAD] =	sst s10  }
0x38: {  	s10 =	sld [smem:$0x3FAE]  }
0x39: {  	_ = 	snop;
	(pc) =	sbr.ind lr, $3  }
0x3a: {  	_ = 	snop  }
0x3b: {  	_ = 	snop  }
0x3c: {  	p2 =	seq.s32 s10, $0x1;
	s10 =	sld [smem:$0x3FAD]  }
0x3d: {  	_ =	shalt  }
0x3e: {  	_ =	shalt  }
0x3f: {  	_ =	shalt  }
0x40: {  	_ =	shalt  }
0x41: {  	_ =	shalt  }
0x42: {  	_ =	shalt  }
0x43: {  	_ =	shalt  }
0x44: {  	_ =	shalt  }
0x45: {  	_ =	shalt  }
0x46: {  	_ =	shalt  }
0x47: {  	_ =	shalt  }
0x48: {  	_ =	shalt  }
0x49: {  	_ =	shalt  }
0x4a: {  	_ =	shalt  }
0x4b: {  	_ =	shalt  }
0x4c: {  	_ =	shalt  }
0x4d: {  	_ =	shalt  }
0x4e: {  	_ =	shalt  }
0x4f: {  	_ =	shalt  }
0x50: {  	_ =	shalt  }
0x51: {  	_ =	shalt  }
0x52: {  	_ =	shalt  }
0x53: {  	_ =	shalt  }
0x54: {  	_ =	shalt  }
0x55: {  	_ =	shalt  }
0x56: {  	_ =	shalt  }
0x57: {  	_ =	shalt  }
0x58: {  	_ =	shalt  }
0x59: {  	_ =	shalt  }
0x5a: {  	_ =	shalt  }
0x5b: {  	_ =	shalt  }
0x5c: {  	_ =	shalt  }
0x5d: {  	_ =	shalt  }
0x5e: {  	_ =	shalt  }
0x5f: {  	_ =	shalt  }
0x60: {  	_ =	shalt  }
0x61: {  	_ =	shalt  }
0x62: {  	_ =	shalt  }
0x63: {  	_ =	shalt  }
0x64: {  	_ =	shalt  }
0x65: {  	_ =	shalt  }
0x66: {  	_ =	shalt  }
0x67: {  	_ =	shalt  }
0x68: {  	_ =	shalt  }
0x69: {  	_ =	shalt  }
0x6a: {  	_ =	shalt  }
0x6b: {  	_ =	shalt  }
0x6c: {  	_ =	shalt  }
0x6d: {  	_ =	shalt  }
0x6e: {  	_ =	shalt  }
0x6f: {  	_ =	shalt  }
0x70: {  	_ =	shalt  }
0x71: {  	_ =	shalt  }
0x72: {  	_ =	shalt  }
0x73: {  	_ =	shalt  }
0x74: {  	_ =	shalt  }
0x75: {  	_ =	shalt  }
0x76: {  	_ =	shalt  }
0x77: {  	_ =	shalt  }
0x78: {  	_ =	shalt  }
0x79: {  	_ =	shalt  }
0x7a: {  	_ =	shalt  }
0x7b: {  	_ =	shalt  }
0x7c: {  	_ =	shalt  }
0x7d: {  	_ =	shalt  }
0x7e: {  	_ =	shalt  }
0x7f: {  	_ =	shalt  }
0x80: {  	_ =	shalt  }
0x81: {  	_ =	shalt  }
0x82: {  	_ =	shalt  }
0x83: {  	_ =	shalt  }
0x84: {  	_ =	shalt  }
0x85: {  	_ =	shalt  }
0x86: {  	_ =	shalt  }
0x87: {  	_ =	shalt  }
.Lfunc_end0:
.L_simem_size_0:
called_computation.3_lowered:
.L_overlay_start_0:
0x88: {  	s2 =	sld [smem:$0x3FD9]  }
0x89: {  	s3 =	sld [smem:$0x3FFE];
	_ =	sdelay $0x1  }
0x8a: {  	s1 =	srdreg.scid  }
0x8b: {  	s0 =	sand.u32 $0x1, s1  }
0x8c: {  	s16 =	sshll.u32 s0, $0xA;
	s2 =	sadd.s32 s3, s2  }
0x8d: {  	s2 =	sadd.s32 s2, s16  }
0x8e: {  	[smem:$0x3FB9] =	sst s2  }
0x8f: {  	_ = 	snop  }
0x90: {  	(tm) =	ssettm $0x1  }
0x91: {  	s17 =	sld [smem:$0x3FFB];
	_ =	sdelay $0x3  }
0x92: {  	_ =	strace s17  }
0x93: {  	s2 =	sld [smem:$0x3FFC];
	_ =	sdelay $0x3  }
0x94: {  	_ =	strace s2  }
0x95: {  	s2 =	sld [smem:$0x3FFD];
	_ =	sdelay $0x3  }
0x96: {  	_ =	strace s2  }
0x97: {  	_ =	strace $0x8FFFFFFF  }
0x98: {  	s18 =	sld [smem:$0x3FDB];
	_ =	sdelay $0x1  }
0x99: {  	s19 =	simm.s32 $_scs_section_size  }
0x9a: {  	s4 =	simm.s32 $_size__tile_overlayer_lowered;
	s5 =	simm.s32 $_tile_overlayer_lowered  }
0x9b: {  	s22 =	simm.s32 $0x1BFF;
	s21 =	sshll.u32 s5, $0x1;
	s2 =	sadd.s32 s19, s18  }
0x9c: {  	s6 =	simm.s32 $0x0;
	s20 =	sshll.u32 s4, $0x1;
	s4 =	sadd.s32 s21, s2  }
0x9d: {  	[timem:s6], [sflag:s22] =	dma.local [hbm:s4], s20  }
0x9e: {  	_ =	swait.ge [sflag:s22], s20  }
0x9f: {  	s3 =	ssub.s32 $0x0, s20;
	[sflag:s22] =	ssyncset.done $0x0  }
0xa0: {  	[sflag:s22] =	ssyncadd.s32 s3;
	_ =	sdelay $0x1  }
0xa1: {  	s23 =	simm.s32 $0x1B8B  }
0xa2: {  	_ =	swait.ge [sflag:s23], $0x1  }
0xa3: {  	[sflag:s23] =	ssyncset.done $0x0  }
0xa4: {  	s25 =	simm.s32 $0x1B8E;
	s24 =	sld [smem:$0x3FFE];
	[sflag:s23] =	ssyncadd.s32 $0xFFFFFFFF  }
0xa5: {  	s26 =	simm.s32 $execute0_lowered;
	[smem:$0x3FD2] =	sst s25  }
0xa6: {  	s4 =	sshll.u32 s26, $0x1;
	_ =	strace $0x8000004F;
	[dreg:$0x1] =	wrdreg $0xFFFFFFFF  }
0xa7: {  	s28 =	simm.s32 $_size_execute0_lowered;
	s2 =	sadd.s32 s2, s4;
	[dreg:$0x0] =	wrdreg $0x0  }
0xa8: {  	s4 =	sshll.u32 s28, $0x1;
	[dreg:$0x2] =	wrdreg s2  }
0xa9: {  	[dreg:$0x3] =	wrdreg s4  }
0xaa: {  	[dreg:$0x4] =	wrdreg $0xC0  }
0xab: {  	_ =	task [dreg:s6], $0x5FFFF  }
0xac: {  	[dreg:$0x1] =	wrdreg $0xFFFFFFFF  }
0xad: {  	[dreg:$0x0] =	wrdreg $0x60  }
0xae: {  	[dreg:$0x2] =	wrdreg s24  }
0xaf: {  	[dreg:$0x3] =	wrdreg $0xD3200  }
0xb0: {  	[dreg:$0x4] =	wrdreg $0x9  }
0xb1: {  	_ =	task.clear_ibuf [dreg:s6], $0x5FFFF;
	_ =	strace $0x9000004F  }
0xb2: {  	s29 =	simm.s32 $0x9;
	_ =	strace $0x80000051  }
0xb3: {  	_ =	swait.ge [sflag:s29], $0x1  }
0xb4: {  	[sflag:s29] =	ssyncadd.s32 $0xFFFFFFFF  }
0xb5: {  	_ =	strace $0x90000051  }
0xb6: {  	_ =	sfence  }
0xb7: {  	s30 =	sld [smem:$0x0];
	_ =	sdelay $0x2  }
0xb8: {  	s31 =	sshll.u32 s1, $0xD;
	s1 =	sshrl.u32 s1, $0x2  }
0xb9: {  	s3 =	sand.u32 $0x4000, s31;
	s1 =	sadd.s32 s1, s30  }
0xba: {  	s0 =	sor.u32 s3, s0;
	s1 =	sshll.u32 s1, $0x11  }
0xbb: {  	s0 =	sor.u32 s1, s0  }
0xbc: {  	s0 =	sadd.s32 $0x8F2B, s0  }
0xbd: {  	[sflag:s0] =	ssyncadd.remote.s32 $0x1  }
0xbe: {  	_ =	sfence.sel $0xFFFF  }
0xbf: {  	[dreg:$0x0] =	wrdreg $0xFFFFFFFF;
	(pc) =	sbr.abs _section_cstart, $3  }
0xc0: {  	[dreg:$0x1] =	wrdreg $0xFFFFFFFF  }
0xc1: {  	_ =	task.clear_ibuf [dreg:s6], $0x2FFFF;
	_ =	strace $0x9FFFFFFF  }
0xc2: {  	(tm) =	ssettm $0x7FFFFFFF  }
0xc3: {  	_ =	shalt  }
tec
execute0_lowered:
.L_overlay_start_1:
0x0: {  	(tag) =	ssettag $0x1  }
0x1: {  	s0 =	srdreg.scid;
	s5 =	rddreg [dreg:$0x0]  }
0x2: {  	s11 =	stileid.u32;
	s2 =	rddreg [dreg:$0x1];
	s3 =	simm.s32 $0x0  }
0x3: {  	s28 =	simm.s32 $0x4650;
	s29 =	simm.s32 $0x4A38;
	s30 =	simm.s32 $0x10  }
0x4: {  	s31 =	simm.s32 $0x80;
	s0 =	sand.u32 $0x1, s0;
	s7 =	smul.u32 $0x280, s11  }
0x5: {  	s1 =	sshll.u32 s11, $0x1;
	[smem:$0x7FF] =	sst s3;
	s8 =	smul.u32 $0xA000, s11  }
0x6: {  	s4 =	sadd.s32 $0x67000, s5;
	s16 =	sadd.s32 $0x6C000, s5;
	s11 =	smul.u32 $0x14000, s11  }
0x7: {  	s1 =	sor.u32 s0, s1;
	s6 =	ssub.s32 $0x2, s0;
	s0 =	smul.u32 $0x140000, s0  }
0x8: {  	_ =	strace $0x80000050;
	s1 =	smul.u32 $0x2710, s1;
	s17 =	sshrl.u32 s6, $0x1  }
0x9: {  	s10 =	sadd.s32 $0x80, s7;
	s18 =	sshrl.u32 s8, $0x2;
	s14 =	sadd.s32 $0x100, s7  }
0xa: {  	s15 =	sadd.s32 $0x180, s7;
	s17 =	ssub.s32 s6, s17;
	s19 =	sshll.u32 s10, $0x4  }
0xb: {  	s20 =	sshll.u32 s14, $0x4;
	s9 =	sshll.u32 s15, $0x4;
	s11 =	sadd.s32 s11, s0  }
0xc: {  	s12 =	sshll.u32 s10, $0x7;
	s23 =	sshll.u32 s14, $0x7;
	s24 =	sshll.u32 s15, $0x7  }
0xd: {  	s1 =	sshrl.u32 s1, $0x3;
	s6 =	sadd.s32 s19, s2;
	s8 =	sadd.s32 s9, s2  }
0xe: {  	s13 =	sshrl.u32 s11, $0x3;
	s19 =	sadd.s32 s0, s12;
	s14 =	sadd.s32 s0, s24  }
0xf: {  	s17 =	smax.u32 s17, $0x1;
	s24 =	simm.s32 $0x1;
	s1 =	sadd.s32 s1, s5  }
0x10: {  	s5 =	sadd.s32 s18, s2;
	s18 =	sadd.s32 $0x200, s7;
	s7 =	sadd.s32 s20, s2  }
0x11: {  	s12 =	sadd.s32 s16, s13;
	s22 =	sshrl.u32 s19, $0x3;
	s26 =	sshrl.u32 s14, $0x3  }
0x12: {  	s19 =	simm.s32 $0x3;
	s20 =	simm.s32 $0x2710;
	s21 =	sshll.u32 s18, $0x4  }
0x13: {  	s10 =	sadd.s32 $0x3600, s1;
	s11 =	sadd.s32 $0xD240, s1;
	s13 =	sadd.s32 s16, s22  }
0x14: {  	s1 =	sadd.s32 s0, s23;
	s25 =	sshll.u32 s18, $0x7;
	s15 =	sadd.s32 s16, s26  }
0x15: {  	s18 =	simm.s32 $0xCB20;
	s22 =	simm.s32 $0x4E20;
	s23 =	simm.s32 $0x8CA0  }
0x16: {  	s26 =	simm.s32 $0x2;
	s9 =	sadd.s32 s21, s2;
	s0 =	sadd.s32 s0, s25  }
0x17: {  	s1 =	sshrl.u32 s1, $0x3;
	s21 =	simm.s32 $0x3E8;
	s0 =	sshrl.u32 s0, $0x3  }
0x18: {  	v0 =	vimm.f32 $0.0e+00;
	s14 =	sadd.s32 s16, s1;
	s1 =	simm.s32 $0x0;
	s16 =	sadd.s32 s16, s0  }
.LBB2_1:
0x19: {  	s0 =	simm.s32 $0x40;
	s25 =	simm.s32 $0x0  }
.LBB2_2:
0x1a: {  	p0 =	sne.s32 s0, $0x1FC0;
	[tilespmem:s25+$0xCB20] =	vst v0;
	s25 =	smov.u32 s0;
	s0 =	sadd.s32 $0x40, s0  }
.Ltmp0:
0x1b: {  	(pc) =	sbr.rel @p0 .LBB2_2-.Ltmp0, $2  }
0x1c: {  	_ =	sdelay $0x2  }
0x1d: {  	s25 =	sshra.s32 s25, $0x2  }
0x1e: {  	[tilespmem:s25+$0xCB20] =	vst v0  }
0x1f: {  	[spmem:s5] =	stream.linear.scatter [tilespmem:s18], [sflag:$0x3], $0x800, $0x38;
	[tilespmem:$0xFB20] =	vst v63  }
0x20: {  	_ =	swait.ge [sflag:s19], $0x800  }
0x21: {  	[sflag:s19] =	ssyncset.done $0x0  }
0x22: {  	[sflag:s19] =	ssyncadd.s32 $0xFFFFF800  }
0x23: {  	[spmem:s6] =	stream.linear.scatter [tilespmem:s18], [sflag:$0x3], $0x800, $0x38;
	[tilespmem:$0xFB20] =	vst v63  }
0x24: {  	_ =	swait.ge [sflag:s19], $0x800  }
0x25: {  	[sflag:s19] =	ssyncset.done $0x0  }
0x26: {  	[sflag:s19] =	ssyncadd.s32 $0xFFFFF800  }
0x27: {  	[spmem:s7] =	stream.linear.scatter [tilespmem:s18], [sflag:$0x3], $0x800, $0x38;
	[tilespmem:$0xFB20] =	vst v63  }
0x28: {  	_ =	swait.ge [sflag:s19], $0x800  }
0x29: {  	[sflag:s19] =	ssyncset.done $0x0  }
0x2a: {  	[sflag:s19] =	ssyncadd.s32 $0xFFFFF800  }
0x2b: {  	[spmem:s8] =	stream.linear.scatter [tilespmem:s18], [sflag:$0x3], $0x800, $0x38;
	[tilespmem:$0xFB20] =	vst v63  }
0x2c: {  	_ =	swait.ge [sflag:s19], $0x800  }
0x2d: {  	[sflag:s19] =	ssyncset.done $0x0  }
0x2e: {  	[sflag:s19] =	ssyncadd.s32 $0xFFFFF800  }
0x2f: {  	[spmem:s9] =	stream.linear.scatter [tilespmem:s18], [sflag:$0x3], $0x800, $0x38;
	[tilespmem:$0xFB20] =	vst v63  }
0x30: {  	_ =	swait.ge [sflag:s19], $0x800  }
0x31: {  	[sflag:s19] =	ssyncset.done $0x0  }
0x32: {  	[sflag:s19] =	ssyncadd.s32 $0xFFFFF800  }
0x33: {  	[bflag:$0x0] =	sbarrier.arrive $0xFFFF  }
0x34: {  	[tilespmem:s3], [sflag:$0x3] =	stream.linear.gather [hbm4b:s10+s3], $0x2710, $0x38;
	[tilespmem:$0xFB20] =	vst v63  }
0x35: {  	_ =	swait.ge [sflag:s19], $0x2710  }
0x36: {  	[sflag:s19] =	ssyncset.done $0x0  }
0x37: {  	[sflag:s19] =	ssyncadd.s32 $0xFFFFD8F0  }
0x38: {  	[tilespmem:s20], [sflag:$0x3] =	stream.linear.gather [hbm4b:s11+s3], $0x2710, $0x38;
	[tilespmem:$0xFB20] =	vst v63  }
0x39: {  	_ =	swait.ge [sflag:s19], $0x2710  }
0x3a: {  	[sflag:s19] =	ssyncset.done $0x0  }
0x3b: {  	[sflag:s19] =	ssyncadd.s32 $0xFFFFD8F0  }
0x3c: {  	[tilespmem:s22], [sflag:$0x1] =	stream.indirect.gather [hbm4b:s4+s21], $0x10, s3, s21, $0xb8;
	[tilespmem:$0xFB20] =	vst v63  }
0x3d: {  	_ = 	snop  }
0x3e: {  	[tilespmem:s23], [sflag:$0x2] =	stream.indirect.gather [hbm4b:s4+s21], $0x10, s21, s21, $0xb8;
	[tilespmem:$0xFB20] =	vst v63  }
0x3f: {  	_ =	swait.ge [sflag:s24], $0x3E80  }
0x40: {  	[sflag:s24] =	ssyncset.done $0x0  }
0x41: {  	[sflag:s24] =	ssyncadd.s32 $0xFFFFC180  }
0x42: {  	[spmem:s2] =	stream.indirect.scatter.add.f32 [tilespmem:s22], [sflag:$0x3], $0x10, s20, s21, $0xb8;
	[tilespmem:$0xFB20] =	vst v63  }
0x43: {  	_ =	swait.ge [sflag:s19], $0x3E80  }
0x44: {  	[sflag:s19] =	ssyncset.done $0x0  }
0x45: {  	s0 =	simm.s32 $0x7D0;
	[sflag:s19] =	ssyncadd.s32 $0xFFFFC180  }
0x46: {  	[tilespmem:s22], [sflag:$0x1] =	stream.indirect.gather [hbm4b:s4+s21], $0x10, s0, s21, $0xb8;
	[tilespmem:$0xFB20] =	vst v63  }
0x47: {  	_ =	swait.ge [sflag:s26], $0x3E80  }
0x48: {  	[sflag:s26] =	ssyncset.done $0x0  }
0x49: {  	s25 =	simm.s32 $0x2AF8;
	[sflag:s26] =	ssyncadd.s32 $0xFFFFC180  }
0x4a: {  	[spmem:s2] =	stream.indirect.scatter.add.f32 [tilespmem:s23], [sflag:$0x3], $0x10, s25, s21, $0xb8;
	[tilespmem:$0xFB20] =	vst v63  }
0x4b: {  	_ =	swait.ge [sflag:s19], $0x3E80  }
0x4c: {  	[sflag:s19] =	ssyncset.done $0x0  }
0x4d: {  	s25 =	simm.s32 $0xBB8;
	[sflag:s19] =	ssyncadd.s32 $0xFFFFC180  }
0x4e: {  	[tilespmem:s23], [sflag:$0x2] =	stream.indirect.gather [hbm4b:s4+s21], $0x10, s25, s21, $0xb8;
	[tilespmem:$0xFB20] =	vst v63  }
0x4f: {  	_ =	swait.ge [sflag:s24], $0x3E80  }
0x50: {  	[sflag:s24] =	ssyncset.done $0x0  }
0x51: {  	s25 =	simm.s32 $0x2EE0;
	[sflag:s24] =	ssyncadd.s32 $0xFFFFC180  }
0x52: {  	[spmem:s2] =	stream.indirect.scatter.add.f32 [tilespmem:s22], [sflag:$0x3], $0x10, s25, s21, $0xb8;
	[tilespmem:$0xFB20] =	vst v63  }
0x53: {  	_ =	swait.ge [sflag:s19], $0x3E80  }
0x54: {  	[sflag:s19] =	ssyncset.done $0x0  }
0x55: {  	s25 =	simm.s32 $0xFA0;
	[sflag:s19] =	ssyncadd.s32 $0xFFFFC180  }
0x56: {  	[tilespmem:s22], [sflag:$0x1] =	stream.indirect.gather [hbm4b:s4+s21], $0x10, s25, s21, $0xb8;
	[tilespmem:$0xFB20] =	vst v63  }
0x57: {  	_ =	swait.ge [sflag:s26], $0x3E80  }
0x58: {  	[sflag:s26] =	ssyncset.done $0x0  }
0x59: {  	s25 =	simm.s32 $0x32C8;
	[sflag:s26] =	ssyncadd.s32 $0xFFFFC180  }
0x5a: {  	[spmem:s2] =	stream.indirect.scatter.add.f32 [tilespmem:s23], [sflag:$0x3], $0x10, s25, s21, $0xb8;
	[tilespmem:$0xFB20] =	vst v63  }
0x5b: {  	_ =	swait.ge [sflag:s19], $0x3E80  }
0x5c: {  	[sflag:s19] =	ssyncset.done $0x0  }
0x5d: {  	s25 =	simm.s32 $0x1388;
	[sflag:s19] =	ssyncadd.s32 $0xFFFFC180  }
0x5e: {  	[tilespmem:s23], [sflag:$0x2] =	stream.indirect.gather [hbm4b:s4+s21], $0x10, s25, s21, $0xb8;
	[tilespmem:$0xFB20] =	vst v63  }
0x5f: {  	_ =	swait.ge [sflag:s24], $0x3E80  }
0x60: {  	[sflag:s24] =	ssyncset.done $0x0  }
0x61: {  	s25 =	simm.s32 $0x36B0;
	[sflag:s24] =	ssyncadd.s32 $0xFFFFC180  }
0x62: {  	[spmem:s2] =	stream.indirect.scatter.add.f32 [tilespmem:s22], [sflag:$0x3], $0x10, s25, s21, $0xb8;
	[tilespmem:$0xFB20] =	vst v63  }
0x63: {  	_ =	swait.ge [sflag:s19], $0x3E80  }
0x64: {  	[sflag:s19] =	ssyncset.done $0x0  }
0x65: {  	s25 =	simm.s32 $0x1770;
	[sflag:s19] =	ssyncadd.s32 $0xFFFFC180  }
0x66: {  	[tilespmem:s22], [sflag:$0x1] =	stream.indirect.gather [hbm4b:s4+s21], $0x10, s25, s21, $0xb8;
	[tilespmem:$0xFB20] =	vst v63  }
0x67: {  	_ =	swait.ge [sflag:s26], $0x3E80  }
0x68: {  	[sflag:s26] =	ssyncset.done $0x0  }
0x69: {  	s25 =	simm.s32 $0x3A98;
	[sflag:s26] =	ssyncadd.s32 $0xFFFFC180  }
0x6a: {  	[spmem:s2] =	stream.indirect.scatter.add.f32 [tilespmem:s23], [sflag:$0x3], $0x10, s25, s21, $0xb8;
	[tilespmem:$0xFB20] =	vst v63  }
0x6b: {  	_ =	swait.ge [sflag:s19], $0x3E80  }
0x6c: {  	[sflag:s19] =	ssyncset.done $0x0  }
0x6d: {  	s25 =	simm.s32 $0x1B58;
	[sflag:s19] =	ssyncadd.s32 $0xFFFFC180  }
0x6e: {  	[tilespmem:s23], [sflag:$0x2] =	stream.indirect.gather [hbm4b:s4+s21], $0x10, s25, s21, $0xb8;
	[tilespmem:$0xFB20] =	vst v63  }
0x6f: {  	_ =	swait.ge [sflag:s24], $0x3E80  }
0x70: {  	[sflag:s24] =	ssyncset.done $0x0  }
0x71: {  	s25 =	simm.s32 $0x3E80;
	[sflag:s24] =	ssyncadd.s32 $0xFFFFC180  }
0x72: {  	[spmem:s2] =	stream.indirect.scatter.add.f32 [tilespmem:s22], [sflag:$0x3], $0x10, s25, s21, $0xb8;
	[tilespmem:$0xFB20] =	vst v63  }
0x73: {  	_ =	swait.ge [sflag:s19], $0x3E80  }
0x74: {  	[sflag:s19] =	ssyncset.done $0x0  }
0x75: {  	s25 =	simm.s32 $0x1F40;
	[sflag:s19] =	ssyncadd.s32 $0xFFFFC180  }
0x76: {  	[tilespmem:s22], [sflag:$0x1] =	stream.indirect.gather [hbm4b:s4+s21], $0x10, s25, s21, $0xb8;
	[tilespmem:$0xFB20] =	vst v63  }
0x77: {  	_ =	swait.ge [sflag:s26], $0x3E80  }
0x78: {  	[sflag:s26] =	ssyncset.done $0x0  }
0x79: {  	s25 =	simm.s32 $0x4268;
	[sflag:s26] =	ssyncadd.s32 $0xFFFFC180  }
0x7a: {  	[spmem:s2] =	stream.indirect.scatter.add.f32 [tilespmem:s23], [sflag:$0x3], $0x10, s25, s21, $0xb8;
	[tilespmem:$0xFB20] =	vst v63  }
0x7b: {  	_ =	swait.ge [sflag:s19], $0x3E80  }
0x7c: {  	[sflag:s19] =	ssyncset.done $0x0  }
0x7d: {  	s25 =	simm.s32 $0x2328;
	[sflag:s19] =	ssyncadd.s32 $0xFFFFC180  }
0x7e: {  	[tilespmem:s23], [sflag:$0x2] =	stream.indirect.gather [hbm4b:s4+s21], $0x10, s25, s21, $0xb8;
	[tilespmem:$0xFB20] =	vst v63  }
0x7f: {  	_ =	swait.ge [sflag:s24], $0x3E80  }
0x80: {  	[sflag:s24] =	ssyncset.done $0x0  }
0x81: {  	[sflag:s24] =	ssyncadd.s32 $0xFFFFC180  }
0x82: {  	[spmem:s2] =	stream.indirect.scatter.add.f32 [tilespmem:s22], [sflag:$0x3], $0x10, s28, s21, $0xb8;
	[tilespmem:$0xFB20] =	vst v63  }
0x83: {  	_ =	swait.ge [sflag:s19], $0x3E80  }
0x84: {  	[sflag:s19] =	ssyncset.done $0x0  }
0x85: {  	[sflag:s19] =	ssyncadd.s32 $0xFFFFC180  }
0x86: {  	_ =	swait.ge [sflag:s26], $0x3E80  }
0x87: {  	[sflag:s26] =	ssyncset.done $0x0  }
0x88: {  	[sflag:s26] =	ssyncadd.s32 $0xFFFFC180  }
0x89: {  	[spmem:s2] =	stream.indirect.scatter.add.f32 [tilespmem:s23], [sflag:$0x3], $0x10, s29, s21, $0xb8;
	[tilespmem:$0xFB20] =	vst v63  }
0x8a: {  	_ =	swait.ge [sflag:s19], $0x3E80  }
0x8b: {  	[sflag:s19] =	ssyncset.done $0x0  }
0x8c: {  	[sflag:s19] =	ssyncadd.s32 $0xFFFFC180  }
0x8d: {  	[bflag:$0x0] =	sbarrier.arrive $0xFFFF  }
0x8e: {  	[tilespmem:s18], [sflag:$0x3] =	stream.linear.gather [spmem:s5], $0x800, $0x38;
	[tilespmem:$0xFB20] =	vst v63  }
0x8f: {  	_ =	swait.ge [sflag:s19], $0x800  }
0x90: {  	[sflag:s19] =	ssyncset.done $0x0  }
0x91: {  	[sflag:s19] =	ssyncadd.s32 $0xFFFFF800  }
0x92: {  	[hbm4b:s12+s30] =	stream.strided.scatter [tilespmem:s18], [sflag:$0x3], $0x800, s31, s30, $0x38;
	[tilespmem:$0xFB20] =	vst v63  }
0x93: {  	_ =	swait.ge [sflag:s19], $0x800  }
0x94: {  	[sflag:s19] =	ssyncset.done $0x0  }
0x95: {  	[sflag:s19] =	ssyncadd.s32 $0xFFFFF800  }
0x96: {  	[tilespmem:s18], [sflag:$0x3] =	stream.linear.gather [spmem:s6], $0x800, $0x38;
	[tilespmem:$0xFB20] =	vst v63  }
0x97: {  	_ =	swait.ge [sflag:s19], $0x800  }
0x98: {  	[sflag:s19] =	ssyncset.done $0x0  }
0x99: {  	[sflag:s19] =	ssyncadd.s32 $0xFFFFF800  }
0x9a: {  	[hbm4b:s13+s30] =	stream.strided.scatter [tilespmem:s18], [sflag:$0x3], $0x800, s31, s30, $0x38;
	[tilespmem:$0xFB20] =	vst v63  }
0x9b: {  	_ =	swait.ge [sflag:s19], $0x800  }
0x9c: {  	[sflag:s19] =	ssyncset.done $0x0  }
0x9d: {  	[sflag:s19] =	ssyncadd.s32 $0xFFFFF800  }
0x9e: {  	[tilespmem:s18], [sflag:$0x3] =	stream.linear.gather [spmem:s7], $0x800, $0x38;
	[tilespmem:$0xFB20] =	vst v63  }
0x9f: {  	_ =	swait.ge [sflag:s19], $0x800  }
0xa0: {  	[sflag:s19] =	ssyncset.done $0x0  }
0xa1: {  	[sflag:s19] =	ssyncadd.s32 $0xFFFFF800  }
0xa2: {  	[hbm4b:s14+s30] =	stream.strided.scatter [tilespmem:s18], [sflag:$0x3], $0x800, s31, s30, $0x38;
	[tilespmem:$0xFB20] =	vst v63  }
0xa3: {  	_ =	swait.ge [sflag:s19], $0x800  }
0xa4: {  	[sflag:s19] =	ssyncset.done $0x0  }
0xa5: {  	[sflag:s19] =	ssyncadd.s32 $0xFFFFF800  }
0xa6: {  	[tilespmem:s18], [sflag:$0x3] =	stream.linear.gather [spmem:s8], $0x800, $0x38;
	[tilespmem:$0xFB20] =	vst v63  }
0xa7: {  	_ =	swait.ge [sflag:s19], $0x800  }
0xa8: {  	[sflag:s19] =	ssyncset.done $0x0  }
0xa9: {  	[sflag:s19] =	ssyncadd.s32 $0xFFFFF800  }
0xaa: {  	[hbm4b:s15+s30] =	stream.strided.scatter [tilespmem:s18], [sflag:$0x3], $0x800, s31, s30, $0x38;
	[tilespmem:$0xFB20] =	vst v63  }
0xab: {  	_ =	swait.ge [sflag:s19], $0x800  }
0xac: {  	[sflag:s19] =	ssyncset.done $0x0  }
0xad: {  	[sflag:s19] =	ssyncadd.s32 $0xFFFFF800  }
0xae: {  	[tilespmem:s18], [sflag:$0x3] =	stream.linear.gather [spmem:s9], $0x800, $0x38;
	[tilespmem:$0xFB20] =	vst v63  }
0xaf: {  	s1 =	sadd.s32 $0x1, s1;
	_ =	swait.ge [sflag:s19], $0x800  }
0xb0: {  	p0 =	sne.s32 s1, s17;
	[sflag:s19] =	ssyncset.done $0x0  }
.Ltmp1:
0xb1: {  	[sflag:s19] =	ssyncadd.s32 $0xFFFFF800;
	(pc) =	sbr.rel @p0 .LBB2_1-.Ltmp1, $4  }
0xb2: {  	[hbm4b:s16+s30] =	stream.strided.scatter [tilespmem:s18], [sflag:$0x3], $0x800, s31, s30, $0x38;
	[tilespmem:$0xFB20] =	vst v63  }
0xb3: {  	_ =	swait.ge [sflag:s19], $0x800  }
0xb4: {  	[sflag:s19] =	ssyncset.done $0x0  }
0xb5: {  	[sflag:s19] =	ssyncadd.s32 $0xFFFFF800  }
0xb6: {  	_ =	sfence.sel $0x180000  }
0xb7: {  	[bflag:$0x0] =	sbarrier.arrive $0xFFFF  }
0xb8: {  	_ =	strace $0x90000050  }
0xb9: {  	s0 =	stileid.u32;
	[bflag:$0x2] =	sbarrier.arrive $0xFFFF  }
0xba: {  	p0 =	sne.s32 s0, $0x0;
	s0 =	rddreg [dreg:$0x2]  }
0xbb: {  	s0 =	sadd.s32 @!p0 $0x100000, s0  }
0xbc: {  	[sflag:s0] =	ssyncadd.tile.s32 @!p0 $0x1;
	_ =	shalt  }
.Lfunc_end2:
_tile_overlayer_lowered:
.L_overlay_start_2:
0xbd: {  	(tag) =	ssettag $0x2  }
0xbe: {  	s0 =	rddreg [dreg:$0x0];
	s2 =	stileid.u32  }
0xbf: {  	s1 =	rddreg [dreg:$0x1];
	p0 =	sne.s32 s2, $0x0  }
0xc0: {  	s3 =	rddreg [dreg:$0x2];
	[bflag:$0x3] =	sbarrier.arrive $0xFFFF;
	s2 =	simm.s32 @!p0 $0x1C03  }
0xc1: {  	[timem:s3], [sflag:s2] =	dma.local @!p0 [hbm:s0], s1  }
0xc2: {  	s0 =	simm.s32 @!p0 $0x3  }
0xc3: {  	_ =	swait.ge @!p0 [sflag:s0], s1  }
0xc4: {  	s1 =	ssub.s32 @!p0 $0x0, s1;
	[sflag:s0] =	ssyncset.done @!p0 $0x0  }
0xc5: {  	[sflag:s0] =	ssyncadd.s32 @!p0 s1  }
0xc6: {  	[bflag:$0x3] =	sbarrier.arrive $0xFFFF  }
0xc7: {  	_ =	shalt  }

</sc_bundles>
